<compile_context>
chip_gen: v7x
topology: tpu7x:2x2x1
jax: 0.10.2.dev20260603
libtpu: 0.0.44.dev20260713+nightly
codegen_flags: <defaults>
</compile_context>

<pallas_src>
import jax
import jax.numpy as jnp
from jax import lax
from jax.experimental import pallas as pl
from jax.experimental.pallas import tpu as pltpu
from jax.experimental.pallas import tpu_sc as plsc

_NUM_CORES = 2
_NUM_SUBCORES = 16
_NW = _NUM_CORES * _NUM_SUBCORES

_V = 50
_VPAD = 64
_B = 1024 * _V
_D = 1024
_BPW = _B // _NW
_C = 40
_NCHUNK = _BPW // _C
_NBUF = 3


def _body(
    idx_hbm, table_hbm, out_hbm, idx_v, buf_v, gsem0, gsem1, gsem2, ssem0, ssem1, ssem2
):
    sid = lax.axis_index("s")
    wid = sid * _NUM_CORES + lax.axis_index("c")
    base = wid * _BPW

    gsems = [gsem0, gsem1, gsem2]
    ssems = [ssem0, ssem1, ssem2]
    pltpu.sync_copy(idx_hbm.at[pl.ds(base, _BPW)], idx_v)

    rep_off = wid * _VPAD

    def rebase(i, carry):
        sl = pl.ds(i * 16, 16)
        idx_v[sl] = idx_v[sl] + rep_off
        return carry

    lax.fori_loop(0, _BPW // 16, rebase, 0)

    gd = [None] * _NCHUNK
    sd = [None] * _NCHUNK

    def start_gather(i):
        b = i % _NBUF
        gd[i] = pltpu.async_copy(
            table_hbm.at[idx_v.at[pl.ds(i * _C, _C)]], buf_v.at[b], gsems[b]
        )

    def start_scatter(i):
        b = i % _NBUF
        sd[i] = pltpu.async_copy(
            buf_v.at[b], out_hbm.at[pl.ds(base + i * _C, _C)], ssems[b]
        )

    for i in range(_NBUF - 1):
        start_gather(i)
    for i in range(_NCHUNK):
        if i + _NBUF - 1 < _NCHUNK:
            if i - 1 >= 0:
                sd[i - 1].wait()
            start_gather(i + _NBUF - 1)
        gd[i].wait()
        start_scatter(i)
    sd[_NCHUNK - 2].wait()
    sd[_NCHUNK - 1].wait()


@jax.jit
def _lookup(indices_flat, table_rep):
    mesh = plsc.VectorSubcoreMesh(core_axis_name="c", subcore_axis_name="s")
    f = pl.kernel(
        _body,
        out_type=jax.ShapeDtypeStruct((_B, _D), jnp.float32),
        mesh=mesh,
        scratch_types=[
            pltpu.VMEM((_BPW,), jnp.int32),
            pltpu.VMEM((_NBUF, _C, _D), jnp.float32),
            pltpu.SemaphoreType.DMA,
            pltpu.SemaphoreType.DMA,
            pltpu.SemaphoreType.DMA,
            pltpu.SemaphoreType.DMA,
            pltpu.SemaphoreType.DMA,
            pltpu.SemaphoreType.DMA,
        ],
    )
    return f(indices_flat, table_rep)


def kernel(indices, embedding_weight):
    b, t = indices.shape
    flat = indices.reshape(-1).astype(jnp.int32)
    rep = jnp.zeros((_NW, _VPAD, _D), embedding_weight.dtype)
    rep = rep.at[:, : _V, :].set(embedding_weight[None])
    out = _lookup(flat, rep.reshape(_NW * _VPAD, _D))
    return out.reshape(b, t, _D)

# --- scband reference (transcript-rebuilt; emitter-appended) ---
"""Pipeline reference for scband-prompt-embedding-18657337934627 (READ-ONLY COPY).

The authoritative reference and input builder live on the scoring server;
editing this copy changes nothing except your own understanding.
"""

import jax, jax.numpy as jnp
import numpy as np

NUM_VIRTUAL_TOKENS = 50
TOKEN_DIM = 1024
BATCH = 1024


def setup_inputs(seed: int = 0) -> dict:
    key = jax.random.key(seed)
    k1, k2 = jax.random.split(key)
    indices = jax.random.randint(k1, (BATCH, NUM_VIRTUAL_TOKENS), 0, NUM_VIRTUAL_TOKENS, dtype=jnp.int64 if jax.config.jax_enable_x64 else jnp.int32)
    embedding_weight = jax.random.normal(k2, (NUM_VIRTUAL_TOKENS, TOKEN_DIM), dtype=jnp.float32)
    return {"indices": indices, "embedding_weight": embedding_weight}


def reference(indices, embedding_weight):
    # PromptEmbedding.forward: prompt_embeddings = self.embedding(indices)
    prompt_embeddings = jnp.take(embedding_weight, indices, axis=0)
    return prompt_embeddings

if __name__ == "__main__":
    import jax
    _d = setup_inputs()
    print(jax.jit(kernel)(*tuple(_d.values())))

</pallas_src>

<mosaic_0001>
#map = affine_map<(d0, d1) -> (0)>
#map1 = affine_map<(d0, d1) -> (0, 0)>
module attributes {stable_mosaic.version = 14 : i64} {
  func.func @_body(%arg0: i32, %arg1: i32, %arg2: memref<51200xi32, #tpu.memory_space<hbm>>, %arg3: memref<2048x1024xf32, #tpu.memory_space<hbm>>, %arg4: memref<51200x1024xf32, #tpu.memory_space<hbm>>, %arg5: memref<1600xi32, #tpu.memory_space<vmem>>, %arg6: memref<3x40x1024xf32, #tpu.memory_space<vmem>>, %arg7: memref<!tpu.dma_semaphore, #tpu.memory_space<semaphore_mem>>, %arg8: memref<!tpu.dma_semaphore, #tpu.memory_space<semaphore_mem>>, %arg9: memref<!tpu.dma_semaphore, #tpu.memory_space<semaphore_mem>>, %arg10: memref<!tpu.dma_semaphore, #tpu.memory_space<semaphore_mem>>, %arg11: memref<!tpu.dma_semaphore, #tpu.memory_space<semaphore_mem>>, %arg12: memref<!tpu.dma_semaphore, #tpu.memory_space<semaphore_mem>>) attributes {dimension_semantics = [#tpu.dimension_semantics<core_parallel>, #tpu.dimension_semantics<subcore_parallel>], iteration_bounds = array<i64: 2, 16>, scalar_prefetch = 0 : i64, scratch_operands = 8 : i64, tpu.core_type = #tpu.core_type<sc_vector_subcore>, window_params = [{transform_indices = #map}, {transform_indices = #map1}, {transform_indices = #map1}]} {
    %mul3A = arith.constant 2 : i32
    %mul3A_0 = arith.muli %arg1, %mul3A : i32
    %add3A = arith.addi %mul3A_0, %arg0 : i32
    %mul3A_1 = arith.constant 1600 : i32
    %mul3A_2 = arith.muli %add3A, %mul3A_1 : i32
    "tpu.region"() ({
      %run_scoped3A = tpu.sem_alloc : memref<!tpu.dma_semaphore, #tpu.memory_space<semaphore_mem>>
      %dma_start3A_1915 = tpu.memref_slice %arg2[%mul3A_2] : memref<51200xi32, #tpu.memory_space<hbm>> -> memref<1600xi32, #tpu.memory_space<hbm>>
      %dma_start3A_1916 = tpu.memref_slice %arg2[%mul3A_2] : memref<51200xi32, #tpu.memory_space<hbm>> -> memref<1600xi32, #tpu.memory_space<hbm>>
      tpu.enqueue_dma source(%dma_start3A_1916 : memref<1600xi32, #tpu.memory_space<hbm>>) target(%arg5 : memref<1600xi32, #tpu.memory_space<vmem>>) target_semaphore(%run_scoped3A : memref<!tpu.dma_semaphore, #tpu.memory_space<semaphore_mem>>)
      %dma_wait3A_1917 = tpu.memref_slice %arg2[%mul3A_2] : memref<51200xi32, #tpu.memory_space<hbm>> -> memref<1600xi32, #tpu.memory_space<hbm>>
      %dma_wait3A_1918 = tpu.memref_slice %arg2[%mul3A_2] : memref<51200xi32, #tpu.memory_space<hbm>> -> memref<1600xi32, #tpu.memory_space<hbm>>
      tpu.wait_dma2 semaphore(%run_scoped3A : memref<!tpu.dma_semaphore, #tpu.memory_space<semaphore_mem>>) src(%dma_wait3A_1918 : memref<1600xi32, #tpu.memory_space<hbm>>) dst(%arg5 : memref<1600xi32, #tpu.memory_space<vmem>>)
      tpu.yield
    }) : () -> ()
    %mul3A_3 = arith.constant 64 : i32
    %mul3A_4 = arith.muli %add3A, %mul3A_3 : i32
    %scan3A = arith.constant 0 : i32
    %scan3A_5 = arith.constant 0 : i32
    %scan3A_6 = arith.constant 100 : i32
    %scan3A_7 = arith.addi %scan3A_5, %scan3A_6 : i32
    %scan3A_8 = arith.constant 1 : i32
    scf.for %scan3A_1915 = %scan3A_5 to %scan3A_7 step %scan3A_8  : i32 {
      %mul3A_1916 = arith.constant 16 : i32
      %mul3A_1917 = arith.muli %scan3A_1915, %mul3A_1916 : i32
      %get3A = arith.index_cast %mul3A_1917 : i32 to index
      %get3A_1918 = tpu.vector_load %arg5[%get3A] {strides = array<i32>} : memref<1600xi32, #tpu.memory_space<vmem>>, vector<16xi32>,
      %get3A_1919 = vector.shape_cast %get3A_1918 : vector<16xi32> to vector<16xi32>
      %add3A_1920 = vector.broadcast %mul3A_4 : i32 to vector<16xi32>
      %add3A_1921 = arith.addi %get3A_1919, %add3A_1920 : vector<16xi32>
      %swap3A = arith.index_cast %mul3A_1917 : i32 to index
      %swap3A_1922 = tpu.vector_load %arg5[%swap3A] {strides = array<i32>} : memref<1600xi32, #tpu.memory_space<vmem>>, vector<16xi32>,
      %swap3A_1923 = vector.shape_cast %swap3A_1922 : vector<16xi32> to vector<16xi32>
      %swap3A_1924 = vector.shape_cast %add3A_1921 : vector<16xi32> to vector<16xi32>
      tpu.vector_store %arg5[%swap3A], %swap3A_1924 {strides = array<i32>} : memref<1600xi32, #tpu.memory_space<vmem>>, vector<16xi32>,
    }
    %scan3A_9 = arith.constant 100 : i32
    %dma_start3A = arith.constant 0 : i32
    %dma_start3A_10 = arith.constant 0 : i32
    %dma_start3A_11 = arith.constant 0 : i32
    %dma_start3A_12 = tpu.memref_slice %arg6[%dma_start3A, %dma_start3A_10, %dma_start3A_11] : memref<3x40x1024xf32, #tpu.memory_space<vmem>> -> memref<1x40x1024xf32, #tpu.memory_space<vmem>>
    %dma_start3A_13 = tpu.memref_squeeze %dma_start3A_12 : memref<1x40x1024xf32, #tpu.memory_space<vmem>> -> memref<40x1024xf32, #tpu.memory_space<vmem>>
    %dma_start3A_14 = arith.constant 0 : i32
    %dma_start3A_15 = tpu.memref_slice %arg5[%dma_start3A_14] : memref<1600xi32, #tpu.memory_space<vmem>> -> memref<40xi32, #tpu.memory_space<vmem>>
    %dma_start3A_16 = arith.constant 0 : i32
    %dma_start3A_17 = arith.constant 0 : i32
    %dma_start3A_18 = tpu.memref_slice %arg3[%dma_start3A_16, %dma_start3A_17] : memref<2048x1024xf32, #tpu.memory_space<hbm>> -> memref<2048x1024xf32, #tpu.memory_space<hbm>>
    tpu.enqueue_indirect_dma source(%dma_start3A_18 : memref<2048x1024xf32, #tpu.memory_space<hbm>>) target(%dma_start3A_13 : memref<40x1024xf32, #tpu.memory_space<vmem>>) offsets(%dma_start3A_15 : memref<40xi32, #tpu.memory_space<vmem>>) semaphore(%arg7 : memref<!tpu.dma_semaphore, #tpu.memory_space<semaphore_mem>>)
    %dma_start3A_19 = arith.constant 1 : i32
    %dma_start3A_20 = arith.constant 0 : i32
    %dma_start3A_21 = arith.constant 0 : i32
    %dma_start3A_22 = tpu.memref_slice %arg6[%dma_start3A_19, %dma_start3A_20, %dma_start3A_21] : memref<3x40x1024xf32, #tpu.memory_space<vmem>> -> memref<1x40x1024xf32, #tpu.memory_space<vmem>>
    %dma_start3A_23 = tpu.memref_squeeze %dma_start3A_22 : memref<1x40x1024xf32, #tpu.memory_space<vmem>> -> memref<40x1024xf32, #tpu.memory_space<vmem>>
    %dma_start3A_24 = arith.constant 40 : i32
    %dma_start3A_25 = tpu.memref_slice %arg5[%dma_start3A_24] : memref<1600xi32, #tpu.memory_space<vmem>> -> memref<40xi32, #tpu.memory_space<vmem>>
    %dma_start3A_26 = arith.constant 0 : i32
    %dma_start3A_27 = arith.constant 0 : i32
    %dma_start3A_28 = tpu.memref_slice %arg3[%dma_start3A_26, %dma_start3A_27] : memref<2048x1024xf32, #tpu.memory_space<hbm>> -> memref<2048x1024xf32, #tpu.memory_space<hbm>>
    tpu.enqueue_indirect_dma source(%dma_start3A_28 : memref<2048x1024xf32, #tpu.memory_space<hbm>>) target(%dma_start3A_23 : memref<40x1024xf32, #tpu.memory_space<vmem>>) offsets(%dma_start3A_25 : memref<40xi32, #tpu.memory_space<vmem>>) semaphore(%arg8 : memref<!tpu.dma_semaphore, #tpu.memory_space<semaphore_mem>>)
    %dma_start3A_29 = arith.constant 2 : i32
    %dma_start3A_30 = arith.constant 0 : i32
    %dma_start3A_31 = arith.constant 0 : i32
    %dma_start3A_32 = tpu.memref_slice %arg6[%dma_start3A_29, %dma_start3A_30, %dma_start3A_31] : memref<3x40x1024xf32, #tpu.memory_space<vmem>> -> memref<1x40x1024xf32, #tpu.memory_space<vmem>>
    %dma_start3A_33 = tpu.memref_squeeze %dma_start3A_32 : memref<1x40x1024xf32, #tpu.memory_space<vmem>> -> memref<40x1024xf32, #tpu.memory_space<vmem>>
    %dma_start3A_34 = arith.constant 80 : i32
    %dma_start3A_35 = tpu.memref_slice %arg5[%dma_start3A_34] : memref<1600xi32, #tpu.memory_space<vmem>> -> memref<40xi32, #tpu.memory_space<vmem>>
    %dma_start3A_36 = arith.constant 0 : i32
    %dma_start3A_37 = arith.constant 0 : i32
    %dma_start3A_38 = tpu.memref_slice %arg3[%dma_start3A_36, %dma_start3A_37] : memref<2048x1024xf32, #tpu.memory_space<hbm>> -> memref<2048x1024xf32, #tpu.memory_space<hbm>>
    tpu.enqueue_indirect_dma source(%dma_start3A_38 : memref<2048x1024xf32, #tpu.memory_space<hbm>>) target(%dma_start3A_33 : memref<40x1024xf32, #tpu.memory_space<vmem>>) offsets(%dma_start3A_35 : memref<40xi32, #tpu.memory_space<vmem>>) semaphore(%arg9 : memref<!tpu.dma_semaphore, #tpu.memory_space<semaphore_mem>>)
    %dma_wait3A = arith.constant 0 : i32
    %dma_wait3A_39 = arith.constant 0 : i32
    %dma_wait3A_40 = arith.constant 0 : i32
    %dma_wait3A_41 = tpu.memref_slice %arg6[%dma_wait3A, %dma_wait3A_39, %dma_wait3A_40] : memref<3x40x1024xf32, #tpu.memory_space<vmem>> -> memref<1x40x1024xf32, #tpu.memory_space<vmem>>
    %dma_wait3A_42 = tpu.memref_squeeze %dma_wait3A_41 : memref<1x40x1024xf32, #tpu.memory_space<vmem>> -> memref<40x1024xf32, #tpu.memory_space<vmem>>
    %dma_wait3A_43 = arith.constant 0 : i32
    %dma_wait3A_44 = tpu.memref_slice %arg5[%dma_wait3A_43] : memref<1600xi32, #tpu.memory_space<vmem>> -> memref<40xi32, #tpu.memory_space<vmem>>
    %dma_wait3A_45 = arith.constant 0 : i32
    %dma_wait3A_46 = arith.constant 0 : i32
    %dma_wait3A_47 = tpu.memref_slice %arg3[%dma_wait3A_45, %dma_wait3A_46] : memref<2048x1024xf32, #tpu.memory_space<hbm>> -> memref<2048x1024xf32, #tpu.memory_space<hbm>>
    tpu.wait_indirect_dma semaphore(%arg7 : memref<!tpu.dma_semaphore, #tpu.memory_space<semaphore_mem>>) src(%dma_wait3A_47 : memref<2048x1024xf32, #tpu.memory_space<hbm>>) dst(%dma_wait3A_42 : memref<40x1024xf32, #tpu.memory_space<vmem>>)
    %add3A_48 = arith.constant 0 : i32
    %add3A_49 = arith.addi %mul3A_2, %add3A_48 : i32
    %dma_start3A_50 = arith.constant 0 : i32
    %dma_start3A_51 = arith.constant 0 : i32
    %dma_start3A_52 = arith.constant 0 : i32
    %dma_start3A_53 = tpu.memref_slice %arg6[%dma_start3A_50, %dma_start3A_51, %dma_start3A_52] : memref<3x40x1024xf32, #tpu.memory_space<vmem>> -> memref<1x40x1024xf32, #tpu.memory_space<vmem>>
    %dma_start3A_54 = tpu.memref_squeeze %dma_start3A_53 : memref<1x40x1024xf32, #tpu.memory_space<vmem>> -> memref<40x1024xf32, #tpu.memory_space<vmem>>
    %dma_start3A_55 = arith.constant 0 : i32
    %dma_start3A_56 = tpu.memref_slice %arg4[%add3A_49, %dma_start3A_55] : memref<51200x1024xf32, #tpu.memory_space<hbm>> -> memref<40x1024xf32, #tpu.memory_space<hbm>>
    %dma_start3A_57 = arith.constant 0 : i32
    %dma_start3A_58 = tpu.memref_slice %arg4[%add3A_49, %dma_start3A_57] : memref<51200x1024xf32, #tpu.memory_space<hbm>> -> memref<40x1024xf32, #tpu.memory_space<hbm>>
    %dma_start3A_59 = arith.constant 0 : i32
    %dma_start3A_60 = arith.constant 0 : i32
    %dma_start3A_61 = tpu.memref_slice %arg6[%dma_start3A_50, %dma_start3A_59, %dma_start3A_60] : memref<3x40x1024xf32, #tpu.memory_space<vmem>> -> memref<1x40x1024xf32, #tpu.memory_space<vmem>>
    %dma_start3A_62 = tpu.memref_squeeze %dma_start3A_61 : memref<1x40x1024xf32, #tpu.memory_space<vmem>> -> memref<40x1024xf32, #tpu.memory_space<vmem>>
    tpu.enqueue_dma source(%dma_start3A_62 : memref<40x1024xf32, #tpu.memory_space<vmem>>) target(%dma_start3A_58 : memref<40x1024xf32, #tpu.memory_space<hbm>>) target_semaphore(%arg10 : memref<!tpu.dma_semaphore, #tpu.memory_space<semaphore_mem>>)
    %dma_wait3A_63 = arith.constant 0 : i32
    %dma_wait3A_64 = arith.constant 0 : i32
    %dma_wait3A_65 = arith.constant 0 : i32
    %dma_wait3A_66 = tpu.memref_slice %arg6[%dma_wait3A_63, %dma_wait3A_64, %dma_wait3A_65] : memref<3x40x1024xf32, #tpu.memory_space<vmem>> -> memref<1x40x1024xf32, #tpu.memory_space<vmem>>
    %dma_wait3A_67 = tpu.memref_squeeze %dma_wait3A_66 : memref<1x40x1024xf32, #tpu.memory_space<vmem>> -> memref<40x1024xf32, #tpu.memory_space<vmem>>
    %dma_wait3A_68 = arith.constant 0 : i32
    %dma_wait3A_69 = tpu.memref_slice %arg4[%add3A_49, %dma_wait3A_68] : memref<51200x1024xf32, #tpu.memory_space<hbm>> -> memref<40x1024xf32, #tpu.memory_space<hbm>>
    %dma_wait3A_70 = arith.constant 0 : i32
    %dma_wait3A_71 = tpu.memref_slice %arg4[%add3A_49, %dma_wait3A_70] : memref<51200x1024xf32, #tpu.memory_space<hbm>> -> memref<40x1024xf32, #tpu.memory_space<hbm>>
    %dma_wait3A_72 = arith.constant 0 : i32
    %dma_wait3A_73 = arith.constant 0 : i32
    %dma_wait3A_74 = tpu.memref_slice %arg6[%dma_wait3A_63, %dma_wait3A_72, %dma_wait3A_73] : memref<3x40x1024xf32, #tpu.memory_space<vmem>> -> memref<1x40x1024xf32, #tpu.memory_space<vmem>>
    %dma_wait3A_75 = tpu.memref_squeeze %dma_wait3A_74 : memref<1x40x1024xf32, #tpu.memory_space<vmem>> -> memref<40x1024xf32, #tpu.memory_space<vmem>>
    tpu.wait_dma2 semaphore(%arg10 : memref<!tpu.dma_semaphore, #tpu.memory_space<semaphore_mem>>) src(%dma_wait3A_75 : memref<40x1024xf32, #tpu.memory_space<vmem>>) dst(%dma_wait3A_71 : memref<40x1024xf32, #tpu.memory_space<hbm>>)
    %dma_start3A_76 = arith.constant 0 : i32
    %dma_start3A_77 = arith.constant 0 : i32
    %dma_start3A_78 = arith.constant 0 : i32
    %dma_start3A_79 = tpu.memref_slice %arg6[%dma_start3A_76, %dma_start3A_77, %dma_start3A_78] : memref<3x40x1024xf32, #tpu.memory_space<vmem>> -> memref<1x40x1024xf32, #tpu.memory_space<vmem>>
    %dma_start3A_80 = tpu.memref_squeeze %dma_start3A_79 : memref<1x40x1024xf32, #tpu.memory_space<vmem>> -> memref<40x1024xf32, #tpu.memory_space<vmem>>
    %dma_start3A_81 = arith.constant 120 : i32
    %dma_start3A_82 = tpu.memref_slice %arg5[%dma_start3A_81] : memref<1600xi32, #tpu.memory_space<vmem>> -> memref<40xi32, #tpu.memory_space<vmem>>
    %dma_start3A_83 = arith.constant 0 : i32
    %dma_start3A_84 = arith.constant 0 : i32
    %dma_start3A_85 = tpu.memref_slice %arg3[%dma_start3A_83, %dma_start3A_84] : memref<2048x1024xf32, #tpu.memory_space<hbm>> -> memref<2048x1024xf32, #tpu.memory_space<hbm>>
    tpu.enqueue_indirect_dma source(%dma_start3A_85 : memref<2048x1024xf32, #tpu.memory_space<hbm>>) target(%dma_start3A_80 : memref<40x1024xf32, #tpu.memory_space<vmem>>) offsets(%dma_start3A_82 : memref<40xi32, #tpu.memory_space<vmem>>) semaphore(%arg7 : memref<!tpu.dma_semaphore, #tpu.memory_space<semaphore_mem>>)
    %dma_wait3A_86 = arith.constant 1 : i32
    %dma_wait3A_87 = arith.constant 0 : i32
    %dma_wait3A_88 = arith.constant 0 : i32
    %dma_wait3A_89 = tpu.memref_slice %arg6[%dma_wait3A_86, %dma_wait3A_87, %dma_wait3A_88] : memref<3x40x1024xf32, #tpu.memory_space<vmem>> -> memref<1x40x1024xf32, #tpu.memory_space<vmem>>
    %dma_wait3A_90 = tpu.memref_squeeze %dma_wait3A_89 : memref<1x40x1024xf32, #tpu.memory_space<vmem>> -> memref<40x1024xf32, #tpu.memory_space<vmem>>
    %dma_wait3A_91 = arith.constant 40 : i32
    %dma_wait3A_92 = tpu.memref_slice %arg5[%dma_wait3A_91] : memref<1600xi32, #tpu.memory_space<vmem>> -> memref<40xi32, #tpu.memory_space<vmem>>
    %dma_wait3A_93 = arith.constant 0 : i32
    %dma_wait3A_94 = arith.constant 0 : i32
    %dma_wait3A_95 = tpu.memref_slice %arg3[%dma_wait3A_93, %dma_wait3A_94] : memref<2048x1024xf32, #tpu.memory_space<hbm>> -> memref<2048x1024xf32, #tpu.memory_space<hbm>>
    tpu.wait_indirect_dma semaphore(%arg8 : memref<!tpu.dma_semaphore, #tpu.memory_space<semaphore_mem>>) src(%dma_wait3A_95 : memref<2048x1024xf32, #tpu.memory_space<hbm>>) dst(%dma_wait3A_90 : memref<40x1024xf32, #tpu.memory_space<vmem>>)
    %add3A_96 = arith.constant 40 : i32
    %add3A_97 = arith.addi %mul3A_2, %add3A_96 : i32
    %dma_start3A_98 = arith.constant 1 : i32
    %dma_start3A_99 = arith.constant 0 : i32
    %dma_start3A_100 = arith.constant 0 : i32
    %dma_start3A_101 = tpu.memref_slice %arg6[%dma_start3A_98, %dma_start3A_99, %dma_start3A_100] : memref<3x40x1024xf32, #tpu.memory_space<vmem>> -> memref<1x40x1024xf32, #tpu.memory_space<vmem>>
    %dma_start3A_102 = tpu.memref_squeeze %dma_start3A_101 : memref<1x40x1024xf32, #tpu.memory_space<vmem>> -> memref<40x1024xf32, #tpu.memory_space<vmem>>
    %dma_start3A_103 = arith.constant 0 : i32
    %dma_start3A_104 = tpu.memref_slice %arg4[%add3A_97, %dma_start3A_103] : memref<51200x1024xf32, #tpu.memory_space<hbm>> -> memref<40x1024xf32, #tpu.memory_space<hbm>>
    %dma_start3A_105 = arith.constant 0 : i32
    %dma_start3A_106 = tpu.memref_slice %arg4[%add3A_97, %dma_start3A_105] : memref<51200x1024xf32, #tpu.memory_space<hbm>> -> memref<40x1024xf32, #tpu.memory_space<hbm>>
    %dma_start3A_107 = arith.constant 0 : i32
    %dma_start3A_108 = arith.constant 0 : i32
    %dma_start3A_109 = tpu.memref_slice %arg6[%dma_start3A_98, %dma_start3A_107, %dma_start3A_108] : memref<3x40x1024xf32, #tpu.memory_space<vmem>> -> memref<1x40x1024xf32, #tpu.memory_space<vmem>>
    %dma_start3A_110 = tpu.memref_squeeze %dma_start3A_109 : memref<1x40x1024xf32, #tpu.memory_space<vmem>> -> memref<40x1024xf32, #tpu.memory_space<vmem>>
    tpu.enqueue_dma source(%dma_start3A_110 : memref<40x1024xf32, #tpu.memory_space<vmem>>) target(%dma_start3A_106 : memref<40x1024xf32, #tpu.memory_space<hbm>>) target_semaphore(%arg11 : memref<!tpu.dma_semaphore, #tpu.memory_space<semaphore_mem>>)
    %dma_wait3A_111 = arith.constant 1 : i32
    %dma_wait3A_112 = arith.constant 0 : i32
    %dma_wait3A_113 = arith.constant 0 : i32
    %dma_wait3A_114 = tpu.memref_slice %arg6[%dma_wait3A_111, %dma_wait3A_112, %dma_wait3A_113] : memref<3x40x1024xf32, #tpu.memory_space<vmem>> -> memref<1x40x1024xf32, #tpu.memory_space<vmem>>
    %dma_wait3A_115 = tpu.memref_squeeze %dma_wait3A_114 : memref<1x40x1024xf32, #tpu.memory_space<vmem>> -> memref<40x1024xf32, #tpu.memory_space<vmem>>
    %dma_wait3A_116 = arith.constant 0 : i32
    %dma_wait3A_117 = tpu.memref_slice %arg4[%add3A_97, %dma_wait3A_116] : memref<51200x1024xf32, #tpu.memory_space<hbm>> -> memref<40x1024xf32, #tpu.memory_space<hbm>>
    %dma_wait3A_118 = arith.constant 0 : i32
    %dma_wait3A_119 = tpu.memref_slice %arg4[%add3A_97, %dma_wait3A_118] : memref<51200x1024xf32, #tpu.memory_space<hbm>> -> memref<40x1024xf32, #tpu.memory_space<hbm>>
    %dma_wait3A_120 = arith.constant 0 : i32
    %dma_wait3A_121 = arith.constant 0 : i32
    %dma_wait3A_122 = tpu.memref_slice %arg6[%dma_wait3A_111, %dma_wait3A_120, %dma_wait3A_121] : memref<3x40x1024xf32, #tpu.memory_space<vmem>> -> memref<1x40x1024xf32, #tpu.memory_space<vmem>>
    %dma_wait3A_123 = tpu.memref_squeeze %dma_wait3A_122 : memref<1x40x1024xf32, #tpu.memory_space<vmem>> -> memref<40x1024xf32, #tpu.memory_space<vmem>>
    tpu.wait_dma2 semaphore(%arg11 : memref<!tpu.dma_semaphore, #tpu.memory_space<semaphore_mem>>) src(%dma_wait3A_123 : memref<40x1024xf32, #tpu.memory_space<vmem>>) dst(%dma_wait3A_119 : memref<40x1024xf32, #tpu.memory_space<hbm>>)
    %dma_start3A_124 = arith.constant 1 : i32
    %dma_start3A_125 = arith.constant 0 : i32
    %dma_start3A_126 = arith.constant 0 : i32
    %dma_start3A_127 = tpu.memref_slice %arg6[%dma_start3A_124, %dma_start3A_125, %dma_start3A_126] : memref<3x40x1024xf32, #tpu.memory_space<vmem>> -> memref<1x40x1024xf32, #tpu.memory_space<vmem>>
    %dma_start3A_128 = tpu.memref_squeeze %dma_start3A_127 : memref<1x40x1024xf32, #tpu.memory_space<vmem>> -> memref<40x1024xf32, #tpu.memory_space<vmem>>
    %dma_start3A_129 = arith.constant 160 : i32
    %dma_start3A_130 = tpu.memref_slice %arg5[%dma_start3A_129] : memref<1600xi32, #tpu.memory_space<vmem>> -> memref<40xi32, #tpu.memory_space<vmem>>
    %dma_start3A_131 = arith.constant 0 : i32
    %dma_start3A_132 = arith.constant 0 : i32
    %dma_start3A_133 = tpu.memref_slice %arg3[%dma_start3A_131, %dma_start3A_132] : memref<2048x1024xf32, #tpu.memory_space<hbm>> -> memref<2048x1024xf32, #tpu.memory_space<hbm>>
    tpu.enqueue_indirect_dma source(%dma_start3A_133 : memref<2048x1024xf32, #tpu.memory_space<hbm>>) target(%dma_start3A_128 : memref<40x1024xf32, #tpu.memory_space<vmem>>) offsets(%dma_start3A_130 : memref<40xi32, #tpu.memory_space<vmem>>) semaphore(%arg8 : memref<!tpu.dma_semaphore, #tpu.memory_space<semaphore_mem>>)
    %dma_wait3A_134 = arith.constant 2 : i32
    %dma_wait3A_135 = arith.constant 0 : i32
    %dma_wait3A_136 = arith.constant 0 : i32
    %dma_wait3A_137 = tpu.memref_slice %arg6[%dma_wait3A_134, %dma_wait3A_135, %dma_wait3A_136] : memref<3x40x1024xf32, #tpu.memory_space<vmem>> -> memref<1x40x1024xf32, #tpu.memory_space<vmem>>
    %dma_wait3A_138 = tpu.memref_squeeze %dma_wait3A_137 : memref<1x40x1024xf32, #tpu.memory_space<vmem>> -> memref<40x1024xf32, #tpu.memory_space<vmem>>
    %dma_wait3A_139 = arith.constant 80 : i32
    %dma_wait3A_140 = tpu.memref_slice %arg5[%dma_wait3A_139] : memref<1600xi32, #tpu.memory_space<vmem>> -> memref<40xi32, #tpu.memory_space<vmem>>
    %dma_wait3A_141 = arith.constant 0 : i32
    %dma_wait3A_142 = arith.constant 0 : i32
    %dma_wait3A_143 = tpu.memref_slice %arg3[%dma_wait3A_141, %dma_wait3A_142] : memref<2048x1024xf32, #tpu.memory_space<hbm>> -> memref<2048x1024xf32, #tpu.memory_space<hbm>>
    tpu.wait_indirect_dma semaphore(%arg9 : memref<!tpu.dma_semaphore, #tpu.memory_space<semaphore_mem>>) src(%dma_wait3A_143 : memref<2048x1024xf32, #tpu.memory_space<hbm>>) dst(%dma_wait3A_138 : memref<40x1024xf32, #tpu.memory_space<vmem>>)
    %add3A_144 = arith.constant 80 : i32
    %add3A_145 = arith.addi %mul3A_2, %add3A_144 : i32
    %dma_start3A_146 = arith.constant 2 : i32
    %dma_start3A_147 = arith.constant 0 : i32
    %dma_start3A_148 = arith.constant 0 : i32
    %dma_start3A_149 = tpu.memref_slice %arg6[%dma_start3A_146, %dma_start3A_147, %dma_start3A_148] : memref<3x40x1024xf32, #tpu.memory_space<vmem>> -> memref<1x40x1024xf32, #tpu.memory_space<vmem>>
    %dma_start3A_150 = tpu.memref_squeeze %dma_start3A_149 : memref<1x40x1024xf32, #tpu.memory_space<vmem>> -> memref<40x1024xf32, #tpu.memory_space<vmem>>
    %dma_start3A_151 = arith.constant 0 : i32
    %dma_start3A_152 = tpu.memref_slice %arg4[%add3A_145, %dma_start3A_151] : memref<51200x1024xf32, #tpu.memory_space<hbm>> -> memref<40x1024xf32, #tpu.memory_space<hbm>>
    %dma_start3A_153 = arith.constant 0 : i32
    %dma_start3A_154 = tpu.memref_slice %arg4[%add3A_145, %dma_start3A_153] : memref<51200x1024xf32, #tpu.memory_space<hbm>> -> memref<40x1024xf32, #tpu.memory_space<hbm>>
    %dma_start3A_155 = arith.constant 0 : i32
    %dma_start3A_156 = arith.constant 0 : i32
    %dma_start3A_157 = tpu.memref_slice %arg6[%dma_start3A_146, %dma_start3A_155, %dma_start3A_156] : memref<3x40x1024xf32, #tpu.memory_space<vmem>> -> memref<1x40x1024xf32, #tpu.memory_space<vmem>>
    %dma_start3A_158 = tpu.memref_squeeze %dma_start3A_157 : memref<1x40x1024xf32, #tpu.memory_space<vmem>> -> memref<40x1024xf32, #tpu.memory_space<vmem>>
    tpu.enqueue_dma source(%dma_start3A_158 : memref<40x1024xf32, #tpu.memory_space<vmem>>) target(%dma_start3A_154 : memref<40x1024xf32, #tpu.memory_space<hbm>>) target_semaphore(%arg12 : memref<!tpu.dma_semaphore, #tpu.memory_space<semaphore_mem>>)
    %dma_wait3A_159 = arith.constant 2 : i32
    %dma_wait3A_160 = arith.constant 0 : i32
    %dma_wait3A_161 = arith.constant 0 : i32
    %dma_wait3A_162 = tpu.memref_slice %arg6[%dma_wait3A_159, %dma_wait3A_160, %dma_wait3A_161] : memref<3x40x1024xf32, #tpu.memory_space<vmem>> -> memref<1x40x1024xf32, #tpu.memory_space<vmem>>
    %dma_wait3A_163 = tpu.memref_squeeze %dma_wait3A_162 : memref<1x40x1024xf32, #tpu.memory_space<vmem>> -> memref<40x1024xf32, #tpu.memory_space<vmem>>
    %dma_wait3A_164 = arith.constant 0 : i32
    %dma_wait3A_165 = tpu.memref_slice %arg4[%add3A_145, %dma_wait3A_164] : memref<51200x1024xf32, #tpu.memory_space<hbm>> -> memref<40x1024xf32, #tpu.memory_space<hbm>>
    %dma_wait3A_166 = arith.constant 0 : i32
    %dma_wait3A_167 = tpu.memref_slice %arg4[%add3A_145, %dma_wait3A_166] : memref<51200x1024xf32, #tpu.memory_space<hbm>> -> memref<40x1024xf32, #tpu.memory_space<hbm>>
    %dma_wait3A_168 = arith.constant 0 : i32
    %dma_wait3A_169 = arith.constant 0 : i32
    %dma_wait3A_170 = tpu.memref_slice %arg6[%dma_wait3A_159, %dma_wait3A_168, %dma_wait3A_169] : memref<3x40x1024xf32, #tpu.memory_space<vmem>> -> memref<1x40x1024xf32, #tpu.memory_space<vmem>>
    %dma_wait3A_171 = tpu.memref_squeeze %dma_wait3A_170 : memref<1x40x1024xf32, #tpu.memory_space<vmem>> -> memref<40x1024xf32, #tpu.memory_space<vmem>>
    tpu.wait_dma2 semaphore(%arg12 : memref<!tpu.dma_semaphore, #tpu.memory_space<semaphore_mem>>) src(%dma_wait3A_171 : memref<40x1024xf32, #tpu.memory_space<vmem>>) dst(%dma_wait3A_167 : memref<40x1024xf32, #tpu.memory_space<hbm>>)
    %dma_start3A_172 = arith.constant 2 : i32
    %dma_start3A_173 = arith.constant 0 : i32
    %dma_start3A_174 = arith.constant 0 : i32
    %dma_start3A_175 = tpu.memref_slice %arg6[%dma_start3A_172, %dma_start3A_173, %dma_start3A_174] : memref<3x40x1024xf32, #tpu.memory_space<vmem>> -> memref<1x40x1024xf32, #tpu.memory_space<vmem>>
    %dma_start3A_176 = tpu.memref_squeeze %dma_start3A_175 : memref<1x40x1024xf32, #tpu.memory_space<vmem>> -> memref<40x1024xf32, #tpu.memory_space<vmem>>
    %dma_start3A_177 = arith.constant 200 : i32
    %dma_start3A_178 = tpu.memref_slice %arg5[%dma_start3A_177] : memref<1600xi32, #tpu.memory_space<vmem>> -> memref<40xi32, #tpu.memory_space<vmem>>
    %dma_start3A_179 = arith.constant 0 : i32
    %dma_start3A_180 = arith.constant 0 : i32
    %dma_start3A_181 = tpu.memref_slice %arg3[%dma_start3A_179, %dma_start3A_180] : memref<2048x1024xf32, #tpu.memory_space<hbm>> -> memref<2048x1024xf32, #tpu.memory_space<hbm>>
    tpu.enqueue_indirect_dma source(%dma_start3A_181 : memref<2048x1024xf32, #tpu.memory_space<hbm>>) target(%dma_start3A_176 : memref<40x1024xf32, #tpu.memory_space<vmem>>) offsets(%dma_start3A_178 : memref<40xi32, #tpu.memory_space<vmem>>) semaphore(%arg9 : memref<!tpu.dma_semaphore, #tpu.memory_space<semaphore_mem>>)
    %dma_wait3A_182 = arith.constant 0 : i32
    %dma_wait3A_183 = arith.constant 0 : i32
    %dma_wait3A_184 = arith.constant 0 : i32
    %dma_wait3A_185 = tpu.memref_slice %arg6[%dma_wait3A_182, %dma_wait3A_183, %dma_wait3A_184] : memref<3x40x1024xf32, #tpu.memory_space<vmem>> -> memref<1x40x1024xf32, #tpu.memory_space<vmem>>
    %dma_wait3A_186 = tpu.memref_squeeze %dma_wait3A_185 : memref<1x40x1024xf32, #tpu.memory_space<vmem>> -> memref<40x1024xf32, #tpu.memory_space<vmem>>
    %dma_wait3A_187 = arith.constant 120 : i32
    %dma_wait3A_188 = tpu.memref_slice %arg5[%dma_wait3A_187] : memref<1600xi32, #tpu.memory_space<vmem>> -> memref<40xi32, #tpu.memory_space<vmem>>
    %dma_wait3A_189 = arith.constant 0 : i32
    %dma_wait3A_190 = arith.constant 0 : i32
    %dma_wait3A_191 = tpu.memref_slice %arg3[%dma_wait3A_189, %dma_wait3A_190] : memref<2048x1024xf32, #tpu.memory_space<hbm>> -> memref<2048x1024xf32, #tpu.memory_space<hbm>>
    tpu.wait_indirect_dma semaphore(%arg7 : memref<!tpu.dma_semaphore, #tpu.memory_space<semaphore_mem>>) src(%dma_wait3A_191 : memref<2048x1024xf32, #tpu.memory_space<hbm>>) dst(%dma_wait3A_186 : memref<40x1024xf32, #tpu.memory_space<vmem>>)
    %add3A_192 = arith.constant 120 : i32
    %add3A_193 = arith.addi %mul3A_2, %add3A_192 : i32
    %dma_start3A_194 = arith.constant 0 : i32
    %dma_start3A_195 = arith.constant 0 : i32
    %dma_start3A_196 = arith.constant 0 : i32
    %dma_start3A_197 = tpu.memref_slice %arg6[%dma_start3A_194, %dma_start3A_195, %dma_start3A_196] : memref<3x40x1024xf32, #tpu.memory_space<vmem>> -> memref<1x40x1024xf32, #tpu.memory_space<vmem>>
    %dma_start3A_198 = tpu.memref_squeeze %dma_start3A_197 : memref<1x40x1024xf32, #tpu.memory_space<vmem>> -> memref<40x1024xf32, #tpu.memory_space<vmem>>
    %dma_start3A_199 = arith.constant 0 : i32
    %dma_start3A_200 = tpu.memref_slice %arg4[%add3A_193, %dma_start3A_199] : memref<51200x1024xf32, #tpu.memory_space<hbm>> -> memref<40x1024xf32, #tpu.memory_space<hbm>>
    %dma_start3A_201 = arith.constant 0 : i32
    %dma_start3A_202 = tpu.memref_slice %arg4[%add3A_193, %dma_start3A_201] : memref<51200x1024xf32, #tpu.memory_space<hbm>> -> memref<40x1024xf32, #tpu.memory_space<hbm>>
    %dma_start3A_203 = arith.constant 0 : i32
    %dma_start3A_204 = arith.constant 0 : i32
    %dma_start3A_205 = tpu.memref_slice %arg6[%dma_start3A_194, %dma_start3A_203, %dma_start3A_204] : memref<3x40x1024xf32, #tpu.memory_space<vmem>> -> memref<1x40x1024xf32, #tpu.memory_space<vmem>>
    %dma_start3A_206 = tpu.memref_squeeze %dma_start3A_205 : memref<1x40x1024xf32, #tpu.memory_space<vmem>> -> memref<40x1024xf32, #tpu.memory_space<vmem>>
    tpu.enqueue_dma source(%dma_start3A_206 : memref<40x1024xf32, #tpu.memory_space<vmem>>) target(%dma_start3A_202 : memref<40x1024xf32, #tpu.memory_space<hbm>>) target_semaphore(%arg10 : memref<!tpu.dma_semaphore, #tpu.memory_space<semaphore_mem>>)
    %dma_wait3A_207 = arith.constant 0 : i32
    %dma_wait3A_208 = arith.constant 0 : i32
    %dma_wait3A_209 = arith.constant 0 : i32
    %dma_wait3A_210 = tpu.memref_slice %arg6[%dma_wait3A_207, %dma_wait3A_208, %dma_wait3A_209] : memref<3x40x1024xf32, #tpu.memory_space<vmem>> -> memref<1x40x1024xf32, #tpu.memory_space<vmem>>
    %dma_wait3A_211 = tpu.memref_squeeze %dma_wait3A_210 : memref<1x40x1024xf32, #tpu.memory_space<vmem>> -> memref<40x1024xf32, #tpu.memory_space<vmem>>
    %dma_wait3A_212 = arith.constant 0 : i32
    %dma_wait3A_213 = tpu.memref_slice %arg4[%add3A_193, %dma_wait3A_212] : memref<51200x1024xf32, #tpu.memory_space<hbm>> -> memref<40x1024xf32, #tpu.memory_space<hbm>>
    %dma_wait3A_214 = arith.constant 0 : i32
    %dma_wait3A_215 = tpu.memref_slice %arg4[%add3A_193, %dma_wait3A_214] : memref<51200x1024xf32, #tpu.memory_space<hbm>> -> memref<40x1024xf32, #tpu.memory_space<hbm>>
    %dma_wait3A_216 = arith.constant 0 : i32
    %dma_wait3A_217 = arith.constant 0 : i32
    %dma_wait3A_218 = tpu.memref_slice %arg6[%dma_wait3A_207, %dma_wait3A_216, %dma_wait3A_217] : memref<3x40x1024xf32, #tpu.memory_space<vmem>> -> memref<1x40x1024xf32, #tpu.memory_space<vmem>>
    %dma_wait3A_219 = tpu.memref_squeeze %dma_wait3A_218 : memref<1x40x1024xf32, #tpu.memory_space<vmem>> -> memref<40x1024xf32, #tpu.memory_space<vmem>>
    tpu.wait_dma2 semaphore(%arg10 : memref<!tpu.dma_semaphore, #tpu.memory_space<semaphore_mem>>) src(%dma_wait3A_219 : memref<40x1024xf32, #tpu.memory_space<vmem>>) dst(%dma_wait3A_215 : memref<40x1024xf32, #tpu.memory_space<hbm>>)
    %dma_start3A_220 = arith.constant 0 : i32
    %dma_start3A_221 = arith.constant 0 : i32
    %dma_start3A_222 = arith.constant 0 : i32
    %dma_start3A_223 = tpu.memref_slice %arg6[%dma_start3A_220, %dma_start3A_221, %dma_start3A_222] : memref<3x40x1024xf32, #tpu.memory_space<vmem>> -> memref<1x40x1024xf32, #tpu.memory_space<vmem>>
    %dma_start3A_224 = tpu.memref_squeeze %dma_start3A_223 : memref<1x40x1024xf32, #tpu.memory_space<vmem>> -> memref<40x1024xf32, #tpu.memory_space<vmem>>
    %dma_start3A_225 = arith.constant 240 : i32
    %dma_start3A_226 = tpu.memref_slice %arg5[%dma_start3A_225] : memref<1600xi32, #tpu.memory_space<vmem>> -> memref<40xi32, #tpu.memory_space<vmem>>
    %dma_start3A_227 = arith.constant 0 : i32
    %dma_start3A_228 = arith.constant 0 : i32
    %dma_start3A_229 = tpu.memref_slice %arg3[%dma_start3A_227, %dma_start3A_228] : memref<2048x1024xf32, #tpu.memory_space<hbm>> -> memref<2048x1024xf32, #tpu.memory_space<hbm>>
    tpu.enqueue_indirect_dma source(%dma_start3A_229 : memref<2048x1024xf32, #tpu.memory_space<hbm>>) target(%dma_start3A_224 : memref<40x1024xf32, #tpu.memory_space<vmem>>) offsets(%dma_start3A_226 : memref<40xi32, #tpu.memory_space<vmem>>) semaphore(%arg7 : memref<!tpu.dma_semaphore, #tpu.memory_space<semaphore_mem>>)
    %dma_wait3A_230 = arith.constant 1 : i32
    %dma_wait3A_231 = arith.constant 0 : i32
    %dma_wait3A_232 = arith.constant 0 : i32
    %dma_wait3A_233 = tpu.memref_slice %arg6[%dma_wait3A_230, %dma_wait3A_231, %dma_wait3A_232] : memref<3x40x1024xf32, #tpu.memory_space<vmem>> -> memref<1x40x1024xf32, #tpu.memory_space<vmem>>
    %dma_wait3A_234 = tpu.memref_squeeze %dma_wait3A_233 : memref<1x40x1024xf32, #tpu.memory_space<vmem>> -> memref<40x1024xf32, #tpu.memory_space<vmem>>
    %dma_wait3A_235 = arith.constant 160 : i32
    %dma_wait3A_236 = tpu.memref_slice %arg5[%dma_wait3A_235] : memref<1600xi32, #tpu.memory_space<vmem>> -> memref<40xi32, #tpu.memory_space<vmem>>
    %dma_wait3A_237 = arith.constant 0 : i32
    %dma_wait3A_238 = arith.constant 0 : i32
    %dma_wait3A_239 = tpu.memref_slice %arg3[%dma_wait3A_237, %dma_wait3A_238] : memref<2048x1024xf32, #tpu.memory_space<hbm>> -> memref<2048x1024xf32, #tpu.memory_space<hbm>>
    tpu.wait_indirect_dma semaphore(%arg8 : memref<!tpu.dma_semaphore, #tpu.memory_space<semaphore_mem>>) src(%dma_wait3A_239 : memref<2048x1024xf32, #tpu.memory_space<hbm>>) dst(%dma_wait3A_234 : memref<40x1024xf32, #tpu.memory_space<vmem>>)
    %add3A_240 = arith.constant 160 : i32
    %add3A_241 = arith.addi %mul3A_2, %add3A_240 : i32
    %dma_start3A_242 = arith.constant 1 : i32
    %dma_start3A_243 = arith.constant 0 : i32
    %dma_start3A_244 = arith.constant 0 : i32
    %dma_start3A_245 = tpu.memref_slice %arg6[%dma_start3A_242, %dma_start3A_243, %dma_start3A_244] : memref<3x40x1024xf32, #tpu.memory_space<vmem>> -> memref<1x40x1024xf32, #tpu.memory_space<vmem>>
    %dma_start3A_246 = tpu.memref_squeeze %dma_start3A_245 : memref<1x40x1024xf32, #tpu.memory_space<vmem>> -> memref<40x1024xf32, #tpu.memory_space<vmem>>
    %dma_start3A_247 = arith.constant 0 : i32
    %dma_start3A_248 = tpu.memref_slice %arg4[%add3A_241, %dma_start3A_247] : memref<51200x1024xf32, #tpu.memory_space<hbm>> -> memref<40x1024xf32, #tpu.memory_space<hbm>>
    %dma_start3A_249 = arith.constant 0 : i32
    %dma_start3A_250 = tpu.memref_slice %arg4[%add3A_241, %dma_start3A_249] : memref<51200x1024xf32, #tpu.memory_space<hbm>> -> memref<40x1024xf32, #tpu.memory_space<hbm>>
    %dma_start3A_251 = arith.constant 0 : i32
    %dma_start3A_252 = arith.constant 0 : i32
    %dma_start3A_253 = tpu.memref_slice %arg6[%dma_start3A_242, %dma_start3A_251, %dma_start3A_252] : memref<3x40x1024xf32, #tpu.memory_space<vmem>> -> memref<1x40x1024xf32, #tpu.memory_space<vmem>>
    %dma_start3A_254 = tpu.memref_squeeze %dma_start3A_253 : memref<1x40x1024xf32, #tpu.memory_space<vmem>> -> memref<40x1024xf32, #tpu.memory_space<vmem>>
    tpu.enqueue_dma source(%dma_start3A_254 : memref<40x1024xf32, #tpu.memory_space<vmem>>) target(%dma_start3A_250 : memref<40x1024xf32, #tpu.memory_space<hbm>>) target_semaphore(%arg11 : memref<!tpu.dma_semaphore, #tpu.memory_space<semaphore_mem>>)
    %dma_wait3A_255 = arith.constant 1 : i32
    %dma_wait3A_256 = arith.constant 0 : i32
    %dma_wait3A_257 = arith.constant 0 : i32
    %dma_wait3A_258 = tpu.memref_slice %arg6[%dma_wait3A_255, %dma_wait3A_256, %dma_wait3A_257] : memref<3x40x1024xf32, #tpu.memory_space<vmem>> -> memref<1x40x1024xf32, #tpu.memory_space<vmem>>
    %dma_wait3A_259 = tpu.memref_squeeze %dma_wait3A_258 : memref<1x40x1024xf32, #tpu.memory_space<vmem>> -> memref<40x1024xf32, #tpu.memory_space<vmem>>
    %dma_wait3A_260 = arith.constant 0 : i32
    %dma_wait3A_261 = tpu.memref_slice %arg4[%add3A_241, %dma_wait3A_260] : memref<51200x1024xf32, #tpu.memory_space<hbm>> -> memref<40x1024xf32, #tpu.memory_space<hbm>>
    %dma_wait3A_262 = arith.constant 0 : i32
    %dma_wait3A_263 = tpu.memref_slice %arg4[%add3A_241, %dma_wait3A_262] : memref<51200x1024xf32, #tpu.memory_space<hbm>> -> memref<40x1024xf32, #tpu.memory_space<hbm>>
    %dma_wait3A_264 = arith.constant 0 : i32
    %dma_wait3A_265 = arith.constant 0 : i32
    %dma_wait3A_266 = tpu.memref_slice %arg6[%dma_wait3A_255, %dma_wait3A_264, %dma_wait3A_265] : memref<3x40x1024xf32, #tpu.memory_space<vmem>> -> memref<1x40x1024xf32, #tpu.memory_space<vmem>>
    %dma_wait3A_267 = tpu.memref_squeeze %dma_wait3A_266 : memref<1x40x1024xf32, #tpu.memory_space<vmem>> -> memref<40x1024xf32, #tpu.memory_space<vmem>>
    tpu.wait_dma2 semaphore(%arg11 : memref<!tpu.dma_semaphore, #tpu.memory_space<semaphore_mem>>) src(%dma_wait3A_267 : memref<40x1024xf32, #tpu.memory_space<vmem>>) dst(%dma_wait3A_263 : memref<40x1024xf32, #tpu.memory_space<hbm>>)
    %dma_start3A_268 = arith.constant 1 : i32
    %dma_start3A_269 = arith.constant 0 : i32
    %dma_start3A_270 = arith.constant 0 : i32
    %dma_start3A_271 = tpu.memref_slice %arg6[%dma_start3A_268, %dma_start3A_269, %dma_start3A_270] : memref<3x40x1024xf32, #tpu.memory_space<vmem>> -> memref<1x40x1024xf32, #tpu.memory_space<vmem>>
    %dma_start3A_272 = tpu.memref_squeeze %dma_start3A_271 : memref<1x40x1024xf32, #tpu.memory_space<vmem>> -> memref<40x1024xf32, #tpu.memory_space<vmem>>
    %dma_start3A_273 = arith.constant 280 : i32
    %dma_start3A_274 = tpu.memref_slice %arg5[%dma_start3A_273] : memref<1600xi32, #tpu.memory_space<vmem>> -> memref<40xi32, #tpu.memory_space<vmem>>
    %dma_start3A_275 = arith.constant 0 : i32
    %dma_start3A_276 = arith.constant 0 : i32
    %dma_start3A_277 = tpu.memref_slice %arg3[%dma_start3A_275, %dma_start3A_276] : memref<2048x1024xf32, #tpu.memory_space<hbm>> -> memref<2048x1024xf32, #tpu.memory_space<hbm>>
    tpu.enqueue_indirect_dma source(%dma_start3A_277 : memref<2048x1024xf32, #tpu.memory_space<hbm>>) target(%dma_start3A_272 : memref<40x1024xf32, #tpu.memory_space<vmem>>) offsets(%dma_start3A_274 : memref<40xi32, #tpu.memory_space<vmem>>) semaphore(%arg8 : memref<!tpu.dma_semaphore, #tpu.memory_space<semaphore_mem>>)
    %dma_wait3A_278 = arith.constant 2 : i32
    %dma_wait3A_279 = arith.constant 0 : i32
    %dma_wait3A_280 = arith.constant 0 : i32
    %dma_wait3A_281 = tpu.memref_slice %arg6[%dma_wait3A_278, %dma_wait3A_279, %dma_wait3A_280] : memref<3x40x1024xf32, #tpu.memory_space<vmem>> -> memref<1x40x1024xf32, #tpu.memory_space<vmem>>
    %dma_wait3A_282 = tpu.memref_squeeze %dma_wait3A_281 : memref<1x40x1024xf32, #tpu.memory_space<vmem>> -> memref<40x1024xf32, #tpu.memory_space<vmem>>
    %dma_wait3A_283 = arith.constant 200 : i32
    %dma_wait3A_284 = tpu.memref_slice %arg5[%dma_wait3A_283] : memref<1600xi32, #tpu.memory_space<vmem>> -> memref<40xi32, #tpu.memory_space<vmem>>
    %dma_wait3A_285 = arith.constant 0 : i32
    %dma_wait3A_286 = arith.constant 0 : i32
    %dma_wait3A_287 = tpu.memref_slice %arg3[%dma_wait3A_285, %dma_wait3A_286] : memref<2048x1024xf32, #tpu.memory_space<hbm>> -> memref<2048x1024xf32, #tpu.memory_space<hbm>>
    tpu.wait_indirect_dma semaphore(%arg9 : memref<!tpu.dma_semaphore, #tpu.memory_space<semaphore_mem>>) src(%dma_wait3A_287 : memref<2048x1024xf32, #tpu.memory_space<hbm>>) dst(%dma_wait3A_282 : memref<40x1024xf32, #tpu.memory_space<vmem>>)
    %add3A_288 = arith.constant 200 : i32
    %add3A_289 = arith.addi %mul3A_2, %add3A_288 : i32
    %dma_start3A_290 = arith.constant 2 : i32
    %dma_start3A_291 = arith.constant 0 : i32
    %dma_start3A_292 = arith.constant 0 : i32
    %dma_start3A_293 = tpu.memref_slice %arg6[%dma_start3A_290, %dma_start3A_291, %dma_start3A_292] : memref<3x40x1024xf32, #tpu.memory_space<vmem>> -> memref<1x40x1024xf32, #tpu.memory_space<vmem>>
    %dma_start3A_294 = tpu.memref_squeeze %dma_start3A_293 : memref<1x40x1024xf32, #tpu.memory_space<vmem>> -> memref<40x1024xf32, #tpu.memory_space<vmem>>
    %dma_start3A_295 = arith.constant 0 : i32
    %dma_start3A_296 = tpu.memref_slice %arg4[%add3A_289, %dma_start3A_295] : memref<51200x1024xf32, #tpu.memory_space<hbm>> -> memref<40x1024xf32, #tpu.memory_space<hbm>>
    %dma_start3A_297 = arith.constant 0 : i32
    %dma_start3A_298 = tpu.memref_slice %arg4[%add3A_289, %dma_start3A_297] : memref<51200x1024xf32, #tpu.memory_space<hbm>> -> memref<40x1024xf32, #tpu.memory_space<hbm>>
    %dma_start3A_299 = arith.constant 0 : i32
    %dma_start3A_300 = arith.constant 0 : i32
    %dma_start3A_301 = tpu.memref_slice %arg6[%dma_start3A_290, %dma_start3A_299, %dma_start3A_300] : memref<3x40x1024xf32, #tpu.memory_space<vmem>> -> memref<1x40x1024xf32, #tpu.memory_space<vmem>>
    %dma_start3A_302 = tpu.memref_squeeze %dma_start3A_301 : memref<1x40x1024xf32, #tpu.memory_space<vmem>> -> memref<40x1024xf32, #tpu.memory_space<vmem>>
    tpu.enqueue_dma source(%dma_start3A_302 : memref<40x1024xf32, #tpu.memory_space<vmem>>) target(%dma_start3A_298 : memref<40x1024xf32, #tpu.memory_space<hbm>>) target_semaphore(%arg12 : memref<!tpu.dma_semaphore, #tpu.memory_space<semaphore_mem>>)
    %dma_wait3A_303 = arith.constant 2 : i32
    %dma_wait3A_304 = arith.constant 0 : i32
    %dma_wait3A_305 = arith.constant 0 : i32
    %dma_wait3A_306 = tpu.memref_slice %arg6[%dma_wait3A_303, %dma_wait3A_304, %dma_wait3A_305] : memref<3x40x1024xf32, #tpu.memory_space<vmem>> -> memref<1x40x1024xf32, #tpu.memory_space<vmem>>
    %dma_wait3A_307 = tpu.memref_squeeze %dma_wait3A_306 : memref<1x40x1024xf32, #tpu.memory_space<vmem>> -> memref<40x1024xf32, #tpu.memory_space<vmem>>
    %dma_wait3A_308 = arith.constant 0 : i32
    %dma_wait3A_309 = tpu.memref_slice %arg4[%add3A_289, %dma_wait3A_308] : memref<51200x1024xf32, #tpu.memory_space<hbm>> -> memref<40x1024xf32, #tpu.memory_space<hbm>>
    %dma_wait3A_310 = arith.constant 0 : i32
    %dma_wait3A_311 = tpu.memref_slice %arg4[%add3A_289, %dma_wait3A_310] : memref<51200x1024xf32, #tpu.memory_space<hbm>> -> memref<40x1024xf32, #tpu.memory_space<hbm>>
    %dma_wait3A_312 = arith.constant 0 : i32
    %dma_wait3A_313 = arith.constant 0 : i32
    %dma_wait3A_314 = tpu.memref_slice %arg6[%dma_wait3A_303, %dma_wait3A_312, %dma_wait3A_313] : memref<3x40x1024xf32, #tpu.memory_space<vmem>> -> memref<1x40x1024xf32, #tpu.memory_space<vmem>>
    %dma_wait3A_315 = tpu.memref_squeeze %dma_wait3A_314 : memref<1x40x1024xf32, #tpu.memory_space<vmem>> -> memref<40x1024xf32, #tpu.memory_space<vmem>>
    tpu.wait_dma2 semaphore(%arg12 : memref<!tpu.dma_semaphore, #tpu.memory_space<semaphore_mem>>) src(%dma_wait3A_315 : memref<40x1024xf32, #tpu.memory_space<vmem>>) dst(%dma_wait3A_311 : memref<40x1024xf32, #tpu.memory_space<hbm>>)
    %dma_start3A_316 = arith.constant 2 : i32
    %dma_start3A_317 = arith.constant 0 : i32
    %dma_start3A_318 = arith.constant 0 : i32
    %dma_start3A_319 = tpu.memref_slice %arg6[%dma_start3A_316, %dma_start3A_317, %dma_start3A_318] : memref<3x40x1024xf32, #tpu.memory_space<vmem>> -> memref<1x40x1024xf32, #tpu.memory_space<vmem>>
    %dma_start3A_320 = tpu.memref_squeeze %dma_start3A_319 : memref<1x40x1024xf32, #tpu.memory_space<vmem>> -> memref<40x1024xf32, #tpu.memory_space<vmem>>
    %dma_start3A_321 = arith.constant 320 : i32
    %dma_start3A_322 = tpu.memref_slice %arg5[%dma_start3A_321] : memref<1600xi32, #tpu.memory_space<vmem>> -> memref<40xi32, #tpu.memory_space<vmem>>
    %dma_start3A_323 = arith.constant 0 : i32
    %dma_start3A_324 = arith.constant 0 : i32
    %dma_start3A_325 = tpu.memref_slice %arg3[%dma_start3A_323, %dma_start3A_324] : memref<2048x1024xf32, #tpu.memory_space<hbm>> -> memref<2048x1024xf32, #tpu.memory_space<hbm>>
    tpu.enqueue_indirect_dma source(%dma_start3A_325 : memref<2048x1024xf32, #tpu.memory_space<hbm>>) target(%dma_start3A_320 : memref<40x1024xf32, #tpu.memory_space<vmem>>) offsets(%dma_start3A_322 : memref<40xi32, #tpu.memory_space<vmem>>) semaphore(%arg9 : memref<!tpu.dma_semaphore, #tpu.memory_space<semaphore_mem>>)
    %dma_wait3A_326 = arith.constant 0 : i32
    %dma_wait3A_327 = arith.constant 0 : i32
    %dma_wait3A_328 = arith.constant 0 : i32
    %dma_wait3A_329 = tpu.memref_slice %arg6[%dma_wait3A_326, %dma_wait3A_327, %dma_wait3A_328] : memref<3x40x1024xf32, #tpu.memory_space<vmem>> -> memref<1x40x1024xf32, #tpu.memory_space<vmem>>
    %dma_wait3A_330 = tpu.memref_squeeze %dma_wait3A_329 : memref<1x40x1024xf32, #tpu.memory_space<vmem>> -> memref<40x1024xf32, #tpu.memory_space<vmem>>
    %dma_wait3A_331 = arith.constant 240 : i32
    %dma_wait3A_332 = tpu.memref_slice %arg5[%dma_wait3A_331] : memref<1600xi32, #tpu.memory_space<vmem>> -> memref<40xi32, #tpu.memory_space<vmem>>
    %dma_wait3A_333 = arith.constant 0 : i32
    %dma_wait3A_334 = arith.constant 0 : i32
    %dma_wait3A_335 = tpu.memref_slice %arg3[%dma_wait3A_333, %dma_wait3A_334] : memref<2048x1024xf32, #tpu.memory_space<hbm>> -> memref<2048x1024xf32, #tpu.memory_space<hbm>>
    tpu.wait_indirect_dma semaphore(%arg7 : memref<!tpu.dma_semaphore, #tpu.memory_space<semaphore_mem>>) src(%dma_wait3A_335 : memref<2048x1024xf32, #tpu.memory_space<hbm>>) dst(%dma_wait3A_330 : memref<40x1024xf32, #tpu.memory_space<vmem>>)
    %add3A_336 = arith.constant 240 : i32
    %add3A_337 = arith.addi %mul3A_2, %add3A_336 : i32
    %dma_start3A_338 = arith.constant 0 : i32
    %dma_start3A_339 = arith.constant 0 : i32
    %dma_start3A_340 = arith.constant 0 : i32
    %dma_start3A_341 = tpu.memref_slice %arg6[%dma_start3A_338, %dma_start3A_339, %dma_start3A_340] : memref<3x40x1024xf32, #tpu.memory_space<vmem>> -> memref<1x40x1024xf32, #tpu.memory_space<vmem>>
    %dma_start3A_342 = tpu.memref_squeeze %dma_start3A_341 : memref<1x40x1024xf32, #tpu.memory_space<vmem>> -> memref<40x1024xf32, #tpu.memory_space<vmem>>
    %dma_start3A_343 = arith.constant 0 : i32
    %dma_start3A_344 = tpu.memref_slice %arg4[%add3A_337, %dma_start3A_343] : memref<51200x1024xf32, #tpu.memory_space<hbm>> -> memref<40x1024xf32, #tpu.memory_space<hbm>>
    %dma_start3A_345 = arith.constant 0 : i32
    %dma_start3A_346 = tpu.memref_slice %arg4[%add3A_337, %dma_start3A_345] : memref<51200x1024xf32, #tpu.memory_space<hbm>> -> memref<40x1024xf32, #tpu.memory_space<hbm>>
    %dma_start3A_347 = arith.constant 0 : i32
    %dma_start3A_348 = arith.constant 0 : i32
    %dma_start3A_349 = tpu.memref_slice %arg6[%dma_start3A_338, %dma_start3A_347, %dma_start3A_348] : memref<3x40x1024xf32, #tpu.memory_space<vmem>> -> memref<1x40x1024xf32, #tpu.memory_space<vmem>>
    %dma_start3A_350 = tpu.memref_squeeze %dma_start3A_349 : memref<1x40x1024xf32, #tpu.memory_space<vmem>> -> memref<40x1024xf32, #tpu.memory_space<vmem>>
    tpu.enqueue_dma source(%dma_start3A_350 : memref<40x1024xf32, #tpu.memory_space<vmem>>) target(%dma_start3A_346 : memref<40x1024xf32, #tpu.memory_space<hbm>>) target_semaphore(%arg10 : memref<!tpu.dma_semaphore, #tpu.memory_space<semaphore_mem>>)
    %dma_wait3A_351 = arith.constant 0 : i32
    %dma_wait3A_352 = arith.constant 0 : i32
    %dma_wait3A_353 = arith.constant 0 : i32
    %dma_wait3A_354 = tpu.memref_slice %arg6[%dma_wait3A_351, %dma_wait3A_352, %dma_wait3A_353] : memref<3x40x1024xf32, #tpu.memory_space<vmem>> -> memref<1x40x1024xf32, #tpu.memory_space<vmem>>
    %dma_wait3A_355 = tpu.memref_squeeze %dma_wait3A_354 : memref<1x40x1024xf32, #tpu.memory_space<vmem>> -> memref<40x1024xf32, #tpu.memory_space<vmem>>
    %dma_wait3A_356 = arith.constant 0 : i32
    %dma_wait3A_357 = tpu.memref_slice %arg4[%add3A_337, %dma_wait3A_356] : memref<51200x1024xf32, #tpu.memory_space<hbm>> -> memref<40x1024xf32, #tpu.memory_space<hbm>>
    %dma_wait3A_358 = arith.constant 0 : i32
    %dma_wait3A_359 = tpu.memref_slice %arg4[%add3A_337, %dma_wait3A_358] : memref<51200x1024xf32, #tpu.memory_space<hbm>> -> memref<40x1024xf32, #tpu.memory_space<hbm>>
    %dma_wait3A_360 = arith.constant 0 : i32
    %dma_wait3A_361 = arith.constant 0 : i32
    %dma_wait3A_362 = tpu.memref_slice %arg6[%dma_wait3A_351, %dma_wait3A_360, %dma_wait3A_361] : memref<3x40x1024xf32, #tpu.memory_space<vmem>> -> memref<1x40x1024xf32, #tpu.memory_space<vmem>>
    %dma_wait3A_363 = tpu.memref_squeeze %dma_wait3A_362 : memref<1x40x1024xf32, #tpu.memory_space<vmem>> -> memref<40x1024xf32, #tpu.memory_space<vmem>>
    tpu.wait_dma2 semaphore(%arg10 : memref<!tpu.dma_semaphore, #tpu.memory_space<semaphore_mem>>) src(%dma_wait3A_363 : memref<40x1024xf32, #tpu.memory_space<vmem>>) dst(%dma_wait3A_359 : memref<40x1024xf32, #tpu.memory_space<hbm>>)
    %dma_start3A_364 = arith.constant 0 : i32
    %dma_start3A_365 = arith.constant 0 : i32
    %dma_start3A_366 = arith.constant 0 : i32
    %dma_start3A_367 = tpu.memref_slice %arg6[%dma_start3A_364, %dma_start3A_365, %dma_start3A_366] : memref<3x40x1024xf32, #tpu.memory_space<vmem>> -> memref<1x40x1024xf32, #tpu.memory_space<vmem>>
    %dma_start3A_368 = tpu.memref_squeeze %dma_start3A_367 : memref<1x40x1024xf32, #tpu.memory_space<vmem>> -> memref<40x1024xf32, #tpu.memory_space<vmem>>
    %dma_start3A_369 = arith.constant 360 : i32
    %dma_start3A_370 = tpu.memref_slice %arg5[%dma_start3A_369] : memref<1600xi32, #tpu.memory_space<vmem>> -> memref<40xi32, #tpu.memory_space<vmem>>
    %dma_start3A_371 = arith.constant 0 : i32
    %dma_start3A_372 = arith.constant 0 : i32
    %dma_start3A_373 = tpu.memref_slice %arg3[%dma_start3A_371, %dma_start3A_372] : memref<2048x1024xf32, #tpu.memory_space<hbm>> -> memref<2048x1024xf32, #tpu.memory_space<hbm>>
    tpu.enqueue_indirect_dma source(%dma_start3A_373 : memref<2048x1024xf32, #tpu.memory_space<hbm>>) target(%dma_start3A_368 : memref<40x1024xf32, #tpu.memory_space<vmem>>) offsets(%dma_start3A_370 : memref<40xi32, #tpu.memory_space<vmem>>) semaphore(%arg7 : memref<!tpu.dma_semaphore, #tpu.memory_space<semaphore_mem>>)
    %dma_wait3A_374 = arith.constant 1 : i32
    %dma_wait3A_375 = arith.constant 0 : i32
    %dma_wait3A_376 = arith.constant 0 : i32
    %dma_wait3A_377 = tpu.memref_slice %arg6[%dma_wait3A_374, %dma_wait3A_375, %dma_wait3A_376] : memref<3x40x1024xf32, #tpu.memory_space<vmem>> -> memref<1x40x1024xf32, #tpu.memory_space<vmem>>
    %dma_wait3A_378 = tpu.memref_squeeze %dma_wait3A_377 : memref<1x40x1024xf32, #tpu.memory_space<vmem>> -> memref<40x1024xf32, #tpu.memory_space<vmem>>
    %dma_wait3A_379 = arith.constant 280 : i32
    %dma_wait3A_380 = tpu.memref_slice %arg5[%dma_wait3A_379] : memref<1600xi32, #tpu.memory_space<vmem>> -> memref<40xi32, #tpu.memory_space<vmem>>
    %dma_wait3A_381 = arith.constant 0 : i32
    %dma_wait3A_382 = arith.constant 0 : i32
    %dma_wait3A_383 = tpu.memref_slice %arg3[%dma_wait3A_381, %dma_wait3A_382] : memref<2048x1024xf32, #tpu.memory_space<hbm>> -> memref<2048x1024xf32, #tpu.memory_space<hbm>>
    tpu.wait_indirect_dma semaphore(%arg8 : memref<!tpu.dma_semaphore, #tpu.memory_space<semaphore_mem>>) src(%dma_wait3A_383 : memref<2048x1024xf32, #tpu.memory_space<hbm>>) dst(%dma_wait3A_378 : memref<40x1024xf32, #tpu.memory_space<vmem>>)
    %add3A_384 = arith.constant 280 : i32
    %add3A_385 = arith.addi %mul3A_2, %add3A_384 : i32
    %dma_start3A_386 = arith.constant 1 : i32
    %dma_start3A_387 = arith.constant 0 : i32
    %dma_start3A_388 = arith.constant 0 : i32
    %dma_start3A_389 = tpu.memref_slice %arg6[%dma_start3A_386, %dma_start3A_387, %dma_start3A_388] : memref<3x40x1024xf32, #tpu.memory_space<vmem>> -> memref<1x40x1024xf32, #tpu.memory_space<vmem>>
    %dma_start3A_390 = tpu.memref_squeeze %dma_start3A_389 : memref<1x40x1024xf32, #tpu.memory_space<vmem>> -> memref<40x1024xf32, #tpu.memory_space<vmem>>
    %dma_start3A_391 = arith.constant 0 : i32
    %dma_start3A_392 = tpu.memref_slice %arg4[%add3A_385, %dma_start3A_391] : memref<51200x1024xf32, #tpu.memory_space<hbm>> -> memref<40x1024xf32, #tpu.memory_space<hbm>>
    %dma_start3A_393 = arith.constant 0 : i32
    %dma_start3A_394 = tpu.memref_slice %arg4[%add3A_385, %dma_start3A_393] : memref<51200x1024xf32, #tpu.memory_space<hbm>> -> memref<40x1024xf32, #tpu.memory_space<hbm>>
    %dma_start3A_395 = arith.constant 0 : i32
    %dma_start3A_396 = arith.constant 0 : i32
    %dma_start3A_397 = tpu.memref_slice %arg6[%dma_start3A_386, %dma_start3A_395, %dma_start3A_396] : memref<3x40x1024xf32, #tpu.memory_space<vmem>> -> memref<1x40x1024xf32, #tpu.memory_space<vmem>>
    %dma_start3A_398 = tpu.memref_squeeze %dma_start3A_397 : memref<1x40x1024xf32, #tpu.memory_space<vmem>> -> memref<40x1024xf32, #tpu.memory_space<vmem>>
    tpu.enqueue_dma source(%dma_start3A_398 : memref<40x1024xf32, #tpu.memory_space<vmem>>) target(%dma_start3A_394 : memref<40x1024xf32, #tpu.memory_space<hbm>>) target_semaphore(%arg11 : memref<!tpu.dma_semaphore, #tpu.memory_space<semaphore_mem>>)
    %dma_wait3A_399 = arith.constant 1 : i32
    %dma_wait3A_400 = arith.constant 0 : i32
    %dma_wait3A_401 = arith.constant 0 : i32
    %dma_wait3A_402 = tpu.memref_slice %arg6[%dma_wait3A_399, %dma_wait3A_400, %dma_wait3A_401] : memref<3x40x1024xf32, #tpu.memory_space<vmem>> -> memref<1x40x1024xf32, #tpu.memory_space<vmem>>
    %dma_wait3A_403 = tpu.memref_squeeze %dma_wait3A_402 : memref<1x40x1024xf32, #tpu.memory_space<vmem>> -> memref<40x1024xf32, #tpu.memory_space<vmem>>
    %dma_wait3A_404 = arith.constant 0 : i32
    %dma_wait3A_405 = tpu.memref_slice %arg4[%add3A_385, %dma_wait3A_404] : memref<51200x1024xf32, #tpu.memory_space<hbm>> -> memref<40x1024xf32, #tpu.memory_space<hbm>>
    %dma_wait3A_406 = arith.constant 0 : i32
    %dma_wait3A_407 = tpu.memref_slice %arg4[%add3A_385, %dma_wait3A_406] : memref<51200x1024xf32, #tpu.memory_space<hbm>> -> memref<40x1024xf32, #tpu.memory_space<hbm>>
    %dma_wait3A_408 = arith.constant 0 : i32
    %dma_wait3A_409 = arith.constant 0 : i32
    %dma_wait3A_410 = tpu.memref_slice %arg6[%dma_wait3A_399, %dma_wait3A_408, %dma_wait3A_409] : memref<3x40x1024xf32, #tpu.memory_space<vmem>> -> memref<1x40x1024xf32, #tpu.memory_space<vmem>>
    %dma_wait3A_411 = tpu.memref_squeeze %dma_wait3A_410 : memref<1x40x1024xf32, #tpu.memory_space<vmem>> -> memref<40x1024xf32, #tpu.memory_space<vmem>>
    tpu.wait_dma2 semaphore(%arg11 : memref<!tpu.dma_semaphore, #tpu.memory_space<semaphore_mem>>) src(%dma_wait3A_411 : memref<40x1024xf32, #tpu.memory_space<vmem>>) dst(%dma_wait3A_407 : memref<40x1024xf32, #tpu.memory_space<hbm>>)
    %dma_start3A_412 = arith.constant 1 : i32
    %dma_start3A_413 = arith.constant 0 : i32
    %dma_start3A_414 = arith.constant 0 : i32
    %dma_start3A_415 = tpu.memref_slice %arg6[%dma_start3A_412, %dma_start3A_413, %dma_start3A_414] : memref<3x40x1024xf32, #tpu.memory_space<vmem>> -> memref<1x40x1024xf32, #tpu.memory_space<vmem>>
    %dma_start3A_416 = tpu.memref_squeeze %dma_start3A_415 : memref<1x40x1024xf32, #tpu.memory_space<vmem>> -> memref<40x1024xf32, #tpu.memory_space<vmem>>
    %dma_start3A_417 = arith.constant 400 : i32
    %dma_start3A_418 = tpu.memref_slice %arg5[%dma_start3A_417] : memref<1600xi32, #tpu.memory_space<vmem>> -> memref<40xi32, #tpu.memory_space<vmem>>
    %dma_start3A_419 = arith.constant 0 : i32
    %dma_start3A_420 = arith.constant 0 : i32
    %dma_start3A_421 = tpu.memref_slice %arg3[%dma_start3A_419, %dma_start3A_420] : memref<2048x1024xf32, #tpu.memory_space<hbm>> -> memref<2048x1024xf32, #tpu.memory_space<hbm>>
    tpu.enqueue_indirect_dma source(%dma_start3A_421 : memref<2048x1024xf32, #tpu.memory_space<hbm>>) target(%dma_start3A_416 : memref<40x1024xf32, #tpu.memory_space<vmem>>) offsets(%dma_start3A_418 : memref<40xi32, #tpu.memory_space<vmem>>) semaphore(%arg8 : memref<!tpu.dma_semaphore, #tpu.memory_space<semaphore_mem>>)
    %dma_wait3A_422 = arith.constant 2 : i32
    %dma_wait3A_423 = arith.constant 0 : i32
    %dma_wait3A_424 = arith.constant 0 : i32
    %dma_wait3A_425 = tpu.memref_slice %arg6[%dma_wait3A_422, %dma_wait3A_423, %dma_wait3A_424] : memref<3x40x1024xf32, #tpu.memory_space<vmem>> -> memref<1x40x1024xf32, #tpu.memory_space<vmem>>
    %dma_wait3A_426 = tpu.memref_squeeze %dma_wait3A_425 : memref<1x40x1024xf32, #tpu.memory_space<vmem>> -> memref<40x1024xf32, #tpu.memory_space<vmem>>
    %dma_wait3A_427 = arith.constant 320 : i32
    %dma_wait3A_428 = tpu.memref_slice %arg5[%dma_wait3A_427] : memref<1600xi32, #tpu.memory_space<vmem>> -> memref<40xi32, #tpu.memory_space<vmem>>
    %dma_wait3A_429 = arith.constant 0 : i32
    %dma_wait3A_430 = arith.constant 0 : i32
    %dma_wait3A_431 = tpu.memref_slice %arg3[%dma_wait3A_429, %dma_wait3A_430] : memref<2048x1024xf32, #tpu.memory_space<hbm>> -> memref<2048x1024xf32, #tpu.memory_space<hbm>>
    tpu.wait_indirect_dma semaphore(%arg9 : memref<!tpu.dma_semaphore, #tpu.memory_space<semaphore_mem>>) src(%dma_wait3A_431 : memref<2048x1024xf32, #tpu.memory_space<hbm>>) dst(%dma_wait3A_426 : memref<40x1024xf32, #tpu.memory_space<vmem>>)
    %add3A_432 = arith.constant 320 : i32
    %add3A_433 = arith.addi %mul3A_2, %add3A_432 : i32
    %dma_start3A_434 = arith.constant 2 : i32
    %dma_start3A_435 = arith.constant 0 : i32
    %dma_start3A_436 = arith.constant 0 : i32
    %dma_start3A_437 = tpu.memref_slice %arg6[%dma_start3A_434, %dma_start3A_435, %dma_start3A_436] : memref<3x40x1024xf32, #tpu.memory_space<vmem>> -> memref<1x40x1024xf32, #tpu.memory_space<vmem>>
    %dma_start3A_438 = tpu.memref_squeeze %dma_start3A_437 : memref<1x40x1024xf32, #tpu.memory_space<vmem>> -> memref<40x1024xf32, #tpu.memory_space<vmem>>
    %dma_start3A_439 = arith.constant 0 : i32
    %dma_start3A_440 = tpu.memref_slice %arg4[%add3A_433, %dma_start3A_439] : memref<51200x1024xf32, #tpu.memory_space<hbm>> -> memref<40x1024xf32, #tpu.memory_space<hbm>>
    %dma_start3A_441 = arith.constant 0 : i32
    %dma_start3A_442 = tpu.memref_slice %arg4[%add3A_433, %dma_start3A_441] : memref<51200x1024xf32, #tpu.memory_space<hbm>> -> memref<40x1024xf32, #tpu.memory_space<hbm>>
    %dma_start3A_443 = arith.constant 0 : i32
    %dma_start3A_444 = arith.constant 0 : i32
    %dma_start3A_445 = tpu.memref_slice %arg6[%dma_start3A_434, %dma_start3A_443, %dma_start3A_444] : memref<3x40x1024xf32, #tpu.memory_space<vmem>> -> memref<1x40x1024xf32, #tpu.memory_space<vmem>>
    %dma_start3A_446 = tpu.memref_squeeze %dma_start3A_445 : memref<1x40x1024xf32, #tpu.memory_space<vmem>> -> memref<40x1024xf32, #tpu.memory_space<vmem>>
    tpu.enqueue_dma source(%dma_start3A_446 : memref<40x1024xf32, #tpu.memory_space<vmem>>) target(%dma_start3A_442 : memref<40x1024xf32, #tpu.memory_space<hbm>>) target_semaphore(%arg12 : memref<!tpu.dma_semaphore, #tpu.memory_space<semaphore_mem>>)
    %dma_wait3A_447 = arith.constant 2 : i32
    %dma_wait3A_448 = arith.constant 0 : i32
    %dma_wait3A_449 = arith.constant 0 : i32
    %dma_wait3A_450 = tpu.memref_slice %arg6[%dma_wait3A_447, %dma_wait3A_448, %dma_wait3A_449] : memref<3x40x1024xf32, #tpu.memory_space<vmem>> -> memref<1x40x1024xf32, #tpu.memory_space<vmem>>
    %dma_wait3A_451 = tpu.memref_squeeze %dma_wait3A_450 : memref<1x40x1024xf32, #tpu.memory_space<vmem>> -> memref<40x1024xf32, #tpu.memory_space<vmem>>
    %dma_wait3A_452 = arith.constant 0 : i32
    %dma_wait3A_453 = tpu.memref_slice %arg4[%add3A_433, %dma_wait3A_452] : memref<51200x1024xf32, #tpu.memory_space<hbm>> -> memref<40x1024xf32, #tpu.memory_space<hbm>>
    %dma_wait3A_454 = arith.constant 0 : i32
    %dma_wait3A_455 = tpu.memref_slice %arg4[%add3A_433, %dma_wait3A_454] : memref<51200x1024xf32, #tpu.memory_space<hbm>> -> memref<40x1024xf32, #tpu.memory_space<hbm>>
    %dma_wait3A_456 = arith.constant 0 : i32
    %dma_wait3A_457 = arith.constant 0 : i32
    %dma_wait3A_458 = tpu.memref_slice %arg6[%dma_wait3A_447, %dma_wait3A_456, %dma_wait3A_457] : memref<3x40x1024xf32, #tpu.memory_space<vmem>> -> memref<1x40x1024xf32, #tpu.memory_space<vmem>>
    %dma_wait3A_459 = tpu.memref_squeeze %dma_wait3A_458 : memref<1x40x1024xf32, #tpu.memory_space<vmem>> -> memref<40x1024xf32, #tpu.memory_space<vmem>>
    tpu.wait_dma2 semaphore(%arg12 : memref<!tpu.dma_semaphore, #tpu.memory_space<semaphore_mem>>) src(%dma_wait3A_459 : memref<40x1024xf32, #tpu.memory_space<vmem>>) dst(%dma_wait3A_455 : memref<40x1024xf32, #tpu.memory_space<hbm>>)
    %dma_start3A_460 = arith.constant 2 : i32
    %dma_start3A_461 = arith.constant 0 : i32
    %dma_start3A_462 = arith.constant 0 : i32
    %dma_start3A_463 = tpu.memref_slice %arg6[%dma_start3A_460, %dma_start3A_461, %dma_start3A_462] : memref<3x40x1024xf32, #tpu.memory_space<vmem>> -> memref<1x40x1024xf32, #tpu.memory_space<vmem>>
    %dma_start3A_464 = tpu.memref_squeeze %dma_start3A_463 : memref<1x40x1024xf32, #tpu.memory_space<vmem>> -> memref<40x1024xf32, #tpu.memory_space<vmem>>
    %dma_start3A_465 = arith.constant 440 : i32
    %dma_start3A_466 = tpu.memref_slice %arg5[%dma_start3A_465] : memref<1600xi32, #tpu.memory_space<vmem>> -> memref<40xi32, #tpu.memory_space<vmem>>
    %dma_start3A_467 = arith.constant 0 : i32
    %dma_start3A_468 = arith.constant 0 : i32
    %dma_start3A_469 = tpu.memref_slice %arg3[%dma_start3A_467, %dma_start3A_468] : memref<2048x1024xf32, #tpu.memory_space<hbm>> -> memref<2048x1024xf32, #tpu.memory_space<hbm>>
    tpu.enqueue_indirect_dma source(%dma_start3A_469 : memref<2048x1024xf32, #tpu.memory_space<hbm>>) target(%dma_start3A_464 : memref<40x1024xf32, #tpu.memory_space<vmem>>) offsets(%dma_start3A_466 : memref<40xi32, #tpu.memory_space<vmem>>) semaphore(%arg9 : memref<!tpu.dma_semaphore, #tpu.memory_space<semaphore_mem>>)
    %dma_wait3A_470 = arith.constant 0 : i32
    %dma_wait3A_471 = arith.constant 0 : i32
    %dma_wait3A_472 = arith.constant 0 : i32
    %dma_wait3A_473 = tpu.memref_slice %arg6[%dma_wait3A_470, %dma_wait3A_471, %dma_wait3A_472] : memref<3x40x1024xf32, #tpu.memory_space<vmem>> -> memref<1x40x1024xf32, #tpu.memory_space<vmem>>
    %dma_wait3A_474 = tpu.memref_squeeze %dma_wait3A_473 : memref<1x40x1024xf32, #tpu.memory_space<vmem>> -> memref<40x1024xf32, #tpu.memory_space<vmem>>
    %dma_wait3A_475 = arith.constant 360 : i32
    %dma_wait3A_476 = tpu.memref_slice %arg5[%dma_wait3A_475] : memref<1600xi32, #tpu.memory_space<vmem>> -> memref<40xi32, #tpu.memory_space<vmem>>
    %dma_wait3A_477 = arith.constant 0 : i32
    %dma_wait3A_478 = arith.constant 0 : i32
    %dma_wait3A_479 = tpu.memref_slice %arg3[%dma_wait3A_477, %dma_wait3A_478] : memref<2048x1024xf32, #tpu.memory_space<hbm>> -> memref<2048x1024xf32, #tpu.memory_space<hbm>>
    tpu.wait_indirect_dma semaphore(%arg7 : memref<!tpu.dma_semaphore, #tpu.memory_space<semaphore_mem>>) src(%dma_wait3A_479 : memref<2048x1024xf32, #tpu.memory_space<hbm>>) dst(%dma_wait3A_474 : memref<40x1024xf32, #tpu.memory_space<vmem>>)
    %add3A_480 = arith.constant 360 : i32
    %add3A_481 = arith.addi %mul3A_2, %add3A_480 : i32
    %dma_start3A_482 = arith.constant 0 : i32
    %dma_start3A_483 = arith.constant 0 : i32
    %dma_start3A_484 = arith.constant 0 : i32
    %dma_start3A_485 = tpu.memref_slice %arg6[%dma_start3A_482, %dma_start3A_483, %dma_start3A_484] : memref<3x40x1024xf32, #tpu.memory_space<vmem>> -> memref<1x40x1024xf32, #tpu.memory_space<vmem>>
    %dma_start3A_486 = tpu.memref_squeeze %dma_start3A_485 : memref<1x40x1024xf32, #tpu.memory_space<vmem>> -> memref<40x1024xf32, #tpu.memory_space<vmem>>
    %dma_start3A_487 = arith.constant 0 : i32
    %dma_start3A_488 = tpu.memref_slice %arg4[%add3A_481, %dma_start3A_487] : memref<51200x1024xf32, #tpu.memory_space<hbm>> -> memref<40x1024xf32, #tpu.memory_space<hbm>>
    %dma_start3A_489 = arith.constant 0 : i32
    %dma_start3A_490 = tpu.memref_slice %arg4[%add3A_481, %dma_start3A_489] : memref<51200x1024xf32, #tpu.memory_space<hbm>> -> memref<40x1024xf32, #tpu.memory_space<hbm>>
    %dma_start3A_491 = arith.constant 0 : i32
    %dma_start3A_492 = arith.constant 0 : i32
    %dma_start3A_493 = tpu.memref_slice %arg6[%dma_start3A_482, %dma_start3A_491, %dma_start3A_492] : memref<3x40x1024xf32, #tpu.memory_space<vmem>> -> memref<1x40x1024xf32, #tpu.memory_space<vmem>>
    %dma_start3A_494 = tpu.memref_squeeze %dma_start3A_493 : memref<1x40x1024xf32, #tpu.memory_space<vmem>> -> memref<40x1024xf32, #tpu.memory_space<vmem>>
    tpu.enqueue_dma source(%dma_start3A_494 : memref<40x1024xf32, #tpu.memory_space<vmem>>) target(%dma_start3A_490 : memref<40x1024xf32, #tpu.memory_space<hbm>>) target_semaphore(%arg10 : memref<!tpu.dma_semaphore, #tpu.memory_space<semaphore_mem>>)
    %dma_wait3A_495 = arith.constant 0 : i32
    %dma_wait3A_496 = arith.constant 0 : i32
    %dma_wait3A_497 = arith.constant 0 : i32
    %dma_wait3A_498 = tpu.memref_slice %arg6[%dma_wait3A_495, %dma_wait3A_496, %dma_wait3A_497] : memref<3x40x1024xf32, #tpu.memory_space<vmem>> -> memref<1x40x1024xf32, #tpu.memory_space<vmem>>
    %dma_wait3A_499 = tpu.memref_squeeze %dma_wait3A_498 : memref<1x40x1024xf32, #tpu.memory_space<vmem>> -> memref<40x1024xf32, #tpu.memory_space<vmem>>
    %dma_wait3A_500 = arith.constant 0 : i32
    %dma_wait3A_501 = tpu.memref_slice %arg4[%add3A_481, %dma_wait3A_500] : memref<51200x1024xf32, #tpu.memory_space<hbm>> -> memref<40x1024xf32, #tpu.memory_space<hbm>>
    %dma_wait3A_502 = arith.constant 0 : i32
    %dma_wait3A_503 = tpu.memref_slice %arg4[%add3A_481, %dma_wait3A_502] : memref<51200x1024xf32, #tpu.memory_space<hbm>> -> memref<40x1024xf32, #tpu.memory_space<hbm>>
    %dma_wait3A_504 = arith.constant 0 : i32
    %dma_wait3A_505 = arith.constant 0 : i32
    %dma_wait3A_506 = tpu.memref_slice %arg6[%dma_wait3A_495, %dma_wait3A_504, %dma_wait3A_505] : memref<3x40x1024xf32, #tpu.memory_space<vmem>> -> memref<1x40x1024xf32, #tpu.memory_space<vmem>>
    %dma_wait3A_507 = tpu.memref_squeeze %dma_wait3A_506 : memref<1x40x1024xf32, #tpu.memory_space<vmem>> -> memref<40x1024xf32, #tpu.memory_space<vmem>>
    tpu.wait_dma2 semaphore(%arg10 : memref<!tpu.dma_semaphore, #tpu.memory_space<semaphore_mem>>) src(%dma_wait3A_507 : memref<40x1024xf32, #tpu.memory_space<vmem>>) dst(%dma_wait3A_503 : memref<40x1024xf32, #tpu.memory_space<hbm>>)
    %dma_start3A_508 = arith.constant 0 : i32
    %dma_start3A_509 = arith.constant 0 : i32
    %dma_start3A_510 = arith.constant 0 : i32
    %dma_start3A_511 = tpu.memref_slice %arg6[%dma_start3A_508, %dma_start3A_509, %dma_start3A_510] : memref<3x40x1024xf32, #tpu.memory_space<vmem>> -> memref<1x40x1024xf32, #tpu.memory_space<vmem>>
    %dma_start3A_512 = tpu.memref_squeeze %dma_start3A_511 : memref<1x40x1024xf32, #tpu.memory_space<vmem>> -> memref<40x1024xf32, #tpu.memory_space<vmem>>
    %dma_start3A_513 = arith.constant 480 : i32
    %dma_start3A_514 = tpu.memref_slice %arg5[%dma_start3A_513] : memref<1600xi32, #tpu.memory_space<vmem>> -> memref<40xi32, #tpu.memory_space<vmem>>
    %dma_start3A_515 = arith.constant 0 : i32
    %dma_start3A_516 = arith.constant 0 : i32
    %dma_start3A_517 = tpu.memref_slice %arg3[%dma_start3A_515, %dma_start3A_516] : memref<2048x1024xf32, #tpu.memory_space<hbm>> -> memref<2048x1024xf32, #tpu.memory_space<hbm>>
    tpu.enqueue_indirect_dma source(%dma_start3A_517 : memref<2048x1024xf32, #tpu.memory_space<hbm>>) target(%dma_start3A_512 : memref<40x1024xf32, #tpu.memory_space<vmem>>) offsets(%dma_start3A_514 : memref<40xi32, #tpu.memory_space<vmem>>) semaphore(%arg7 : memref<!tpu.dma_semaphore, #tpu.memory_space<semaphore_mem>>)
    %dma_wait3A_518 = arith.constant 1 : i32
    %dma_wait3A_519 = arith.constant 0 : i32
    %dma_wait3A_520 = arith.constant 0 : i32
    %dma_wait3A_521 = tpu.memref_slice %arg6[%dma_wait3A_518, %dma_wait3A_519, %dma_wait3A_520] : memref<3x40x1024xf32, #tpu.memory_space<vmem>> -> memref<1x40x1024xf32, #tpu.memory_space<vmem>>
    %dma_wait3A_522 = tpu.memref_squeeze %dma_wait3A_521 : memref<1x40x1024xf32, #tpu.memory_space<vmem>> -> memref<40x1024xf32, #tpu.memory_space<vmem>>
    %dma_wait3A_523 = arith.constant 400 : i32
    %dma_wait3A_524 = tpu.memref_slice %arg5[%dma_wait3A_523] : memref<1600xi32, #tpu.memory_space<vmem>> -> memref<40xi32, #tpu.memory_space<vmem>>
    %dma_wait3A_525 = arith.constant 0 : i32
    %dma_wait3A_526 = arith.constant 0 : i32
    %dma_wait3A_527 = tpu.memref_slice %arg3[%dma_wait3A_525, %dma_wait3A_526] : memref<2048x1024xf32, #tpu.memory_space<hbm>> -> memref<2048x1024xf32, #tpu.memory_space<hbm>>
    tpu.wait_indirect_dma semaphore(%arg8 : memref<!tpu.dma_semaphore, #tpu.memory_space<semaphore_mem>>) src(%dma_wait3A_527 : memref<2048x1024xf32, #tpu.memory_space<hbm>>) dst(%dma_wait3A_522 : memref<40x1024xf32, #tpu.memory_space<vmem>>)
    %add3A_528 = arith.constant 400 : i32
    %add3A_529 = arith.addi %mul3A_2, %add3A_528 : i32
    %dma_start3A_530 = arith.constant 1 : i32
    %dma_start3A_531 = arith.constant 0 : i32
    %dma_start3A_532 = arith.constant 0 : i32
    %dma_start3A_533 = tpu.memref_slice %arg6[%dma_start3A_530, %dma_start3A_531, %dma_start3A_532] : memref<3x40x1024xf32, #tpu.memory_space<vmem>> -> memref<1x40x1024xf32, #tpu.memory_space<vmem>>
    %dma_start3A_534 = tpu.memref_squeeze %dma_start3A_533 : memref<1x40x1024xf32, #tpu.memory_space<vmem>> -> memref<40x1024xf32, #tpu.memory_space<vmem>>
    %dma_start3A_535 = arith.constant 0 : i32
    %dma_start3A_536 = tpu.memref_slice %arg4[%add3A_529, %dma_start3A_535] : memref<51200x1024xf32, #tpu.memory_space<hbm>> -> memref<40x1024xf32, #tpu.memory_space<hbm>>
    %dma_start3A_537 = arith.constant 0 : i32
    %dma_start3A_538 = tpu.memref_slice %arg4[%add3A_529, %dma_start3A_537] : memref<51200x1024xf32, #tpu.memory_space<hbm>> -> memref<40x1024xf32, #tpu.memory_space<hbm>>
    %dma_start3A_539 = arith.constant 0 : i32
    %dma_start3A_540 = arith.constant 0 : i32
    %dma_start3A_541 = tpu.memref_slice %arg6[%dma_start3A_530, %dma_start3A_539, %dma_start3A_540] : memref<3x40x1024xf32, #tpu.memory_space<vmem>> -> memref<1x40x1024xf32, #tpu.memory_space<vmem>>
    %dma_start3A_542 = tpu.memref_squeeze %dma_start3A_541 : memref<1x40x1024xf32, #tpu.memory_space<vmem>> -> memref<40x1024xf32, #tpu.memory_space<vmem>>
    tpu.enqueue_dma source(%dma_start3A_542 : memref<40x1024xf32, #tpu.memory_space<vmem>>) target(%dma_start3A_538 : memref<40x1024xf32, #tpu.memory_space<hbm>>) target_semaphore(%arg11 : memref<!tpu.dma_semaphore, #tpu.memory_space<semaphore_mem>>)
    %dma_wait3A_543 = arith.constant 1 : i32
    %dma_wait3A_544 = arith.constant 0 : i32
    %dma_wait3A_545 = arith.constant 0 : i32
    %dma_wait3A_546 = tpu.memref_slice %arg6[%dma_wait3A_543, %dma_wait3A_544, %dma_wait3A_545] : memref<3x40x1024xf32, #tpu.memory_space<vmem>> -> memref<1x40x1024xf32, #tpu.memory_space<vmem>>
    %dma_wait3A_547 = tpu.memref_squeeze %dma_wait3A_546 : memref<1x40x1024xf32, #tpu.memory_space<vmem>> -> memref<40x1024xf32, #tpu.memory_space<vmem>>
    %dma_wait3A_548 = arith.constant 0 : i32
    %dma_wait3A_549 = tpu.memref_slice %arg4[%add3A_529, %dma_wait3A_548] : memref<51200x1024xf32, #tpu.memory_space<hbm>> -> memref<40x1024xf32, #tpu.memory_space<hbm>>
    %dma_wait3A_550 = arith.constant 0 : i32
    %dma_wait3A_551 = tpu.memref_slice %arg4[%add3A_529, %dma_wait3A_550] : memref<51200x1024xf32, #tpu.memory_space<hbm>> -> memref<40x1024xf32, #tpu.memory_space<hbm>>
    %dma_wait3A_552 = arith.constant 0 : i32
    %dma_wait3A_553 = arith.constant 0 : i32
    %dma_wait3A_554 = tpu.memref_slice %arg6[%dma_wait3A_543, %dma_wait3A_552, %dma_wait3A_553] : memref<3x40x1024xf32, #tpu.memory_space<vmem>> -> memref<1x40x1024xf32, #tpu.memory_space<vmem>>
    %dma_wait3A_555 = tpu.memref_squeeze %dma_wait3A_554 : memref<1x40x1024xf32, #tpu.memory_space<vmem>> -> memref<40x1024xf32, #tpu.memory_space<vmem>>
    tpu.wait_dma2 semaphore(%arg11 : memref<!tpu.dma_semaphore, #tpu.memory_space<semaphore_mem>>) src(%dma_wait3A_555 : memref<40x1024xf32, #tpu.memory_space<vmem>>) dst(%dma_wait3A_551 : memref<40x1024xf32, #tpu.memory_space<hbm>>)
    %dma_start3A_556 = arith.constant 1 : i32
    %dma_start3A_557 = arith.constant 0 : i32
    %dma_start3A_558 = arith.constant 0 : i32
    %dma_start3A_559 = tpu.memref_slice %arg6[%dma_start3A_556, %dma_start3A_557, %dma_start3A_558] : memref<3x40x1024xf32, #tpu.memory_space<vmem>> -> memref<1x40x1024xf32, #tpu.memory_space<vmem>>
    %dma_start3A_560 = tpu.memref_squeeze %dma_start3A_559 : memref<1x40x1024xf32, #tpu.memory_space<vmem>> -> memref<40x1024xf32, #tpu.memory_space<vmem>>
    %dma_start3A_561 = arith.constant 520 : i32
    %dma_start3A_562 = tpu.memref_slice %arg5[%dma_start3A_561] : memref<1600xi32, #tpu.memory_space<vmem>> -> memref<40xi32, #tpu.memory_space<vmem>>
    %dma_start3A_563 = arith.constant 0 : i32
    %dma_start3A_564 = arith.constant 0 : i32
    %dma_start3A_565 = tpu.memref_slice %arg3[%dma_start3A_563, %dma_start3A_564] : memref<2048x1024xf32, #tpu.memory_space<hbm>> -> memref<2048x1024xf32, #tpu.memory_space<hbm>>
    tpu.enqueue_indirect_dma source(%dma_start3A_565 : memref<2048x1024xf32, #tpu.memory_space<hbm>>) target(%dma_start3A_560 : memref<40x1024xf32, #tpu.memory_space<vmem>>) offsets(%dma_start3A_562 : memref<40xi32, #tpu.memory_space<vmem>>) semaphore(%arg8 : memref<!tpu.dma_semaphore, #tpu.memory_space<semaphore_mem>>)
    %dma_wait3A_566 = arith.constant 2 : i32
    %dma_wait3A_567 = arith.constant 0 : i32
    %dma_wait3A_568 = arith.constant 0 : i32
    %dma_wait3A_569 = tpu.memref_slice %arg6[%dma_wait3A_566, %dma_wait3A_567, %dma_wait3A_568] : memref<3x40x1024xf32, #tpu.memory_space<vmem>> -> memref<1x40x1024xf32, #tpu.memory_space<vmem>>
    %dma_wait3A_570 = tpu.memref_squeeze %dma_wait3A_569 : memref<1x40x1024xf32, #tpu.memory_space<vmem>> -> memref<40x1024xf32, #tpu.memory_space<vmem>>
    %dma_wait3A_571 = arith.constant 440 : i32
    %dma_wait3A_572 = tpu.memref_slice %arg5[%dma_wait3A_571] : memref<1600xi32, #tpu.memory_space<vmem>> -> memref<40xi32, #tpu.memory_space<vmem>>
    %dma_wait3A_573 = arith.constant 0 : i32
    %dma_wait3A_574 = arith.constant 0 : i32
    %dma_wait3A_575 = tpu.memref_slice %arg3[%dma_wait3A_573, %dma_wait3A_574] : memref<2048x1024xf32, #tpu.memory_space<hbm>> -> memref<2048x1024xf32, #tpu.memory_space<hbm>>
    tpu.wait_indirect_dma semaphore(%arg9 : memref<!tpu.dma_semaphore, #tpu.memory_space<semaphore_mem>>) src(%dma_wait3A_575 : memref<2048x1024xf32, #tpu.memory_space<hbm>>) dst(%dma_wait3A_570 : memref<40x1024xf32, #tpu.memory_space<vmem>>)
    %add3A_576 = arith.constant 440 : i32
    %add3A_577 = arith.addi %mul3A_2, %add3A_576 : i32
    %dma_start3A_578 = arith.constant 2 : i32
    %dma_start3A_579 = arith.constant 0 : i32
    %dma_start3A_580 = arith.constant 0 : i32
    %dma_start3A_581 = tpu.memref_slice %arg6[%dma_start3A_578, %dma_start3A_579, %dma_start3A_580] : memref<3x40x1024xf32, #tpu.memory_space<vmem>> -> memref<1x40x1024xf32, #tpu.memory_space<vmem>>
    %dma_start3A_582 = tpu.memref_squeeze %dma_start3A_581 : memref<1x40x1024xf32, #tpu.memory_space<vmem>> -> memref<40x1024xf32, #tpu.memory_space<vmem>>
    %dma_start3A_583 = arith.constant 0 : i32
    %dma_start3A_584 = tpu.memref_slice %arg4[%add3A_577, %dma_start3A_583] : memref<51200x1024xf32, #tpu.memory_space<hbm>> -> memref<40x1024xf32, #tpu.memory_space<hbm>>
    %dma_start3A_585 = arith.constant 0 : i32
    %dma_start3A_586 = tpu.memref_slice %arg4[%add3A_577, %dma_start3A_585] : memref<51200x1024xf32, #tpu.memory_space<hbm>> -> memref<40x1024xf32, #tpu.memory_space<hbm>>
    %dma_start3A_587 = arith.constant 0 : i32
    %dma_start3A_588 = arith.constant 0 : i32
    %dma_start3A_589 = tpu.memref_slice %arg6[%dma_start3A_578, %dma_start3A_587, %dma_start3A_588] : memref<3x40x1024xf32, #tpu.memory_space<vmem>> -> memref<1x40x1024xf32, #tpu.memory_space<vmem>>
    %dma_start3A_590 = tpu.memref_squeeze %dma_start3A_589 : memref<1x40x1024xf32, #tpu.memory_space<vmem>> -> memref<40x1024xf32, #tpu.memory_space<vmem>>
    tpu.enqueue_dma source(%dma_start3A_590 : memref<40x1024xf32, #tpu.memory_space<vmem>>) target(%dma_start3A_586 : memref<40x1024xf32, #tpu.memory_space<hbm>>) target_semaphore(%arg12 : memref<!tpu.dma_semaphore, #tpu.memory_space<semaphore_mem>>)
    %dma_wait3A_591 = arith.constant 2 : i32
    %dma_wait3A_592 = arith.constant 0 : i32
    %dma_wait3A_593 = arith.constant 0 : i32
    %dma_wait3A_594 = tpu.memref_slice %arg6[%dma_wait3A_591, %dma_wait3A_592, %dma_wait3A_593] : memref<3x40x1024xf32, #tpu.memory_space<vmem>> -> memref<1x40x1024xf32, #tpu.memory_space<vmem>>
    %dma_wait3A_595 = tpu.memref_squeeze %dma_wait3A_594 : memref<1x40x1024xf32, #tpu.memory_space<vmem>> -> memref<40x1024xf32, #tpu.memory_space<vmem>>
    %dma_wait3A_596 = arith.constant 0 : i32
    %dma_wait3A_597 = tpu.memref_slice %arg4[%add3A_577, %dma_wait3A_596] : memref<51200x1024xf32, #tpu.memory_space<hbm>> -> memref<40x1024xf32, #tpu.memory_space<hbm>>
    %dma_wait3A_598 = arith.constant 0 : i32
    %dma_wait3A_599 = tpu.memref_slice %arg4[%add3A_577, %dma_wait3A_598] : memref<51200x1024xf32, #tpu.memory_space<hbm>> -> memref<40x1024xf32, #tpu.memory_space<hbm>>
    %dma_wait3A_600 = arith.constant 0 : i32
    %dma_wait3A_601 = arith.constant 0 : i32
    %dma_wait3A_602 = tpu.memref_slice %arg6[%dma_wait3A_591, %dma_wait3A_600, %dma_wait3A_601] : memref<3x40x1024xf32, #tpu.memory_space<vmem>> -> memref<1x40x1024xf32, #tpu.memory_space<vmem>>
    %dma_wait3A_603 = tpu.memref_squeeze %dma_wait3A_602 : memref<1x40x1024xf32, #tpu.memory_space<vmem>> -> memref<40x1024xf32, #tpu.memory_space<vmem>>
    tpu.wait_dma2 semaphore(%arg12 : memref<!tpu.dma_semaphore, #tpu.memory_space<semaphore_mem>>) src(%dma_wait3A_603 : memref<40x1024xf32, #tpu.memory_space<vmem>>) dst(%dma_wait3A_599 : memref<40x1024xf32, #tpu.memory_space<hbm>>)
    %dma_start3A_604 = arith.constant 2 : i32
    %dma_start3A_605 = arith.constant 0 : i32
    %dma_start3A_606 = arith.constant 0 : i32
    %dma_start3A_607 = tpu.memref_slice %arg6[%dma_start3A_604, %dma_start3A_605, %dma_start3A_606] : memref<3x40x1024xf32, #tpu.memory_space<vmem>> -> memref<1x40x1024xf32, #tpu.memory_space<vmem>>
    %dma_start3A_608 = tpu.memref_squeeze %dma_start3A_607 : memref<1x40x1024xf32, #tpu.memory_space<vmem>> -> memref<40x1024xf32, #tpu.memory_space<vmem>>
    %dma_start3A_609 = arith.constant 560 : i32
    %dma_start3A_610 = tpu.memref_slice %arg5[%dma_start3A_609] : memref<1600xi32, #tpu.memory_space<vmem>> -> memref<40xi32, #tpu.memory_space<vmem>>
    %dma_start3A_611 = arith.constant 0 : i32
    %dma_start3A_612 = arith.constant 0 : i32
    %dma_start3A_613 = tpu.memref_slice %arg3[%dma_start3A_611, %dma_start3A_612] : memref<2048x1024xf32, #tpu.memory_space<hbm>> -> memref<2048x1024xf32, #tpu.memory_space<hbm>>
    tpu.enqueue_indirect_dma source(%dma_start3A_613 : memref<2048x1024xf32, #tpu.memory_space<hbm>>) target(%dma_start3A_608 : memref<40x1024xf32, #tpu.memory_space<vmem>>) offsets(%dma_start3A_610 : memref<40xi32, #tpu.memory_space<vmem>>) semaphore(%arg9 : memref<!tpu.dma_semaphore, #tpu.memory_space<semaphore_mem>>)
    %dma_wait3A_614 = arith.constant 0 : i32
    %dma_wait3A_615 = arith.constant 0 : i32
    %dma_wait3A_616 = arith.constant 0 : i32
    %dma_wait3A_617 = tpu.memref_slice %arg6[%dma_wait3A_614, %dma_wait3A_615, %dma_wait3A_616] : memref<3x40x1024xf32, #tpu.memory_space<vmem>> -> memref<1x40x1024xf32, #tpu.memory_space<vmem>>
    %dma_wait3A_618 = tpu.memref_squeeze %dma_wait3A_617 : memref<1x40x1024xf32, #tpu.memory_space<vmem>> -> memref<40x1024xf32, #tpu.memory_space<vmem>>
    %dma_wait3A_619 = arith.constant 480 : i32
    %dma_wait3A_620 = tpu.memref_slice %arg5[%dma_wait3A_619] : memref<1600xi32, #tpu.memory_space<vmem>> -> memref<40xi32, #tpu.memory_space<vmem>>
    %dma_wait3A_621 = arith.constant 0 : i32
    %dma_wait3A_622 = arith.constant 0 : i32
    %dma_wait3A_623 = tpu.memref_slice %arg3[%dma_wait3A_621, %dma_wait3A_622] : memref<2048x1024xf32, #tpu.memory_space<hbm>> -> memref<2048x1024xf32, #tpu.memory_space<hbm>>
    tpu.wait_indirect_dma semaphore(%arg7 : memref<!tpu.dma_semaphore, #tpu.memory_space<semaphore_mem>>) src(%dma_wait3A_623 : memref<2048x1024xf32, #tpu.memory_space<hbm>>) dst(%dma_wait3A_618 : memref<40x1024xf32, #tpu.memory_space<vmem>>)
    %add3A_624 = arith.constant 480 : i32
    %add3A_625 = arith.addi %mul3A_2, %add3A_624 : i32
    %dma_start3A_626 = arith.constant 0 : i32
    %dma_start3A_627 = arith.constant 0 : i32
    %dma_start3A_628 = arith.constant 0 : i32
    %dma_start3A_629 = tpu.memref_slice %arg6[%dma_start3A_626, %dma_start3A_627, %dma_start3A_628] : memref<3x40x1024xf32, #tpu.memory_space<vmem>> -> memref<1x40x1024xf32, #tpu.memory_space<vmem>>
    %dma_start3A_630 = tpu.memref_squeeze %dma_start3A_629 : memref<1x40x1024xf32, #tpu.memory_space<vmem>> -> memref<40x1024xf32, #tpu.memory_space<vmem>>
    %dma_start3A_631 = arith.constant 0 : i32
    %dma_start3A_632 = tpu.memref_slice %arg4[%add3A_625, %dma_start3A_631] : memref<51200x1024xf32, #tpu.memory_space<hbm>> -> memref<40x1024xf32, #tpu.memory_space<hbm>>
    %dma_start3A_633 = arith.constant 0 : i32
    %dma_start3A_634 = tpu.memref_slice %arg4[%add3A_625, %dma_start3A_633] : memref<51200x1024xf32, #tpu.memory_space<hbm>> -> memref<40x1024xf32, #tpu.memory_space<hbm>>
    %dma_start3A_635 = arith.constant 0 : i32
    %dma_start3A_636 = arith.constant 0 : i32
    %dma_start3A_637 = tpu.memref_slice %arg6[%dma_start3A_626, %dma_start3A_635, %dma_start3A_636] : memref<3x40x1024xf32, #tpu.memory_space<vmem>> -> memref<1x40x1024xf32, #tpu.memory_space<vmem>>
    %dma_start3A_638 = tpu.memref_squeeze %dma_start3A_637 : memref<1x40x1024xf32, #tpu.memory_space<vmem>> -> memref<40x1024xf32, #tpu.memory_space<vmem>>
    tpu.enqueue_dma source(%dma_start3A_638 : memref<40x1024xf32, #tpu.memory_space<vmem>>) target(%dma_start3A_634 : memref<40x1024xf32, #tpu.memory_space<hbm>>) target_semaphore(%arg10 : memref<!tpu.dma_semaphore, #tpu.memory_space<semaphore_mem>>)
    %dma_wait3A_639 = arith.constant 0 : i32
    %dma_wait3A_640 = arith.constant 0 : i32
    %dma_wait3A_641 = arith.constant 0 : i32
    %dma_wait3A_642 = tpu.memref_slice %arg6[%dma_wait3A_639, %dma_wait3A_640, %dma_wait3A_641] : memref<3x40x1024xf32, #tpu.memory_space<vmem>> -> memref<1x40x1024xf32, #tpu.memory_space<vmem>>
    %dma_wait3A_643 = tpu.memref_squeeze %dma_wait3A_642 : memref<1x40x1024xf32, #tpu.memory_space<vmem>> -> memref<40x1024xf32, #tpu.memory_space<vmem>>
    %dma_wait3A_644 = arith.constant 0 : i32
    %dma_wait3A_645 = tpu.memref_slice %arg4[%add3A_625, %dma_wait3A_644] : memref<51200x1024xf32, #tpu.memory_space<hbm>> -> memref<40x1024xf32, #tpu.memory_space<hbm>>
    %dma_wait3A_646 = arith.constant 0 : i32
    %dma_wait3A_647 = tpu.memref_slice %arg4[%add3A_625, %dma_wait3A_646] : memref<51200x1024xf32, #tpu.memory_space<hbm>> -> memref<40x1024xf32, #tpu.memory_space<hbm>>
    %dma_wait3A_648 = arith.constant 0 : i32
    %dma_wait3A_649 = arith.constant 0 : i32
    %dma_wait3A_650 = tpu.memref_slice %arg6[%dma_wait3A_639, %dma_wait3A_648, %dma_wait3A_649] : memref<3x40x1024xf32, #tpu.memory_space<vmem>> -> memref<1x40x1024xf32, #tpu.memory_space<vmem>>
    %dma_wait3A_651 = tpu.memref_squeeze %dma_wait3A_650 : memref<1x40x1024xf32, #tpu.memory_space<vmem>> -> memref<40x1024xf32, #tpu.memory_space<vmem>>
    tpu.wait_dma2 semaphore(%arg10 : memref<!tpu.dma_semaphore, #tpu.memory_space<semaphore_mem>>) src(%dma_wait3A_651 : memref<40x1024xf32, #tpu.memory_space<vmem>>) dst(%dma_wait3A_647 : memref<40x1024xf32, #tpu.memory_space<hbm>>)
    %dma_start3A_652 = arith.constant 0 : i32
    %dma_start3A_653 = arith.constant 0 : i32
    %dma_start3A_654 = arith.constant 0 : i32
    %dma_start3A_655 = tpu.memref_slice %arg6[%dma_start3A_652, %dma_start3A_653, %dma_start3A_654] : memref<3x40x1024xf32, #tpu.memory_space<vmem>> -> memref<1x40x1024xf32, #tpu.memory_space<vmem>>
    %dma_start3A_656 = tpu.memref_squeeze %dma_start3A_655 : memref<1x40x1024xf32, #tpu.memory_space<vmem>> -> memref<40x1024xf32, #tpu.memory_space<vmem>>
    %dma_start3A_657 = arith.constant 600 : i32
    %dma_start3A_658 = tpu.memref_slice %arg5[%dma_start3A_657] : memref<1600xi32, #tpu.memory_space<vmem>> -> memref<40xi32, #tpu.memory_space<vmem>>
    %dma_start3A_659 = arith.constant 0 : i32
    %dma_start3A_660 = arith.constant 0 : i32
    %dma_start3A_661 = tpu.memref_slice %arg3[%dma_start3A_659, %dma_start3A_660] : memref<2048x1024xf32, #tpu.memory_space<hbm>> -> memref<2048x1024xf32, #tpu.memory_space<hbm>>
    tpu.enqueue_indirect_dma source(%dma_start3A_661 : memref<2048x1024xf32, #tpu.memory_space<hbm>>) target(%dma_start3A_656 : memref<40x1024xf32, #tpu.memory_space<vmem>>) offsets(%dma_start3A_658 : memref<40xi32, #tpu.memory_space<vmem>>) semaphore(%arg7 : memref<!tpu.dma_semaphore, #tpu.memory_space<semaphore_mem>>)
    %dma_wait3A_662 = arith.constant 1 : i32
    %dma_wait3A_663 = arith.constant 0 : i32
    %dma_wait3A_664 = arith.constant 0 : i32
    %dma_wait3A_665 = tpu.memref_slice %arg6[%dma_wait3A_662, %dma_wait3A_663, %dma_wait3A_664] : memref<3x40x1024xf32, #tpu.memory_space<vmem>> -> memref<1x40x1024xf32, #tpu.memory_space<vmem>>
    %dma_wait3A_666 = tpu.memref_squeeze %dma_wait3A_665 : memref<1x40x1024xf32, #tpu.memory_space<vmem>> -> memref<40x1024xf32, #tpu.memory_space<vmem>>
    %dma_wait3A_667 = arith.constant 520 : i32
    %dma_wait3A_668 = tpu.memref_slice %arg5[%dma_wait3A_667] : memref<1600xi32, #tpu.memory_space<vmem>> -> memref<40xi32, #tpu.memory_space<vmem>>
    %dma_wait3A_669 = arith.constant 0 : i32
    %dma_wait3A_670 = arith.constant 0 : i32
    %dma_wait3A_671 = tpu.memref_slice %arg3[%dma_wait3A_669, %dma_wait3A_670] : memref<2048x1024xf32, #tpu.memory_space<hbm>> -> memref<2048x1024xf32, #tpu.memory_space<hbm>>
    tpu.wait_indirect_dma semaphore(%arg8 : memref<!tpu.dma_semaphore, #tpu.memory_space<semaphore_mem>>) src(%dma_wait3A_671 : memref<2048x1024xf32, #tpu.memory_space<hbm>>) dst(%dma_wait3A_666 : memref<40x1024xf32, #tpu.memory_space<vmem>>)
    %add3A_672 = arith.constant 520 : i32
    %add3A_673 = arith.addi %mul3A_2, %add3A_672 : i32
    %dma_start3A_674 = arith.constant 1 : i32
    %dma_start3A_675 = arith.constant 0 : i32
    %dma_start3A_676 = arith.constant 0 : i32
    %dma_start3A_677 = tpu.memref_slice %arg6[%dma_start3A_674, %dma_start3A_675, %dma_start3A_676] : memref<3x40x1024xf32, #tpu.memory_space<vmem>> -> memref<1x40x1024xf32, #tpu.memory_space<vmem>>
    %dma_start3A_678 = tpu.memref_squeeze %dma_start3A_677 : memref<1x40x1024xf32, #tpu.memory_space<vmem>> -> memref<40x1024xf32, #tpu.memory_space<vmem>>
    %dma_start3A_679 = arith.constant 0 : i32
    %dma_start3A_680 = tpu.memref_slice %arg4[%add3A_673, %dma_start3A_679] : memref<51200x1024xf32, #tpu.memory_space<hbm>> -> memref<40x1024xf32, #tpu.memory_space<hbm>>
    %dma_start3A_681 = arith.constant 0 : i32
    %dma_start3A_682 = tpu.memref_slice %arg4[%add3A_673, %dma_start3A_681] : memref<51200x1024xf32, #tpu.memory_space<hbm>> -> memref<40x1024xf32, #tpu.memory_space<hbm>>
    %dma_start3A_683 = arith.constant 0 : i32
    %dma_start3A_684 = arith.constant 0 : i32
    %dma_start3A_685 = tpu.memref_slice %arg6[%dma_start3A_674, %dma_start3A_683, %dma_start3A_684] : memref<3x40x1024xf32, #tpu.memory_space<vmem>> -> memref<1x40x1024xf32, #tpu.memory_space<vmem>>
    %dma_start3A_686 = tpu.memref_squeeze %dma_start3A_685 : memref<1x40x1024xf32, #tpu.memory_space<vmem>> -> memref<40x1024xf32, #tpu.memory_space<vmem>>
    tpu.enqueue_dma source(%dma_start3A_686 : memref<40x1024xf32, #tpu.memory_space<vmem>>) target(%dma_start3A_682 : memref<40x1024xf32, #tpu.memory_space<hbm>>) target_semaphore(%arg11 : memref<!tpu.dma_semaphore, #tpu.memory_space<semaphore_mem>>)
    %dma_wait3A_687 = arith.constant 1 : i32
    %dma_wait3A_688 = arith.constant 0 : i32
    %dma_wait3A_689 = arith.constant 0 : i32
    %dma_wait3A_690 = tpu.memref_slice %arg6[%dma_wait3A_687, %dma_wait3A_688, %dma_wait3A_689] : memref<3x40x1024xf32, #tpu.memory_space<vmem>> -> memref<1x40x1024xf32, #tpu.memory_space<vmem>>
    %dma_wait3A_691 = tpu.memref_squeeze %dma_wait3A_690 : memref<1x40x1024xf32, #tpu.memory_space<vmem>> -> memref<40x1024xf32, #tpu.memory_space<vmem>>
    %dma_wait3A_692 = arith.constant 0 : i32
    %dma_wait3A_693 = tpu.memref_slice %arg4[%add3A_673, %dma_wait3A_692] : memref<51200x1024xf32, #tpu.memory_space<hbm>> -> memref<40x1024xf32, #tpu.memory_space<hbm>>
    %dma_wait3A_694 = arith.constant 0 : i32
    %dma_wait3A_695 = tpu.memref_slice %arg4[%add3A_673, %dma_wait3A_694] : memref<51200x1024xf32, #tpu.memory_space<hbm>> -> memref<40x1024xf32, #tpu.memory_space<hbm>>
    %dma_wait3A_696 = arith.constant 0 : i32
    %dma_wait3A_697 = arith.constant 0 : i32
    %dma_wait3A_698 = tpu.memref_slice %arg6[%dma_wait3A_687, %dma_wait3A_696, %dma_wait3A_697] : memref<3x40x1024xf32, #tpu.memory_space<vmem>> -> memref<1x40x1024xf32, #tpu.memory_space<vmem>>
    %dma_wait3A_699 = tpu.memref_squeeze %dma_wait3A_698 : memref<1x40x1024xf32, #tpu.memory_space<vmem>> -> memref<40x1024xf32, #tpu.memory_space<vmem>>
    tpu.wait_dma2 semaphore(%arg11 : memref<!tpu.dma_semaphore, #tpu.memory_space<semaphore_mem>>) src(%dma_wait3A_699 : memref<40x1024xf32, #tpu.memory_space<vmem>>) dst(%dma_wait3A_695 : memref<40x1024xf32, #tpu.memory_space<hbm>>)
    %dma_start3A_700 = arith.constant 1 : i32
    %dma_start3A_701 = arith.constant 0 : i32
    %dma_start3A_702 = arith.constant 0 : i32
    %dma_start3A_703 = tpu.memref_slice %arg6[%dma_start3A_700, %dma_start3A_701, %dma_start3A_702] : memref<3x40x1024xf32, #tpu.memory_space<vmem>> -> memref<1x40x1024xf32, #tpu.memory_space<vmem>>
    %dma_start3A_704 = tpu.memref_squeeze %dma_start3A_703 : memref<1x40x1024xf32, #tpu.memory_space<vmem>> -> memref<40x1024xf32, #tpu.memory_space<vmem>>
    %dma_start3A_705 = arith.constant 640 : i32
    %dma_start3A_706 = tpu.memref_slice %arg5[%dma_start3A_705] : memref<1600xi32, #tpu.memory_space<vmem>> -> memref<40xi32, #tpu.memory_space<vmem>>
    %dma_start3A_707 = arith.constant 0 : i32
    %dma_start3A_708 = arith.constant 0 : i32
    %dma_start3A_709 = tpu.memref_slice %arg3[%dma_start3A_707, %dma_start3A_708] : memref<2048x1024xf32, #tpu.memory_space<hbm>> -> memref<2048x1024xf32, #tpu.memory_space<hbm>>
    tpu.enqueue_indirect_dma source(%dma_start3A_709 : memref<2048x1024xf32, #tpu.memory_space<hbm>>) target(%dma_start3A_704 : memref<40x1024xf32, #tpu.memory_space<vmem>>) offsets(%dma_start3A_706 : memref<40xi32, #tpu.memory_space<vmem>>) semaphore(%arg8 : memref<!tpu.dma_semaphore, #tpu.memory_space<semaphore_mem>>)
    %dma_wait3A_710 = arith.constant 2 : i32
    %dma_wait3A_711 = arith.constant 0 : i32
    %dma_wait3A_712 = arith.constant 0 : i32
    %dma_wait3A_713 = tpu.memref_slice %arg6[%dma_wait3A_710, %dma_wait3A_711, %dma_wait3A_712] : memref<3x40x1024xf32, #tpu.memory_space<vmem>> -> memref<1x40x1024xf32, #tpu.memory_space<vmem>>
    %dma_wait3A_714 = tpu.memref_squeeze %dma_wait3A_713 : memref<1x40x1024xf32, #tpu.memory_space<vmem>> -> memref<40x1024xf32, #tpu.memory_space<vmem>>
    %dma_wait3A_715 = arith.constant 560 : i32
    %dma_wait3A_716 = tpu.memref_slice %arg5[%dma_wait3A_715] : memref<1600xi32, #tpu.memory_space<vmem>> -> memref<40xi32, #tpu.memory_space<vmem>>
    %dma_wait3A_717 = arith.constant 0 : i32
    %dma_wait3A_718 = arith.constant 0 : i32
    %dma_wait3A_719 = tpu.memref_slice %arg3[%dma_wait3A_717, %dma_wait3A_718] : memref<2048x1024xf32, #tpu.memory_space<hbm>> -> memref<2048x1024xf32, #tpu.memory_space<hbm>>
    tpu.wait_indirect_dma semaphore(%arg9 : memref<!tpu.dma_semaphore, #tpu.memory_space<semaphore_mem>>) src(%dma_wait3A_719 : memref<2048x1024xf32, #tpu.memory_space<hbm>>) dst(%dma_wait3A_714 : memref<40x1024xf32, #tpu.memory_space<vmem>>)
    %add3A_720 = arith.constant 560 : i32
    %add3A_721 = arith.addi %mul3A_2, %add3A_720 : i32
    %dma_start3A_722 = arith.constant 2 : i32
    %dma_start3A_723 = arith.constant 0 : i32
    %dma_start3A_724 = arith.constant 0 : i32
    %dma_start3A_725 = tpu.memref_slice %arg6[%dma_start3A_722, %dma_start3A_723, %dma_start3A_724] : memref<3x40x1024xf32, #tpu.memory_space<vmem>> -> memref<1x40x1024xf32, #tpu.memory_space<vmem>>
    %dma_start3A_726 = tpu.memref_squeeze %dma_start3A_725 : memref<1x40x1024xf32, #tpu.memory_space<vmem>> -> memref<40x1024xf32, #tpu.memory_space<vmem>>
    %dma_start3A_727 = arith.constant 0 : i32
    %dma_start3A_728 = tpu.memref_slice %arg4[%add3A_721, %dma_start3A_727] : memref<51200x1024xf32, #tpu.memory_space<hbm>> -> memref<40x1024xf32, #tpu.memory_space<hbm>>
    %dma_start3A_729 = arith.constant 0 : i32
    %dma_start3A_730 = tpu.memref_slice %arg4[%add3A_721, %dma_start3A_729] : memref<51200x1024xf32, #tpu.memory_space<hbm>> -> memref<40x1024xf32, #tpu.memory_space<hbm>>
    %dma_start3A_731 = arith.constant 0 : i32
    %dma_start3A_732 = arith.constant 0 : i32
    %dma_start3A_733 = tpu.memref_slice %arg6[%dma_start3A_722, %dma_start3A_731, %dma_start3A_732] : memref<3x40x1024xf32, #tpu.memory_space<vmem>> -> memref<1x40x1024xf32, #tpu.memory_space<vmem>>
    %dma_start3A_734 = tpu.memref_squeeze %dma_start3A_733 : memref<1x40x1024xf32, #tpu.memory_space<vmem>> -> memref<40x1024xf32, #tpu.memory_space<vmem>>
    tpu.enqueue_dma source(%dma_start3A_734 : memref<40x1024xf32, #tpu.memory_space<vmem>>) target(%dma_start3A_730 : memref<40x1024xf32, #tpu.memory_space<hbm>>) target_semaphore(%arg12 : memref<!tpu.dma_semaphore, #tpu.memory_space<semaphore_mem>>)
    %dma_wait3A_735 = arith.constant 2 : i32
    %dma_wait3A_736 = arith.constant 0 : i32
    %dma_wait3A_737 = arith.constant 0 : i32
    %dma_wait3A_738 = tpu.memref_slice %arg6[%dma_wait3A_735, %dma_wait3A_736, %dma_wait3A_737] : memref<3x40x1024xf32, #tpu.memory_space<vmem>> -> memref<1x40x1024xf32, #tpu.memory_space<vmem>>
    %dma_wait3A_739 = tpu.memref_squeeze %dma_wait3A_738 : memref<1x40x1024xf32, #tpu.memory_space<vmem>> -> memref<40x1024xf32, #tpu.memory_space<vmem>>
    %dma_wait3A_740 = arith.constant 0 : i32
    %dma_wait3A_741 = tpu.memref_slice %arg4[%add3A_721, %dma_wait3A_740] : memref<51200x1024xf32, #tpu.memory_space<hbm>> -> memref<40x1024xf32, #tpu.memory_space<hbm>>
    %dma_wait3A_742 = arith.constant 0 : i32
    %dma_wait3A_743 = tpu.memref_slice %arg4[%add3A_721, %dma_wait3A_742] : memref<51200x1024xf32, #tpu.memory_space<hbm>> -> memref<40x1024xf32, #tpu.memory_space<hbm>>
    %dma_wait3A_744 = arith.constant 0 : i32
    %dma_wait3A_745 = arith.constant 0 : i32
    %dma_wait3A_746 = tpu.memref_slice %arg6[%dma_wait3A_735, %dma_wait3A_744, %dma_wait3A_745] : memref<3x40x1024xf32, #tpu.memory_space<vmem>> -> memref<1x40x1024xf32, #tpu.memory_space<vmem>>
    %dma_wait3A_747 = tpu.memref_squeeze %dma_wait3A_746 : memref<1x40x1024xf32, #tpu.memory_space<vmem>> -> memref<40x1024xf32, #tpu.memory_space<vmem>>
    tpu.wait_dma2 semaphore(%arg12 : memref<!tpu.dma_semaphore, #tpu.memory_space<semaphore_mem>>) src(%dma_wait3A_747 : memref<40x1024xf32, #tpu.memory_space<vmem>>) dst(%dma_wait3A_743 : memref<40x1024xf32, #tpu.memory_space<hbm>>)
    %dma_start3A_748 = arith.constant 2 : i32
    %dma_start3A_749 = arith.constant 0 : i32
    %dma_start3A_750 = arith.constant 0 : i32
    %dma_start3A_751 = tpu.memref_slice %arg6[%dma_start3A_748, %dma_start3A_749, %dma_start3A_750] : memref<3x40x1024xf32, #tpu.memory_space<vmem>> -> memref<1x40x1024xf32, #tpu.memory_space<vmem>>
    %dma_start3A_752 = tpu.memref_squeeze %dma_start3A_751 : memref<1x40x1024xf32, #tpu.memory_space<vmem>> -> memref<40x1024xf32, #tpu.memory_space<vmem>>
    %dma_start3A_753 = arith.constant 680 : i32
    %dma_start3A_754 = tpu.memref_slice %arg5[%dma_start3A_753] : memref<1600xi32, #tpu.memory_space<vmem>> -> memref<40xi32, #tpu.memory_space<vmem>>
    %dma_start3A_755 = arith.constant 0 : i32
    %dma_start3A_756 = arith.constant 0 : i32
    %dma_start3A_757 = tpu.memref_slice %arg3[%dma_start3A_755, %dma_start3A_756] : memref<2048x1024xf32, #tpu.memory_space<hbm>> -> memref<2048x1024xf32, #tpu.memory_space<hbm>>
    tpu.enqueue_indirect_dma source(%dma_start3A_757 : memref<2048x1024xf32, #tpu.memory_space<hbm>>) target(%dma_start3A_752 : memref<40x1024xf32, #tpu.memory_space<vmem>>) offsets(%dma_start3A_754 : memref<40xi32, #tpu.memory_space<vmem>>) semaphore(%arg9 : memref<!tpu.dma_semaphore, #tpu.memory_space<semaphore_mem>>)
    %dma_wait3A_758 = arith.constant 0 : i32
    %dma_wait3A_759 = arith.constant 0 : i32
    %dma_wait3A_760 = arith.constant 0 : i32
    %dma_wait3A_761 = tpu.memref_slice %arg6[%dma_wait3A_758, %dma_wait3A_759, %dma_wait3A_760] : memref<3x40x1024xf32, #tpu.memory_space<vmem>> -> memref<1x40x1024xf32, #tpu.memory_space<vmem>>
    %dma_wait3A_762 = tpu.memref_squeeze %dma_wait3A_761 : memref<1x40x1024xf32, #tpu.memory_space<vmem>> -> memref<40x1024xf32, #tpu.memory_space<vmem>>
    %dma_wait3A_763 = arith.constant 600 : i32
    %dma_wait3A_764 = tpu.memref_slice %arg5[%dma_wait3A_763] : memref<1600xi32, #tpu.memory_space<vmem>> -> memref<40xi32, #tpu.memory_space<vmem>>
    %dma_wait3A_765 = arith.constant 0 : i32
    %dma_wait3A_766 = arith.constant 0 : i32
    %dma_wait3A_767 = tpu.memref_slice %arg3[%dma_wait3A_765, %dma_wait3A_766] : memref<2048x1024xf32, #tpu.memory_space<hbm>> -> memref<2048x1024xf32, #tpu.memory_space<hbm>>
    tpu.wait_indirect_dma semaphore(%arg7 : memref<!tpu.dma_semaphore, #tpu.memory_space<semaphore_mem>>) src(%dma_wait3A_767 : memref<2048x1024xf32, #tpu.memory_space<hbm>>) dst(%dma_wait3A_762 : memref<40x1024xf32, #tpu.memory_space<vmem>>)
    %add3A_768 = arith.constant 600 : i32
    %add3A_769 = arith.addi %mul3A_2, %add3A_768 : i32
    %dma_start3A_770 = arith.constant 0 : i32
    %dma_start3A_771 = arith.constant 0 : i32
    %dma_start3A_772 = arith.constant 0 : i32
    %dma_start3A_773 = tpu.memref_slice %arg6[%dma_start3A_770, %dma_start3A_771, %dma_start3A_772] : memref<3x40x1024xf32, #tpu.memory_space<vmem>> -> memref<1x40x1024xf32, #tpu.memory_space<vmem>>
    %dma_start3A_774 = tpu.memref_squeeze %dma_start3A_773 : memref<1x40x1024xf32, #tpu.memory_space<vmem>> -> memref<40x1024xf32, #tpu.memory_space<vmem>>
    %dma_start3A_775 = arith.constant 0 : i32
    %dma_start3A_776 = tpu.memref_slice %arg4[%add3A_769, %dma_start3A_775] : memref<51200x1024xf32, #tpu.memory_space<hbm>> -> memref<40x1024xf32, #tpu.memory_space<hbm>>
    %dma_start3A_777 = arith.constant 0 : i32
    %dma_start3A_778 = tpu.memref_slice %arg4[%add3A_769, %dma_start3A_777] : memref<51200x1024xf32, #tpu.memory_space<hbm>> -> memref<40x1024xf32, #tpu.memory_space<hbm>>
    %dma_start3A_779 = arith.constant 0 : i32
    %dma_start3A_780 = arith.constant 0 : i32
    %dma_start3A_781 = tpu.memref_slice %arg6[%dma_start3A_770, %dma_start3A_779, %dma_start3A_780] : memref<3x40x1024xf32, #tpu.memory_space<vmem>> -> memref<1x40x1024xf32, #tpu.memory_space<vmem>>
    %dma_start3A_782 = tpu.memref_squeeze %dma_start3A_781 : memref<1x40x1024xf32, #tpu.memory_space<vmem>> -> memref<40x1024xf32, #tpu.memory_space<vmem>>
    tpu.enqueue_dma source(%dma_start3A_782 : memref<40x1024xf32, #tpu.memory_space<vmem>>) target(%dma_start3A_778 : memref<40x1024xf32, #tpu.memory_space<hbm>>) target_semaphore(%arg10 : memref<!tpu.dma_semaphore, #tpu.memory_space<semaphore_mem>>)
    %dma_wait3A_783 = arith.constant 0 : i32
    %dma_wait3A_784 = arith.constant 0 : i32
    %dma_wait3A_785 = arith.constant 0 : i32
    %dma_wait3A_786 = tpu.memref_slice %arg6[%dma_wait3A_783, %dma_wait3A_784, %dma_wait3A_785] : memref<3x40x1024xf32, #tpu.memory_space<vmem>> -> memref<1x40x1024xf32, #tpu.memory_space<vmem>>
    %dma_wait3A_787 = tpu.memref_squeeze %dma_wait3A_786 : memref<1x40x1024xf32, #tpu.memory_space<vmem>> -> memref<40x1024xf32, #tpu.memory_space<vmem>>
    %dma_wait3A_788 = arith.constant 0 : i32
    %dma_wait3A_789 = tpu.memref_slice %arg4[%add3A_769, %dma_wait3A_788] : memref<51200x1024xf32, #tpu.memory_space<hbm>> -> memref<40x1024xf32, #tpu.memory_space<hbm>>
    %dma_wait3A_790 = arith.constant 0 : i32
    %dma_wait3A_791 = tpu.memref_slice %arg4[%add3A_769, %dma_wait3A_790] : memref<51200x1024xf32, #tpu.memory_space<hbm>> -> memref<40x1024xf32, #tpu.memory_space<hbm>>
    %dma_wait3A_792 = arith.constant 0 : i32
    %dma_wait3A_793 = arith.constant 0 : i32
    %dma_wait3A_794 = tpu.memref_slice %arg6[%dma_wait3A_783, %dma_wait3A_792, %dma_wait3A_793] : memref<3x40x1024xf32, #tpu.memory_space<vmem>> -> memref<1x40x1024xf32, #tpu.memory_space<vmem>>
    %dma_wait3A_795 = tpu.memref_squeeze %dma_wait3A_794 : memref<1x40x1024xf32, #tpu.memory_space<vmem>> -> memref<40x1024xf32, #tpu.memory_space<vmem>>
    tpu.wait_dma2 semaphore(%arg10 : memref<!tpu.dma_semaphore, #tpu.memory_space<semaphore_mem>>) src(%dma_wait3A_795 : memref<40x1024xf32, #tpu.memory_space<vmem>>) dst(%dma_wait3A_791 : memref<40x1024xf32, #tpu.memory_space<hbm>>)
    %dma_start3A_796 = arith.constant 0 : i32
    %dma_start3A_797 = arith.constant 0 : i32
    %dma_start3A_798 = arith.constant 0 : i32
    %dma_start3A_799 = tpu.memref_slice %arg6[%dma_start3A_796, %dma_start3A_797, %dma_start3A_798] : memref<3x40x1024xf32, #tpu.memory_space<vmem>> -> memref<1x40x1024xf32, #tpu.memory_space<vmem>>
    %dma_start3A_800 = tpu.memref_squeeze %dma_start3A_799 : memref<1x40x1024xf32, #tpu.memory_space<vmem>> -> memref<40x1024xf32, #tpu.memory_space<vmem>>
    %dma_start3A_801 = arith.constant 720 : i32
    %dma_start3A_802 = tpu.memref_slice %arg5[%dma_start3A_801] : memref<1600xi32, #tpu.memory_space<vmem>> -> memref<40xi32, #tpu.memory_space<vmem>>
    %dma_start3A_803 = arith.constant 0 : i32
    %dma_start3A_804 = arith.constant 0 : i32
    %dma_start3A_805 = tpu.memref_slice %arg3[%dma_start3A_803, %dma_start3A_804] : memref<2048x1024xf32, #tpu.memory_space<hbm>> -> memref<2048x1024xf32, #tpu.memory_space<hbm>>
    tpu.enqueue_indirect_dma source(%dma_start3A_805 : memref<2048x1024xf32, #tpu.memory_space<hbm>>) target(%dma_start3A_800 : memref<40x1024xf32, #tpu.memory_space<vmem>>) offsets(%dma_start3A_802 : memref<40xi32, #tpu.memory_space<vmem>>) semaphore(%arg7 : memref<!tpu.dma_semaphore, #tpu.memory_space<semaphore_mem>>)
    %dma_wait3A_806 = arith.constant 1 : i32
    %dma_wait3A_807 = arith.constant 0 : i32
    %dma_wait3A_808 = arith.constant 0 : i32
    %dma_wait3A_809 = tpu.memref_slice %arg6[%dma_wait3A_806, %dma_wait3A_807, %dma_wait3A_808] : memref<3x40x1024xf32, #tpu.memory_space<vmem>> -> memref<1x40x1024xf32, #tpu.memory_space<vmem>>
    %dma_wait3A_810 = tpu.memref_squeeze %dma_wait3A_809 : memref<1x40x1024xf32, #tpu.memory_space<vmem>> -> memref<40x1024xf32, #tpu.memory_space<vmem>>
    %dma_wait3A_811 = arith.constant 640 : i32
    %dma_wait3A_812 = tpu.memref_slice %arg5[%dma_wait3A_811] : memref<1600xi32, #tpu.memory_space<vmem>> -> memref<40xi32, #tpu.memory_space<vmem>>
    %dma_wait3A_813 = arith.constant 0 : i32
    %dma_wait3A_814 = arith.constant 0 : i32
    %dma_wait3A_815 = tpu.memref_slice %arg3[%dma_wait3A_813, %dma_wait3A_814] : memref<2048x1024xf32, #tpu.memory_space<hbm>> -> memref<2048x1024xf32, #tpu.memory_space<hbm>>
    tpu.wait_indirect_dma semaphore(%arg8 : memref<!tpu.dma_semaphore, #tpu.memory_space<semaphore_mem>>) src(%dma_wait3A_815 : memref<2048x1024xf32, #tpu.memory_space<hbm>>) dst(%dma_wait3A_810 : memref<40x1024xf32, #tpu.memory_space<vmem>>)
    %add3A_816 = arith.constant 640 : i32
    %add3A_817 = arith.addi %mul3A_2, %add3A_816 : i32
    %dma_start3A_818 = arith.constant 1 : i32
    %dma_start3A_819 = arith.constant 0 : i32
    %dma_start3A_820 = arith.constant 0 : i32
    %dma_start3A_821 = tpu.memref_slice %arg6[%dma_start3A_818, %dma_start3A_819, %dma_start3A_820] : memref<3x40x1024xf32, #tpu.memory_space<vmem>> -> memref<1x40x1024xf32, #tpu.memory_space<vmem>>
    %dma_start3A_822 = tpu.memref_squeeze %dma_start3A_821 : memref<1x40x1024xf32, #tpu.memory_space<vmem>> -> memref<40x1024xf32, #tpu.memory_space<vmem>>
    %dma_start3A_823 = arith.constant 0 : i32
    %dma_start3A_824 = tpu.memref_slice %arg4[%add3A_817, %dma_start3A_823] : memref<51200x1024xf32, #tpu.memory_space<hbm>> -> memref<40x1024xf32, #tpu.memory_space<hbm>>
    %dma_start3A_825 = arith.constant 0 : i32
    %dma_start3A_826 = tpu.memref_slice %arg4[%add3A_817, %dma_start3A_825] : memref<51200x1024xf32, #tpu.memory_space<hbm>> -> memref<40x1024xf32, #tpu.memory_space<hbm>>
    %dma_start3A_827 = arith.constant 0 : i32
    %dma_start3A_828 = arith.constant 0 : i32
    %dma_start3A_829 = tpu.memref_slice %arg6[%dma_start3A_818, %dma_start3A_827, %dma_start3A_828] : memref<3x40x1024xf32, #tpu.memory_space<vmem>> -> memref<1x40x1024xf32, #tpu.memory_space<vmem>>
    %dma_start3A_830 = tpu.memref_squeeze %dma_start3A_829 : memref<1x40x1024xf32, #tpu.memory_space<vmem>> -> memref<40x1024xf32, #tpu.memory_space<vmem>>
    tpu.enqueue_dma source(%dma_start3A_830 : memref<40x1024xf32, #tpu.memory_space<vmem>>) target(%dma_start3A_826 : memref<40x1024xf32, #tpu.memory_space<hbm>>) target_semaphore(%arg11 : memref<!tpu.dma_semaphore, #tpu.memory_space<semaphore_mem>>)
    %dma_wait3A_831 = arith.constant 1 : i32
    %dma_wait3A_832 = arith.constant 0 : i32
    %dma_wait3A_833 = arith.constant 0 : i32
    %dma_wait3A_834 = tpu.memref_slice %arg6[%dma_wait3A_831, %dma_wait3A_832, %dma_wait3A_833] : memref<3x40x1024xf32, #tpu.memory_space<vmem>> -> memref<1x40x1024xf32, #tpu.memory_space<vmem>>
    %dma_wait3A_835 = tpu.memref_squeeze %dma_wait3A_834 : memref<1x40x1024xf32, #tpu.memory_space<vmem>> -> memref<40x1024xf32, #tpu.memory_space<vmem>>
    %dma_wait3A_836 = arith.constant 0 : i32
    %dma_wait3A_837 = tpu.memref_slice %arg4[%add3A_817, %dma_wait3A_836] : memref<51200x1024xf32, #tpu.memory_space<hbm>> -> memref<40x1024xf32, #tpu.memory_space<hbm>>
    %dma_wait3A_838 = arith.constant 0 : i32
    %dma_wait3A_839 = tpu.memref_slice %arg4[%add3A_817, %dma_wait3A_838] : memref<51200x1024xf32, #tpu.memory_space<hbm>> -> memref<40x1024xf32, #tpu.memory_space<hbm>>
    %dma_wait3A_840 = arith.constant 0 : i32
    %dma_wait3A_841 = arith.constant 0 : i32
    %dma_wait3A_842 = tpu.memref_slice %arg6[%dma_wait3A_831, %dma_wait3A_840, %dma_wait3A_841] : memref<3x40x1024xf32, #tpu.memory_space<vmem>> -> memref<1x40x1024xf32, #tpu.memory_space<vmem>>
    %dma_wait3A_843 = tpu.memref_squeeze %dma_wait3A_842 : memref<1x40x1024xf32, #tpu.memory_space<vmem>> -> memref<40x1024xf32, #tpu.memory_space<vmem>>
    tpu.wait_dma2 semaphore(%arg11 : memref<!tpu.dma_semaphore, #tpu.memory_space<semaphore_mem>>) src(%dma_wait3A_843 : memref<40x1024xf32, #tpu.memory_space<vmem>>) dst(%dma_wait3A_839 : memref<40x1024xf32, #tpu.memory_space<hbm>>)
    %dma_start3A_844 = arith.constant 1 : i32
    %dma_start3A_845 = arith.constant 0 : i32
    %dma_start3A_846 = arith.constant 0 : i32
    %dma_start3A_847 = tpu.memref_slice %arg6[%dma_start3A_844, %dma_start3A_845, %dma_start3A_846] : memref<3x40x1024xf32, #tpu.memory_space<vmem>> -> memref<1x40x1024xf32, #tpu.memory_space<vmem>>
    %dma_start3A_848 = tpu.memref_squeeze %dma_start3A_847 : memref<1x40x1024xf32, #tpu.memory_space<vmem>> -> memref<40x1024xf32, #tpu.memory_space<vmem>>
    %dma_start3A_849 = arith.constant 760 : i32
    %dma_start3A_850 = tpu.memref_slice %arg5[%dma_start3A_849] : memref<1600xi32, #tpu.memory_space<vmem>> -> memref<40xi32, #tpu.memory_space<vmem>>
    %dma_start3A_851 = arith.constant 0 : i32
    %dma_start3A_852 = arith.constant 0 : i32
    %dma_start3A_853 = tpu.memref_slice %arg3[%dma_start3A_851, %dma_start3A_852] : memref<2048x1024xf32, #tpu.memory_space<hbm>> -> memref<2048x1024xf32, #tpu.memory_space<hbm>>
    tpu.enqueue_indirect_dma source(%dma_start3A_853 : memref<2048x1024xf32, #tpu.memory_space<hbm>>) target(%dma_start3A_848 : memref<40x1024xf32, #tpu.memory_space<vmem>>) offsets(%dma_start3A_850 : memref<40xi32, #tpu.memory_space<vmem>>) semaphore(%arg8 : memref<!tpu.dma_semaphore, #tpu.memory_space<semaphore_mem>>)
    %dma_wait3A_854 = arith.constant 2 : i32
    %dma_wait3A_855 = arith.constant 0 : i32
    %dma_wait3A_856 = arith.constant 0 : i32
    %dma_wait3A_857 = tpu.memref_slice %arg6[%dma_wait3A_854, %dma_wait3A_855, %dma_wait3A_856] : memref<3x40x1024xf32, #tpu.memory_space<vmem>> -> memref<1x40x1024xf32, #tpu.memory_space<vmem>>
    %dma_wait3A_858 = tpu.memref_squeeze %dma_wait3A_857 : memref<1x40x1024xf32, #tpu.memory_space<vmem>> -> memref<40x1024xf32, #tpu.memory_space<vmem>>
    %dma_wait3A_859 = arith.constant 680 : i32
    %dma_wait3A_860 = tpu.memref_slice %arg5[%dma_wait3A_859] : memref<1600xi32, #tpu.memory_space<vmem>> -> memref<40xi32, #tpu.memory_space<vmem>>
    %dma_wait3A_861 = arith.constant 0 : i32
    %dma_wait3A_862 = arith.constant 0 : i32
    %dma_wait3A_863 = tpu.memref_slice %arg3[%dma_wait3A_861, %dma_wait3A_862] : memref<2048x1024xf32, #tpu.memory_space<hbm>> -> memref<2048x1024xf32, #tpu.memory_space<hbm>>
    tpu.wait_indirect_dma semaphore(%arg9 : memref<!tpu.dma_semaphore, #tpu.memory_space<semaphore_mem>>) src(%dma_wait3A_863 : memref<2048x1024xf32, #tpu.memory_space<hbm>>) dst(%dma_wait3A_858 : memref<40x1024xf32, #tpu.memory_space<vmem>>)
    %add3A_864 = arith.constant 680 : i32
    %add3A_865 = arith.addi %mul3A_2, %add3A_864 : i32
    %dma_start3A_866 = arith.constant 2 : i32
    %dma_start3A_867 = arith.constant 0 : i32
    %dma_start3A_868 = arith.constant 0 : i32
    %dma_start3A_869 = tpu.memref_slice %arg6[%dma_start3A_866, %dma_start3A_867, %dma_start3A_868] : memref<3x40x1024xf32, #tpu.memory_space<vmem>> -> memref<1x40x1024xf32, #tpu.memory_space<vmem>>
    %dma_start3A_870 = tpu.memref_squeeze %dma_start3A_869 : memref<1x40x1024xf32, #tpu.memory_space<vmem>> -> memref<40x1024xf32, #tpu.memory_space<vmem>>
    %dma_start3A_871 = arith.constant 0 : i32
    %dma_start3A_872 = tpu.memref_slice %arg4[%add3A_865, %dma_start3A_871] : memref<51200x1024xf32, #tpu.memory_space<hbm>> -> memref<40x1024xf32, #tpu.memory_space<hbm>>
    %dma_start3A_873 = arith.constant 0 : i32
    %dma_start3A_874 = tpu.memref_slice %arg4[%add3A_865, %dma_start3A_873] : memref<51200x1024xf32, #tpu.memory_space<hbm>> -> memref<40x1024xf32, #tpu.memory_space<hbm>>
    %dma_start3A_875 = arith.constant 0 : i32
    %dma_start3A_876 = arith.constant 0 : i32
    %dma_start3A_877 = tpu.memref_slice %arg6[%dma_start3A_866, %dma_start3A_875, %dma_start3A_876] : memref<3x40x1024xf32, #tpu.memory_space<vmem>> -> memref<1x40x1024xf32, #tpu.memory_space<vmem>>
    %dma_start3A_878 = tpu.memref_squeeze %dma_start3A_877 : memref<1x40x1024xf32, #tpu.memory_space<vmem>> -> memref<40x1024xf32, #tpu.memory_space<vmem>>
    tpu.enqueue_dma source(%dma_start3A_878 : memref<40x1024xf32, #tpu.memory_space<vmem>>) target(%dma_start3A_874 : memref<40x1024xf32, #tpu.memory_space<hbm>>) target_semaphore(%arg12 : memref<!tpu.dma_semaphore, #tpu.memory_space<semaphore_mem>>)
    %dma_wait3A_879 = arith.constant 2 : i32
    %dma_wait3A_880 = arith.constant 0 : i32
    %dma_wait3A_881 = arith.constant 0 : i32
    %dma_wait3A_882 = tpu.memref_slice %arg6[%dma_wait3A_879, %dma_wait3A_880, %dma_wait3A_881] : memref<3x40x1024xf32, #tpu.memory_space<vmem>> -> memref<1x40x1024xf32, #tpu.memory_space<vmem>>
    %dma_wait3A_883 = tpu.memref_squeeze %dma_wait3A_882 : memref<1x40x1024xf32, #tpu.memory_space<vmem>> -> memref<40x1024xf32, #tpu.memory_space<vmem>>
    %dma_wait3A_884 = arith.constant 0 : i32
    %dma_wait3A_885 = tpu.memref_slice %arg4[%add3A_865, %dma_wait3A_884] : memref<51200x1024xf32, #tpu.memory_space<hbm>> -> memref<40x1024xf32, #tpu.memory_space<hbm>>
    %dma_wait3A_886 = arith.constant 0 : i32
    %dma_wait3A_887 = tpu.memref_slice %arg4[%add3A_865, %dma_wait3A_886] : memref<51200x1024xf32, #tpu.memory_space<hbm>> -> memref<40x1024xf32, #tpu.memory_space<hbm>>
    %dma_wait3A_888 = arith.constant 0 : i32
    %dma_wait3A_889 = arith.constant 0 : i32
    %dma_wait3A_890 = tpu.memref_slice %arg6[%dma_wait3A_879, %dma_wait3A_888, %dma_wait3A_889] : memref<3x40x1024xf32, #tpu.memory_space<vmem>> -> memref<1x40x1024xf32, #tpu.memory_space<vmem>>
    %dma_wait3A_891 = tpu.memref_squeeze %dma_wait3A_890 : memref<1x40x1024xf32, #tpu.memory_space<vmem>> -> memref<40x1024xf32, #tpu.memory_space<vmem>>
    tpu.wait_dma2 semaphore(%arg12 : memref<!tpu.dma_semaphore, #tpu.memory_space<semaphore_mem>>) src(%dma_wait3A_891 : memref<40x1024xf32, #tpu.memory_space<vmem>>) dst(%dma_wait3A_887 : memref<40x1024xf32, #tpu.memory_space<hbm>>)
    %dma_start3A_892 = arith.constant 2 : i32
    %dma_start3A_893 = arith.constant 0 : i32
    %dma_start3A_894 = arith.constant 0 : i32
    %dma_start3A_895 = tpu.memref_slice %arg6[%dma_start3A_892, %dma_start3A_893, %dma_start3A_894] : memref<3x40x1024xf32, #tpu.memory_space<vmem>> -> memref<1x40x1024xf32, #tpu.memory_space<vmem>>
    %dma_start3A_896 = tpu.memref_squeeze %dma_start3A_895 : memref<1x40x1024xf32, #tpu.memory_space<vmem>> -> memref<40x1024xf32, #tpu.memory_space<vmem>>
    %dma_start3A_897 = arith.constant 800 : i32
    %dma_start3A_898 = tpu.memref_slice %arg5[%dma_start3A_897] : memref<1600xi32, #tpu.memory_space<vmem>> -> memref<40xi32, #tpu.memory_space<vmem>>
    %dma_start3A_899 = arith.constant 0 : i32
    %dma_start3A_900 = arith.constant 0 : i32
    %dma_start3A_901 = tpu.memref_slice %arg3[%dma_start3A_899, %dma_start3A_900] : memref<2048x1024xf32, #tpu.memory_space<hbm>> -> memref<2048x1024xf32, #tpu.memory_space<hbm>>
    tpu.enqueue_indirect_dma source(%dma_start3A_901 : memref<2048x1024xf32, #tpu.memory_space<hbm>>) target(%dma_start3A_896 : memref<40x1024xf32, #tpu.memory_space<vmem>>) offsets(%dma_start3A_898 : memref<40xi32, #tpu.memory_space<vmem>>) semaphore(%arg9 : memref<!tpu.dma_semaphore, #tpu.memory_space<semaphore_mem>>)
    %dma_wait3A_902 = arith.constant 0 : i32
    %dma_wait3A_903 = arith.constant 0 : i32
    %dma_wait3A_904 = arith.constant 0 : i32
    %dma_wait3A_905 = tpu.memref_slice %arg6[%dma_wait3A_902, %dma_wait3A_903, %dma_wait3A_904] : memref<3x40x1024xf32, #tpu.memory_space<vmem>> -> memref<1x40x1024xf32, #tpu.memory_space<vmem>>
    %dma_wait3A_906 = tpu.memref_squeeze %dma_wait3A_905 : memref<1x40x1024xf32, #tpu.memory_space<vmem>> -> memref<40x1024xf32, #tpu.memory_space<vmem>>
    %dma_wait3A_907 = arith.constant 720 : i32
    %dma_wait3A_908 = tpu.memref_slice %arg5[%dma_wait3A_907] : memref<1600xi32, #tpu.memory_space<vmem>> -> memref<40xi32, #tpu.memory_space<vmem>>
    %dma_wait3A_909 = arith.constant 0 : i32
    %dma_wait3A_910 = arith.constant 0 : i32
    %dma_wait3A_911 = tpu.memref_slice %arg3[%dma_wait3A_909, %dma_wait3A_910] : memref<2048x1024xf32, #tpu.memory_space<hbm>> -> memref<2048x1024xf32, #tpu.memory_space<hbm>>
    tpu.wait_indirect_dma semaphore(%arg7 : memref<!tpu.dma_semaphore, #tpu.memory_space<semaphore_mem>>) src(%dma_wait3A_911 : memref<2048x1024xf32, #tpu.memory_space<hbm>>) dst(%dma_wait3A_906 : memref<40x1024xf32, #tpu.memory_space<vmem>>)
    %add3A_912 = arith.constant 720 : i32
    %add3A_913 = arith.addi %mul3A_2, %add3A_912 : i32
    %dma_start3A_914 = arith.constant 0 : i32
    %dma_start3A_915 = arith.constant 0 : i32
    %dma_start3A_916 = arith.constant 0 : i32
    %dma_start3A_917 = tpu.memref_slice %arg6[%dma_start3A_914, %dma_start3A_915, %dma_start3A_916] : memref<3x40x1024xf32, #tpu.memory_space<vmem>> -> memref<1x40x1024xf32, #tpu.memory_space<vmem>>
    %dma_start3A_918 = tpu.memref_squeeze %dma_start3A_917 : memref<1x40x1024xf32, #tpu.memory_space<vmem>> -> memref<40x1024xf32, #tpu.memory_space<vmem>>
    %dma_start3A_919 = arith.constant 0 : i32
    %dma_start3A_920 = tpu.memref_slice %arg4[%add3A_913, %dma_start3A_919] : memref<51200x1024xf32, #tpu.memory_space<hbm>> -> memref<40x1024xf32, #tpu.memory_space<hbm>>
    %dma_start3A_921 = arith.constant 0 : i32
    %dma_start3A_922 = tpu.memref_slice %arg4[%add3A_913, %dma_start3A_921] : memref<51200x1024xf32, #tpu.memory_space<hbm>> -> memref<40x1024xf32, #tpu.memory_space<hbm>>
    %dma_start3A_923 = arith.constant 0 : i32
    %dma_start3A_924 = arith.constant 0 : i32
    %dma_start3A_925 = tpu.memref_slice %arg6[%dma_start3A_914, %dma_start3A_923, %dma_start3A_924] : memref<3x40x1024xf32, #tpu.memory_space<vmem>> -> memref<1x40x1024xf32, #tpu.memory_space<vmem>>
    %dma_start3A_926 = tpu.memref_squeeze %dma_start3A_925 : memref<1x40x1024xf32, #tpu.memory_space<vmem>> -> memref<40x1024xf32, #tpu.memory_space<vmem>>
    tpu.enqueue_dma source(%dma_start3A_926 : memref<40x1024xf32, #tpu.memory_space<vmem>>) target(%dma_start3A_922 : memref<40x1024xf32, #tpu.memory_space<hbm>>) target_semaphore(%arg10 : memref<!tpu.dma_semaphore, #tpu.memory_space<semaphore_mem>>)
    %dma_wait3A_927 = arith.constant 0 : i32
    %dma_wait3A_928 = arith.constant 0 : i32
    %dma_wait3A_929 = arith.constant 0 : i32
    %dma_wait3A_930 = tpu.memref_slice %arg6[%dma_wait3A_927, %dma_wait3A_928, %dma_wait3A_929] : memref<3x40x1024xf32, #tpu.memory_space<vmem>> -> memref<1x40x1024xf32, #tpu.memory_space<vmem>>
    %dma_wait3A_931 = tpu.memref_squeeze %dma_wait3A_930 : memref<1x40x1024xf32, #tpu.memory_space<vmem>> -> memref<40x1024xf32, #tpu.memory_space<vmem>>
    %dma_wait3A_932 = arith.constant 0 : i32
    %dma_wait3A_933 = tpu.memref_slice %arg4[%add3A_913, %dma_wait3A_932] : memref<51200x1024xf32, #tpu.memory_space<hbm>> -> memref<40x1024xf32, #tpu.memory_space<hbm>>
    %dma_wait3A_934 = arith.constant 0 : i32
    %dma_wait3A_935 = tpu.memref_slice %arg4[%add3A_913, %dma_wait3A_934] : memref<51200x1024xf32, #tpu.memory_space<hbm>> -> memref<40x1024xf32, #tpu.memory_space<hbm>>
    %dma_wait3A_936 = arith.constant 0 : i32
    %dma_wait3A_937 = arith.constant 0 : i32
    %dma_wait3A_938 = tpu.memref_slice %arg6[%dma_wait3A_927, %dma_wait3A_936, %dma_wait3A_937] : memref<3x40x1024xf32, #tpu.memory_space<vmem>> -> memref<1x40x1024xf32, #tpu.memory_space<vmem>>
    %dma_wait3A_939 = tpu.memref_squeeze %dma_wait3A_938 : memref<1x40x1024xf32, #tpu.memory_space<vmem>> -> memref<40x1024xf32, #tpu.memory_space<vmem>>
    tpu.wait_dma2 semaphore(%arg10 : memref<!tpu.dma_semaphore, #tpu.memory_space<semaphore_mem>>) src(%dma_wait3A_939 : memref<40x1024xf32, #tpu.memory_space<vmem>>) dst(%dma_wait3A_935 : memref<40x1024xf32, #tpu.memory_space<hbm>>)
    %dma_start3A_940 = arith.constant 0 : i32
    %dma_start3A_941 = arith.constant 0 : i32
    %dma_start3A_942 = arith.constant 0 : i32
    %dma_start3A_943 = tpu.memref_slice %arg6[%dma_start3A_940, %dma_start3A_941, %dma_start3A_942] : memref<3x40x1024xf32, #tpu.memory_space<vmem>> -> memref<1x40x1024xf32, #tpu.memory_space<vmem>>
    %dma_start3A_944 = tpu.memref_squeeze %dma_start3A_943 : memref<1x40x1024xf32, #tpu.memory_space<vmem>> -> memref<40x1024xf32, #tpu.memory_space<vmem>>
    %dma_start3A_945 = arith.constant 840 : i32
    %dma_start3A_946 = tpu.memref_slice %arg5[%dma_start3A_945] : memref<1600xi32, #tpu.memory_space<vmem>> -> memref<40xi32, #tpu.memory_space<vmem>>
    %dma_start3A_947 = arith.constant 0 : i32
    %dma_start3A_948 = arith.constant 0 : i32
    %dma_start3A_949 = tpu.memref_slice %arg3[%dma_start3A_947, %dma_start3A_948] : memref<2048x1024xf32, #tpu.memory_space<hbm>> -> memref<2048x1024xf32, #tpu.memory_space<hbm>>
    tpu.enqueue_indirect_dma source(%dma_start3A_949 : memref<2048x1024xf32, #tpu.memory_space<hbm>>) target(%dma_start3A_944 : memref<40x1024xf32, #tpu.memory_space<vmem>>) offsets(%dma_start3A_946 : memref<40xi32, #tpu.memory_space<vmem>>) semaphore(%arg7 : memref<!tpu.dma_semaphore, #tpu.memory_space<semaphore_mem>>)
    %dma_wait3A_950 = arith.constant 1 : i32
    %dma_wait3A_951 = arith.constant 0 : i32
    %dma_wait3A_952 = arith.constant 0 : i32
    %dma_wait3A_953 = tpu.memref_slice %arg6[%dma_wait3A_950, %dma_wait3A_951, %dma_wait3A_952] : memref<3x40x1024xf32, #tpu.memory_space<vmem>> -> memref<1x40x1024xf32, #tpu.memory_space<vmem>>
    %dma_wait3A_954 = tpu.memref_squeeze %dma_wait3A_953 : memref<1x40x1024xf32, #tpu.memory_space<vmem>> -> memref<40x1024xf32, #tpu.memory_space<vmem>>
    %dma_wait3A_955 = arith.constant 760 : i32
    %dma_wait3A_956 = tpu.memref_slice %arg5[%dma_wait3A_955] : memref<1600xi32, #tpu.memory_space<vmem>> -> memref<40xi32, #tpu.memory_space<vmem>>
    %dma_wait3A_957 = arith.constant 0 : i32
    %dma_wait3A_958 = arith.constant 0 : i32
    %dma_wait3A_959 = tpu.memref_slice %arg3[%dma_wait3A_957, %dma_wait3A_958] : memref<2048x1024xf32, #tpu.memory_space<hbm>> -> memref<2048x1024xf32, #tpu.memory_space<hbm>>
    tpu.wait_indirect_dma semaphore(%arg8 : memref<!tpu.dma_semaphore, #tpu.memory_space<semaphore_mem>>) src(%dma_wait3A_959 : memref<2048x1024xf32, #tpu.memory_space<hbm>>) dst(%dma_wait3A_954 : memref<40x1024xf32, #tpu.memory_space<vmem>>)
    %add3A_960 = arith.constant 760 : i32
    %add3A_961 = arith.addi %mul3A_2, %add3A_960 : i32
    %dma_start3A_962 = arith.constant 1 : i32
    %dma_start3A_963 = arith.constant 0 : i32
    %dma_start3A_964 = arith.constant 0 : i32
    %dma_start3A_965 = tpu.memref_slice %arg6[%dma_start3A_962, %dma_start3A_963, %dma_start3A_964] : memref<3x40x1024xf32, #tpu.memory_space<vmem>> -> memref<1x40x1024xf32, #tpu.memory_space<vmem>>
    %dma_start3A_966 = tpu.memref_squeeze %dma_start3A_965 : memref<1x40x1024xf32, #tpu.memory_space<vmem>> -> memref<40x1024xf32, #tpu.memory_space<vmem>>
    %dma_start3A_967 = arith.constant 0 : i32
    %dma_start3A_968 = tpu.memref_slice %arg4[%add3A_961, %dma_start3A_967] : memref<51200x1024xf32, #tpu.memory_space<hbm>> -> memref<40x1024xf32, #tpu.memory_space<hbm>>
    %dma_start3A_969 = arith.constant 0 : i32
    %dma_start3A_970 = tpu.memref_slice %arg4[%add3A_961, %dma_start3A_969] : memref<51200x1024xf32, #tpu.memory_space<hbm>> -> memref<40x1024xf32, #tpu.memory_space<hbm>>
    %dma_start3A_971 = arith.constant 0 : i32
    %dma_start3A_972 = arith.constant 0 : i32
    %dma_start3A_973 = tpu.memref_slice %arg6[%dma_start3A_962, %dma_start3A_971, %dma_start3A_972] : memref<3x40x1024xf32, #tpu.memory_space<vmem>> -> memref<1x40x1024xf32, #tpu.memory_space<vmem>>
    %dma_start3A_974 = tpu.memref_squeeze %dma_start3A_973 : memref<1x40x1024xf32, #tpu.memory_space<vmem>> -> memref<40x1024xf32, #tpu.memory_space<vmem>>
    tpu.enqueue_dma source(%dma_start3A_974 : memref<40x1024xf32, #tpu.memory_space<vmem>>) target(%dma_start3A_970 : memref<40x1024xf32, #tpu.memory_space<hbm>>) target_semaphore(%arg11 : memref<!tpu.dma_semaphore, #tpu.memory_space<semaphore_mem>>)
    %dma_wait3A_975 = arith.constant 1 : i32
    %dma_wait3A_976 = arith.constant 0 : i32
    %dma_wait3A_977 = arith.constant 0 : i32
    %dma_wait3A_978 = tpu.memref_slice %arg6[%dma_wait3A_975, %dma_wait3A_976, %dma_wait3A_977] : memref<3x40x1024xf32, #tpu.memory_space<vmem>> -> memref<1x40x1024xf32, #tpu.memory_space<vmem>>
    %dma_wait3A_979 = tpu.memref_squeeze %dma_wait3A_978 : memref<1x40x1024xf32, #tpu.memory_space<vmem>> -> memref<40x1024xf32, #tpu.memory_space<vmem>>
    %dma_wait3A_980 = arith.constant 0 : i32
    %dma_wait3A_981 = tpu.memref_slice %arg4[%add3A_961, %dma_wait3A_980] : memref<51200x1024xf32, #tpu.memory_space<hbm>> -> memref<40x1024xf32, #tpu.memory_space<hbm>>
    %dma_wait3A_982 = arith.constant 0 : i32
    %dma_wait3A_983 = tpu.memref_slice %arg4[%add3A_961, %dma_wait3A_982] : memref<51200x1024xf32, #tpu.memory_space<hbm>> -> memref<40x1024xf32, #tpu.memory_space<hbm>>
    %dma_wait3A_984 = arith.constant 0 : i32
    %dma_wait3A_985 = arith.constant 0 : i32
    %dma_wait3A_986 = tpu.memref_slice %arg6[%dma_wait3A_975, %dma_wait3A_984, %dma_wait3A_985] : memref<3x40x1024xf32, #tpu.memory_space<vmem>> -> memref<1x40x1024xf32, #tpu.memory_space<vmem>>
    %dma_wait3A_987 = tpu.memref_squeeze %dma_wait3A_986 : memref<1x40x1024xf32, #tpu.memory_space<vmem>> -> memref<40x1024xf32, #tpu.memory_space<vmem>>
    tpu.wait_dma2 semaphore(%arg11 : memref<!tpu.dma_semaphore, #tpu.memory_space<semaphore_mem>>) src(%dma_wait3A_987 : memref<40x1024xf32, #tpu.memory_space<vmem>>) dst(%dma_wait3A_983 : memref<40x1024xf32, #tpu.memory_space<hbm>>)
    %dma_start3A_988 = arith.constant 1 : i32
    %dma_start3A_989 = arith.constant 0 : i32
    %dma_start3A_990 = arith.constant 0 : i32
    %dma_start3A_991 = tpu.memref_slice %arg6[%dma_start3A_988, %dma_start3A_989, %dma_start3A_990] : memref<3x40x1024xf32, #tpu.memory_space<vmem>> -> memref<1x40x1024xf32, #tpu.memory_space<vmem>>
    %dma_start3A_992 = tpu.memref_squeeze %dma_start3A_991 : memref<1x40x1024xf32, #tpu.memory_space<vmem>> -> memref<40x1024xf32, #tpu.memory_space<vmem>>
    %dma_start3A_993 = arith.constant 880 : i32
    %dma_start3A_994 = tpu.memref_slice %arg5[%dma_start3A_993] : memref<1600xi32, #tpu.memory_space<vmem>> -> memref<40xi32, #tpu.memory_space<vmem>>
    %dma_start3A_995 = arith.constant 0 : i32
    %dma_start3A_996 = arith.constant 0 : i32
    %dma_start3A_997 = tpu.memref_slice %arg3[%dma_start3A_995, %dma_start3A_996] : memref<2048x1024xf32, #tpu.memory_space<hbm>> -> memref<2048x1024xf32, #tpu.memory_space<hbm>>
    tpu.enqueue_indirect_dma source(%dma_start3A_997 : memref<2048x1024xf32, #tpu.memory_space<hbm>>) target(%dma_start3A_992 : memref<40x1024xf32, #tpu.memory_space<vmem>>) offsets(%dma_start3A_994 : memref<40xi32, #tpu.memory_space<vmem>>) semaphore(%arg8 : memref<!tpu.dma_semaphore, #tpu.memory_space<semaphore_mem>>)
    %dma_wait3A_998 = arith.constant 2 : i32
    %dma_wait3A_999 = arith.constant 0 : i32
    %dma_wait3A_1000 = arith.constant 0 : i32
    %dma_wait3A_1001 = tpu.memref_slice %arg6[%dma_wait3A_998, %dma_wait3A_999, %dma_wait3A_1000] : memref<3x40x1024xf32, #tpu.memory_space<vmem>> -> memref<1x40x1024xf32, #tpu.memory_space<vmem>>
    %dma_wait3A_1002 = tpu.memref_squeeze %dma_wait3A_1001 : memref<1x40x1024xf32, #tpu.memory_space<vmem>> -> memref<40x1024xf32, #tpu.memory_space<vmem>>
    %dma_wait3A_1003 = arith.constant 800 : i32
    %dma_wait3A_1004 = tpu.memref_slice %arg5[%dma_wait3A_1003] : memref<1600xi32, #tpu.memory_space<vmem>> -> memref<40xi32, #tpu.memory_space<vmem>>
    %dma_wait3A_1005 = arith.constant 0 : i32
    %dma_wait3A_1006 = arith.constant 0 : i32
    %dma_wait3A_1007 = tpu.memref_slice %arg3[%dma_wait3A_1005, %dma_wait3A_1006] : memref<2048x1024xf32, #tpu.memory_space<hbm>> -> memref<2048x1024xf32, #tpu.memory_space<hbm>>
    tpu.wait_indirect_dma semaphore(%arg9 : memref<!tpu.dma_semaphore, #tpu.memory_space<semaphore_mem>>) src(%dma_wait3A_1007 : memref<2048x1024xf32, #tpu.memory_space<hbm>>) dst(%dma_wait3A_1002 : memref<40x1024xf32, #tpu.memory_space<vmem>>)
    %add3A_1008 = arith.constant 800 : i32
    %add3A_1009 = arith.addi %mul3A_2, %add3A_1008 : i32
    %dma_start3A_1010 = arith.constant 2 : i32
    %dma_start3A_1011 = arith.constant 0 : i32
    %dma_start3A_1012 = arith.constant 0 : i32
    %dma_start3A_1013 = tpu.memref_slice %arg6[%dma_start3A_1010, %dma_start3A_1011, %dma_start3A_1012] : memref<3x40x1024xf32, #tpu.memory_space<vmem>> -> memref<1x40x1024xf32, #tpu.memory_space<vmem>>
    %dma_start3A_1014 = tpu.memref_squeeze %dma_start3A_1013 : memref<1x40x1024xf32, #tpu.memory_space<vmem>> -> memref<40x1024xf32, #tpu.memory_space<vmem>>
    %dma_start3A_1015 = arith.constant 0 : i32
    %dma_start3A_1016 = tpu.memref_slice %arg4[%add3A_1009, %dma_start3A_1015] : memref<51200x1024xf32, #tpu.memory_space<hbm>> -> memref<40x1024xf32, #tpu.memory_space<hbm>>
    %dma_start3A_1017 = arith.constant 0 : i32
    %dma_start3A_1018 = tpu.memref_slice %arg4[%add3A_1009, %dma_start3A_1017] : memref<51200x1024xf32, #tpu.memory_space<hbm>> -> memref<40x1024xf32, #tpu.memory_space<hbm>>
    %dma_start3A_1019 = arith.constant 0 : i32
    %dma_start3A_1020 = arith.constant 0 : i32
    %dma_start3A_1021 = tpu.memref_slice %arg6[%dma_start3A_1010, %dma_start3A_1019, %dma_start3A_1020] : memref<3x40x1024xf32, #tpu.memory_space<vmem>> -> memref<1x40x1024xf32, #tpu.memory_space<vmem>>
    %dma_start3A_1022 = tpu.memref_squeeze %dma_start3A_1021 : memref<1x40x1024xf32, #tpu.memory_space<vmem>> -> memref<40x1024xf32, #tpu.memory_space<vmem>>
    tpu.enqueue_dma source(%dma_start3A_1022 : memref<40x1024xf32, #tpu.memory_space<vmem>>) target(%dma_start3A_1018 : memref<40x1024xf32, #tpu.memory_space<hbm>>) target_semaphore(%arg12 : memref<!tpu.dma_semaphore, #tpu.memory_space<semaphore_mem>>)
    %dma_wait3A_1023 = arith.constant 2 : i32
    %dma_wait3A_1024 = arith.constant 0 : i32
    %dma_wait3A_1025 = arith.constant 0 : i32
    %dma_wait3A_1026 = tpu.memref_slice %arg6[%dma_wait3A_1023, %dma_wait3A_1024, %dma_wait3A_1025] : memref<3x40x1024xf32, #tpu.memory_space<vmem>> -> memref<1x40x1024xf32, #tpu.memory_space<vmem>>
    %dma_wait3A_1027 = tpu.memref_squeeze %dma_wait3A_1026 : memref<1x40x1024xf32, #tpu.memory_space<vmem>> -> memref<40x1024xf32, #tpu.memory_space<vmem>>
    %dma_wait3A_1028 = arith.constant 0 : i32
    %dma_wait3A_1029 = tpu.memref_slice %arg4[%add3A_1009, %dma_wait3A_1028] : memref<51200x1024xf32, #tpu.memory_space<hbm>> -> memref<40x1024xf32, #tpu.memory_space<hbm>>
    %dma_wait3A_1030 = arith.constant 0 : i32
    %dma_wait3A_1031 = tpu.memref_slice %arg4[%add3A_1009, %dma_wait3A_1030] : memref<51200x1024xf32, #tpu.memory_space<hbm>> -> memref<40x1024xf32, #tpu.memory_space<hbm>>
    %dma_wait3A_1032 = arith.constant 0 : i32
    %dma_wait3A_1033 = arith.constant 0 : i32
    %dma_wait3A_1034 = tpu.memref_slice %arg6[%dma_wait3A_1023, %dma_wait3A_1032, %dma_wait3A_1033] : memref<3x40x1024xf32, #tpu.memory_space<vmem>> -> memref<1x40x1024xf32, #tpu.memory_space<vmem>>
    %dma_wait3A_1035 = tpu.memref_squeeze %dma_wait3A_1034 : memref<1x40x1024xf32, #tpu.memory_space<vmem>> -> memref<40x1024xf32, #tpu.memory_space<vmem>>
    tpu.wait_dma2 semaphore(%arg12 : memref<!tpu.dma_semaphore, #tpu.memory_space<semaphore_mem>>) src(%dma_wait3A_1035 : memref<40x1024xf32, #tpu.memory_space<vmem>>) dst(%dma_wait3A_1031 : memref<40x1024xf32, #tpu.memory_space<hbm>>)
    %dma_start3A_1036 = arith.constant 2 : i32
    %dma_start3A_1037 = arith.constant 0 : i32
    %dma_start3A_1038 = arith.constant 0 : i32
    %dma_start3A_1039 = tpu.memref_slice %arg6[%dma_start3A_1036, %dma_start3A_1037, %dma_start3A_1038] : memref<3x40x1024xf32, #tpu.memory_space<vmem>> -> memref<1x40x1024xf32, #tpu.memory_space<vmem>>
    %dma_start3A_1040 = tpu.memref_squeeze %dma_start3A_1039 : memref<1x40x1024xf32, #tpu.memory_space<vmem>> -> memref<40x1024xf32, #tpu.memory_space<vmem>>
    %dma_start3A_1041 = arith.constant 920 : i32
    %dma_start3A_1042 = tpu.memref_slice %arg5[%dma_start3A_1041] : memref<1600xi32, #tpu.memory_space<vmem>> -> memref<40xi32, #tpu.memory_space<vmem>>
    %dma_start3A_1043 = arith.constant 0 : i32
    %dma_start3A_1044 = arith.constant 0 : i32
    %dma_start3A_1045 = tpu.memref_slice %arg3[%dma_start3A_1043, %dma_start3A_1044] : memref<2048x1024xf32, #tpu.memory_space<hbm>> -> memref<2048x1024xf32, #tpu.memory_space<hbm>>
    tpu.enqueue_indirect_dma source(%dma_start3A_1045 : memref<2048x1024xf32, #tpu.memory_space<hbm>>) target(%dma_start3A_1040 : memref<40x1024xf32, #tpu.memory_space<vmem>>) offsets(%dma_start3A_1042 : memref<40xi32, #tpu.memory_space<vmem>>) semaphore(%arg9 : memref<!tpu.dma_semaphore, #tpu.memory_space<semaphore_mem>>)
    %dma_wait3A_1046 = arith.constant 0 : i32
    %dma_wait3A_1047 = arith.constant 0 : i32
    %dma_wait3A_1048 = arith.constant 0 : i32
    %dma_wait3A_1049 = tpu.memref_slice %arg6[%dma_wait3A_1046, %dma_wait3A_1047, %dma_wait3A_1048] : memref<3x40x1024xf32, #tpu.memory_space<vmem>> -> memref<1x40x1024xf32, #tpu.memory_space<vmem>>
    %dma_wait3A_1050 = tpu.memref_squeeze %dma_wait3A_1049 : memref<1x40x1024xf32, #tpu.memory_space<vmem>> -> memref<40x1024xf32, #tpu.memory_space<vmem>>
    %dma_wait3A_1051 = arith.constant 840 : i32
    %dma_wait3A_1052 = tpu.memref_slice %arg5[%dma_wait3A_1051] : memref<1600xi32, #tpu.memory_space<vmem>> -> memref<40xi32, #tpu.memory_space<vmem>>
    %dma_wait3A_1053 = arith.constant 0 : i32
    %dma_wait3A_1054 = arith.constant 0 : i32
    %dma_wait3A_1055 = tpu.memref_slice %arg3[%dma_wait3A_1053, %dma_wait3A_1054] : memref<2048x1024xf32, #tpu.memory_space<hbm>> -> memref<2048x1024xf32, #tpu.memory_space<hbm>>
    tpu.wait_indirect_dma semaphore(%arg7 : memref<!tpu.dma_semaphore, #tpu.memory_space<semaphore_mem>>) src(%dma_wait3A_1055 : memref<2048x1024xf32, #tpu.memory_space<hbm>>) dst(%dma_wait3A_1050 : memref<40x1024xf32, #tpu.memory_space<vmem>>)
    %add3A_1056 = arith.constant 840 : i32
    %add3A_1057 = arith.addi %mul3A_2, %add3A_1056 : i32
    %dma_start3A_1058 = arith.constant 0 : i32
    %dma_start3A_1059 = arith.constant 0 : i32
    %dma_start3A_1060 = arith.constant 0 : i32
    %dma_start3A_1061 = tpu.memref_slice %arg6[%dma_start3A_1058, %dma_start3A_1059, %dma_start3A_1060] : memref<3x40x1024xf32, #tpu.memory_space<vmem>> -> memref<1x40x1024xf32, #tpu.memory_space<vmem>>
    %dma_start3A_1062 = tpu.memref_squeeze %dma_start3A_1061 : memref<1x40x1024xf32, #tpu.memory_space<vmem>> -> memref<40x1024xf32, #tpu.memory_space<vmem>>
    %dma_start3A_1063 = arith.constant 0 : i32
    %dma_start3A_1064 = tpu.memref_slice %arg4[%add3A_1057, %dma_start3A_1063] : memref<51200x1024xf32, #tpu.memory_space<hbm>> -> memref<40x1024xf32, #tpu.memory_space<hbm>>
    %dma_start3A_1065 = arith.constant 0 : i32
    %dma_start3A_1066 = tpu.memref_slice %arg4[%add3A_1057, %dma_start3A_1065] : memref<51200x1024xf32, #tpu.memory_space<hbm>> -> memref<40x1024xf32, #tpu.memory_space<hbm>>
    %dma_start3A_1067 = arith.constant 0 : i32
    %dma_start3A_1068 = arith.constant 0 : i32
    %dma_start3A_1069 = tpu.memref_slice %arg6[%dma_start3A_1058, %dma_start3A_1067, %dma_start3A_1068] : memref<3x40x1024xf32, #tpu.memory_space<vmem>> -> memref<1x40x1024xf32, #tpu.memory_space<vmem>>
    %dma_start3A_1070 = tpu.memref_squeeze %dma_start3A_1069 : memref<1x40x1024xf32, #tpu.memory_space<vmem>> -> memref<40x1024xf32, #tpu.memory_space<vmem>>
    tpu.enqueue_dma source(%dma_start3A_1070 : memref<40x1024xf32, #tpu.memory_space<vmem>>) target(%dma_start3A_1066 : memref<40x1024xf32, #tpu.memory_space<hbm>>) target_semaphore(%arg10 : memref<!tpu.dma_semaphore, #tpu.memory_space<semaphore_mem>>)
    %dma_wait3A_1071 = arith.constant 0 : i32
    %dma_wait3A_1072 = arith.constant 0 : i32
    %dma_wait3A_1073 = arith.constant 0 : i32
    %dma_wait3A_1074 = tpu.memref_slice %arg6[%dma_wait3A_1071, %dma_wait3A_1072, %dma_wait3A_1073] : memref<3x40x1024xf32, #tpu.memory_space<vmem>> -> memref<1x40x1024xf32, #tpu.memory_space<vmem>>
    %dma_wait3A_1075 = tpu.memref_squeeze %dma_wait3A_1074 : memref<1x40x1024xf32, #tpu.memory_space<vmem>> -> memref<40x1024xf32, #tpu.memory_space<vmem>>
    %dma_wait3A_1076 = arith.constant 0 : i32
    %dma_wait3A_1077 = tpu.memref_slice %arg4[%add3A_1057, %dma_wait3A_1076] : memref<51200x1024xf32, #tpu.memory_space<hbm>> -> memref<40x1024xf32, #tpu.memory_space<hbm>>
    %dma_wait3A_1078 = arith.constant 0 : i32
    %dma_wait3A_1079 = tpu.memref_slice %arg4[%add3A_1057, %dma_wait3A_1078] : memref<51200x1024xf32, #tpu.memory_space<hbm>> -> memref<40x1024xf32, #tpu.memory_space<hbm>>
    %dma_wait3A_1080 = arith.constant 0 : i32
    %dma_wait3A_1081 = arith.constant 0 : i32
    %dma_wait3A_1082 = tpu.memref_slice %arg6[%dma_wait3A_1071, %dma_wait3A_1080, %dma_wait3A_1081] : memref<3x40x1024xf32, #tpu.memory_space<vmem>> -> memref<1x40x1024xf32, #tpu.memory_space<vmem>>
    %dma_wait3A_1083 = tpu.memref_squeeze %dma_wait3A_1082 : memref<1x40x1024xf32, #tpu.memory_space<vmem>> -> memref<40x1024xf32, #tpu.memory_space<vmem>>
    tpu.wait_dma2 semaphore(%arg10 : memref<!tpu.dma_semaphore, #tpu.memory_space<semaphore_mem>>) src(%dma_wait3A_1083 : memref<40x1024xf32, #tpu.memory_space<vmem>>) dst(%dma_wait3A_1079 : memref<40x1024xf32, #tpu.memory_space<hbm>>)
    %dma_start3A_1084 = arith.constant 0 : i32
    %dma_start3A_1085 = arith.constant 0 : i32
    %dma_start3A_1086 = arith.constant 0 : i32
    %dma_start3A_1087 = tpu.memref_slice %arg6[%dma_start3A_1084, %dma_start3A_1085, %dma_start3A_1086] : memref<3x40x1024xf32, #tpu.memory_space<vmem>> -> memref<1x40x1024xf32, #tpu.memory_space<vmem>>
    %dma_start3A_1088 = tpu.memref_squeeze %dma_start3A_1087 : memref<1x40x1024xf32, #tpu.memory_space<vmem>> -> memref<40x1024xf32, #tpu.memory_space<vmem>>
    %dma_start3A_1089 = arith.constant 960 : i32
    %dma_start3A_1090 = tpu.memref_slice %arg5[%dma_start3A_1089] : memref<1600xi32, #tpu.memory_space<vmem>> -> memref<40xi32, #tpu.memory_space<vmem>>
    %dma_start3A_1091 = arith.constant 0 : i32
    %dma_start3A_1092 = arith.constant 0 : i32
    %dma_start3A_1093 = tpu.memref_slice %arg3[%dma_start3A_1091, %dma_start3A_1092] : memref<2048x1024xf32, #tpu.memory_space<hbm>> -> memref<2048x1024xf32, #tpu.memory_space<hbm>>
    tpu.enqueue_indirect_dma source(%dma_start3A_1093 : memref<2048x1024xf32, #tpu.memory_space<hbm>>) target(%dma_start3A_1088 : memref<40x1024xf32, #tpu.memory_space<vmem>>) offsets(%dma_start3A_1090 : memref<40xi32, #tpu.memory_space<vmem>>) semaphore(%arg7 : memref<!tpu.dma_semaphore, #tpu.memory_space<semaphore_mem>>)
    %dma_wait3A_1094 = arith.constant 1 : i32
    %dma_wait3A_1095 = arith.constant 0 : i32
    %dma_wait3A_1096 = arith.constant 0 : i32
    %dma_wait3A_1097 = tpu.memref_slice %arg6[%dma_wait3A_1094, %dma_wait3A_1095, %dma_wait3A_1096] : memref<3x40x1024xf32, #tpu.memory_space<vmem>> -> memref<1x40x1024xf32, #tpu.memory_space<vmem>>
    %dma_wait3A_1098 = tpu.memref_squeeze %dma_wait3A_1097 : memref<1x40x1024xf32, #tpu.memory_space<vmem>> -> memref<40x1024xf32, #tpu.memory_space<vmem>>
    %dma_wait3A_1099 = arith.constant 880 : i32
    %dma_wait3A_1100 = tpu.memref_slice %arg5[%dma_wait3A_1099] : memref<1600xi32, #tpu.memory_space<vmem>> -> memref<40xi32, #tpu.memory_space<vmem>>
    %dma_wait3A_1101 = arith.constant 0 : i32
    %dma_wait3A_1102 = arith.constant 0 : i32
    %dma_wait3A_1103 = tpu.memref_slice %arg3[%dma_wait3A_1101, %dma_wait3A_1102] : memref<2048x1024xf32, #tpu.memory_space<hbm>> -> memref<2048x1024xf32, #tpu.memory_space<hbm>>
    tpu.wait_indirect_dma semaphore(%arg8 : memref<!tpu.dma_semaphore, #tpu.memory_space<semaphore_mem>>) src(%dma_wait3A_1103 : memref<2048x1024xf32, #tpu.memory_space<hbm>>) dst(%dma_wait3A_1098 : memref<40x1024xf32, #tpu.memory_space<vmem>>)
    %add3A_1104 = arith.constant 880 : i32
    %add3A_1105 = arith.addi %mul3A_2, %add3A_1104 : i32
    %dma_start3A_1106 = arith.constant 1 : i32
    %dma_start3A_1107 = arith.constant 0 : i32
    %dma_start3A_1108 = arith.constant 0 : i32
    %dma_start3A_1109 = tpu.memref_slice %arg6[%dma_start3A_1106, %dma_start3A_1107, %dma_start3A_1108] : memref<3x40x1024xf32, #tpu.memory_space<vmem>> -> memref<1x40x1024xf32, #tpu.memory_space<vmem>>
    %dma_start3A_1110 = tpu.memref_squeeze %dma_start3A_1109 : memref<1x40x1024xf32, #tpu.memory_space<vmem>> -> memref<40x1024xf32, #tpu.memory_space<vmem>>
    %dma_start3A_1111 = arith.constant 0 : i32
    %dma_start3A_1112 = tpu.memref_slice %arg4[%add3A_1105, %dma_start3A_1111] : memref<51200x1024xf32, #tpu.memory_space<hbm>> -> memref<40x1024xf32, #tpu.memory_space<hbm>>
    %dma_start3A_1113 = arith.constant 0 : i32
    %dma_start3A_1114 = tpu.memref_slice %arg4[%add3A_1105, %dma_start3A_1113] : memref<51200x1024xf32, #tpu.memory_space<hbm>> -> memref<40x1024xf32, #tpu.memory_space<hbm>>
    %dma_start3A_1115 = arith.constant 0 : i32
    %dma_start3A_1116 = arith.constant 0 : i32
    %dma_start3A_1117 = tpu.memref_slice %arg6[%dma_start3A_1106, %dma_start3A_1115, %dma_start3A_1116] : memref<3x40x1024xf32, #tpu.memory_space<vmem>> -> memref<1x40x1024xf32, #tpu.memory_space<vmem>>
    %dma_start3A_1118 = tpu.memref_squeeze %dma_start3A_1117 : memref<1x40x1024xf32, #tpu.memory_space<vmem>> -> memref<40x1024xf32, #tpu.memory_space<vmem>>
    tpu.enqueue_dma source(%dma_start3A_1118 : memref<40x1024xf32, #tpu.memory_space<vmem>>) target(%dma_start3A_1114 : memref<40x1024xf32, #tpu.memory_space<hbm>>) target_semaphore(%arg11 : memref<!tpu.dma_semaphore, #tpu.memory_space<semaphore_mem>>)
    %dma_wait3A_1119 = arith.constant 1 : i32
    %dma_wait3A_1120 = arith.constant 0 : i32
    %dma_wait3A_1121 = arith.constant 0 : i32
    %dma_wait3A_1122 = tpu.memref_slice %arg6[%dma_wait3A_1119, %dma_wait3A_1120, %dma_wait3A_1121] : memref<3x40x1024xf32, #tpu.memory_space<vmem>> -> memref<1x40x1024xf32, #tpu.memory_space<vmem>>
    %dma_wait3A_1123 = tpu.memref_squeeze %dma_wait3A_1122 : memref<1x40x1024xf32, #tpu.memory_space<vmem>> -> memref<40x1024xf32, #tpu.memory_space<vmem>>
    %dma_wait3A_1124 = arith.constant 0 : i32
    %dma_wait3A_1125 = tpu.memref_slice %arg4[%add3A_1105, %dma_wait3A_1124] : memref<51200x1024xf32, #tpu.memory_space<hbm>> -> memref<40x1024xf32, #tpu.memory_space<hbm>>
    %dma_wait3A_1126 = arith.constant 0 : i32
    %dma_wait3A_1127 = tpu.memref_slice %arg4[%add3A_1105, %dma_wait3A_1126] : memref<51200x1024xf32, #tpu.memory_space<hbm>> -> memref<40x1024xf32, #tpu.memory_space<hbm>>
    %dma_wait3A_1128 = arith.constant 0 : i32
    %dma_wait3A_1129 = arith.constant 0 : i32
    %dma_wait3A_1130 = tpu.memref_slice %arg6[%dma_wait3A_1119, %dma_wait3A_1128, %dma_wait3A_1129] : memref<3x40x1024xf32, #tpu.memory_space<vmem>> -> memref<1x40x1024xf32, #tpu.memory_space<vmem>>
    %dma_wait3A_1131 = tpu.memref_squeeze %dma_wait3A_1130 : memref<1x40x1024xf32, #tpu.memory_space<vmem>> -> memref<40x1024xf32, #tpu.memory_space<vmem>>
    tpu.wait_dma2 semaphore(%arg11 : memref<!tpu.dma_semaphore, #tpu.memory_space<semaphore_mem>>) src(%dma_wait3A_1131 : memref<40x1024xf32, #tpu.memory_space<vmem>>) dst(%dma_wait3A_1127 : memref<40x1024xf32, #tpu.memory_space<hbm>>)
    %dma_start3A_1132 = arith.constant 1 : i32
    %dma_start3A_1133 = arith.constant 0 : i32
    %dma_start3A_1134 = arith.constant 0 : i32
    %dma_start3A_1135 = tpu.memref_slice %arg6[%dma_start3A_1132, %dma_start3A_1133, %dma_start3A_1134] : memref<3x40x1024xf32, #tpu.memory_space<vmem>> -> memref<1x40x1024xf32, #tpu.memory_space<vmem>>
    %dma_start3A_1136 = tpu.memref_squeeze %dma_start3A_1135 : memref<1x40x1024xf32, #tpu.memory_space<vmem>> -> memref<40x1024xf32, #tpu.memory_space<vmem>>
    %dma_start3A_1137 = arith.constant 1000 : i32
    %dma_start3A_1138 = tpu.memref_slice %arg5[%dma_start3A_1137] : memref<1600xi32, #tpu.memory_space<vmem>> -> memref<40xi32, #tpu.memory_space<vmem>>
    %dma_start3A_1139 = arith.constant 0 : i32
    %dma_start3A_1140 = arith.constant 0 : i32
    %dma_start3A_1141 = tpu.memref_slice %arg3[%dma_start3A_1139, %dma_start3A_1140] : memref<2048x1024xf32, #tpu.memory_space<hbm>> -> memref<2048x1024xf32, #tpu.memory_space<hbm>>
    tpu.enqueue_indirect_dma source(%dma_start3A_1141 : memref<2048x1024xf32, #tpu.memory_space<hbm>>) target(%dma_start3A_1136 : memref<40x1024xf32, #tpu.memory_space<vmem>>) offsets(%dma_start3A_1138 : memref<40xi32, #tpu.memory_space<vmem>>) semaphore(%arg8 : memref<!tpu.dma_semaphore, #tpu.memory_space<semaphore_mem>>)
    %dma_wait3A_1142 = arith.constant 2 : i32
    %dma_wait3A_1143 = arith.constant 0 : i32
    %dma_wait3A_1144 = arith.constant 0 : i32
    %dma_wait3A_1145 = tpu.memref_slice %arg6[%dma_wait3A_1142, %dma_wait3A_1143, %dma_wait3A_1144] : memref<3x40x1024xf32, #tpu.memory_space<vmem>> -> memref<1x40x1024xf32, #tpu.memory_space<vmem>>
    %dma_wait3A_1146 = tpu.memref_squeeze %dma_wait3A_1145 : memref<1x40x1024xf32, #tpu.memory_space<vmem>> -> memref<40x1024xf32, #tpu.memory_space<vmem>>
    %dma_wait3A_1147 = arith.constant 920 : i32
    %dma_wait3A_1148 = tpu.memref_slice %arg5[%dma_wait3A_1147] : memref<1600xi32, #tpu.memory_space<vmem>> -> memref<40xi32, #tpu.memory_space<vmem>>
    %dma_wait3A_1149 = arith.constant 0 : i32
    %dma_wait3A_1150 = arith.constant 0 : i32
    %dma_wait3A_1151 = tpu.memref_slice %arg3[%dma_wait3A_1149, %dma_wait3A_1150] : memref<2048x1024xf32, #tpu.memory_space<hbm>> -> memref<2048x1024xf32, #tpu.memory_space<hbm>>
    tpu.wait_indirect_dma semaphore(%arg9 : memref<!tpu.dma_semaphore, #tpu.memory_space<semaphore_mem>>) src(%dma_wait3A_1151 : memref<2048x1024xf32, #tpu.memory_space<hbm>>) dst(%dma_wait3A_1146 : memref<40x1024xf32, #tpu.memory_space<vmem>>)
    %add3A_1152 = arith.constant 920 : i32
    %add3A_1153 = arith.addi %mul3A_2, %add3A_1152 : i32
    %dma_start3A_1154 = arith.constant 2 : i32
    %dma_start3A_1155 = arith.constant 0 : i32
    %dma_start3A_1156 = arith.constant 0 : i32
    %dma_start3A_1157 = tpu.memref_slice %arg6[%dma_start3A_1154, %dma_start3A_1155, %dma_start3A_1156] : memref<3x40x1024xf32, #tpu.memory_space<vmem>> -> memref<1x40x1024xf32, #tpu.memory_space<vmem>>
    %dma_start3A_1158 = tpu.memref_squeeze %dma_start3A_1157 : memref<1x40x1024xf32, #tpu.memory_space<vmem>> -> memref<40x1024xf32, #tpu.memory_space<vmem>>
    %dma_start3A_1159 = arith.constant 0 : i32
    %dma_start3A_1160 = tpu.memref_slice %arg4[%add3A_1153, %dma_start3A_1159] : memref<51200x1024xf32, #tpu.memory_space<hbm>> -> memref<40x1024xf32, #tpu.memory_space<hbm>>
    %dma_start3A_1161 = arith.constant 0 : i32
    %dma_start3A_1162 = tpu.memref_slice %arg4[%add3A_1153, %dma_start3A_1161] : memref<51200x1024xf32, #tpu.memory_space<hbm>> -> memref<40x1024xf32, #tpu.memory_space<hbm>>
    %dma_start3A_1163 = arith.constant 0 : i32
    %dma_start3A_1164 = arith.constant 0 : i32
    %dma_start3A_1165 = tpu.memref_slice %arg6[%dma_start3A_1154, %dma_start3A_1163, %dma_start3A_1164] : memref<3x40x1024xf32, #tpu.memory_space<vmem>> -> memref<1x40x1024xf32, #tpu.memory_space<vmem>>
    %dma_start3A_1166 = tpu.memref_squeeze %dma_start3A_1165 : memref<1x40x1024xf32, #tpu.memory_space<vmem>> -> memref<40x1024xf32, #tpu.memory_space<vmem>>
    tpu.enqueue_dma source(%dma_start3A_1166 : memref<40x1024xf32, #tpu.memory_space<vmem>>) target(%dma_start3A_1162 : memref<40x1024xf32, #tpu.memory_space<hbm>>) target_semaphore(%arg12 : memref<!tpu.dma_semaphore, #tpu.memory_space<semaphore_mem>>)
    %dma_wait3A_1167 = arith.constant 2 : i32
    %dma_wait3A_1168 = arith.constant 0 : i32
    %dma_wait3A_1169 = arith.constant 0 : i32
    %dma_wait3A_1170 = tpu.memref_slice %arg6[%dma_wait3A_1167, %dma_wait3A_1168, %dma_wait3A_1169] : memref<3x40x1024xf32, #tpu.memory_space<vmem>> -> memref<1x40x1024xf32, #tpu.memory_space<vmem>>
    %dma_wait3A_1171 = tpu.memref_squeeze %dma_wait3A_1170 : memref<1x40x1024xf32, #tpu.memory_space<vmem>> -> memref<40x1024xf32, #tpu.memory_space<vmem>>
    %dma_wait3A_1172 = arith.constant 0 : i32
    %dma_wait3A_1173 = tpu.memref_slice %arg4[%add3A_1153, %dma_wait3A_1172] : memref<51200x1024xf32, #tpu.memory_space<hbm>> -> memref<40x1024xf32, #tpu.memory_space<hbm>>
    %dma_wait3A_1174 = arith.constant 0 : i32
    %dma_wait3A_1175 = tpu.memref_slice %arg4[%add3A_1153, %dma_wait3A_1174] : memref<51200x1024xf32, #tpu.memory_space<hbm>> -> memref<40x1024xf32, #tpu.memory_space<hbm>>
    %dma_wait3A_1176 = arith.constant 0 : i32
    %dma_wait3A_1177 = arith.constant 0 : i32
    %dma_wait3A_1178 = tpu.memref_slice %arg6[%dma_wait3A_1167, %dma_wait3A_1176, %dma_wait3A_1177] : memref<3x40x1024xf32, #tpu.memory_space<vmem>> -> memref<1x40x1024xf32, #tpu.memory_space<vmem>>
    %dma_wait3A_1179 = tpu.memref_squeeze %dma_wait3A_1178 : memref<1x40x1024xf32, #tpu.memory_space<vmem>> -> memref<40x1024xf32, #tpu.memory_space<vmem>>
    tpu.wait_dma2 semaphore(%arg12 : memref<!tpu.dma_semaphore, #tpu.memory_space<semaphore_mem>>) src(%dma_wait3A_1179 : memref<40x1024xf32, #tpu.memory_space<vmem>>) dst(%dma_wait3A_1175 : memref<40x1024xf32, #tpu.memory_space<hbm>>)
    %dma_start3A_1180 = arith.constant 2 : i32
    %dma_start3A_1181 = arith.constant 0 : i32
    %dma_start3A_1182 = arith.constant 0 : i32
    %dma_start3A_1183 = tpu.memref_slice %arg6[%dma_start3A_1180, %dma_start3A_1181, %dma_start3A_1182] : memref<3x40x1024xf32, #tpu.memory_space<vmem>> -> memref<1x40x1024xf32, #tpu.memory_space<vmem>>
    %dma_start3A_1184 = tpu.memref_squeeze %dma_start3A_1183 : memref<1x40x1024xf32, #tpu.memory_space<vmem>> -> memref<40x1024xf32, #tpu.memory_space<vmem>>
    %dma_start3A_1185 = arith.constant 1040 : i32
    %dma_start3A_1186 = tpu.memref_slice %arg5[%dma_start3A_1185] : memref<1600xi32, #tpu.memory_space<vmem>> -> memref<40xi32, #tpu.memory_space<vmem>>
    %dma_start3A_1187 = arith.constant 0 : i32
    %dma_start3A_1188 = arith.constant 0 : i32
    %dma_start3A_1189 = tpu.memref_slice %arg3[%dma_start3A_1187, %dma_start3A_1188] : memref<2048x1024xf32, #tpu.memory_space<hbm>> -> memref<2048x1024xf32, #tpu.memory_space<hbm>>
    tpu.enqueue_indirect_dma source(%dma_start3A_1189 : memref<2048x1024xf32, #tpu.memory_space<hbm>>) target(%dma_start3A_1184 : memref<40x1024xf32, #tpu.memory_space<vmem>>) offsets(%dma_start3A_1186 : memref<40xi32, #tpu.memory_space<vmem>>) semaphore(%arg9 : memref<!tpu.dma_semaphore, #tpu.memory_space<semaphore_mem>>)
    %dma_wait3A_1190 = arith.constant 0 : i32
    %dma_wait3A_1191 = arith.constant 0 : i32
    %dma_wait3A_1192 = arith.constant 0 : i32
    %dma_wait3A_1193 = tpu.memref_slice %arg6[%dma_wait3A_1190, %dma_wait3A_1191, %dma_wait3A_1192] : memref<3x40x1024xf32, #tpu.memory_space<vmem>> -> memref<1x40x1024xf32, #tpu.memory_space<vmem>>
    %dma_wait3A_1194 = tpu.memref_squeeze %dma_wait3A_1193 : memref<1x40x1024xf32, #tpu.memory_space<vmem>> -> memref<40x1024xf32, #tpu.memory_space<vmem>>
    %dma_wait3A_1195 = arith.constant 960 : i32
    %dma_wait3A_1196 = tpu.memref_slice %arg5[%dma_wait3A_1195] : memref<1600xi32, #tpu.memory_space<vmem>> -> memref<40xi32, #tpu.memory_space<vmem>>
    %dma_wait3A_1197 = arith.constant 0 : i32
    %dma_wait3A_1198 = arith.constant 0 : i32
    %dma_wait3A_1199 = tpu.memref_slice %arg3[%dma_wait3A_1197, %dma_wait3A_1198] : memref<2048x1024xf32, #tpu.memory_space<hbm>> -> memref<2048x1024xf32, #tpu.memory_space<hbm>>
    tpu.wait_indirect_dma semaphore(%arg7 : memref<!tpu.dma_semaphore, #tpu.memory_space<semaphore_mem>>) src(%dma_wait3A_1199 : memref<2048x1024xf32, #tpu.memory_space<hbm>>) dst(%dma_wait3A_1194 : memref<40x1024xf32, #tpu.memory_space<vmem>>)
    %add3A_1200 = arith.constant 960 : i32
    %add3A_1201 = arith.addi %mul3A_2, %add3A_1200 : i32
    %dma_start3A_1202 = arith.constant 0 : i32
    %dma_start3A_1203 = arith.constant 0 : i32
    %dma_start3A_1204 = arith.constant 0 : i32
    %dma_start3A_1205 = tpu.memref_slice %arg6[%dma_start3A_1202, %dma_start3A_1203, %dma_start3A_1204] : memref<3x40x1024xf32, #tpu.memory_space<vmem>> -> memref<1x40x1024xf32, #tpu.memory_space<vmem>>
    %dma_start3A_1206 = tpu.memref_squeeze %dma_start3A_1205 : memref<1x40x1024xf32, #tpu.memory_space<vmem>> -> memref<40x1024xf32, #tpu.memory_space<vmem>>
    %dma_start3A_1207 = arith.constant 0 : i32
    %dma_start3A_1208 = tpu.memref_slice %arg4[%add3A_1201, %dma_start3A_1207] : memref<51200x1024xf32, #tpu.memory_space<hbm>> -> memref<40x1024xf32, #tpu.memory_space<hbm>>
    %dma_start3A_1209 = arith.constant 0 : i32
    %dma_start3A_1210 = tpu.memref_slice %arg4[%add3A_1201, %dma_start3A_1209] : memref<51200x1024xf32, #tpu.memory_space<hbm>> -> memref<40x1024xf32, #tpu.memory_space<hbm>>
    %dma_start3A_1211 = arith.constant 0 : i32
    %dma_start3A_1212 = arith.constant 0 : i32
    %dma_start3A_1213 = tpu.memref_slice %arg6[%dma_start3A_1202, %dma_start3A_1211, %dma_start3A_1212] : memref<3x40x1024xf32, #tpu.memory_space<vmem>> -> memref<1x40x1024xf32, #tpu.memory_space<vmem>>
    %dma_start3A_1214 = tpu.memref_squeeze %dma_start3A_1213 : memref<1x40x1024xf32, #tpu.memory_space<vmem>> -> memref<40x1024xf32, #tpu.memory_space<vmem>>
    tpu.enqueue_dma source(%dma_start3A_1214 : memref<40x1024xf32, #tpu.memory_space<vmem>>) target(%dma_start3A_1210 : memref<40x1024xf32, #tpu.memory_space<hbm>>) target_semaphore(%arg10 : memref<!tpu.dma_semaphore, #tpu.memory_space<semaphore_mem>>)
    %dma_wait3A_1215 = arith.constant 0 : i32
    %dma_wait3A_1216 = arith.constant 0 : i32
    %dma_wait3A_1217 = arith.constant 0 : i32
    %dma_wait3A_1218 = tpu.memref_slice %arg6[%dma_wait3A_1215, %dma_wait3A_1216, %dma_wait3A_1217] : memref<3x40x1024xf32, #tpu.memory_space<vmem>> -> memref<1x40x1024xf32, #tpu.memory_space<vmem>>
    %dma_wait3A_1219 = tpu.memref_squeeze %dma_wait3A_1218 : memref<1x40x1024xf32, #tpu.memory_space<vmem>> -> memref<40x1024xf32, #tpu.memory_space<vmem>>
    %dma_wait3A_1220 = arith.constant 0 : i32
    %dma_wait3A_1221 = tpu.memref_slice %arg4[%add3A_1201, %dma_wait3A_1220] : memref<51200x1024xf32, #tpu.memory_space<hbm>> -> memref<40x1024xf32, #tpu.memory_space<hbm>>
    %dma_wait3A_1222 = arith.constant 0 : i32
    %dma_wait3A_1223 = tpu.memref_slice %arg4[%add3A_1201, %dma_wait3A_1222] : memref<51200x1024xf32, #tpu.memory_space<hbm>> -> memref<40x1024xf32, #tpu.memory_space<hbm>>
    %dma_wait3A_1224 = arith.constant 0 : i32
    %dma_wait3A_1225 = arith.constant 0 : i32
    %dma_wait3A_1226 = tpu.memref_slice %arg6[%dma_wait3A_1215, %dma_wait3A_1224, %dma_wait3A_1225] : memref<3x40x1024xf32, #tpu.memory_space<vmem>> -> memref<1x40x1024xf32, #tpu.memory_space<vmem>>
    %dma_wait3A_1227 = tpu.memref_squeeze %dma_wait3A_1226 : memref<1x40x1024xf32, #tpu.memory_space<vmem>> -> memref<40x1024xf32, #tpu.memory_space<vmem>>
    tpu.wait_dma2 semaphore(%arg10 : memref<!tpu.dma_semaphore, #tpu.memory_space<semaphore_mem>>) src(%dma_wait3A_1227 : memref<40x1024xf32, #tpu.memory_space<vmem>>) dst(%dma_wait3A_1223 : memref<40x1024xf32, #tpu.memory_space<hbm>>)
    %dma_start3A_1228 = arith.constant 0 : i32
    %dma_start3A_1229 = arith.constant 0 : i32
    %dma_start3A_1230 = arith.constant 0 : i32
    %dma_start3A_1231 = tpu.memref_slice %arg6[%dma_start3A_1228, %dma_start3A_1229, %dma_start3A_1230] : memref<3x40x1024xf32, #tpu.memory_space<vmem>> -> memref<1x40x1024xf32, #tpu.memory_space<vmem>>
    %dma_start3A_1232 = tpu.memref_squeeze %dma_start3A_1231 : memref<1x40x1024xf32, #tpu.memory_space<vmem>> -> memref<40x1024xf32, #tpu.memory_space<vmem>>
    %dma_start3A_1233 = arith.constant 1080 : i32
    %dma_start3A_1234 = tpu.memref_slice %arg5[%dma_start3A_1233] : memref<1600xi32, #tpu.memory_space<vmem>> -> memref<40xi32, #tpu.memory_space<vmem>>
    %dma_start3A_1235 = arith.constant 0 : i32
    %dma_start3A_1236 = arith.constant 0 : i32
    %dma_start3A_1237 = tpu.memref_slice %arg3[%dma_start3A_1235, %dma_start3A_1236] : memref<2048x1024xf32, #tpu.memory_space<hbm>> -> memref<2048x1024xf32, #tpu.memory_space<hbm>>
    tpu.enqueue_indirect_dma source(%dma_start3A_1237 : memref<2048x1024xf32, #tpu.memory_space<hbm>>) target(%dma_start3A_1232 : memref<40x1024xf32, #tpu.memory_space<vmem>>) offsets(%dma_start3A_1234 : memref<40xi32, #tpu.memory_space<vmem>>) semaphore(%arg7 : memref<!tpu.dma_semaphore, #tpu.memory_space<semaphore_mem>>)
    %dma_wait3A_1238 = arith.constant 1 : i32
    %dma_wait3A_1239 = arith.constant 0 : i32
    %dma_wait3A_1240 = arith.constant 0 : i32
    %dma_wait3A_1241 = tpu.memref_slice %arg6[%dma_wait3A_1238, %dma_wait3A_1239, %dma_wait3A_1240] : memref<3x40x1024xf32, #tpu.memory_space<vmem>> -> memref<1x40x1024xf32, #tpu.memory_space<vmem>>
    %dma_wait3A_1242 = tpu.memref_squeeze %dma_wait3A_1241 : memref<1x40x1024xf32, #tpu.memory_space<vmem>> -> memref<40x1024xf32, #tpu.memory_space<vmem>>
    %dma_wait3A_1243 = arith.constant 1000 : i32
    %dma_wait3A_1244 = tpu.memref_slice %arg5[%dma_wait3A_1243] : memref<1600xi32, #tpu.memory_space<vmem>> -> memref<40xi32, #tpu.memory_space<vmem>>
    %dma_wait3A_1245 = arith.constant 0 : i32
    %dma_wait3A_1246 = arith.constant 0 : i32
    %dma_wait3A_1247 = tpu.memref_slice %arg3[%dma_wait3A_1245, %dma_wait3A_1246] : memref<2048x1024xf32, #tpu.memory_space<hbm>> -> memref<2048x1024xf32, #tpu.memory_space<hbm>>
    tpu.wait_indirect_dma semaphore(%arg8 : memref<!tpu.dma_semaphore, #tpu.memory_space<semaphore_mem>>) src(%dma_wait3A_1247 : memref<2048x1024xf32, #tpu.memory_space<hbm>>) dst(%dma_wait3A_1242 : memref<40x1024xf32, #tpu.memory_space<vmem>>)
    %add3A_1248 = arith.constant 1000 : i32
    %add3A_1249 = arith.addi %mul3A_2, %add3A_1248 : i32
    %dma_start3A_1250 = arith.constant 1 : i32
    %dma_start3A_1251 = arith.constant 0 : i32
    %dma_start3A_1252 = arith.constant 0 : i32
    %dma_start3A_1253 = tpu.memref_slice %arg6[%dma_start3A_1250, %dma_start3A_1251, %dma_start3A_1252] : memref<3x40x1024xf32, #tpu.memory_space<vmem>> -> memref<1x40x1024xf32, #tpu.memory_space<vmem>>
    %dma_start3A_1254 = tpu.memref_squeeze %dma_start3A_1253 : memref<1x40x1024xf32, #tpu.memory_space<vmem>> -> memref<40x1024xf32, #tpu.memory_space<vmem>>
    %dma_start3A_1255 = arith.constant 0 : i32
    %dma_start3A_1256 = tpu.memref_slice %arg4[%add3A_1249, %dma_start3A_1255] : memref<51200x1024xf32, #tpu.memory_space<hbm>> -> memref<40x1024xf32, #tpu.memory_space<hbm>>
    %dma_start3A_1257 = arith.constant 0 : i32
    %dma_start3A_1258 = tpu.memref_slice %arg4[%add3A_1249, %dma_start3A_1257] : memref<51200x1024xf32, #tpu.memory_space<hbm>> -> memref<40x1024xf32, #tpu.memory_space<hbm>>
    %dma_start3A_1259 = arith.constant 0 : i32
    %dma_start3A_1260 = arith.constant 0 : i32
    %dma_start3A_1261 = tpu.memref_slice %arg6[%dma_start3A_1250, %dma_start3A_1259, %dma_start3A_1260] : memref<3x40x1024xf32, #tpu.memory_space<vmem>> -> memref<1x40x1024xf32, #tpu.memory_space<vmem>>
    %dma_start3A_1262 = tpu.memref_squeeze %dma_start3A_1261 : memref<1x40x1024xf32, #tpu.memory_space<vmem>> -> memref<40x1024xf32, #tpu.memory_space<vmem>>
    tpu.enqueue_dma source(%dma_start3A_1262 : memref<40x1024xf32, #tpu.memory_space<vmem>>) target(%dma_start3A_1258 : memref<40x1024xf32, #tpu.memory_space<hbm>>) target_semaphore(%arg11 : memref<!tpu.dma_semaphore, #tpu.memory_space<semaphore_mem>>)
    %dma_wait3A_1263 = arith.constant 1 : i32
    %dma_wait3A_1264 = arith.constant 0 : i32
    %dma_wait3A_1265 = arith.constant 0 : i32
    %dma_wait3A_1266 = tpu.memref_slice %arg6[%dma_wait3A_1263, %dma_wait3A_1264, %dma_wait3A_1265] : memref<3x40x1024xf32, #tpu.memory_space<vmem>> -> memref<1x40x1024xf32, #tpu.memory_space<vmem>>
    %dma_wait3A_1267 = tpu.memref_squeeze %dma_wait3A_1266 : memref<1x40x1024xf32, #tpu.memory_space<vmem>> -> memref<40x1024xf32, #tpu.memory_space<vmem>>
    %dma_wait3A_1268 = arith.constant 0 : i32
    %dma_wait3A_1269 = tpu.memref_slice %arg4[%add3A_1249, %dma_wait3A_1268] : memref<51200x1024xf32, #tpu.memory_space<hbm>> -> memref<40x1024xf32, #tpu.memory_space<hbm>>
    %dma_wait3A_1270 = arith.constant 0 : i32
    %dma_wait3A_1271 = tpu.memref_slice %arg4[%add3A_1249, %dma_wait3A_1270] : memref<51200x1024xf32, #tpu.memory_space<hbm>> -> memref<40x1024xf32, #tpu.memory_space<hbm>>
    %dma_wait3A_1272 = arith.constant 0 : i32
    %dma_wait3A_1273 = arith.constant 0 : i32
    %dma_wait3A_1274 = tpu.memref_slice %arg6[%dma_wait3A_1263, %dma_wait3A_1272, %dma_wait3A_1273] : memref<3x40x1024xf32, #tpu.memory_space<vmem>> -> memref<1x40x1024xf32, #tpu.memory_space<vmem>>
    %dma_wait3A_1275 = tpu.memref_squeeze %dma_wait3A_1274 : memref<1x40x1024xf32, #tpu.memory_space<vmem>> -> memref<40x1024xf32, #tpu.memory_space<vmem>>
    tpu.wait_dma2 semaphore(%arg11 : memref<!tpu.dma_semaphore, #tpu.memory_space<semaphore_mem>>) src(%dma_wait3A_1275 : memref<40x1024xf32, #tpu.memory_space<vmem>>) dst(%dma_wait3A_1271 : memref<40x1024xf32, #tpu.memory_space<hbm>>)
    %dma_start3A_1276 = arith.constant 1 : i32
    %dma_start3A_1277 = arith.constant 0 : i32
    %dma_start3A_1278 = arith.constant 0 : i32
    %dma_start3A_1279 = tpu.memref_slice %arg6[%dma_start3A_1276, %dma_start3A_1277, %dma_start3A_1278] : memref<3x40x1024xf32, #tpu.memory_space<vmem>> -> memref<1x40x1024xf32, #tpu.memory_space<vmem>>
    %dma_start3A_1280 = tpu.memref_squeeze %dma_start3A_1279 : memref<1x40x1024xf32, #tpu.memory_space<vmem>> -> memref<40x1024xf32, #tpu.memory_space<vmem>>
    %dma_start3A_1281 = arith.constant 1120 : i32
    %dma_start3A_1282 = tpu.memref_slice %arg5[%dma_start3A_1281] : memref<1600xi32, #tpu.memory_space<vmem>> -> memref<40xi32, #tpu.memory_space<vmem>>
    %dma_start3A_1283 = arith.constant 0 : i32
    %dma_start3A_1284 = arith.constant 0 : i32
    %dma_start3A_1285 = tpu.memref_slice %arg3[%dma_start3A_1283, %dma_start3A_1284] : memref<2048x1024xf32, #tpu.memory_space<hbm>> -> memref<2048x1024xf32, #tpu.memory_space<hbm>>
    tpu.enqueue_indirect_dma source(%dma_start3A_1285 : memref<2048x1024xf32, #tpu.memory_space<hbm>>) target(%dma_start3A_1280 : memref<40x1024xf32, #tpu.memory_space<vmem>>) offsets(%dma_start3A_1282 : memref<40xi32, #tpu.memory_space<vmem>>) semaphore(%arg8 : memref<!tpu.dma_semaphore, #tpu.memory_space<semaphore_mem>>)
    %dma_wait3A_1286 = arith.constant 2 : i32
    %dma_wait3A_1287 = arith.constant 0 : i32
    %dma_wait3A_1288 = arith.constant 0 : i32
    %dma_wait3A_1289 = tpu.memref_slice %arg6[%dma_wait3A_1286, %dma_wait3A_1287, %dma_wait3A_1288] : memref<3x40x1024xf32, #tpu.memory_space<vmem>> -> memref<1x40x1024xf32, #tpu.memory_space<vmem>>
    %dma_wait3A_1290 = tpu.memref_squeeze %dma_wait3A_1289 : memref<1x40x1024xf32, #tpu.memory_space<vmem>> -> memref<40x1024xf32, #tpu.memory_space<vmem>>
    %dma_wait3A_1291 = arith.constant 1040 : i32
    %dma_wait3A_1292 = tpu.memref_slice %arg5[%dma_wait3A_1291] : memref<1600xi32, #tpu.memory_space<vmem>> -> memref<40xi32, #tpu.memory_space<vmem>>
    %dma_wait3A_1293 = arith.constant 0 : i32
    %dma_wait3A_1294 = arith.constant 0 : i32
    %dma_wait3A_1295 = tpu.memref_slice %arg3[%dma_wait3A_1293, %dma_wait3A_1294] : memref<2048x1024xf32, #tpu.memory_space<hbm>> -> memref<2048x1024xf32, #tpu.memory_space<hbm>>
    tpu.wait_indirect_dma semaphore(%arg9 : memref<!tpu.dma_semaphore, #tpu.memory_space<semaphore_mem>>) src(%dma_wait3A_1295 : memref<2048x1024xf32, #tpu.memory_space<hbm>>) dst(%dma_wait3A_1290 : memref<40x1024xf32, #tpu.memory_space<vmem>>)
    %add3A_1296 = arith.constant 1040 : i32
    %add3A_1297 = arith.addi %mul3A_2, %add3A_1296 : i32
    %dma_start3A_1298 = arith.constant 2 : i32
    %dma_start3A_1299 = arith.constant 0 : i32
    %dma_start3A_1300 = arith.constant 0 : i32
    %dma_start3A_1301 = tpu.memref_slice %arg6[%dma_start3A_1298, %dma_start3A_1299, %dma_start3A_1300] : memref<3x40x1024xf32, #tpu.memory_space<vmem>> -> memref<1x40x1024xf32, #tpu.memory_space<vmem>>
    %dma_start3A_1302 = tpu.memref_squeeze %dma_start3A_1301 : memref<1x40x1024xf32, #tpu.memory_space<vmem>> -> memref<40x1024xf32, #tpu.memory_space<vmem>>
    %dma_start3A_1303 = arith.constant 0 : i32
    %dma_start3A_1304 = tpu.memref_slice %arg4[%add3A_1297, %dma_start3A_1303] : memref<51200x1024xf32, #tpu.memory_space<hbm>> -> memref<40x1024xf32, #tpu.memory_space<hbm>>
    %dma_start3A_1305 = arith.constant 0 : i32
    %dma_start3A_1306 = tpu.memref_slice %arg4[%add3A_1297, %dma_start3A_1305] : memref<51200x1024xf32, #tpu.memory_space<hbm>> -> memref<40x1024xf32, #tpu.memory_space<hbm>>
    %dma_start3A_1307 = arith.constant 0 : i32
    %dma_start3A_1308 = arith.constant 0 : i32
    %dma_start3A_1309 = tpu.memref_slice %arg6[%dma_start3A_1298, %dma_start3A_1307, %dma_start3A_1308] : memref<3x40x1024xf32, #tpu.memory_space<vmem>> -> memref<1x40x1024xf32, #tpu.memory_space<vmem>>
    %dma_start3A_1310 = tpu.memref_squeeze %dma_start3A_1309 : memref<1x40x1024xf32, #tpu.memory_space<vmem>> -> memref<40x1024xf32, #tpu.memory_space<vmem>>
    tpu.enqueue_dma source(%dma_start3A_1310 : memref<40x1024xf32, #tpu.memory_space<vmem>>) target(%dma_start3A_1306 : memref<40x1024xf32, #tpu.memory_space<hbm>>) target_semaphore(%arg12 : memref<!tpu.dma_semaphore, #tpu.memory_space<semaphore_mem>>)
    %dma_wait3A_1311 = arith.constant 2 : i32
    %dma_wait3A_1312 = arith.constant 0 : i32
    %dma_wait3A_1313 = arith.constant 0 : i32
    %dma_wait3A_1314 = tpu.memref_slice %arg6[%dma_wait3A_1311, %dma_wait3A_1312, %dma_wait3A_1313] : memref<3x40x1024xf32, #tpu.memory_space<vmem>> -> memref<1x40x1024xf32, #tpu.memory_space<vmem>>
    %dma_wait3A_1315 = tpu.memref_squeeze %dma_wait3A_1314 : memref<1x40x1024xf32, #tpu.memory_space<vmem>> -> memref<40x1024xf32, #tpu.memory_space<vmem>>
    %dma_wait3A_1316 = arith.constant 0 : i32
    %dma_wait3A_1317 = tpu.memref_slice %arg4[%add3A_1297, %dma_wait3A_1316] : memref<51200x1024xf32, #tpu.memory_space<hbm>> -> memref<40x1024xf32, #tpu.memory_space<hbm>>
    %dma_wait3A_1318 = arith.constant 0 : i32
    %dma_wait3A_1319 = tpu.memref_slice %arg4[%add3A_1297, %dma_wait3A_1318] : memref<51200x1024xf32, #tpu.memory_space<hbm>> -> memref<40x1024xf32, #tpu.memory_space<hbm>>
    %dma_wait3A_1320 = arith.constant 0 : i32
    %dma_wait3A_1321 = arith.constant 0 : i32
    %dma_wait3A_1322 = tpu.memref_slice %arg6[%dma_wait3A_1311, %dma_wait3A_1320, %dma_wait3A_1321] : memref<3x40x1024xf32, #tpu.memory_space<vmem>> -> memref<1x40x1024xf32, #tpu.memory_space<vmem>>
    %dma_wait3A_1323 = tpu.memref_squeeze %dma_wait3A_1322 : memref<1x40x1024xf32, #tpu.memory_space<vmem>> -> memref<40x1024xf32, #tpu.memory_space<vmem>>
    tpu.wait_dma2 semaphore(%arg12 : memref<!tpu.dma_semaphore, #tpu.memory_space<semaphore_mem>>) src(%dma_wait3A_1323 : memref<40x1024xf32, #tpu.memory_space<vmem>>) dst(%dma_wait3A_1319 : memref<40x1024xf32, #tpu.memory_space<hbm>>)
    %dma_start3A_1324 = arith.constant 2 : i32
    %dma_start3A_1325 = arith.constant 0 : i32
    %dma_start3A_1326 = arith.constant 0 : i32
    %dma_start3A_1327 = tpu.memref_slice %arg6[%dma_start3A_1324, %dma_start3A_1325, %dma_start3A_1326] : memref<3x40x1024xf32, #tpu.memory_space<vmem>> -> memref<1x40x1024xf32, #tpu.memory_space<vmem>>
    %dma_start3A_1328 = tpu.memref_squeeze %dma_start3A_1327 : memref<1x40x1024xf32, #tpu.memory_space<vmem>> -> memref<40x1024xf32, #tpu.memory_space<vmem>>
    %dma_start3A_1329 = arith.constant 1160 : i32
    %dma_start3A_1330 = tpu.memref_slice %arg5[%dma_start3A_1329] : memref<1600xi32, #tpu.memory_space<vmem>> -> memref<40xi32, #tpu.memory_space<vmem>>
    %dma_start3A_1331 = arith.constant 0 : i32
    %dma_start3A_1332 = arith.constant 0 : i32
    %dma_start3A_1333 = tpu.memref_slice %arg3[%dma_start3A_1331, %dma_start3A_1332] : memref<2048x1024xf32, #tpu.memory_space<hbm>> -> memref<2048x1024xf32, #tpu.memory_space<hbm>>
    tpu.enqueue_indirect_dma source(%dma_start3A_1333 : memref<2048x1024xf32, #tpu.memory_space<hbm>>) target(%dma_start3A_1328 : memref<40x1024xf32, #tpu.memory_space<vmem>>) offsets(%dma_start3A_1330 : memref<40xi32, #tpu.memory_space<vmem>>) semaphore(%arg9 : memref<!tpu.dma_semaphore, #tpu.memory_space<semaphore_mem>>)
    %dma_wait3A_1334 = arith.constant 0 : i32
    %dma_wait3A_1335 = arith.constant 0 : i32
    %dma_wait3A_1336 = arith.constant 0 : i32
    %dma_wait3A_1337 = tpu.memref_slice %arg6[%dma_wait3A_1334, %dma_wait3A_1335, %dma_wait3A_1336] : memref<3x40x1024xf32, #tpu.memory_space<vmem>> -> memref<1x40x1024xf32, #tpu.memory_space<vmem>>
    %dma_wait3A_1338 = tpu.memref_squeeze %dma_wait3A_1337 : memref<1x40x1024xf32, #tpu.memory_space<vmem>> -> memref<40x1024xf32, #tpu.memory_space<vmem>>
    %dma_wait3A_1339 = arith.constant 1080 : i32
    %dma_wait3A_1340 = tpu.memref_slice %arg5[%dma_wait3A_1339] : memref<1600xi32, #tpu.memory_space<vmem>> -> memref<40xi32, #tpu.memory_space<vmem>>
    %dma_wait3A_1341 = arith.constant 0 : i32
    %dma_wait3A_1342 = arith.constant 0 : i32
    %dma_wait3A_1343 = tpu.memref_slice %arg3[%dma_wait3A_1341, %dma_wait3A_1342] : memref<2048x1024xf32, #tpu.memory_space<hbm>> -> memref<2048x1024xf32, #tpu.memory_space<hbm>>
    tpu.wait_indirect_dma semaphore(%arg7 : memref<!tpu.dma_semaphore, #tpu.memory_space<semaphore_mem>>) src(%dma_wait3A_1343 : memref<2048x1024xf32, #tpu.memory_space<hbm>>) dst(%dma_wait3A_1338 : memref<40x1024xf32, #tpu.memory_space<vmem>>)
    %add3A_1344 = arith.constant 1080 : i32
    %add3A_1345 = arith.addi %mul3A_2, %add3A_1344 : i32
    %dma_start3A_1346 = arith.constant 0 : i32
    %dma_start3A_1347 = arith.constant 0 : i32
    %dma_start3A_1348 = arith.constant 0 : i32
    %dma_start3A_1349 = tpu.memref_slice %arg6[%dma_start3A_1346, %dma_start3A_1347, %dma_start3A_1348] : memref<3x40x1024xf32, #tpu.memory_space<vmem>> -> memref<1x40x1024xf32, #tpu.memory_space<vmem>>
    %dma_start3A_1350 = tpu.memref_squeeze %dma_start3A_1349 : memref<1x40x1024xf32, #tpu.memory_space<vmem>> -> memref<40x1024xf32, #tpu.memory_space<vmem>>
    %dma_start3A_1351 = arith.constant 0 : i32
    %dma_start3A_1352 = tpu.memref_slice %arg4[%add3A_1345, %dma_start3A_1351] : memref<51200x1024xf32, #tpu.memory_space<hbm>> -> memref<40x1024xf32, #tpu.memory_space<hbm>>
    %dma_start3A_1353 = arith.constant 0 : i32
    %dma_start3A_1354 = tpu.memref_slice %arg4[%add3A_1345, %dma_start3A_1353] : memref<51200x1024xf32, #tpu.memory_space<hbm>> -> memref<40x1024xf32, #tpu.memory_space<hbm>>
    %dma_start3A_1355 = arith.constant 0 : i32
    %dma_start3A_1356 = arith.constant 0 : i32
    %dma_start3A_1357 = tpu.memref_slice %arg6[%dma_start3A_1346, %dma_start3A_1355, %dma_start3A_1356] : memref<3x40x1024xf32, #tpu.memory_space<vmem>> -> memref<1x40x1024xf32, #tpu.memory_space<vmem>>
    %dma_start3A_1358 = tpu.memref_squeeze %dma_start3A_1357 : memref<1x40x1024xf32, #tpu.memory_space<vmem>> -> memref<40x1024xf32, #tpu.memory_space<vmem>>
    tpu.enqueue_dma source(%dma_start3A_1358 : memref<40x1024xf32, #tpu.memory_space<vmem>>) target(%dma_start3A_1354 : memref<40x1024xf32, #tpu.memory_space<hbm>>) target_semaphore(%arg10 : memref<!tpu.dma_semaphore, #tpu.memory_space<semaphore_mem>>)
    %dma_wait3A_1359 = arith.constant 0 : i32
    %dma_wait3A_1360 = arith.constant 0 : i32
    %dma_wait3A_1361 = arith.constant 0 : i32
    %dma_wait3A_1362 = tpu.memref_slice %arg6[%dma_wait3A_1359, %dma_wait3A_1360, %dma_wait3A_1361] : memref<3x40x1024xf32, #tpu.memory_space<vmem>> -> memref<1x40x1024xf32, #tpu.memory_space<vmem>>
    %dma_wait3A_1363 = tpu.memref_squeeze %dma_wait3A_1362 : memref<1x40x1024xf32, #tpu.memory_space<vmem>> -> memref<40x1024xf32, #tpu.memory_space<vmem>>
    %dma_wait3A_1364 = arith.constant 0 : i32
    %dma_wait3A_1365 = tpu.memref_slice %arg4[%add3A_1345, %dma_wait3A_1364] : memref<51200x1024xf32, #tpu.memory_space<hbm>> -> memref<40x1024xf32, #tpu.memory_space<hbm>>
    %dma_wait3A_1366 = arith.constant 0 : i32
    %dma_wait3A_1367 = tpu.memref_slice %arg4[%add3A_1345, %dma_wait3A_1366] : memref<51200x1024xf32, #tpu.memory_space<hbm>> -> memref<40x1024xf32, #tpu.memory_space<hbm>>
    %dma_wait3A_1368 = arith.constant 0 : i32
    %dma_wait3A_1369 = arith.constant 0 : i32
    %dma_wait3A_1370 = tpu.memref_slice %arg6[%dma_wait3A_1359, %dma_wait3A_1368, %dma_wait3A_1369] : memref<3x40x1024xf32, #tpu.memory_space<vmem>> -> memref<1x40x1024xf32, #tpu.memory_space<vmem>>
    %dma_wait3A_1371 = tpu.memref_squeeze %dma_wait3A_1370 : memref<1x40x1024xf32, #tpu.memory_space<vmem>> -> memref<40x1024xf32, #tpu.memory_space<vmem>>
    tpu.wait_dma2 semaphore(%arg10 : memref<!tpu.dma_semaphore, #tpu.memory_space<semaphore_mem>>) src(%dma_wait3A_1371 : memref<40x1024xf32, #tpu.memory_space<vmem>>) dst(%dma_wait3A_1367 : memref<40x1024xf32, #tpu.memory_space<hbm>>)
    %dma_start3A_1372 = arith.constant 0 : i32
    %dma_start3A_1373 = arith.constant 0 : i32
    %dma_start3A_1374 = arith.constant 0 : i32
    %dma_start3A_1375 = tpu.memref_slice %arg6[%dma_start3A_1372, %dma_start3A_1373, %dma_start3A_1374] : memref<3x40x1024xf32, #tpu.memory_space<vmem>> -> memref<1x40x1024xf32, #tpu.memory_space<vmem>>
    %dma_start3A_1376 = tpu.memref_squeeze %dma_start3A_1375 : memref<1x40x1024xf32, #tpu.memory_space<vmem>> -> memref<40x1024xf32, #tpu.memory_space<vmem>>
    %dma_start3A_1377 = arith.constant 1200 : i32
    %dma_start3A_1378 = tpu.memref_slice %arg5[%dma_start3A_1377] : memref<1600xi32, #tpu.memory_space<vmem>> -> memref<40xi32, #tpu.memory_space<vmem>>
    %dma_start3A_1379 = arith.constant 0 : i32
    %dma_start3A_1380 = arith.constant 0 : i32
    %dma_start3A_1381 = tpu.memref_slice %arg3[%dma_start3A_1379, %dma_start3A_1380] : memref<2048x1024xf32, #tpu.memory_space<hbm>> -> memref<2048x1024xf32, #tpu.memory_space<hbm>>
    tpu.enqueue_indirect_dma source(%dma_start3A_1381 : memref<2048x1024xf32, #tpu.memory_space<hbm>>) target(%dma_start3A_1376 : memref<40x1024xf32, #tpu.memory_space<vmem>>) offsets(%dma_start3A_1378 : memref<40xi32, #tpu.memory_space<vmem>>) semaphore(%arg7 : memref<!tpu.dma_semaphore, #tpu.memory_space<semaphore_mem>>)
    %dma_wait3A_1382 = arith.constant 1 : i32
    %dma_wait3A_1383 = arith.constant 0 : i32
    %dma_wait3A_1384 = arith.constant 0 : i32
    %dma_wait3A_1385 = tpu.memref_slice %arg6[%dma_wait3A_1382, %dma_wait3A_1383, %dma_wait3A_1384] : memref<3x40x1024xf32, #tpu.memory_space<vmem>> -> memref<1x40x1024xf32, #tpu.memory_space<vmem>>
    %dma_wait3A_1386 = tpu.memref_squeeze %dma_wait3A_1385 : memref<1x40x1024xf32, #tpu.memory_space<vmem>> -> memref<40x1024xf32, #tpu.memory_space<vmem>>
    %dma_wait3A_1387 = arith.constant 1120 : i32
    %dma_wait3A_1388 = tpu.memref_slice %arg5[%dma_wait3A_1387] : memref<1600xi32, #tpu.memory_space<vmem>> -> memref<40xi32, #tpu.memory_space<vmem>>
    %dma_wait3A_1389 = arith.constant 0 : i32
    %dma_wait3A_1390 = arith.constant 0 : i32
    %dma_wait3A_1391 = tpu.memref_slice %arg3[%dma_wait3A_1389, %dma_wait3A_1390] : memref<2048x1024xf32, #tpu.memory_space<hbm>> -> memref<2048x1024xf32, #tpu.memory_space<hbm>>
    tpu.wait_indirect_dma semaphore(%arg8 : memref<!tpu.dma_semaphore, #tpu.memory_space<semaphore_mem>>) src(%dma_wait3A_1391 : memref<2048x1024xf32, #tpu.memory_space<hbm>>) dst(%dma_wait3A_1386 : memref<40x1024xf32, #tpu.memory_space<vmem>>)
    %add3A_1392 = arith.constant 1120 : i32
    %add3A_1393 = arith.addi %mul3A_2, %add3A_1392 : i32
    %dma_start3A_1394 = arith.constant 1 : i32
    %dma_start3A_1395 = arith.constant 0 : i32
    %dma_start3A_1396 = arith.constant 0 : i32
    %dma_start3A_1397 = tpu.memref_slice %arg6[%dma_start3A_1394, %dma_start3A_1395, %dma_start3A_1396] : memref<3x40x1024xf32, #tpu.memory_space<vmem>> -> memref<1x40x1024xf32, #tpu.memory_space<vmem>>
    %dma_start3A_1398 = tpu.memref_squeeze %dma_start3A_1397 : memref<1x40x1024xf32, #tpu.memory_space<vmem>> -> memref<40x1024xf32, #tpu.memory_space<vmem>>
    %dma_start3A_1399 = arith.constant 0 : i32
    %dma_start3A_1400 = tpu.memref_slice %arg4[%add3A_1393, %dma_start3A_1399] : memref<51200x1024xf32, #tpu.memory_space<hbm>> -> memref<40x1024xf32, #tpu.memory_space<hbm>>
    %dma_start3A_1401 = arith.constant 0 : i32
    %dma_start3A_1402 = tpu.memref_slice %arg4[%add3A_1393, %dma_start3A_1401] : memref<51200x1024xf32, #tpu.memory_space<hbm>> -> memref<40x1024xf32, #tpu.memory_space<hbm>>
    %dma_start3A_1403 = arith.constant 0 : i32
    %dma_start3A_1404 = arith.constant 0 : i32
    %dma_start3A_1405 = tpu.memref_slice %arg6[%dma_start3A_1394, %dma_start3A_1403, %dma_start3A_1404] : memref<3x40x1024xf32, #tpu.memory_space<vmem>> -> memref<1x40x1024xf32, #tpu.memory_space<vmem>>
    %dma_start3A_1406 = tpu.memref_squeeze %dma_start3A_1405 : memref<1x40x1024xf32, #tpu.memory_space<vmem>> -> memref<40x1024xf32, #tpu.memory_space<vmem>>
    tpu.enqueue_dma source(%dma_start3A_1406 : memref<40x1024xf32, #tpu.memory_space<vmem>>) target(%dma_start3A_1402 : memref<40x1024xf32, #tpu.memory_space<hbm>>) target_semaphore(%arg11 : memref<!tpu.dma_semaphore, #tpu.memory_space<semaphore_mem>>)
    %dma_wait3A_1407 = arith.constant 1 : i32
    %dma_wait3A_1408 = arith.constant 0 : i32
    %dma_wait3A_1409 = arith.constant 0 : i32
    %dma_wait3A_1410 = tpu.memref_slice %arg6[%dma_wait3A_1407, %dma_wait3A_1408, %dma_wait3A_1409] : memref<3x40x1024xf32, #tpu.memory_space<vmem>> -> memref<1x40x1024xf32, #tpu.memory_space<vmem>>
    %dma_wait3A_1411 = tpu.memref_squeeze %dma_wait3A_1410 : memref<1x40x1024xf32, #tpu.memory_space<vmem>> -> memref<40x1024xf32, #tpu.memory_space<vmem>>
    %dma_wait3A_1412 = arith.constant 0 : i32
    %dma_wait3A_1413 = tpu.memref_slice %arg4[%add3A_1393, %dma_wait3A_1412] : memref<51200x1024xf32, #tpu.memory_space<hbm>> -> memref<40x1024xf32, #tpu.memory_space<hbm>>
    %dma_wait3A_1414 = arith.constant 0 : i32
    %dma_wait3A_1415 = tpu.memref_slice %arg4[%add3A_1393, %dma_wait3A_1414] : memref<51200x1024xf32, #tpu.memory_space<hbm>> -> memref<40x1024xf32, #tpu.memory_space<hbm>>
    %dma_wait3A_1416 = arith.constant 0 : i32
    %dma_wait3A_1417 = arith.constant 0 : i32
    %dma_wait3A_1418 = tpu.memref_slice %arg6[%dma_wait3A_1407, %dma_wait3A_1416, %dma_wait3A_1417] : memref<3x40x1024xf32, #tpu.memory_space<vmem>> -> memref<1x40x1024xf32, #tpu.memory_space<vmem>>
    %dma_wait3A_1419 = tpu.memref_squeeze %dma_wait3A_1418 : memref<1x40x1024xf32, #tpu.memory_space<vmem>> -> memref<40x1024xf32, #tpu.memory_space<vmem>>
    tpu.wait_dma2 semaphore(%arg11 : memref<!tpu.dma_semaphore, #tpu.memory_space<semaphore_mem>>) src(%dma_wait3A_1419 : memref<40x1024xf32, #tpu.memory_space<vmem>>) dst(%dma_wait3A_1415 : memref<40x1024xf32, #tpu.memory_space<hbm>>)
    %dma_start3A_1420 = arith.constant 1 : i32
    %dma_start3A_1421 = arith.constant 0 : i32
    %dma_start3A_1422 = arith.constant 0 : i32
    %dma_start3A_1423 = tpu.memref_slice %arg6[%dma_start3A_1420, %dma_start3A_1421, %dma_start3A_1422] : memref<3x40x1024xf32, #tpu.memory_space<vmem>> -> memref<1x40x1024xf32, #tpu.memory_space<vmem>>
    %dma_start3A_1424 = tpu.memref_squeeze %dma_start3A_1423 : memref<1x40x1024xf32, #tpu.memory_space<vmem>> -> memref<40x1024xf32, #tpu.memory_space<vmem>>
    %dma_start3A_1425 = arith.constant 1240 : i32
    %dma_start3A_1426 = tpu.memref_slice %arg5[%dma_start3A_1425] : memref<1600xi32, #tpu.memory_space<vmem>> -> memref<40xi32, #tpu.memory_space<vmem>>
    %dma_start3A_1427 = arith.constant 0 : i32
    %dma_start3A_1428 = arith.constant 0 : i32
    %dma_start3A_1429 = tpu.memref_slice %arg3[%dma_start3A_1427, %dma_start3A_1428] : memref<2048x1024xf32, #tpu.memory_space<hbm>> -> memref<2048x1024xf32, #tpu.memory_space<hbm>>
    tpu.enqueue_indirect_dma source(%dma_start3A_1429 : memref<2048x1024xf32, #tpu.memory_space<hbm>>) target(%dma_start3A_1424 : memref<40x1024xf32, #tpu.memory_space<vmem>>) offsets(%dma_start3A_1426 : memref<40xi32, #tpu.memory_space<vmem>>) semaphore(%arg8 : memref<!tpu.dma_semaphore, #tpu.memory_space<semaphore_mem>>)
    %dma_wait3A_1430 = arith.constant 2 : i32
    %dma_wait3A_1431 = arith.constant 0 : i32
    %dma_wait3A_1432 = arith.constant 0 : i32
    %dma_wait3A_1433 = tpu.memref_slice %arg6[%dma_wait3A_1430, %dma_wait3A_1431, %dma_wait3A_1432] : memref<3x40x1024xf32, #tpu.memory_space<vmem>> -> memref<1x40x1024xf32, #tpu.memory_space<vmem>>
    %dma_wait3A_1434 = tpu.memref_squeeze %dma_wait3A_1433 : memref<1x40x1024xf32, #tpu.memory_space<vmem>> -> memref<40x1024xf32, #tpu.memory_space<vmem>>
    %dma_wait3A_1435 = arith.constant 1160 : i32
    %dma_wait3A_1436 = tpu.memref_slice %arg5[%dma_wait3A_1435] : memref<1600xi32, #tpu.memory_space<vmem>> -> memref<40xi32, #tpu.memory_space<vmem>>
    %dma_wait3A_1437 = arith.constant 0 : i32
    %dma_wait3A_1438 = arith.constant 0 : i32
    %dma_wait3A_1439 = tpu.memref_slice %arg3[%dma_wait3A_1437, %dma_wait3A_1438] : memref<2048x1024xf32, #tpu.memory_space<hbm>> -> memref<2048x1024xf32, #tpu.memory_space<hbm>>
    tpu.wait_indirect_dma semaphore(%arg9 : memref<!tpu.dma_semaphore, #tpu.memory_space<semaphore_mem>>) src(%dma_wait3A_1439 : memref<2048x1024xf32, #tpu.memory_space<hbm>>) dst(%dma_wait3A_1434 : memref<40x1024xf32, #tpu.memory_space<vmem>>)
    %add3A_1440 = arith.constant 1160 : i32
    %add3A_1441 = arith.addi %mul3A_2, %add3A_1440 : i32
    %dma_start3A_1442 = arith.constant 2 : i32
    %dma_start3A_1443 = arith.constant 0 : i32
    %dma_start3A_1444 = arith.constant 0 : i32
    %dma_start3A_1445 = tpu.memref_slice %arg6[%dma_start3A_1442, %dma_start3A_1443, %dma_start3A_1444] : memref<3x40x1024xf32, #tpu.memory_space<vmem>> -> memref<1x40x1024xf32, #tpu.memory_space<vmem>>
    %dma_start3A_1446 = tpu.memref_squeeze %dma_start3A_1445 : memref<1x40x1024xf32, #tpu.memory_space<vmem>> -> memref<40x1024xf32, #tpu.memory_space<vmem>>
    %dma_start3A_1447 = arith.constant 0 : i32
    %dma_start3A_1448 = tpu.memref_slice %arg4[%add3A_1441, %dma_start3A_1447] : memref<51200x1024xf32, #tpu.memory_space<hbm>> -> memref<40x1024xf32, #tpu.memory_space<hbm>>
    %dma_start3A_1449 = arith.constant 0 : i32
    %dma_start3A_1450 = tpu.memref_slice %arg4[%add3A_1441, %dma_start3A_1449] : memref<51200x1024xf32, #tpu.memory_space<hbm>> -> memref<40x1024xf32, #tpu.memory_space<hbm>>
    %dma_start3A_1451 = arith.constant 0 : i32
    %dma_start3A_1452 = arith.constant 0 : i32
    %dma_start3A_1453 = tpu.memref_slice %arg6[%dma_start3A_1442, %dma_start3A_1451, %dma_start3A_1452] : memref<3x40x1024xf32, #tpu.memory_space<vmem>> -> memref<1x40x1024xf32, #tpu.memory_space<vmem>>
    %dma_start3A_1454 = tpu.memref_squeeze %dma_start3A_1453 : memref<1x40x1024xf32, #tpu.memory_space<vmem>> -> memref<40x1024xf32, #tpu.memory_space<vmem>>
    tpu.enqueue_dma source(%dma_start3A_1454 : memref<40x1024xf32, #tpu.memory_space<vmem>>) target(%dma_start3A_1450 : memref<40x1024xf32, #tpu.memory_space<hbm>>) target_semaphore(%arg12 : memref<!tpu.dma_semaphore, #tpu.memory_space<semaphore_mem>>)
    %dma_wait3A_1455 = arith.constant 2 : i32
    %dma_wait3A_1456 = arith.constant 0 : i32
    %dma_wait3A_1457 = arith.constant 0 : i32
    %dma_wait3A_1458 = tpu.memref_slice %arg6[%dma_wait3A_1455, %dma_wait3A_1456, %dma_wait3A_1457] : memref<3x40x1024xf32, #tpu.memory_space<vmem>> -> memref<1x40x1024xf32, #tpu.memory_space<vmem>>
    %dma_wait3A_1459 = tpu.memref_squeeze %dma_wait3A_1458 : memref<1x40x1024xf32, #tpu.memory_space<vmem>> -> memref<40x1024xf32, #tpu.memory_space<vmem>>
    %dma_wait3A_1460 = arith.constant 0 : i32
    %dma_wait3A_1461 = tpu.memref_slice %arg4[%add3A_1441, %dma_wait3A_1460] : memref<51200x1024xf32, #tpu.memory_space<hbm>> -> memref<40x1024xf32, #tpu.memory_space<hbm>>
    %dma_wait3A_1462 = arith.constant 0 : i32
    %dma_wait3A_1463 = tpu.memref_slice %arg4[%add3A_1441, %dma_wait3A_1462] : memref<51200x1024xf32, #tpu.memory_space<hbm>> -> memref<40x1024xf32, #tpu.memory_space<hbm>>
    %dma_wait3A_1464 = arith.constant 0 : i32
    %dma_wait3A_1465 = arith.constant 0 : i32
    %dma_wait3A_1466 = tpu.memref_slice %arg6[%dma_wait3A_1455, %dma_wait3A_1464, %dma_wait3A_1465] : memref<3x40x1024xf32, #tpu.memory_space<vmem>> -> memref<1x40x1024xf32, #tpu.memory_space<vmem>>
    %dma_wait3A_1467 = tpu.memref_squeeze %dma_wait3A_1466 : memref<1x40x1024xf32, #tpu.memory_space<vmem>> -> memref<40x1024xf32, #tpu.memory_space<vmem>>
    tpu.wait_dma2 semaphore(%arg12 : memref<!tpu.dma_semaphore, #tpu.memory_space<semaphore_mem>>) src(%dma_wait3A_1467 : memref<40x1024xf32, #tpu.memory_space<vmem>>) dst(%dma_wait3A_1463 : memref<40x1024xf32, #tpu.memory_space<hbm>>)
    %dma_start3A_1468 = arith.constant 2 : i32
    %dma_start3A_1469 = arith.constant 0 : i32
    %dma_start3A_1470 = arith.constant 0 : i32
    %dma_start3A_1471 = tpu.memref_slice %arg6[%dma_start3A_1468, %dma_start3A_1469, %dma_start3A_1470] : memref<3x40x1024xf32, #tpu.memory_space<vmem>> -> memref<1x40x1024xf32, #tpu.memory_space<vmem>>
    %dma_start3A_1472 = tpu.memref_squeeze %dma_start3A_1471 : memref<1x40x1024xf32, #tpu.memory_space<vmem>> -> memref<40x1024xf32, #tpu.memory_space<vmem>>
    %dma_start3A_1473 = arith.constant 1280 : i32
    %dma_start3A_1474 = tpu.memref_slice %arg5[%dma_start3A_1473] : memref<1600xi32, #tpu.memory_space<vmem>> -> memref<40xi32, #tpu.memory_space<vmem>>
    %dma_start3A_1475 = arith.constant 0 : i32
    %dma_start3A_1476 = arith.constant 0 : i32
    %dma_start3A_1477 = tpu.memref_slice %arg3[%dma_start3A_1475, %dma_start3A_1476] : memref<2048x1024xf32, #tpu.memory_space<hbm>> -> memref<2048x1024xf32, #tpu.memory_space<hbm>>
    tpu.enqueue_indirect_dma source(%dma_start3A_1477 : memref<2048x1024xf32, #tpu.memory_space<hbm>>) target(%dma_start3A_1472 : memref<40x1024xf32, #tpu.memory_space<vmem>>) offsets(%dma_start3A_1474 : memref<40xi32, #tpu.memory_space<vmem>>) semaphore(%arg9 : memref<!tpu.dma_semaphore, #tpu.memory_space<semaphore_mem>>)
    %dma_wait3A_1478 = arith.constant 0 : i32
    %dma_wait3A_1479 = arith.constant 0 : i32
    %dma_wait3A_1480 = arith.constant 0 : i32
    %dma_wait3A_1481 = tpu.memref_slice %arg6[%dma_wait3A_1478, %dma_wait3A_1479, %dma_wait3A_1480] : memref<3x40x1024xf32, #tpu.memory_space<vmem>> -> memref<1x40x1024xf32, #tpu.memory_space<vmem>>
    %dma_wait3A_1482 = tpu.memref_squeeze %dma_wait3A_1481 : memref<1x40x1024xf32, #tpu.memory_space<vmem>> -> memref<40x1024xf32, #tpu.memory_space<vmem>>
    %dma_wait3A_1483 = arith.constant 1200 : i32
    %dma_wait3A_1484 = tpu.memref_slice %arg5[%dma_wait3A_1483] : memref<1600xi32, #tpu.memory_space<vmem>> -> memref<40xi32, #tpu.memory_space<vmem>>
    %dma_wait3A_1485 = arith.constant 0 : i32
    %dma_wait3A_1486 = arith.constant 0 : i32
    %dma_wait3A_1487 = tpu.memref_slice %arg3[%dma_wait3A_1485, %dma_wait3A_1486] : memref<2048x1024xf32, #tpu.memory_space<hbm>> -> memref<2048x1024xf32, #tpu.memory_space<hbm>>
    tpu.wait_indirect_dma semaphore(%arg7 : memref<!tpu.dma_semaphore, #tpu.memory_space<semaphore_mem>>) src(%dma_wait3A_1487 : memref<2048x1024xf32, #tpu.memory_space<hbm>>) dst(%dma_wait3A_1482 : memref<40x1024xf32, #tpu.memory_space<vmem>>)
    %add3A_1488 = arith.constant 1200 : i32
    %add3A_1489 = arith.addi %mul3A_2, %add3A_1488 : i32
    %dma_start3A_1490 = arith.constant 0 : i32
    %dma_start3A_1491 = arith.constant 0 : i32
    %dma_start3A_1492 = arith.constant 0 : i32
    %dma_start3A_1493 = tpu.memref_slice %arg6[%dma_start3A_1490, %dma_start3A_1491, %dma_start3A_1492] : memref<3x40x1024xf32, #tpu.memory_space<vmem>> -> memref<1x40x1024xf32, #tpu.memory_space<vmem>>
    %dma_start3A_1494 = tpu.memref_squeeze %dma_start3A_1493 : memref<1x40x1024xf32, #tpu.memory_space<vmem>> -> memref<40x1024xf32, #tpu.memory_space<vmem>>
    %dma_start3A_1495 = arith.constant 0 : i32
    %dma_start3A_1496 = tpu.memref_slice %arg4[%add3A_1489, %dma_start3A_1495] : memref<51200x1024xf32, #tpu.memory_space<hbm>> -> memref<40x1024xf32, #tpu.memory_space<hbm>>
    %dma_start3A_1497 = arith.constant 0 : i32
    %dma_start3A_1498 = tpu.memref_slice %arg4[%add3A_1489, %dma_start3A_1497] : memref<51200x1024xf32, #tpu.memory_space<hbm>> -> memref<40x1024xf32, #tpu.memory_space<hbm>>
    %dma_start3A_1499 = arith.constant 0 : i32
    %dma_start3A_1500 = arith.constant 0 : i32
    %dma_start3A_1501 = tpu.memref_slice %arg6[%dma_start3A_1490, %dma_start3A_1499, %dma_start3A_1500] : memref<3x40x1024xf32, #tpu.memory_space<vmem>> -> memref<1x40x1024xf32, #tpu.memory_space<vmem>>
    %dma_start3A_1502 = tpu.memref_squeeze %dma_start3A_1501 : memref<1x40x1024xf32, #tpu.memory_space<vmem>> -> memref<40x1024xf32, #tpu.memory_space<vmem>>
    tpu.enqueue_dma source(%dma_start3A_1502 : memref<40x1024xf32, #tpu.memory_space<vmem>>) target(%dma_start3A_1498 : memref<40x1024xf32, #tpu.memory_space<hbm>>) target_semaphore(%arg10 : memref<!tpu.dma_semaphore, #tpu.memory_space<semaphore_mem>>)
    %dma_wait3A_1503 = arith.constant 0 : i32
    %dma_wait3A_1504 = arith.constant 0 : i32
    %dma_wait3A_1505 = arith.constant 0 : i32
    %dma_wait3A_1506 = tpu.memref_slice %arg6[%dma_wait3A_1503, %dma_wait3A_1504, %dma_wait3A_1505] : memref<3x40x1024xf32, #tpu.memory_space<vmem>> -> memref<1x40x1024xf32, #tpu.memory_space<vmem>>
    %dma_wait3A_1507 = tpu.memref_squeeze %dma_wait3A_1506 : memref<1x40x1024xf32, #tpu.memory_space<vmem>> -> memref<40x1024xf32, #tpu.memory_space<vmem>>
    %dma_wait3A_1508 = arith.constant 0 : i32
    %dma_wait3A_1509 = tpu.memref_slice %arg4[%add3A_1489, %dma_wait3A_1508] : memref<51200x1024xf32, #tpu.memory_space<hbm>> -> memref<40x1024xf32, #tpu.memory_space<hbm>>
    %dma_wait3A_1510 = arith.constant 0 : i32
    %dma_wait3A_1511 = tpu.memref_slice %arg4[%add3A_1489, %dma_wait3A_1510] : memref<51200x1024xf32, #tpu.memory_space<hbm>> -> memref<40x1024xf32, #tpu.memory_space<hbm>>
    %dma_wait3A_1512 = arith.constant 0 : i32
    %dma_wait3A_1513 = arith.constant 0 : i32
    %dma_wait3A_1514 = tpu.memref_slice %arg6[%dma_wait3A_1503, %dma_wait3A_1512, %dma_wait3A_1513] : memref<3x40x1024xf32, #tpu.memory_space<vmem>> -> memref<1x40x1024xf32, #tpu.memory_space<vmem>>
    %dma_wait3A_1515 = tpu.memref_squeeze %dma_wait3A_1514 : memref<1x40x1024xf32, #tpu.memory_space<vmem>> -> memref<40x1024xf32, #tpu.memory_space<vmem>>
    tpu.wait_dma2 semaphore(%arg10 : memref<!tpu.dma_semaphore, #tpu.memory_space<semaphore_mem>>) src(%dma_wait3A_1515 : memref<40x1024xf32, #tpu.memory_space<vmem>>) dst(%dma_wait3A_1511 : memref<40x1024xf32, #tpu.memory_space<hbm>>)
    %dma_start3A_1516 = arith.constant 0 : i32
    %dma_start3A_1517 = arith.constant 0 : i32
    %dma_start3A_1518 = arith.constant 0 : i32
    %dma_start3A_1519 = tpu.memref_slice %arg6[%dma_start3A_1516, %dma_start3A_1517, %dma_start3A_1518] : memref<3x40x1024xf32, #tpu.memory_space<vmem>> -> memref<1x40x1024xf32, #tpu.memory_space<vmem>>
    %dma_start3A_1520 = tpu.memref_squeeze %dma_start3A_1519 : memref<1x40x1024xf32, #tpu.memory_space<vmem>> -> memref<40x1024xf32, #tpu.memory_space<vmem>>
    %dma_start3A_1521 = arith.constant 1320 : i32
    %dma_start3A_1522 = tpu.memref_slice %arg5[%dma_start3A_1521] : memref<1600xi32, #tpu.memory_space<vmem>> -> memref<40xi32, #tpu.memory_space<vmem>>
    %dma_start3A_1523 = arith.constant 0 : i32
    %dma_start3A_1524 = arith.constant 0 : i32
    %dma_start3A_1525 = tpu.memref_slice %arg3[%dma_start3A_1523, %dma_start3A_1524] : memref<2048x1024xf32, #tpu.memory_space<hbm>> -> memref<2048x1024xf32, #tpu.memory_space<hbm>>
    tpu.enqueue_indirect_dma source(%dma_start3A_1525 : memref<2048x1024xf32, #tpu.memory_space<hbm>>) target(%dma_start3A_1520 : memref<40x1024xf32, #tpu.memory_space<vmem>>) offsets(%dma_start3A_1522 : memref<40xi32, #tpu.memory_space<vmem>>) semaphore(%arg7 : memref<!tpu.dma_semaphore, #tpu.memory_space<semaphore_mem>>)
    %dma_wait3A_1526 = arith.constant 1 : i32
    %dma_wait3A_1527 = arith.constant 0 : i32
    %dma_wait3A_1528 = arith.constant 0 : i32
    %dma_wait3A_1529 = tpu.memref_slice %arg6[%dma_wait3A_1526, %dma_wait3A_1527, %dma_wait3A_1528] : memref<3x40x1024xf32, #tpu.memory_space<vmem>> -> memref<1x40x1024xf32, #tpu.memory_space<vmem>>
    %dma_wait3A_1530 = tpu.memref_squeeze %dma_wait3A_1529 : memref<1x40x1024xf32, #tpu.memory_space<vmem>> -> memref<40x1024xf32, #tpu.memory_space<vmem>>
    %dma_wait3A_1531 = arith.constant 1240 : i32
    %dma_wait3A_1532 = tpu.memref_slice %arg5[%dma_wait3A_1531] : memref<1600xi32, #tpu.memory_space<vmem>> -> memref<40xi32, #tpu.memory_space<vmem>>
    %dma_wait3A_1533 = arith.constant 0 : i32
    %dma_wait3A_1534 = arith.constant 0 : i32
    %dma_wait3A_1535 = tpu.memref_slice %arg3[%dma_wait3A_1533, %dma_wait3A_1534] : memref<2048x1024xf32, #tpu.memory_space<hbm>> -> memref<2048x1024xf32, #tpu.memory_space<hbm>>
    tpu.wait_indirect_dma semaphore(%arg8 : memref<!tpu.dma_semaphore, #tpu.memory_space<semaphore_mem>>) src(%dma_wait3A_1535 : memref<2048x1024xf32, #tpu.memory_space<hbm>>) dst(%dma_wait3A_1530 : memref<40x1024xf32, #tpu.memory_space<vmem>>)
    %add3A_1536 = arith.constant 1240 : i32
    %add3A_1537 = arith.addi %mul3A_2, %add3A_1536 : i32
    %dma_start3A_1538 = arith.constant 1 : i32
    %dma_start3A_1539 = arith.constant 0 : i32
    %dma_start3A_1540 = arith.constant 0 : i32
    %dma_start3A_1541 = tpu.memref_slice %arg6[%dma_start3A_1538, %dma_start3A_1539, %dma_start3A_1540] : memref<3x40x1024xf32, #tpu.memory_space<vmem>> -> memref<1x40x1024xf32, #tpu.memory_space<vmem>>
    %dma_start3A_1542 = tpu.memref_squeeze %dma_start3A_1541 : memref<1x40x1024xf32, #tpu.memory_space<vmem>> -> memref<40x1024xf32, #tpu.memory_space<vmem>>
    %dma_start3A_1543 = arith.constant 0 : i32
    %dma_start3A_1544 = tpu.memref_slice %arg4[%add3A_1537, %dma_start3A_1543] : memref<51200x1024xf32, #tpu.memory_space<hbm>> -> memref<40x1024xf32, #tpu.memory_space<hbm>>
    %dma_start3A_1545 = arith.constant 0 : i32
    %dma_start3A_1546 = tpu.memref_slice %arg4[%add3A_1537, %dma_start3A_1545] : memref<51200x1024xf32, #tpu.memory_space<hbm>> -> memref<40x1024xf32, #tpu.memory_space<hbm>>
    %dma_start3A_1547 = arith.constant 0 : i32
    %dma_start3A_1548 = arith.constant 0 : i32
    %dma_start3A_1549 = tpu.memref_slice %arg6[%dma_start3A_1538, %dma_start3A_1547, %dma_start3A_1548] : memref<3x40x1024xf32, #tpu.memory_space<vmem>> -> memref<1x40x1024xf32, #tpu.memory_space<vmem>>
    %dma_start3A_1550 = tpu.memref_squeeze %dma_start3A_1549 : memref<1x40x1024xf32, #tpu.memory_space<vmem>> -> memref<40x1024xf32, #tpu.memory_space<vmem>>
    tpu.enqueue_dma source(%dma_start3A_1550 : memref<40x1024xf32, #tpu.memory_space<vmem>>) target(%dma_start3A_1546 : memref<40x1024xf32, #tpu.memory_space<hbm>>) target_semaphore(%arg11 : memref<!tpu.dma_semaphore, #tpu.memory_space<semaphore_mem>>)
    %dma_wait3A_1551 = arith.constant 1 : i32
    %dma_wait3A_1552 = arith.constant 0 : i32
    %dma_wait3A_1553 = arith.constant 0 : i32
    %dma_wait3A_1554 = tpu.memref_slice %arg6[%dma_wait3A_1551, %dma_wait3A_1552, %dma_wait3A_1553] : memref<3x40x1024xf32, #tpu.memory_space<vmem>> -> memref<1x40x1024xf32, #tpu.memory_space<vmem>>
    %dma_wait3A_1555 = tpu.memref_squeeze %dma_wait3A_1554 : memref<1x40x1024xf32, #tpu.memory_space<vmem>> -> memref<40x1024xf32, #tpu.memory_space<vmem>>
    %dma_wait3A_1556 = arith.constant 0 : i32
    %dma_wait3A_1557 = tpu.memref_slice %arg4[%add3A_1537, %dma_wait3A_1556] : memref<51200x1024xf32, #tpu.memory_space<hbm>> -> memref<40x1024xf32, #tpu.memory_space<hbm>>
    %dma_wait3A_1558 = arith.constant 0 : i32
    %dma_wait3A_1559 = tpu.memref_slice %arg4[%add3A_1537, %dma_wait3A_1558] : memref<51200x1024xf32, #tpu.memory_space<hbm>> -> memref<40x1024xf32, #tpu.memory_space<hbm>>
    %dma_wait3A_1560 = arith.constant 0 : i32
    %dma_wait3A_1561 = arith.constant 0 : i32
    %dma_wait3A_1562 = tpu.memref_slice %arg6[%dma_wait3A_1551, %dma_wait3A_1560, %dma_wait3A_1561] : memref<3x40x1024xf32, #tpu.memory_space<vmem>> -> memref<1x40x1024xf32, #tpu.memory_space<vmem>>
    %dma_wait3A_1563 = tpu.memref_squeeze %dma_wait3A_1562 : memref<1x40x1024xf32, #tpu.memory_space<vmem>> -> memref<40x1024xf32, #tpu.memory_space<vmem>>
    tpu.wait_dma2 semaphore(%arg11 : memref<!tpu.dma_semaphore, #tpu.memory_space<semaphore_mem>>) src(%dma_wait3A_1563 : memref<40x1024xf32, #tpu.memory_space<vmem>>) dst(%dma_wait3A_1559 : memref<40x1024xf32, #tpu.memory_space<hbm>>)
    %dma_start3A_1564 = arith.constant 1 : i32
    %dma_start3A_1565 = arith.constant 0 : i32
    %dma_start3A_1566 = arith.constant 0 : i32
    %dma_start3A_1567 = tpu.memref_slice %arg6[%dma_start3A_1564, %dma_start3A_1565, %dma_start3A_1566] : memref<3x40x1024xf32, #tpu.memory_space<vmem>> -> memref<1x40x1024xf32, #tpu.memory_space<vmem>>
    %dma_start3A_1568 = tpu.memref_squeeze %dma_start3A_1567 : memref<1x40x1024xf32, #tpu.memory_space<vmem>> -> memref<40x1024xf32, #tpu.memory_space<vmem>>
    %dma_start3A_1569 = arith.constant 1360 : i32
    %dma_start3A_1570 = tpu.memref_slice %arg5[%dma_start3A_1569] : memref<1600xi32, #tpu.memory_space<vmem>> -> memref<40xi32, #tpu.memory_space<vmem>>
    %dma_start3A_1571 = arith.constant 0 : i32
    %dma_start3A_1572 = arith.constant 0 : i32
    %dma_start3A_1573 = tpu.memref_slice %arg3[%dma_start3A_1571, %dma_start3A_1572] : memref<2048x1024xf32, #tpu.memory_space<hbm>> -> memref<2048x1024xf32, #tpu.memory_space<hbm>>
    tpu.enqueue_indirect_dma source(%dma_start3A_1573 : memref<2048x1024xf32, #tpu.memory_space<hbm>>) target(%dma_start3A_1568 : memref<40x1024xf32, #tpu.memory_space<vmem>>) offsets(%dma_start3A_1570 : memref<40xi32, #tpu.memory_space<vmem>>) semaphore(%arg8 : memref<!tpu.dma_semaphore, #tpu.memory_space<semaphore_mem>>)
    %dma_wait3A_1574 = arith.constant 2 : i32
    %dma_wait3A_1575 = arith.constant 0 : i32
    %dma_wait3A_1576 = arith.constant 0 : i32
    %dma_wait3A_1577 = tpu.memref_slice %arg6[%dma_wait3A_1574, %dma_wait3A_1575, %dma_wait3A_1576] : memref<3x40x1024xf32, #tpu.memory_space<vmem>> -> memref<1x40x1024xf32, #tpu.memory_space<vmem>>
    %dma_wait3A_1578 = tpu.memref_squeeze %dma_wait3A_1577 : memref<1x40x1024xf32, #tpu.memory_space<vmem>> -> memref<40x1024xf32, #tpu.memory_space<vmem>>
    %dma_wait3A_1579 = arith.constant 1280 : i32
    %dma_wait3A_1580 = tpu.memref_slice %arg5[%dma_wait3A_1579] : memref<1600xi32, #tpu.memory_space<vmem>> -> memref<40xi32, #tpu.memory_space<vmem>>
    %dma_wait3A_1581 = arith.constant 0 : i32
    %dma_wait3A_1582 = arith.constant 0 : i32
    %dma_wait3A_1583 = tpu.memref_slice %arg3[%dma_wait3A_1581, %dma_wait3A_1582] : memref<2048x1024xf32, #tpu.memory_space<hbm>> -> memref<2048x1024xf32, #tpu.memory_space<hbm>>
    tpu.wait_indirect_dma semaphore(%arg9 : memref<!tpu.dma_semaphore, #tpu.memory_space<semaphore_mem>>) src(%dma_wait3A_1583 : memref<2048x1024xf32, #tpu.memory_space<hbm>>) dst(%dma_wait3A_1578 : memref<40x1024xf32, #tpu.memory_space<vmem>>)
    %add3A_1584 = arith.constant 1280 : i32
    %add3A_1585 = arith.addi %mul3A_2, %add3A_1584 : i32
    %dma_start3A_1586 = arith.constant 2 : i32
    %dma_start3A_1587 = arith.constant 0 : i32
    %dma_start3A_1588 = arith.constant 0 : i32
    %dma_start3A_1589 = tpu.memref_slice %arg6[%dma_start3A_1586, %dma_start3A_1587, %dma_start3A_1588] : memref<3x40x1024xf32, #tpu.memory_space<vmem>> -> memref<1x40x1024xf32, #tpu.memory_space<vmem>>
    %dma_start3A_1590 = tpu.memref_squeeze %dma_start3A_1589 : memref<1x40x1024xf32, #tpu.memory_space<vmem>> -> memref<40x1024xf32, #tpu.memory_space<vmem>>
    %dma_start3A_1591 = arith.constant 0 : i32
    %dma_start3A_1592 = tpu.memref_slice %arg4[%add3A_1585, %dma_start3A_1591] : memref<51200x1024xf32, #tpu.memory_space<hbm>> -> memref<40x1024xf32, #tpu.memory_space<hbm>>
    %dma_start3A_1593 = arith.constant 0 : i32
    %dma_start3A_1594 = tpu.memref_slice %arg4[%add3A_1585, %dma_start3A_1593] : memref<51200x1024xf32, #tpu.memory_space<hbm>> -> memref<40x1024xf32, #tpu.memory_space<hbm>>
    %dma_start3A_1595 = arith.constant 0 : i32
    %dma_start3A_1596 = arith.constant 0 : i32
    %dma_start3A_1597 = tpu.memref_slice %arg6[%dma_start3A_1586, %dma_start3A_1595, %dma_start3A_1596] : memref<3x40x1024xf32, #tpu.memory_space<vmem>> -> memref<1x40x1024xf32, #tpu.memory_space<vmem>>
    %dma_start3A_1598 = tpu.memref_squeeze %dma_start3A_1597 : memref<1x40x1024xf32, #tpu.memory_space<vmem>> -> memref<40x1024xf32, #tpu.memory_space<vmem>>
    tpu.enqueue_dma source(%dma_start3A_1598 : memref<40x1024xf32, #tpu.memory_space<vmem>>) target(%dma_start3A_1594 : memref<40x1024xf32, #tpu.memory_space<hbm>>) target_semaphore(%arg12 : memref<!tpu.dma_semaphore, #tpu.memory_space<semaphore_mem>>)
    %dma_wait3A_1599 = arith.constant 2 : i32
    %dma_wait3A_1600 = arith.constant 0 : i32
    %dma_wait3A_1601 = arith.constant 0 : i32
    %dma_wait3A_1602 = tpu.memref_slice %arg6[%dma_wait3A_1599, %dma_wait3A_1600, %dma_wait3A_1601] : memref<3x40x1024xf32, #tpu.memory_space<vmem>> -> memref<1x40x1024xf32, #tpu.memory_space<vmem>>
    %dma_wait3A_1603 = tpu.memref_squeeze %dma_wait3A_1602 : memref<1x40x1024xf32, #tpu.memory_space<vmem>> -> memref<40x1024xf32, #tpu.memory_space<vmem>>
    %dma_wait3A_1604 = arith.constant 0 : i32
    %dma_wait3A_1605 = tpu.memref_slice %arg4[%add3A_1585, %dma_wait3A_1604] : memref<51200x1024xf32, #tpu.memory_space<hbm>> -> memref<40x1024xf32, #tpu.memory_space<hbm>>
    %dma_wait3A_1606 = arith.constant 0 : i32
    %dma_wait3A_1607 = tpu.memref_slice %arg4[%add3A_1585, %dma_wait3A_1606] : memref<51200x1024xf32, #tpu.memory_space<hbm>> -> memref<40x1024xf32, #tpu.memory_space<hbm>>
    %dma_wait3A_1608 = arith.constant 0 : i32
    %dma_wait3A_1609 = arith.constant 0 : i32
    %dma_wait3A_1610 = tpu.memref_slice %arg6[%dma_wait3A_1599, %dma_wait3A_1608, %dma_wait3A_1609] : memref<3x40x1024xf32, #tpu.memory_space<vmem>> -> memref<1x40x1024xf32, #tpu.memory_space<vmem>>
    %dma_wait3A_1611 = tpu.memref_squeeze %dma_wait3A_1610 : memref<1x40x1024xf32, #tpu.memory_space<vmem>> -> memref<40x1024xf32, #tpu.memory_space<vmem>>
    tpu.wait_dma2 semaphore(%arg12 : memref<!tpu.dma_semaphore, #tpu.memory_space<semaphore_mem>>) src(%dma_wait3A_1611 : memref<40x1024xf32, #tpu.memory_space<vmem>>) dst(%dma_wait3A_1607 : memref<40x1024xf32, #tpu.memory_space<hbm>>)
    %dma_start3A_1612 = arith.constant 2 : i32
    %dma_start3A_1613 = arith.constant 0 : i32
    %dma_start3A_1614 = arith.constant 0 : i32
    %dma_start3A_1615 = tpu.memref_slice %arg6[%dma_start3A_1612, %dma_start3A_1613, %dma_start3A_1614] : memref<3x40x1024xf32, #tpu.memory_space<vmem>> -> memref<1x40x1024xf32, #tpu.memory_space<vmem>>
    %dma_start3A_1616 = tpu.memref_squeeze %dma_start3A_1615 : memref<1x40x1024xf32, #tpu.memory_space<vmem>> -> memref<40x1024xf32, #tpu.memory_space<vmem>>
    %dma_start3A_1617 = arith.constant 1400 : i32
    %dma_start3A_1618 = tpu.memref_slice %arg5[%dma_start3A_1617] : memref<1600xi32, #tpu.memory_space<vmem>> -> memref<40xi32, #tpu.memory_space<vmem>>
    %dma_start3A_1619 = arith.constant 0 : i32
    %dma_start3A_1620 = arith.constant 0 : i32
    %dma_start3A_1621 = tpu.memref_slice %arg3[%dma_start3A_1619, %dma_start3A_1620] : memref<2048x1024xf32, #tpu.memory_space<hbm>> -> memref<2048x1024xf32, #tpu.memory_space<hbm>>
    tpu.enqueue_indirect_dma source(%dma_start3A_1621 : memref<2048x1024xf32, #tpu.memory_space<hbm>>) target(%dma_start3A_1616 : memref<40x1024xf32, #tpu.memory_space<vmem>>) offsets(%dma_start3A_1618 : memref<40xi32, #tpu.memory_space<vmem>>) semaphore(%arg9 : memref<!tpu.dma_semaphore, #tpu.memory_space<semaphore_mem>>)
    %dma_wait3A_1622 = arith.constant 0 : i32
    %dma_wait3A_1623 = arith.constant 0 : i32
    %dma_wait3A_1624 = arith.constant 0 : i32
    %dma_wait3A_1625 = tpu.memref_slice %arg6[%dma_wait3A_1622, %dma_wait3A_1623, %dma_wait3A_1624] : memref<3x40x1024xf32, #tpu.memory_space<vmem>> -> memref<1x40x1024xf32, #tpu.memory_space<vmem>>
    %dma_wait3A_1626 = tpu.memref_squeeze %dma_wait3A_1625 : memref<1x40x1024xf32, #tpu.memory_space<vmem>> -> memref<40x1024xf32, #tpu.memory_space<vmem>>
    %dma_wait3A_1627 = arith.constant 1320 : i32
    %dma_wait3A_1628 = tpu.memref_slice %arg5[%dma_wait3A_1627] : memref<1600xi32, #tpu.memory_space<vmem>> -> memref<40xi32, #tpu.memory_space<vmem>>
    %dma_wait3A_1629 = arith.constant 0 : i32
    %dma_wait3A_1630 = arith.constant 0 : i32
    %dma_wait3A_1631 = tpu.memref_slice %arg3[%dma_wait3A_1629, %dma_wait3A_1630] : memref<2048x1024xf32, #tpu.memory_space<hbm>> -> memref<2048x1024xf32, #tpu.memory_space<hbm>>
    tpu.wait_indirect_dma semaphore(%arg7 : memref<!tpu.dma_semaphore, #tpu.memory_space<semaphore_mem>>) src(%dma_wait3A_1631 : memref<2048x1024xf32, #tpu.memory_space<hbm>>) dst(%dma_wait3A_1626 : memref<40x1024xf32, #tpu.memory_space<vmem>>)
    %add3A_1632 = arith.constant 1320 : i32
    %add3A_1633 = arith.addi %mul3A_2, %add3A_1632 : i32
    %dma_start3A_1634 = arith.constant 0 : i32
    %dma_start3A_1635 = arith.constant 0 : i32
    %dma_start3A_1636 = arith.constant 0 : i32
    %dma_start3A_1637 = tpu.memref_slice %arg6[%dma_start3A_1634, %dma_start3A_1635, %dma_start3A_1636] : memref<3x40x1024xf32, #tpu.memory_space<vmem>> -> memref<1x40x1024xf32, #tpu.memory_space<vmem>>
    %dma_start3A_1638 = tpu.memref_squeeze %dma_start3A_1637 : memref<1x40x1024xf32, #tpu.memory_space<vmem>> -> memref<40x1024xf32, #tpu.memory_space<vmem>>
    %dma_start3A_1639 = arith.constant 0 : i32
    %dma_start3A_1640 = tpu.memref_slice %arg4[%add3A_1633, %dma_start3A_1639] : memref<51200x1024xf32, #tpu.memory_space<hbm>> -> memref<40x1024xf32, #tpu.memory_space<hbm>>
    %dma_start3A_1641 = arith.constant 0 : i32
    %dma_start3A_1642 = tpu.memref_slice %arg4[%add3A_1633, %dma_start3A_1641] : memref<51200x1024xf32, #tpu.memory_space<hbm>> -> memref<40x1024xf32, #tpu.memory_space<hbm>>
    %dma_start3A_1643 = arith.constant 0 : i32
    %dma_start3A_1644 = arith.constant 0 : i32
    %dma_start3A_1645 = tpu.memref_slice %arg6[%dma_start3A_1634, %dma_start3A_1643, %dma_start3A_1644] : memref<3x40x1024xf32, #tpu.memory_space<vmem>> -> memref<1x40x1024xf32, #tpu.memory_space<vmem>>
    %dma_start3A_1646 = tpu.memref_squeeze %dma_start3A_1645 : memref<1x40x1024xf32, #tpu.memory_space<vmem>> -> memref<40x1024xf32, #tpu.memory_space<vmem>>
    tpu.enqueue_dma source(%dma_start3A_1646 : memref<40x1024xf32, #tpu.memory_space<vmem>>) target(%dma_start3A_1642 : memref<40x1024xf32, #tpu.memory_space<hbm>>) target_semaphore(%arg10 : memref<!tpu.dma_semaphore, #tpu.memory_space<semaphore_mem>>)
    %dma_wait3A_1647 = arith.constant 0 : i32
    %dma_wait3A_1648 = arith.constant 0 : i32
    %dma_wait3A_1649 = arith.constant 0 : i32
    %dma_wait3A_1650 = tpu.memref_slice %arg6[%dma_wait3A_1647, %dma_wait3A_1648, %dma_wait3A_1649] : memref<3x40x1024xf32, #tpu.memory_space<vmem>> -> memref<1x40x1024xf32, #tpu.memory_space<vmem>>
    %dma_wait3A_1651 = tpu.memref_squeeze %dma_wait3A_1650 : memref<1x40x1024xf32, #tpu.memory_space<vmem>> -> memref<40x1024xf32, #tpu.memory_space<vmem>>
    %dma_wait3A_1652 = arith.constant 0 : i32
    %dma_wait3A_1653 = tpu.memref_slice %arg4[%add3A_1633, %dma_wait3A_1652] : memref<51200x1024xf32, #tpu.memory_space<hbm>> -> memref<40x1024xf32, #tpu.memory_space<hbm>>
    %dma_wait3A_1654 = arith.constant 0 : i32
    %dma_wait3A_1655 = tpu.memref_slice %arg4[%add3A_1633, %dma_wait3A_1654] : memref<51200x1024xf32, #tpu.memory_space<hbm>> -> memref<40x1024xf32, #tpu.memory_space<hbm>>
    %dma_wait3A_1656 = arith.constant 0 : i32
    %dma_wait3A_1657 = arith.constant 0 : i32
    %dma_wait3A_1658 = tpu.memref_slice %arg6[%dma_wait3A_1647, %dma_wait3A_1656, %dma_wait3A_1657] : memref<3x40x1024xf32, #tpu.memory_space<vmem>> -> memref<1x40x1024xf32, #tpu.memory_space<vmem>>
    %dma_wait3A_1659 = tpu.memref_squeeze %dma_wait3A_1658 : memref<1x40x1024xf32, #tpu.memory_space<vmem>> -> memref<40x1024xf32, #tpu.memory_space<vmem>>
    tpu.wait_dma2 semaphore(%arg10 : memref<!tpu.dma_semaphore, #tpu.memory_space<semaphore_mem>>) src(%dma_wait3A_1659 : memref<40x1024xf32, #tpu.memory_space<vmem>>) dst(%dma_wait3A_1655 : memref<40x1024xf32, #tpu.memory_space<hbm>>)
    %dma_start3A_1660 = arith.constant 0 : i32
    %dma_start3A_1661 = arith.constant 0 : i32
    %dma_start3A_1662 = arith.constant 0 : i32
    %dma_start3A_1663 = tpu.memref_slice %arg6[%dma_start3A_1660, %dma_start3A_1661, %dma_start3A_1662] : memref<3x40x1024xf32, #tpu.memory_space<vmem>> -> memref<1x40x1024xf32, #tpu.memory_space<vmem>>
    %dma_start3A_1664 = tpu.memref_squeeze %dma_start3A_1663 : memref<1x40x1024xf32, #tpu.memory_space<vmem>> -> memref<40x1024xf32, #tpu.memory_space<vmem>>
    %dma_start3A_1665 = arith.constant 1440 : i32
    %dma_start3A_1666 = tpu.memref_slice %arg5[%dma_start3A_1665] : memref<1600xi32, #tpu.memory_space<vmem>> -> memref<40xi32, #tpu.memory_space<vmem>>
    %dma_start3A_1667 = arith.constant 0 : i32
    %dma_start3A_1668 = arith.constant 0 : i32
    %dma_start3A_1669 = tpu.memref_slice %arg3[%dma_start3A_1667, %dma_start3A_1668] : memref<2048x1024xf32, #tpu.memory_space<hbm>> -> memref<2048x1024xf32, #tpu.memory_space<hbm>>
    tpu.enqueue_indirect_dma source(%dma_start3A_1669 : memref<2048x1024xf32, #tpu.memory_space<hbm>>) target(%dma_start3A_1664 : memref<40x1024xf32, #tpu.memory_space<vmem>>) offsets(%dma_start3A_1666 : memref<40xi32, #tpu.memory_space<vmem>>) semaphore(%arg7 : memref<!tpu.dma_semaphore, #tpu.memory_space<semaphore_mem>>)
    %dma_wait3A_1670 = arith.constant 1 : i32
    %dma_wait3A_1671 = arith.constant 0 : i32
    %dma_wait3A_1672 = arith.constant 0 : i32
    %dma_wait3A_1673 = tpu.memref_slice %arg6[%dma_wait3A_1670, %dma_wait3A_1671, %dma_wait3A_1672] : memref<3x40x1024xf32, #tpu.memory_space<vmem>> -> memref<1x40x1024xf32, #tpu.memory_space<vmem>>
    %dma_wait3A_1674 = tpu.memref_squeeze %dma_wait3A_1673 : memref<1x40x1024xf32, #tpu.memory_space<vmem>> -> memref<40x1024xf32, #tpu.memory_space<vmem>>
    %dma_wait3A_1675 = arith.constant 1360 : i32
    %dma_wait3A_1676 = tpu.memref_slice %arg5[%dma_wait3A_1675] : memref<1600xi32, #tpu.memory_space<vmem>> -> memref<40xi32, #tpu.memory_space<vmem>>
    %dma_wait3A_1677 = arith.constant 0 : i32
    %dma_wait3A_1678 = arith.constant 0 : i32
    %dma_wait3A_1679 = tpu.memref_slice %arg3[%dma_wait3A_1677, %dma_wait3A_1678] : memref<2048x1024xf32, #tpu.memory_space<hbm>> -> memref<2048x1024xf32, #tpu.memory_space<hbm>>
    tpu.wait_indirect_dma semaphore(%arg8 : memref<!tpu.dma_semaphore, #tpu.memory_space<semaphore_mem>>) src(%dma_wait3A_1679 : memref<2048x1024xf32, #tpu.memory_space<hbm>>) dst(%dma_wait3A_1674 : memref<40x1024xf32, #tpu.memory_space<vmem>>)
    %add3A_1680 = arith.constant 1360 : i32
    %add3A_1681 = arith.addi %mul3A_2, %add3A_1680 : i32
    %dma_start3A_1682 = arith.constant 1 : i32
    %dma_start3A_1683 = arith.constant 0 : i32
    %dma_start3A_1684 = arith.constant 0 : i32
    %dma_start3A_1685 = tpu.memref_slice %arg6[%dma_start3A_1682, %dma_start3A_1683, %dma_start3A_1684] : memref<3x40x1024xf32, #tpu.memory_space<vmem>> -> memref<1x40x1024xf32, #tpu.memory_space<vmem>>
    %dma_start3A_1686 = tpu.memref_squeeze %dma_start3A_1685 : memref<1x40x1024xf32, #tpu.memory_space<vmem>> -> memref<40x1024xf32, #tpu.memory_space<vmem>>
    %dma_start3A_1687 = arith.constant 0 : i32
    %dma_start3A_1688 = tpu.memref_slice %arg4[%add3A_1681, %dma_start3A_1687] : memref<51200x1024xf32, #tpu.memory_space<hbm>> -> memref<40x1024xf32, #tpu.memory_space<hbm>>
    %dma_start3A_1689 = arith.constant 0 : i32
    %dma_start3A_1690 = tpu.memref_slice %arg4[%add3A_1681, %dma_start3A_1689] : memref<51200x1024xf32, #tpu.memory_space<hbm>> -> memref<40x1024xf32, #tpu.memory_space<hbm>>
    %dma_start3A_1691 = arith.constant 0 : i32
    %dma_start3A_1692 = arith.constant 0 : i32
    %dma_start3A_1693 = tpu.memref_slice %arg6[%dma_start3A_1682, %dma_start3A_1691, %dma_start3A_1692] : memref<3x40x1024xf32, #tpu.memory_space<vmem>> -> memref<1x40x1024xf32, #tpu.memory_space<vmem>>
    %dma_start3A_1694 = tpu.memref_squeeze %dma_start3A_1693 : memref<1x40x1024xf32, #tpu.memory_space<vmem>> -> memref<40x1024xf32, #tpu.memory_space<vmem>>
    tpu.enqueue_dma source(%dma_start3A_1694 : memref<40x1024xf32, #tpu.memory_space<vmem>>) target(%dma_start3A_1690 : memref<40x1024xf32, #tpu.memory_space<hbm>>) target_semaphore(%arg11 : memref<!tpu.dma_semaphore, #tpu.memory_space<semaphore_mem>>)
    %dma_wait3A_1695 = arith.constant 1 : i32
    %dma_wait3A_1696 = arith.constant 0 : i32
    %dma_wait3A_1697 = arith.constant 0 : i32
    %dma_wait3A_1698 = tpu.memref_slice %arg6[%dma_wait3A_1695, %dma_wait3A_1696, %dma_wait3A_1697] : memref<3x40x1024xf32, #tpu.memory_space<vmem>> -> memref<1x40x1024xf32, #tpu.memory_space<vmem>>
    %dma_wait3A_1699 = tpu.memref_squeeze %dma_wait3A_1698 : memref<1x40x1024xf32, #tpu.memory_space<vmem>> -> memref<40x1024xf32, #tpu.memory_space<vmem>>
    %dma_wait3A_1700 = arith.constant 0 : i32
    %dma_wait3A_1701 = tpu.memref_slice %arg4[%add3A_1681, %dma_wait3A_1700] : memref<51200x1024xf32, #tpu.memory_space<hbm>> -> memref<40x1024xf32, #tpu.memory_space<hbm>>
    %dma_wait3A_1702 = arith.constant 0 : i32
    %dma_wait3A_1703 = tpu.memref_slice %arg4[%add3A_1681, %dma_wait3A_1702] : memref<51200x1024xf32, #tpu.memory_space<hbm>> -> memref<40x1024xf32, #tpu.memory_space<hbm>>
    %dma_wait3A_1704 = arith.constant 0 : i32
    %dma_wait3A_1705 = arith.constant 0 : i32
    %dma_wait3A_1706 = tpu.memref_slice %arg6[%dma_wait3A_1695, %dma_wait3A_1704, %dma_wait3A_1705] : memref<3x40x1024xf32, #tpu.memory_space<vmem>> -> memref<1x40x1024xf32, #tpu.memory_space<vmem>>
    %dma_wait3A_1707 = tpu.memref_squeeze %dma_wait3A_1706 : memref<1x40x1024xf32, #tpu.memory_space<vmem>> -> memref<40x1024xf32, #tpu.memory_space<vmem>>
    tpu.wait_dma2 semaphore(%arg11 : memref<!tpu.dma_semaphore, #tpu.memory_space<semaphore_mem>>) src(%dma_wait3A_1707 : memref<40x1024xf32, #tpu.memory_space<vmem>>) dst(%dma_wait3A_1703 : memref<40x1024xf32, #tpu.memory_space<hbm>>)
    %dma_start3A_1708 = arith.constant 1 : i32
    %dma_start3A_1709 = arith.constant 0 : i32
    %dma_start3A_1710 = arith.constant 0 : i32
    %dma_start3A_1711 = tpu.memref_slice %arg6[%dma_start3A_1708, %dma_start3A_1709, %dma_start3A_1710] : memref<3x40x1024xf32, #tpu.memory_space<vmem>> -> memref<1x40x1024xf32, #tpu.memory_space<vmem>>
    %dma_start3A_1712 = tpu.memref_squeeze %dma_start3A_1711 : memref<1x40x1024xf32, #tpu.memory_space<vmem>> -> memref<40x1024xf32, #tpu.memory_space<vmem>>
    %dma_start3A_1713 = arith.constant 1480 : i32
    %dma_start3A_1714 = tpu.memref_slice %arg5[%dma_start3A_1713] : memref<1600xi32, #tpu.memory_space<vmem>> -> memref<40xi32, #tpu.memory_space<vmem>>
    %dma_start3A_1715 = arith.constant 0 : i32
    %dma_start3A_1716 = arith.constant 0 : i32
    %dma_start3A_1717 = tpu.memref_slice %arg3[%dma_start3A_1715, %dma_start3A_1716] : memref<2048x1024xf32, #tpu.memory_space<hbm>> -> memref<2048x1024xf32, #tpu.memory_space<hbm>>
    tpu.enqueue_indirect_dma source(%dma_start3A_1717 : memref<2048x1024xf32, #tpu.memory_space<hbm>>) target(%dma_start3A_1712 : memref<40x1024xf32, #tpu.memory_space<vmem>>) offsets(%dma_start3A_1714 : memref<40xi32, #tpu.memory_space<vmem>>) semaphore(%arg8 : memref<!tpu.dma_semaphore, #tpu.memory_space<semaphore_mem>>)
    %dma_wait3A_1718 = arith.constant 2 : i32
    %dma_wait3A_1719 = arith.constant 0 : i32
    %dma_wait3A_1720 = arith.constant 0 : i32
    %dma_wait3A_1721 = tpu.memref_slice %arg6[%dma_wait3A_1718, %dma_wait3A_1719, %dma_wait3A_1720] : memref<3x40x1024xf32, #tpu.memory_space<vmem>> -> memref<1x40x1024xf32, #tpu.memory_space<vmem>>
    %dma_wait3A_1722 = tpu.memref_squeeze %dma_wait3A_1721 : memref<1x40x1024xf32, #tpu.memory_space<vmem>> -> memref<40x1024xf32, #tpu.memory_space<vmem>>
    %dma_wait3A_1723 = arith.constant 1400 : i32
    %dma_wait3A_1724 = tpu.memref_slice %arg5[%dma_wait3A_1723] : memref<1600xi32, #tpu.memory_space<vmem>> -> memref<40xi32, #tpu.memory_space<vmem>>
    %dma_wait3A_1725 = arith.constant 0 : i32
    %dma_wait3A_1726 = arith.constant 0 : i32
    %dma_wait3A_1727 = tpu.memref_slice %arg3[%dma_wait3A_1725, %dma_wait3A_1726] : memref<2048x1024xf32, #tpu.memory_space<hbm>> -> memref<2048x1024xf32, #tpu.memory_space<hbm>>
    tpu.wait_indirect_dma semaphore(%arg9 : memref<!tpu.dma_semaphore, #tpu.memory_space<semaphore_mem>>) src(%dma_wait3A_1727 : memref<2048x1024xf32, #tpu.memory_space<hbm>>) dst(%dma_wait3A_1722 : memref<40x1024xf32, #tpu.memory_space<vmem>>)
    %add3A_1728 = arith.constant 1400 : i32
    %add3A_1729 = arith.addi %mul3A_2, %add3A_1728 : i32
    %dma_start3A_1730 = arith.constant 2 : i32
    %dma_start3A_1731 = arith.constant 0 : i32
    %dma_start3A_1732 = arith.constant 0 : i32
    %dma_start3A_1733 = tpu.memref_slice %arg6[%dma_start3A_1730, %dma_start3A_1731, %dma_start3A_1732] : memref<3x40x1024xf32, #tpu.memory_space<vmem>> -> memref<1x40x1024xf32, #tpu.memory_space<vmem>>
    %dma_start3A_1734 = tpu.memref_squeeze %dma_start3A_1733 : memref<1x40x1024xf32, #tpu.memory_space<vmem>> -> memref<40x1024xf32, #tpu.memory_space<vmem>>
    %dma_start3A_1735 = arith.constant 0 : i32
    %dma_start3A_1736 = tpu.memref_slice %arg4[%add3A_1729, %dma_start3A_1735] : memref<51200x1024xf32, #tpu.memory_space<hbm>> -> memref<40x1024xf32, #tpu.memory_space<hbm>>
    %dma_start3A_1737 = arith.constant 0 : i32
    %dma_start3A_1738 = tpu.memref_slice %arg4[%add3A_1729, %dma_start3A_1737] : memref<51200x1024xf32, #tpu.memory_space<hbm>> -> memref<40x1024xf32, #tpu.memory_space<hbm>>
    %dma_start3A_1739 = arith.constant 0 : i32
    %dma_start3A_1740 = arith.constant 0 : i32
    %dma_start3A_1741 = tpu.memref_slice %arg6[%dma_start3A_1730, %dma_start3A_1739, %dma_start3A_1740] : memref<3x40x1024xf32, #tpu.memory_space<vmem>> -> memref<1x40x1024xf32, #tpu.memory_space<vmem>>
    %dma_start3A_1742 = tpu.memref_squeeze %dma_start3A_1741 : memref<1x40x1024xf32, #tpu.memory_space<vmem>> -> memref<40x1024xf32, #tpu.memory_space<vmem>>
    tpu.enqueue_dma source(%dma_start3A_1742 : memref<40x1024xf32, #tpu.memory_space<vmem>>) target(%dma_start3A_1738 : memref<40x1024xf32, #tpu.memory_space<hbm>>) target_semaphore(%arg12 : memref<!tpu.dma_semaphore, #tpu.memory_space<semaphore_mem>>)
    %dma_wait3A_1743 = arith.constant 2 : i32
    %dma_wait3A_1744 = arith.constant 0 : i32
    %dma_wait3A_1745 = arith.constant 0 : i32
    %dma_wait3A_1746 = tpu.memref_slice %arg6[%dma_wait3A_1743, %dma_wait3A_1744, %dma_wait3A_1745] : memref<3x40x1024xf32, #tpu.memory_space<vmem>> -> memref<1x40x1024xf32, #tpu.memory_space<vmem>>
    %dma_wait3A_1747 = tpu.memref_squeeze %dma_wait3A_1746 : memref<1x40x1024xf32, #tpu.memory_space<vmem>> -> memref<40x1024xf32, #tpu.memory_space<vmem>>
    %dma_wait3A_1748 = arith.constant 0 : i32
    %dma_wait3A_1749 = tpu.memref_slice %arg4[%add3A_1729, %dma_wait3A_1748] : memref<51200x1024xf32, #tpu.memory_space<hbm>> -> memref<40x1024xf32, #tpu.memory_space<hbm>>
    %dma_wait3A_1750 = arith.constant 0 : i32
    %dma_wait3A_1751 = tpu.memref_slice %arg4[%add3A_1729, %dma_wait3A_1750] : memref<51200x1024xf32, #tpu.memory_space<hbm>> -> memref<40x1024xf32, #tpu.memory_space<hbm>>
    %dma_wait3A_1752 = arith.constant 0 : i32
    %dma_wait3A_1753 = arith.constant 0 : i32
    %dma_wait3A_1754 = tpu.memref_slice %arg6[%dma_wait3A_1743, %dma_wait3A_1752, %dma_wait3A_1753] : memref<3x40x1024xf32, #tpu.memory_space<vmem>> -> memref<1x40x1024xf32, #tpu.memory_space<vmem>>
    %dma_wait3A_1755 = tpu.memref_squeeze %dma_wait3A_1754 : memref<1x40x1024xf32, #tpu.memory_space<vmem>> -> memref<40x1024xf32, #tpu.memory_space<vmem>>
    tpu.wait_dma2 semaphore(%arg12 : memref<!tpu.dma_semaphore, #tpu.memory_space<semaphore_mem>>) src(%dma_wait3A_1755 : memref<40x1024xf32, #tpu.memory_space<vmem>>) dst(%dma_wait3A_1751 : memref<40x1024xf32, #tpu.memory_space<hbm>>)
    %dma_start3A_1756 = arith.constant 2 : i32
    %dma_start3A_1757 = arith.constant 0 : i32
    %dma_start3A_1758 = arith.constant 0 : i32
    %dma_start3A_1759 = tpu.memref_slice %arg6[%dma_start3A_1756, %dma_start3A_1757, %dma_start3A_1758] : memref<3x40x1024xf32, #tpu.memory_space<vmem>> -> memref<1x40x1024xf32, #tpu.memory_space<vmem>>
    %dma_start3A_1760 = tpu.memref_squeeze %dma_start3A_1759 : memref<1x40x1024xf32, #tpu.memory_space<vmem>> -> memref<40x1024xf32, #tpu.memory_space<vmem>>
    %dma_start3A_1761 = arith.constant 1520 : i32
    %dma_start3A_1762 = tpu.memref_slice %arg5[%dma_start3A_1761] : memref<1600xi32, #tpu.memory_space<vmem>> -> memref<40xi32, #tpu.memory_space<vmem>>
    %dma_start3A_1763 = arith.constant 0 : i32
    %dma_start3A_1764 = arith.constant 0 : i32
    %dma_start3A_1765 = tpu.memref_slice %arg3[%dma_start3A_1763, %dma_start3A_1764] : memref<2048x1024xf32, #tpu.memory_space<hbm>> -> memref<2048x1024xf32, #tpu.memory_space<hbm>>
    tpu.enqueue_indirect_dma source(%dma_start3A_1765 : memref<2048x1024xf32, #tpu.memory_space<hbm>>) target(%dma_start3A_1760 : memref<40x1024xf32, #tpu.memory_space<vmem>>) offsets(%dma_start3A_1762 : memref<40xi32, #tpu.memory_space<vmem>>) semaphore(%arg9 : memref<!tpu.dma_semaphore, #tpu.memory_space<semaphore_mem>>)
    %dma_wait3A_1766 = arith.constant 0 : i32
    %dma_wait3A_1767 = arith.constant 0 : i32
    %dma_wait3A_1768 = arith.constant 0 : i32
    %dma_wait3A_1769 = tpu.memref_slice %arg6[%dma_wait3A_1766, %dma_wait3A_1767, %dma_wait3A_1768] : memref<3x40x1024xf32, #tpu.memory_space<vmem>> -> memref<1x40x1024xf32, #tpu.memory_space<vmem>>
    %dma_wait3A_1770 = tpu.memref_squeeze %dma_wait3A_1769 : memref<1x40x1024xf32, #tpu.memory_space<vmem>> -> memref<40x1024xf32, #tpu.memory_space<vmem>>
    %dma_wait3A_1771 = arith.constant 1440 : i32
    %dma_wait3A_1772 = tpu.memref_slice %arg5[%dma_wait3A_1771] : memref<1600xi32, #tpu.memory_space<vmem>> -> memref<40xi32, #tpu.memory_space<vmem>>
    %dma_wait3A_1773 = arith.constant 0 : i32
    %dma_wait3A_1774 = arith.constant 0 : i32
    %dma_wait3A_1775 = tpu.memref_slice %arg3[%dma_wait3A_1773, %dma_wait3A_1774] : memref<2048x1024xf32, #tpu.memory_space<hbm>> -> memref<2048x1024xf32, #tpu.memory_space<hbm>>
    tpu.wait_indirect_dma semaphore(%arg7 : memref<!tpu.dma_semaphore, #tpu.memory_space<semaphore_mem>>) src(%dma_wait3A_1775 : memref<2048x1024xf32, #tpu.memory_space<hbm>>) dst(%dma_wait3A_1770 : memref<40x1024xf32, #tpu.memory_space<vmem>>)
    %add3A_1776 = arith.constant 1440 : i32
    %add3A_1777 = arith.addi %mul3A_2, %add3A_1776 : i32
    %dma_start3A_1778 = arith.constant 0 : i32
    %dma_start3A_1779 = arith.constant 0 : i32
    %dma_start3A_1780 = arith.constant 0 : i32
    %dma_start3A_1781 = tpu.memref_slice %arg6[%dma_start3A_1778, %dma_start3A_1779, %dma_start3A_1780] : memref<3x40x1024xf32, #tpu.memory_space<vmem>> -> memref<1x40x1024xf32, #tpu.memory_space<vmem>>
    %dma_start3A_1782 = tpu.memref_squeeze %dma_start3A_1781 : memref<1x40x1024xf32, #tpu.memory_space<vmem>> -> memref<40x1024xf32, #tpu.memory_space<vmem>>
    %dma_start3A_1783 = arith.constant 0 : i32
    %dma_start3A_1784 = tpu.memref_slice %arg4[%add3A_1777, %dma_start3A_1783] : memref<51200x1024xf32, #tpu.memory_space<hbm>> -> memref<40x1024xf32, #tpu.memory_space<hbm>>
    %dma_start3A_1785 = arith.constant 0 : i32
    %dma_start3A_1786 = tpu.memref_slice %arg4[%add3A_1777, %dma_start3A_1785] : memref<51200x1024xf32, #tpu.memory_space<hbm>> -> memref<40x1024xf32, #tpu.memory_space<hbm>>
    %dma_start3A_1787 = arith.constant 0 : i32
    %dma_start3A_1788 = arith.constant 0 : i32
    %dma_start3A_1789 = tpu.memref_slice %arg6[%dma_start3A_1778, %dma_start3A_1787, %dma_start3A_1788] : memref<3x40x1024xf32, #tpu.memory_space<vmem>> -> memref<1x40x1024xf32, #tpu.memory_space<vmem>>
    %dma_start3A_1790 = tpu.memref_squeeze %dma_start3A_1789 : memref<1x40x1024xf32, #tpu.memory_space<vmem>> -> memref<40x1024xf32, #tpu.memory_space<vmem>>
    tpu.enqueue_dma source(%dma_start3A_1790 : memref<40x1024xf32, #tpu.memory_space<vmem>>) target(%dma_start3A_1786 : memref<40x1024xf32, #tpu.memory_space<hbm>>) target_semaphore(%arg10 : memref<!tpu.dma_semaphore, #tpu.memory_space<semaphore_mem>>)
    %dma_wait3A_1791 = arith.constant 0 : i32
    %dma_wait3A_1792 = arith.constant 0 : i32
    %dma_wait3A_1793 = arith.constant 0 : i32
    %dma_wait3A_1794 = tpu.memref_slice %arg6[%dma_wait3A_1791, %dma_wait3A_1792, %dma_wait3A_1793] : memref<3x40x1024xf32, #tpu.memory_space<vmem>> -> memref<1x40x1024xf32, #tpu.memory_space<vmem>>
    %dma_wait3A_1795 = tpu.memref_squeeze %dma_wait3A_1794 : memref<1x40x1024xf32, #tpu.memory_space<vmem>> -> memref<40x1024xf32, #tpu.memory_space<vmem>>
    %dma_wait3A_1796 = arith.constant 0 : i32
    %dma_wait3A_1797 = tpu.memref_slice %arg4[%add3A_1777, %dma_wait3A_1796] : memref<51200x1024xf32, #tpu.memory_space<hbm>> -> memref<40x1024xf32, #tpu.memory_space<hbm>>
    %dma_wait3A_1798 = arith.constant 0 : i32
    %dma_wait3A_1799 = tpu.memref_slice %arg4[%add3A_1777, %dma_wait3A_1798] : memref<51200x1024xf32, #tpu.memory_space<hbm>> -> memref<40x1024xf32, #tpu.memory_space<hbm>>
    %dma_wait3A_1800 = arith.constant 0 : i32
    %dma_wait3A_1801 = arith.constant 0 : i32
    %dma_wait3A_1802 = tpu.memref_slice %arg6[%dma_wait3A_1791, %dma_wait3A_1800, %dma_wait3A_1801] : memref<3x40x1024xf32, #tpu.memory_space<vmem>> -> memref<1x40x1024xf32, #tpu.memory_space<vmem>>
    %dma_wait3A_1803 = tpu.memref_squeeze %dma_wait3A_1802 : memref<1x40x1024xf32, #tpu.memory_space<vmem>> -> memref<40x1024xf32, #tpu.memory_space<vmem>>
    tpu.wait_dma2 semaphore(%arg10 : memref<!tpu.dma_semaphore, #tpu.memory_space<semaphore_mem>>) src(%dma_wait3A_1803 : memref<40x1024xf32, #tpu.memory_space<vmem>>) dst(%dma_wait3A_1799 : memref<40x1024xf32, #tpu.memory_space<hbm>>)
    %dma_start3A_1804 = arith.constant 0 : i32
    %dma_start3A_1805 = arith.constant 0 : i32
    %dma_start3A_1806 = arith.constant 0 : i32
    %dma_start3A_1807 = tpu.memref_slice %arg6[%dma_start3A_1804, %dma_start3A_1805, %dma_start3A_1806] : memref<3x40x1024xf32, #tpu.memory_space<vmem>> -> memref<1x40x1024xf32, #tpu.memory_space<vmem>>
    %dma_start3A_1808 = tpu.memref_squeeze %dma_start3A_1807 : memref<1x40x1024xf32, #tpu.memory_space<vmem>> -> memref<40x1024xf32, #tpu.memory_space<vmem>>
    %dma_start3A_1809 = arith.constant 1560 : i32
    %dma_start3A_1810 = tpu.memref_slice %arg5[%dma_start3A_1809] : memref<1600xi32, #tpu.memory_space<vmem>> -> memref<40xi32, #tpu.memory_space<vmem>>
    %dma_start3A_1811 = arith.constant 0 : i32
    %dma_start3A_1812 = arith.constant 0 : i32
    %dma_start3A_1813 = tpu.memref_slice %arg3[%dma_start3A_1811, %dma_start3A_1812] : memref<2048x1024xf32, #tpu.memory_space<hbm>> -> memref<2048x1024xf32, #tpu.memory_space<hbm>>
    tpu.enqueue_indirect_dma source(%dma_start3A_1813 : memref<2048x1024xf32, #tpu.memory_space<hbm>>) target(%dma_start3A_1808 : memref<40x1024xf32, #tpu.memory_space<vmem>>) offsets(%dma_start3A_1810 : memref<40xi32, #tpu.memory_space<vmem>>) semaphore(%arg7 : memref<!tpu.dma_semaphore, #tpu.memory_space<semaphore_mem>>)
    %dma_wait3A_1814 = arith.constant 1 : i32
    %dma_wait3A_1815 = arith.constant 0 : i32
    %dma_wait3A_1816 = arith.constant 0 : i32
    %dma_wait3A_1817 = tpu.memref_slice %arg6[%dma_wait3A_1814, %dma_wait3A_1815, %dma_wait3A_1816] : memref<3x40x1024xf32, #tpu.memory_space<vmem>> -> memref<1x40x1024xf32, #tpu.memory_space<vmem>>
    %dma_wait3A_1818 = tpu.memref_squeeze %dma_wait3A_1817 : memref<1x40x1024xf32, #tpu.memory_space<vmem>> -> memref<40x1024xf32, #tpu.memory_space<vmem>>
    %dma_wait3A_1819 = arith.constant 1480 : i32
    %dma_wait3A_1820 = tpu.memref_slice %arg5[%dma_wait3A_1819] : memref<1600xi32, #tpu.memory_space<vmem>> -> memref<40xi32, #tpu.memory_space<vmem>>
    %dma_wait3A_1821 = arith.constant 0 : i32
    %dma_wait3A_1822 = arith.constant 0 : i32
    %dma_wait3A_1823 = tpu.memref_slice %arg3[%dma_wait3A_1821, %dma_wait3A_1822] : memref<2048x1024xf32, #tpu.memory_space<hbm>> -> memref<2048x1024xf32, #tpu.memory_space<hbm>>
    tpu.wait_indirect_dma semaphore(%arg8 : memref<!tpu.dma_semaphore, #tpu.memory_space<semaphore_mem>>) src(%dma_wait3A_1823 : memref<2048x1024xf32, #tpu.memory_space<hbm>>) dst(%dma_wait3A_1818 : memref<40x1024xf32, #tpu.memory_space<vmem>>)
    %add3A_1824 = arith.constant 1480 : i32
    %add3A_1825 = arith.addi %mul3A_2, %add3A_1824 : i32
    %dma_start3A_1826 = arith.constant 1 : i32
    %dma_start3A_1827 = arith.constant 0 : i32
    %dma_start3A_1828 = arith.constant 0 : i32
    %dma_start3A_1829 = tpu.memref_slice %arg6[%dma_start3A_1826, %dma_start3A_1827, %dma_start3A_1828] : memref<3x40x1024xf32, #tpu.memory_space<vmem>> -> memref<1x40x1024xf32, #tpu.memory_space<vmem>>
    %dma_start3A_1830 = tpu.memref_squeeze %dma_start3A_1829 : memref<1x40x1024xf32, #tpu.memory_space<vmem>> -> memref<40x1024xf32, #tpu.memory_space<vmem>>
    %dma_start3A_1831 = arith.constant 0 : i32
    %dma_start3A_1832 = tpu.memref_slice %arg4[%add3A_1825, %dma_start3A_1831] : memref<51200x1024xf32, #tpu.memory_space<hbm>> -> memref<40x1024xf32, #tpu.memory_space<hbm>>
    %dma_start3A_1833 = arith.constant 0 : i32
    %dma_start3A_1834 = tpu.memref_slice %arg4[%add3A_1825, %dma_start3A_1833] : memref<51200x1024xf32, #tpu.memory_space<hbm>> -> memref<40x1024xf32, #tpu.memory_space<hbm>>
    %dma_start3A_1835 = arith.constant 0 : i32
    %dma_start3A_1836 = arith.constant 0 : i32
    %dma_start3A_1837 = tpu.memref_slice %arg6[%dma_start3A_1826, %dma_start3A_1835, %dma_start3A_1836] : memref<3x40x1024xf32, #tpu.memory_space<vmem>> -> memref<1x40x1024xf32, #tpu.memory_space<vmem>>
    %dma_start3A_1838 = tpu.memref_squeeze %dma_start3A_1837 : memref<1x40x1024xf32, #tpu.memory_space<vmem>> -> memref<40x1024xf32, #tpu.memory_space<vmem>>
    tpu.enqueue_dma source(%dma_start3A_1838 : memref<40x1024xf32, #tpu.memory_space<vmem>>) target(%dma_start3A_1834 : memref<40x1024xf32, #tpu.memory_space<hbm>>) target_semaphore(%arg11 : memref<!tpu.dma_semaphore, #tpu.memory_space<semaphore_mem>>)
    %dma_wait3A_1839 = arith.constant 2 : i32
    %dma_wait3A_1840 = arith.constant 0 : i32
    %dma_wait3A_1841 = arith.constant 0 : i32
    %dma_wait3A_1842 = tpu.memref_slice %arg6[%dma_wait3A_1839, %dma_wait3A_1840, %dma_wait3A_1841] : memref<3x40x1024xf32, #tpu.memory_space<vmem>> -> memref<1x40x1024xf32, #tpu.memory_space<vmem>>
    %dma_wait3A_1843 = tpu.memref_squeeze %dma_wait3A_1842 : memref<1x40x1024xf32, #tpu.memory_space<vmem>> -> memref<40x1024xf32, #tpu.memory_space<vmem>>
    %dma_wait3A_1844 = arith.constant 1520 : i32
    %dma_wait3A_1845 = tpu.memref_slice %arg5[%dma_wait3A_1844] : memref<1600xi32, #tpu.memory_space<vmem>> -> memref<40xi32, #tpu.memory_space<vmem>>
    %dma_wait3A_1846 = arith.constant 0 : i32
    %dma_wait3A_1847 = arith.constant 0 : i32
    %dma_wait3A_1848 = tpu.memref_slice %arg3[%dma_wait3A_1846, %dma_wait3A_1847] : memref<2048x1024xf32, #tpu.memory_space<hbm>> -> memref<2048x1024xf32, #tpu.memory_space<hbm>>
    tpu.wait_indirect_dma semaphore(%arg9 : memref<!tpu.dma_semaphore, #tpu.memory_space<semaphore_mem>>) src(%dma_wait3A_1848 : memref<2048x1024xf32, #tpu.memory_space<hbm>>) dst(%dma_wait3A_1843 : memref<40x1024xf32, #tpu.memory_space<vmem>>)
    %add3A_1849 = arith.constant 1520 : i32
    %add3A_1850 = arith.addi %mul3A_2, %add3A_1849 : i32
    %dma_start3A_1851 = arith.constant 2 : i32
    %dma_start3A_1852 = arith.constant 0 : i32
    %dma_start3A_1853 = arith.constant 0 : i32
    %dma_start3A_1854 = tpu.memref_slice %arg6[%dma_start3A_1851, %dma_start3A_1852, %dma_start3A_1853] : memref<3x40x1024xf32, #tpu.memory_space<vmem>> -> memref<1x40x1024xf32, #tpu.memory_space<vmem>>
    %dma_start3A_1855 = tpu.memref_squeeze %dma_start3A_1854 : memref<1x40x1024xf32, #tpu.memory_space<vmem>> -> memref<40x1024xf32, #tpu.memory_space<vmem>>
    %dma_start3A_1856 = arith.constant 0 : i32
    %dma_start3A_1857 = tpu.memref_slice %arg4[%add3A_1850, %dma_start3A_1856] : memref<51200x1024xf32, #tpu.memory_space<hbm>> -> memref<40x1024xf32, #tpu.memory_space<hbm>>
    %dma_start3A_1858 = arith.constant 0 : i32
    %dma_start3A_1859 = tpu.memref_slice %arg4[%add3A_1850, %dma_start3A_1858] : memref<51200x1024xf32, #tpu.memory_space<hbm>> -> memref<40x1024xf32, #tpu.memory_space<hbm>>
    %dma_start3A_1860 = arith.constant 0 : i32
    %dma_start3A_1861 = arith.constant 0 : i32
    %dma_start3A_1862 = tpu.memref_slice %arg6[%dma_start3A_1851, %dma_start3A_1860, %dma_start3A_1861] : memref<3x40x1024xf32, #tpu.memory_space<vmem>> -> memref<1x40x1024xf32, #tpu.memory_space<vmem>>
    %dma_start3A_1863 = tpu.memref_squeeze %dma_start3A_1862 : memref<1x40x1024xf32, #tpu.memory_space<vmem>> -> memref<40x1024xf32, #tpu.memory_space<vmem>>
    tpu.enqueue_dma source(%dma_start3A_1863 : memref<40x1024xf32, #tpu.memory_space<vmem>>) target(%dma_start3A_1859 : memref<40x1024xf32, #tpu.memory_space<hbm>>) target_semaphore(%arg12 : memref<!tpu.dma_semaphore, #tpu.memory_space<semaphore_mem>>)
    %dma_wait3A_1864 = arith.constant 0 : i32
    %dma_wait3A_1865 = arith.constant 0 : i32
    %dma_wait3A_1866 = arith.constant 0 : i32
    %dma_wait3A_1867 = tpu.memref_slice %arg6[%dma_wait3A_1864, %dma_wait3A_1865, %dma_wait3A_1866] : memref<3x40x1024xf32, #tpu.memory_space<vmem>> -> memref<1x40x1024xf32, #tpu.memory_space<vmem>>
    %dma_wait3A_1868 = tpu.memref_squeeze %dma_wait3A_1867 : memref<1x40x1024xf32, #tpu.memory_space<vmem>> -> memref<40x1024xf32, #tpu.memory_space<vmem>>
    %dma_wait3A_1869 = arith.constant 1560 : i32
    %dma_wait3A_1870 = tpu.memref_slice %arg5[%dma_wait3A_1869] : memref<1600xi32, #tpu.memory_space<vmem>> -> memref<40xi32, #tpu.memory_space<vmem>>
    %dma_wait3A_1871 = arith.constant 0 : i32
    %dma_wait3A_1872 = arith.constant 0 : i32
    %dma_wait3A_1873 = tpu.memref_slice %arg3[%dma_wait3A_1871, %dma_wait3A_1872] : memref<2048x1024xf32, #tpu.memory_space<hbm>> -> memref<2048x1024xf32, #tpu.memory_space<hbm>>
    tpu.wait_indirect_dma semaphore(%arg7 : memref<!tpu.dma_semaphore, #tpu.memory_space<semaphore_mem>>) src(%dma_wait3A_1873 : memref<2048x1024xf32, #tpu.memory_space<hbm>>) dst(%dma_wait3A_1868 : memref<40x1024xf32, #tpu.memory_space<vmem>>)
    %add3A_1874 = arith.constant 1560 : i32
    %add3A_1875 = arith.addi %mul3A_2, %add3A_1874 : i32
    %dma_start3A_1876 = arith.constant 0 : i32
    %dma_start3A_1877 = arith.constant 0 : i32
    %dma_start3A_1878 = arith.constant 0 : i32
    %dma_start3A_1879 = tpu.memref_slice %arg6[%dma_start3A_1876, %dma_start3A_1877, %dma_start3A_1878] : memref<3x40x1024xf32, #tpu.memory_space<vmem>> -> memref<1x40x1024xf32, #tpu.memory_space<vmem>>
    %dma_start3A_1880 = tpu.memref_squeeze %dma_start3A_1879 : memref<1x40x1024xf32, #tpu.memory_space<vmem>> -> memref<40x1024xf32, #tpu.memory_space<vmem>>
    %dma_start3A_1881 = arith.constant 0 : i32
    %dma_start3A_1882 = tpu.memref_slice %arg4[%add3A_1875, %dma_start3A_1881] : memref<51200x1024xf32, #tpu.memory_space<hbm>> -> memref<40x1024xf32, #tpu.memory_space<hbm>>
    %dma_start3A_1883 = arith.constant 0 : i32
    %dma_start3A_1884 = tpu.memref_slice %arg4[%add3A_1875, %dma_start3A_1883] : memref<51200x1024xf32, #tpu.memory_space<hbm>> -> memref<40x1024xf32, #tpu.memory_space<hbm>>
    %dma_start3A_1885 = arith.constant 0 : i32
    %dma_start3A_1886 = arith.constant 0 : i32
    %dma_start3A_1887 = tpu.memref_slice %arg6[%dma_start3A_1876, %dma_start3A_1885, %dma_start3A_1886] : memref<3x40x1024xf32, #tpu.memory_space<vmem>> -> memref<1x40x1024xf32, #tpu.memory_space<vmem>>
    %dma_start3A_1888 = tpu.memref_squeeze %dma_start3A_1887 : memref<1x40x1024xf32, #tpu.memory_space<vmem>> -> memref<40x1024xf32, #tpu.memory_space<vmem>>
    tpu.enqueue_dma source(%dma_start3A_1888 : memref<40x1024xf32, #tpu.memory_space<vmem>>) target(%dma_start3A_1884 : memref<40x1024xf32, #tpu.memory_space<hbm>>) target_semaphore(%arg10 : memref<!tpu.dma_semaphore, #tpu.memory_space<semaphore_mem>>)
    %dma_wait3A_1889 = arith.constant 2 : i32
    %dma_wait3A_1890 = arith.constant 0 : i32
    %dma_wait3A_1891 = arith.constant 0 : i32
    %dma_wait3A_1892 = tpu.memref_slice %arg6[%dma_wait3A_1889, %dma_wait3A_1890, %dma_wait3A_1891] : memref<3x40x1024xf32, #tpu.memory_space<vmem>> -> memref<1x40x1024xf32, #tpu.memory_space<vmem>>
    %dma_wait3A_1893 = tpu.memref_squeeze %dma_wait3A_1892 : memref<1x40x1024xf32, #tpu.memory_space<vmem>> -> memref<40x1024xf32, #tpu.memory_space<vmem>>
    %dma_wait3A_1894 = arith.constant 0 : i32
    %dma_wait3A_1895 = tpu.memref_slice %arg4[%add3A_1850, %dma_wait3A_1894] : memref<51200x1024xf32, #tpu.memory_space<hbm>> -> memref<40x1024xf32, #tpu.memory_space<hbm>>
    %dma_wait3A_1896 = arith.constant 0 : i32
    %dma_wait3A_1897 = tpu.memref_slice %arg4[%add3A_1850, %dma_wait3A_1896] : memref<51200x1024xf32, #tpu.memory_space<hbm>> -> memref<40x1024xf32, #tpu.memory_space<hbm>>
    %dma_wait3A_1898 = arith.constant 0 : i32
    %dma_wait3A_1899 = arith.constant 0 : i32
    %dma_wait3A_1900 = tpu.memref_slice %arg6[%dma_wait3A_1889, %dma_wait3A_1898, %dma_wait3A_1899] : memref<3x40x1024xf32, #tpu.memory_space<vmem>> -> memref<1x40x1024xf32, #tpu.memory_space<vmem>>
    %dma_wait3A_1901 = tpu.memref_squeeze %dma_wait3A_1900 : memref<1x40x1024xf32, #tpu.memory_space<vmem>> -> memref<40x1024xf32, #tpu.memory_space<vmem>>
    tpu.wait_dma2 semaphore(%arg12 : memref<!tpu.dma_semaphore, #tpu.memory_space<semaphore_mem>>) src(%dma_wait3A_1901 : memref<40x1024xf32, #tpu.memory_space<vmem>>) dst(%dma_wait3A_1897 : memref<40x1024xf32, #tpu.memory_space<hbm>>)
    %dma_wait3A_1902 = arith.constant 0 : i32
    %dma_wait3A_1903 = arith.constant 0 : i32
    %dma_wait3A_1904 = arith.constant 0 : i32
    %dma_wait3A_1905 = tpu.memref_slice %arg6[%dma_wait3A_1902, %dma_wait3A_1903, %dma_wait3A_1904] : memref<3x40x1024xf32, #tpu.memory_space<vmem>> -> memref<1x40x1024xf32, #tpu.memory_space<vmem>>
    %dma_wait3A_1906 = tpu.memref_squeeze %dma_wait3A_1905 : memref<1x40x1024xf32, #tpu.memory_space<vmem>> -> memref<40x1024xf32, #tpu.memory_space<vmem>>
    %dma_wait3A_1907 = arith.constant 0 : i32
    %dma_wait3A_1908 = tpu.memref_slice %arg4[%add3A_1875, %dma_wait3A_1907] : memref<51200x1024xf32, #tpu.memory_space<hbm>> -> memref<40x1024xf32, #tpu.memory_space<hbm>>
    %dma_wait3A_1909 = arith.constant 0 : i32
    %dma_wait3A_1910 = tpu.memref_slice %arg4[%add3A_1875, %dma_wait3A_1909] : memref<51200x1024xf32, #tpu.memory_space<hbm>> -> memref<40x1024xf32, #tpu.memory_space<hbm>>
    %dma_wait3A_1911 = arith.constant 0 : i32
    %dma_wait3A_1912 = arith.constant 0 : i32
    %dma_wait3A_1913 = tpu.memref_slice %arg6[%dma_wait3A_1902, %dma_wait3A_1911, %dma_wait3A_1912] : memref<3x40x1024xf32, #tpu.memory_space<vmem>> -> memref<1x40x1024xf32, #tpu.memory_space<vmem>>
    %dma_wait3A_1914 = tpu.memref_squeeze %dma_wait3A_1913 : memref<1x40x1024xf32, #tpu.memory_space<vmem>> -> memref<40x1024xf32, #tpu.memory_space<vmem>>
    tpu.wait_dma2 semaphore(%arg10 : memref<!tpu.dma_semaphore, #tpu.memory_space<semaphore_mem>>) src(%dma_wait3A_1914 : memref<40x1024xf32, #tpu.memory_space<vmem>>) dst(%dma_wait3A_1910 : memref<40x1024xf32, #tpu.memory_space<hbm>>)
    return
  }
}

</mosaic_0001>

<sc_bundles>
// kernel: _lookup.3.cloned.1.call-start
scs
__scs_entry_jumppad:
0x0: {  	(pc) =	sbr.rel $0x88, $3  }
0x1: {  	(tag) =	ssettag $0x0;
	lr =	simm.s32 $0x1  }
0x2: {  	[smem:$0x3F9F] =	sst lr;
	_ =	strace $0xD0000000  }
0x3: {  	_ = 	snop  }
0x4: {  	_ = 	snop  }
0x5: {  	_ = 	snop  }
0x6: {  	_ = 	snop  }
0x7: {  	_ = 	snop  }
__scs_overlays_trampoline_lowered:
0x8: {  	[smem:$0x3FAE] =	sst s0  }
0x9: {  	[smem:$0x3FAF] =	sst s1  }
0xa: {  	[smem:$0x3FB0] =	sst s2  }
0xb: {  	[smem:$0x3FB1] =	sst s3  }
0xc: {  	[smem:$0x3FB2] =	sst s4  }
0xd: {  	[smem:$0x3FB3] =	sst s5  }
0xe: {  	[smem:$0x3FB4] =	sst s6  }
0xf: {  	[smem:$0x3FB5] =	sst s7  }
0x10: {  	[smem:$0x3FB6] =	sst s8  }
0x11: {  	[smem:$0x3FB7] =	sst s9;
	s0 =	simm.s32 @!p0 $0x0  }
0x12: {  	s1 =	sld [smem:$0x3F9D];
	s0 =	simm.s32 @p0 $0x1  }
0x13: {  	[smem:$0x3FB8] =	sst s0;
	s0 =	simm.s32 @!p1 $0x0  }
0x14: {  	s2 =	sld [smem:$0x3F9C];
	s0 =	simm.s32 @p1 $0x1  }
0x15: {  	[smem:$0x3FB9] =	sst s0;
	s0 =	simm.s32 @!p2 $0x0  }
0x16: {  	s3 =	sld [smem:$0x3FDB];
	s0 =	simm.s32 @p2 $0x1  }
0x17: {  	s4 =	simm.s32 $0x1BF5;
	[smem:$0x3FBB] =	sst s0  }
0x18: {  	s0 =	sld [smem:$0x3F9E];
	_ =	swait.ge [sflag:s4], $0x0  }
0x19: {  	s7 =	sld [smem:$0x3F9F]  }
0x1a: {  	s8 =	sadd.s32 $0xFFFFE003, lr  }
0x1b: {  	s9 =	sadd.s32 $0xFFFFFEF7, lr;
	s5 =	simm.s32 $0xFFFFFFFF;
	p2 =	slt.u32 s8, $0xFFFFF086  }
0x1c: {  	p1 =	slt.u32 s9, $0xF7A;
	s5 =	simm.s32 @!p2 $0x0  }
0x1d: {  	s5 =	simm.s32 @p1 $0x1;
	p0 =	seq.s32 s7, s2  }
0x1e: {  	s7 =	smul.u32 @!p0 $0xF7A, s2;
	p2 =	seq.s32 @!p0 s5, $0x0  }
0x1f: {  	s9 =	smul.u32 $0xF7A, s1;
	s8 =	simm.s32 @!p0 $0x1BF5;
	p2 =	por !p2, p0  }
0x20: {  	[sflag:s8] =	ssyncset.s32 @!p0 $0xFFFFF086;
	s6 =	sadd.s32 @!p0 s3, s7;
	s7 =	simm.s32 @!p0 $0x108  }
0x21: {  	s3 =	sadd.s32 s3, s9;
	s6 =	sadd.s32 @!p0 $0x88, s6;
	s7 =	simm.s32 @p2 $0x1082  }
0x22: {  	[simem:s7], [sflag:s8] =	dma.local @!p0 [hbm:s6], $0xF7A  }
0x23: {  	s9 =	sor.u32 $0xD0000000, s2;
	s6 =	simm.s32 $0x108;
	_ =	swait.ge @!p0 [sflag:s8], $0x0  }
0x24: {  	s3 =	sadd.s32 $0x88, s3;
	s6 =	simm.s32 @!p1 $0x1082;
	[sflag:s4] =	ssyncset.s32 $0xFFFFF086  }
0x25: {  	[simem:s6], [sflag:s4] =	dma.local [hbm:s3], $0xF7A  }
0x26: {  	[smem:$0x3F9F] =	sst s1;
	(tag) =	ssettag s2;
	_ =	strace s9  }
0x27: {  	s1 =	sld [smem:$0x3FAF]  }
0x28: {  	s2 =	sld [smem:$0x3FB0]  }
0x29: {  	s4 =	sld [smem:$0x3FB2]  }
0x2a: {  	p0 =	seq.s32 s5, $0x0;
	s5 =	sld [smem:$0x3FB3]  }
0x2b: {  	s6 =	sld [smem:$0x3FB4]  }
0x2c: {  	s7 =	sld [smem:$0x3FB5]  }
0x2d: {  	s3 =	simm.s32 $0x108;
	s8 =	sld [smem:$0x3FB6]  }
0x2e: {  	s3 =	simm.s32 @!p0 $0x1082;
	s9 =	sld [smem:$0x3FB7]  }
0x2f: {  	lr =	sadd.s32 s0, s3;
	s0 =	sld [smem:$0x3FAE]  }
0x30: {  	s3 =	sld [smem:$0x3FB1]  }
0x31: {  	[smem:$0x3FBA] =	sst s10  }
0x32: {  	s10 =	sld [smem:$0x3FB8];
	_ =	sdelay $0x3  }
0x33: {  	p0 =	seq.s32 s10, $0x1;
	s10 =	sld [smem:$0x3FBA];
	_ =	sdelay $0x3  }
0x34: {  	[smem:$0x3FBA] =	sst s10  }
0x35: {  	s10 =	sld [smem:$0x3FB9];
	_ =	sdelay $0x3  }
0x36: {  	p1 =	seq.s32 s10, $0x1;
	s10 =	sld [smem:$0x3FBA];
	_ =	sdelay $0x3  }
0x37: {  	[smem:$0x3FBA] =	sst s10  }
0x38: {  	s10 =	sld [smem:$0x3FBB]  }
0x39: {  	_ = 	snop;
	(pc) =	sbr.ind lr, $3  }
0x3a: {  	_ = 	snop  }
0x3b: {  	_ = 	snop  }
0x3c: {  	p2 =	seq.s32 s10, $0x1;
	s10 =	sld [smem:$0x3FBA]  }
0x3d: {  	_ =	shalt  }
0x3e: {  	_ =	shalt  }
0x3f: {  	_ =	shalt  }
0x40: {  	_ =	shalt  }
0x41: {  	_ =	shalt  }
0x42: {  	_ =	shalt  }
0x43: {  	_ =	shalt  }
0x44: {  	_ =	shalt  }
0x45: {  	_ =	shalt  }
0x46: {  	_ =	shalt  }
0x47: {  	_ =	shalt  }
0x48: {  	_ =	shalt  }
0x49: {  	_ =	shalt  }
0x4a: {  	_ =	shalt  }
0x4b: {  	_ =	shalt  }
0x4c: {  	_ =	shalt  }
0x4d: {  	_ =	shalt  }
0x4e: {  	_ =	shalt  }
0x4f: {  	_ =	shalt  }
0x50: {  	_ =	shalt  }
0x51: {  	_ =	shalt  }
0x52: {  	_ =	shalt  }
0x53: {  	_ =	shalt  }
0x54: {  	_ =	shalt  }
0x55: {  	_ =	shalt  }
0x56: {  	_ =	shalt  }
0x57: {  	_ =	shalt  }
0x58: {  	_ =	shalt  }
0x59: {  	_ =	shalt  }
0x5a: {  	_ =	shalt  }
0x5b: {  	_ =	shalt  }
0x5c: {  	_ =	shalt  }
0x5d: {  	_ =	shalt  }
0x5e: {  	_ =	shalt  }
0x5f: {  	_ =	shalt  }
0x60: {  	_ =	shalt  }
0x61: {  	_ =	shalt  }
0x62: {  	_ =	shalt  }
0x63: {  	_ =	shalt  }
0x64: {  	_ =	shalt  }
0x65: {  	_ =	shalt  }
0x66: {  	_ =	shalt  }
0x67: {  	_ =	shalt  }
0x68: {  	_ =	shalt  }
0x69: {  	_ =	shalt  }
0x6a: {  	_ =	shalt  }
0x6b: {  	_ =	shalt  }
0x6c: {  	_ =	shalt  }
0x6d: {  	_ =	shalt  }
0x6e: {  	_ =	shalt  }
0x6f: {  	_ =	shalt  }
0x70: {  	_ =	shalt  }
0x71: {  	_ =	shalt  }
0x72: {  	_ =	shalt  }
0x73: {  	_ =	shalt  }
0x74: {  	_ =	shalt  }
0x75: {  	_ =	shalt  }
0x76: {  	_ =	shalt  }
0x77: {  	_ =	shalt  }
0x78: {  	_ =	shalt  }
0x79: {  	_ =	shalt  }
0x7a: {  	_ =	shalt  }
0x7b: {  	_ =	shalt  }
0x7c: {  	_ =	shalt  }
0x7d: {  	_ =	shalt  }
0x7e: {  	_ =	shalt  }
0x7f: {  	_ =	shalt  }
0x80: {  	_ =	shalt  }
0x81: {  	_ =	shalt  }
0x82: {  	_ =	shalt  }
0x83: {  	_ =	shalt  }
0x84: {  	_ =	shalt  }
0x85: {  	_ =	shalt  }
0x86: {  	_ =	shalt  }
0x87: {  	_ =	shalt  }
.Lfunc_end0:
.L_simem_size_0:
called_computation_lowered:
.L_overlay_start_0:
0x88: {  	s2 =	sld [smem:$0x3FD9]  }
0x89: {  	s3 =	sld [smem:$0x3FFE];
	_ =	sdelay $0x1  }
0x8a: {  	s1 =	srdreg.scid  }
0x8b: {  	s0 =	sand.u32 $0x1, s1  }
0x8c: {  	s18 =	sshll.u32 s0, $0xA;
	s2 =	sadd.s32 s3, s2  }
0x8d: {  	s2 =	sadd.s32 s2, s18  }
0x8e: {  	[smem:$0x3FC6] =	sst s2  }
0x8f: {  	_ = 	snop  }
0x90: {  	s2 =	sld [smem:$0x3FC9]  }
0x91: {  	s19 =	sld [smem:$0x3FC8]  }
0x92: {  	s4 =	sld [smem:$0x3FD0];
	(tm) =	ssettm $0x1  }
0x93: {  	s5 =	sld [smem:$0x3FFB];
	_ =	sdelay $0x3  }
0x94: {  	_ =	strace s5  }
0x95: {  	s5 =	sld [smem:$0x3FFC];
	_ =	sdelay $0x3  }
0x96: {  	_ =	strace s5  }
0x97: {  	s5 =	sld [smem:$0x3FFD];
	_ =	sdelay $0x3  }
0x98: {  	_ =	strace s5  }
0x99: {  	_ =	strace $0x8FFFFFFF  }
0x9a: {  	s20 =	sld [smem:$0x3FDB];
	_ =	sdelay $0x1  }
0x9b: {  	s6 =	simm.s32 $_scs_section_size  }
0x9c: {  	s7 =	simm.s32 $_size__tile_overlayer_lowered;
	s8 =	simm.s32 $_tile_overlayer_lowered  }
0x9d: {  	s23 =	simm.s32 $0x1BFF;
	s22 =	sshll.u32 s8, $0x1;
	s5 =	sadd.s32 s6, s20  }
0x9e: {  	s9 =	simm.s32 $0x0;
	s21 =	sshll.u32 s7, $0x1;
	s7 =	sadd.s32 s22, s5  }
0x9f: {  	[timem:s9], [sflag:s23] =	dma.local [hbm:s7], s21  }
0xa0: {  	_ =	swait.ge [sflag:s23], s21  }
0xa1: {  	s6 =	ssub.s32 $0x0, s21;
	[sflag:s23] =	ssyncset.done $0x0  }
0xa2: {  	[sflag:s23] =	ssyncadd.s32 s6;
	_ =	sdelay $0x1  }
0xa3: {  	s24 =	simm.s32 $0x1B8B  }
0xa4: {  	_ =	swait.ge [sflag:s24], $0x1  }
0xa5: {  	[sflag:s24] =	ssyncset.done $0x0  }
0xa6: {  	s25 =	simm.s32 $0x1B8E;
	[sflag:s24] =	ssyncadd.s32 $0xFFFFFFFF  }
0xa7: {  	s26 =	simm.s32 $execute0_lowered;
	[smem:$0x3FD2] =	sst s25  }
0xa8: {  	s6 =	sshll.u32 s26, $0x1;
	_ =	strace $0x80000046;
	[dreg:$0x1] =	wrdreg $0xFFFFFFFF  }
0xa9: {  	s28 =	simm.s32 $_size_execute0_lowered;
	s5 =	sadd.s32 s5, s6;
	[dreg:$0x0] =	wrdreg $0x0  }
0xaa: {  	s6 =	sshll.u32 s28, $0x1;
	[dreg:$0x2] =	wrdreg s5  }
0xab: {  	[dreg:$0x3] =	wrdreg s6  }
0xac: {  	[dreg:$0x4] =	wrdreg $0xC0  }
0xad: {  	_ =	task [dreg:s9], $0x5FFFF  }
0xae: {  	[dreg:$0x1] =	wrdreg $0xFFFFFFFF  }
0xaf: {  	[dreg:$0x0] =	wrdreg $0x60  }
0xb0: {  	[dreg:$0x2] =	wrdreg s2  }
0xb1: {  	[dreg:$0x3] =	wrdreg s19  }
0xb2: {  	[dreg:$0x4] =	wrdreg s4  }
0xb3: {  	[dreg:$0x5] =	wrdreg $0x9  }
0xb4: {  	_ =	task.clear_ibuf [dreg:s9], $0x6FFFF;
	_ =	strace $0x90000046  }
0xb5: {  	s29 =	simm.s32 $0x9;
	_ =	strace $0x80000048  }
0xb6: {  	_ =	swait.ge [sflag:s29], $0x1  }
0xb7: {  	[sflag:s29] =	ssyncadd.s32 $0xFFFFFFFF  }
0xb8: {  	_ =	strace $0x90000048  }
0xb9: {  	_ =	sfence  }
0xba: {  	s30 =	sld [smem:$0x0];
	_ =	sdelay $0x2  }
0xbb: {  	s31 =	sshll.u32 s1, $0xD;
	s1 =	sshrl.u32 s1, $0x2  }
0xbc: {  	s3 =	sand.u32 $0x4000, s31;
	s1 =	sadd.s32 s1, s30  }
0xbd: {  	s0 =	sor.u32 s3, s0;
	s1 =	sshll.u32 s1, $0x11  }
0xbe: {  	s0 =	sor.u32 s1, s0  }
0xbf: {  	s0 =	sadd.s32 $0x8F2B, s0  }
0xc0: {  	[sflag:s0] =	ssyncadd.remote.s32 $0x1  }
0xc1: {  	_ =	sfence.sel $0xFFFF  }
0xc2: {  	[dreg:$0x0] =	wrdreg $0xFFFFFFFF;
	(pc) =	sbr.abs _section_cstart, $3  }
0xc3: {  	[dreg:$0x1] =	wrdreg $0xFFFFFFFF  }
0xc4: {  	_ =	task.clear_ibuf [dreg:s9], $0x2FFFF;
	_ =	strace $0x9FFFFFFF  }
0xc5: {  	(tm) =	ssettm $0x7FFFFFFF  }
tec
execute0_lowered:
.L_overlay_start_1:
0x0: {  	(tag) =	ssettag $0x1  }
0x1: {  	s1 =	srdreg.scid;
	s3 =	stileid.u32  }
0x2: {  	s1 =	sand.u32 $0x1, s1;
	s3 =	sshll.u32 s3, $0x1  }
0x3: {  	s0 =	rddreg [dreg:$0x0];
	s5 =	sor.u32 s1, s3  }
0x4: {  	s2 =	rddreg [dreg:$0x1];
	s6 =	smul.u32 $0xC8, s5  }
0x5: {  	s4 =	rddreg [dreg:$0x2];
	s3 =	simm.s32 $0x0;
	s7 =	smul.u32 $0x190000, s5  }
0x6: {  	[smem:$0x7FF] =	sst s3;
	s9 =	smul.u32 $0x32000, s5;
	s15 =	sshll.u32 s5, $0x6  }
0x7: {  	_ =	strace $0x80000047;
	s0 =	sadd.s32 s0, s6;
	s16 =	sshrl.u32 s7, $0x3  }
0x8: {  	s5 =	sadd.s32 s4, s9;
	[dreg:$0x4] =	wrdreg s0;
	s0 =	sadd.s32 s4, s16  }
0x9: {  	[dreg:$0x5] =	wrdreg s5;
	s4 =	sadd.s32 $0x2800, s0  }
0xa: {  	s17 =	sadd.s32 $0x3C00, s0;
	[dreg:$0x6] =	wrdreg s4  }
0xb: {  	s18 =	sadd.s32 $0x5000, s0;
	[dreg:$0x7] =	wrdreg s17  }
0xc: {  	s19 =	sadd.s32 $0x6400, s0;
	[dreg:$0x8] =	wrdreg s18  }
0xd: {  	s20 =	sadd.s32 $0x7800, s0;
	[dreg:$0x9] =	wrdreg s19  }
0xe: {  	s21 =	sadd.s32 $0x8C00, s0;
	[dreg:$0xa] =	wrdreg s20  }
0xf: {  	s22 =	sadd.s32 $0xA000, s0;
	[dreg:$0xb] =	wrdreg s21  }
0x10: {  	s23 =	sadd.s32 $0xB400, s0;
	[dreg:$0xc] =	wrdreg s22  }
0x11: {  	s24 =	sadd.s32 $0xC800, s0;
	[dreg:$0xd] =	wrdreg s23  }
0x12: {  	s25 =	sadd.s32 $0xDC00, s0;
	[dreg:$0xe] =	wrdreg s24  }
0x13: {  	s26 =	sadd.s32 $0xF000, s0;
	[dreg:$0xf] =	wrdreg s25  }
0x14: {  	s28 =	sadd.s32 $0x10400, s0;
	[dreg:$0x10] =	wrdreg s26  }
0x15: {  	s29 =	sadd.s32 $0x11800, s0;
	[dreg:$0x11] =	wrdreg s28  }
0x16: {  	s30 =	sadd.s32 $0x12C00, s0;
	[dreg:$0x12] =	wrdreg s29  }
0x17: {  	s31 =	sadd.s32 $0x14000, s0;
	[dreg:$0x13] =	wrdreg s30  }
0x18: {  	s1 =	ssub.s32 $0x2, s1;
	s6 =	sadd.s32 $0x15400, s0;
	[dreg:$0x14] =	wrdreg s31  }
0x19: {  	s8 =	sshrl.u32 s1, $0x1;
	s7 =	sadd.s32 $0x16800, s0;
	[dreg:$0x15] =	wrdreg s6  }
0x1a: {  	s1 =	ssub.s32 s1, s8;
	s8 =	sadd.s32 $0x17C00, s0;
	[dreg:$0x16] =	wrdreg s7  }
0x1b: {  	s9 =	sadd.s32 $0x19000, s0;
	[dreg:$0x17] =	wrdreg s8  }
0x1c: {  	s10 =	sadd.s32 $0x1A400, s0;
	[dreg:$0x18] =	wrdreg s9  }
0x1d: {  	s11 =	sadd.s32 $0x1B800, s0;
	[dreg:$0x19] =	wrdreg s10  }
0x1e: {  	s12 =	sadd.s32 $0x1CC00, s0;
	[dreg:$0x1a] =	wrdreg s11  }
0x1f: {  	s13 =	sadd.s32 $0x1E000, s0;
	[dreg:$0x1b] =	wrdreg s12  }
0x20: {  	s14 =	sadd.s32 $0x1F400, s0;
	[dreg:$0x1c] =	wrdreg s13  }
0x21: {  	s16 =	sadd.s32 $0x20800, s0;
	[dreg:$0x1d] =	wrdreg s14  }
0x22: {  	[dreg:$0x1e] =	wrdreg s16;
	s17 =	sadd.s32 $0x21C00, s0  }
0x23: {  	s18 =	sadd.s32 $0x23000, s0;
	[dreg:$0x1f] =	wrdreg s17  }
0x24: {  	s19 =	sadd.s32 $0x24400, s0;
	[smem:$0x7F0] =	sst s18  }
0x25: {  	s20 =	sadd.s32 $0x25800, s0;
	[smem:$0x7F1] =	sst s19  }
0x26: {  	s21 =	sadd.s32 $0x26C00, s0;
	[smem:$0x7F2] =	sst s20  }
0x27: {  	s22 =	sadd.s32 $0x28000, s0;
	[smem:$0x7F3] =	sst s21  }
0x28: {  	s23 =	sadd.s32 $0x29400, s0;
	[smem:$0x7F4] =	sst s22  }
0x29: {  	s24 =	sadd.s32 $0x2A800, s0;
	[smem:$0x7F5] =	sst s23  }
0x2a: {  	s25 =	sadd.s32 $0x2BC00, s0;
	[smem:$0x7F6] =	sst s24  }
0x2b: {  	s26 =	sadd.s32 $0x2D000, s0;
	[smem:$0x7F7] =	sst s25  }
0x2c: {  	v0 =	vmov s15;
	s15 =	simm.s32 $0x4;
	s28 =	sadd.s32 $0x2E400, s0;
	[smem:$0x7F8] =	sst s26  }
0x2d: {  	s29 =	sadd.s32 $0x2F800, s0;
	s0 =	sadd.s32 $0x30C00, s0;
	[smem:$0x7F9] =	sst s28  }
0x2e: {  	s30 =	smax.u32 s1, $0x1;
	s31 =	sadd.s32 $0x1400, s5;
	[smem:$0x7FA] =	sst s29  }
0x2f: {  	s5 =	simm.s32 $0x1;
	s16 =	simm.s32 $0x2;
	[smem:$0x7FB] =	sst s0  }
0x30: {  	v3 =	vlaneseq.u32;
	[smem:$0x7FC] =	sst s30;
	s17 =	sadd.s32 $0x100, s2;
	s18 =	sadd.s32 $0x200, s2  }
0x31: {  	vm0 =	vmmov $0xffff;
	v2 =	vshrl.u32 v3, $0x3;
	s19 =	sadd.s32 $0x300, s2;
	[smem:$0x7FD] =	sst s31;
	s20 =	simm.s32 $0x5  }
0x32: {  	v1 =	vand.u32 $0x7, v3;
	v3 =	vor.u32 $0x8, v3;
	v2 =	vmul.u32 $0x8, v2;
	s23 =	simm.s32 $0x3;
	s24 =	simm.s32 $0x6;
	s0 =	simm.s32 $0x0  }
.LBB2_1:
0x33: {  	[smem:$0x7EF] =	sst s0  }
0x34: {  	s26 =	rddreg [dreg:$0x4];
	s31 =	simm.s32 $0x7  }
0x35: {  	[tilespmem:s3], [sflag:$0x7] =	stream.linear.gather [hbm4b:s26+s3], $0x640, $0x38;
	[tilespmem:$0x1E680] =	vst v63  }
0x36: {  	_ =	swait.ge [sflag:s31], $0x640  }
0x37: {  	[sflag:s31] =	ssyncset.done $0x0  }
0x38: {  	s28 =	simm.s32 $0x40;
	s26 =	simm.s32 $0x0;
	[sflag:s31] =	ssyncadd.s32 $0xFFFFF9C0  }
.LBB2_2:
0x39: {  	p0 =	sne.s32 s28, $0x18C0;
	v4 =	vld [tilespmem:s26+$0x0];
	_ =	sdelay $0x1  }
.Ltmp0:
0x3a: {  	(pc) =	sbr.rel @p0 .LBB2_2-.Ltmp0, $3  }
0x3b: {  	_ =	sdelay $0x1  }
0x3c: {  	v4 =	vadd.s32 v0, v4  }
0x3d: {  	[tilespmem:s26+$0x0] =	vst v4;
	s26 =	sshra.s32 s28, $0x2;
	s28 =	sadd.s32 $0x40, s28  }
0x3e: {  	v4 =	vld [tilespmem:s26+$0x0];
	_ =	sdelay $0x4  }
0x3f: {  	v4 =	vadd.s32 v0, v4  }
0x40: {  	[tilespmem:s26+$0x0] =	vst v4  }
0x41: {  	v4 =	vld [tilespmem:$0x0];
	_ =	sdelay $0x4  }
0x42: {  	v5 =	vshll.u32 v4, $0x3  }
0x43: {  	v4 =	vand.u32 $0x7, v4;
	v5 =	vand.u32 $0xFFFFFFC0, v5  }
0x44: {  	v4 =	vor.u32 v4, v5  }
0x45: {  	v5 =	vperm.xlane v4, v1;
	_ =	sdelay $0x1  }
0x46: {  	v5 =	vadd.s32 v2, v5;
	_ =	sdelay $0x3  }
0x47: {  	s0 =	simm.s32 $0x680  }
0x48: {  	[tilespmem:s0], [sflag:$0x1] =	stream.indirect_vreg.gather [hbm4b:s2+s3], $0x80, v5, vm0, $0xb8;
	[tilespmem:$0x1E680] =	vst v63  }
0x49: {  	s21 =	simm.s32 $0xE80;
	v4 =	vperm.xlane v4, v3  }
0x4a: {  	[tilespmem:s21], [sflag:$0x1] =	stream.indirect_vreg.gather [hbm4b:s17+s3], $0x80, v5, vm0, $0xb8;
	[tilespmem:$0x1E680] =	vst v63  }
0x4b: {  	s22 =	simm.s32 $0x1680;
	v4 =	vadd.s32 v2, v4  }
0x4c: {  	[tilespmem:s22], [sflag:$0x1] =	stream.indirect_vreg.gather [hbm4b:s18+s3], $0x80, v5, vm0, $0xb8;
	[tilespmem:$0x1E680] =	vst v63  }
0x4d: {  	s25 =	simm.s32 $0x1E80  }
0x4e: {  	[tilespmem:s25], [sflag:$0x1] =	stream.indirect_vreg.gather [hbm4b:s19+s3], $0x80, v5, vm0, $0xb8;
	[tilespmem:$0x1E680] =	vst v63  }
0x4f: {  	s26 =	simm.s32 $0x2680  }
0x50: {  	[tilespmem:s26], [sflag:$0x1] =	stream.indirect_vreg.gather [hbm4b:s2+s3], $0x80, v4, vm0, $0xb8;
	[tilespmem:$0x1E680] =	vst v63  }
0x51: {  	s29 =	simm.s32 $0x2E80  }
0x52: {  	[tilespmem:s29], [sflag:$0x1] =	stream.indirect_vreg.gather [hbm4b:s17+s3], $0x80, v4, vm0, $0xb8;
	[tilespmem:$0x1E680] =	vst v63  }
0x53: {  	s30 =	simm.s32 $0x3680  }
0x54: {  	[tilespmem:s30], [sflag:$0x1] =	stream.indirect_vreg.gather [hbm4b:s18+s3], $0x80, v4, vm0, $0xb8;
	[tilespmem:$0x1E680] =	vst v63  }
0x55: {  	s31 =	simm.s32 $0x3E80  }
0x56: {  	[tilespmem:s31], [sflag:$0x1] =	stream.indirect_vreg.gather [hbm4b:s19+s3], $0x80, v4, vm0, $0xb8;
	[tilespmem:$0x1E680] =	vst v63  }
0x57: {  	v4 =	vld [tilespmem:$0x10];
	_ =	sdelay $0x4  }
0x58: {  	v5 =	vshll.u32 v4, $0x3  }
0x59: {  	v4 =	vand.u32 $0x7, v4;
	v5 =	vand.u32 $0xFFFFFFC0, v5  }
0x5a: {  	v4 =	vor.u32 v4, v5  }
0x5b: {  	v5 =	vperm.xlane v4, v1;
	_ =	sdelay $0x1  }
0x5c: {  	v5 =	vadd.s32 v2, v5;
	_ =	sdelay $0x3  }
0x5d: {  	s1 =	simm.s32 $0x4680  }
0x5e: {  	[tilespmem:s1], [sflag:$0x1] =	stream.indirect_vreg.gather [hbm4b:s2+s3], $0x80, v5, vm0, $0xb8;
	[tilespmem:$0x1E680] =	vst v63  }
0x5f: {  	s4 =	simm.s32 $0x4E80;
	v4 =	vperm.xlane v4, v3  }
0x60: {  	[tilespmem:s4], [sflag:$0x1] =	stream.indirect_vreg.gather [hbm4b:s17+s3], $0x80, v5, vm0, $0xb8;
	[tilespmem:$0x1E680] =	vst v63  }
0x61: {  	s7 =	simm.s32 $0x5680;
	v4 =	vadd.s32 v2, v4  }
0x62: {  	[tilespmem:s7], [sflag:$0x1] =	stream.indirect_vreg.gather [hbm4b:s18+s3], $0x80, v5, vm0, $0xb8;
	[tilespmem:$0x1E680] =	vst v63  }
0x63: {  	s8 =	simm.s32 $0x5E80  }
0x64: {  	[tilespmem:s8], [sflag:$0x1] =	stream.indirect_vreg.gather [hbm4b:s19+s3], $0x80, v5, vm0, $0xb8;
	[tilespmem:$0x1E680] =	vst v63  }
0x65: {  	s9 =	simm.s32 $0x6680  }
0x66: {  	[tilespmem:s9], [sflag:$0x1] =	stream.indirect_vreg.gather [hbm4b:s2+s3], $0x80, v4, vm0, $0xb8;
	[tilespmem:$0x1E680] =	vst v63  }
0x67: {  	s10 =	simm.s32 $0x6E80  }
0x68: {  	[tilespmem:s10], [sflag:$0x1] =	stream.indirect_vreg.gather [hbm4b:s17+s3], $0x80, v4, vm0, $0xb8;
	[tilespmem:$0x1E680] =	vst v63  }
0x69: {  	s11 =	simm.s32 $0x7680  }
0x6a: {  	[tilespmem:s11], [sflag:$0x1] =	stream.indirect_vreg.gather [hbm4b:s18+s3], $0x80, v4, vm0, $0xb8;
	[tilespmem:$0x1E680] =	vst v63  }
0x6b: {  	s12 =	simm.s32 $0x7E80  }
0x6c: {  	[tilespmem:s12], [sflag:$0x1] =	stream.indirect_vreg.gather [hbm4b:s19+s3], $0x80, v4, vm0, $0xb8;
	[tilespmem:$0x1E680] =	vst v63  }
0x6d: {  	v4 =	vld.msk [tilespmem:$0x20], $0xff;
	_ =	sdelay $0x4  }
0x6e: {  	v5 =	vshll.u32 v4, $0x3  }
0x6f: {  	v4 =	vand.u32 $0x7, v4;
	v5 =	vand.u32 $0xFFFFFFC0, v5  }
0x70: {  	v4 =	vor.u32 v4, v5  }
0x71: {  	v4 =	vperm.xlane v4, v1;
	_ =	sdelay $0x1  }
0x72: {  	v4 =	vadd.s32 v2, v4;
	_ =	sdelay $0x3  }
0x73: {  	s13 =	simm.s32 $0x8680  }
0x74: {  	[tilespmem:s13], [sflag:$0x1] =	stream.indirect_vreg.gather [hbm4b:s2+s3], $0x80, v4, vm0, $0xb8;
	[tilespmem:$0x1E680] =	vst v63  }
0x75: {  	s22 =	simm.s32 $0x8E80  }
0x76: {  	[tilespmem:s22], [sflag:$0x1] =	stream.indirect_vreg.gather [hbm4b:s17+s3], $0x80, v4, vm0, $0xb8;
	[tilespmem:$0x1E680] =	vst v63  }
0x77: {  	s25 =	simm.s32 $0x9680  }
0x78: {  	[tilespmem:s25], [sflag:$0x1] =	stream.indirect_vreg.gather [hbm4b:s18+s3], $0x80, v4, vm0, $0xb8;
	[tilespmem:$0x1E680] =	vst v63  }
0x79: {  	s26 =	simm.s32 $0x9E80  }
0x7a: {  	[tilespmem:s26], [sflag:$0x1] =	stream.indirect_vreg.gather [hbm4b:s19+s3], $0x80, v4, vm0, $0xb8;
	[tilespmem:$0x1E680] =	vst v63  }
0x7b: {  	v4 =	vld [tilespmem:$0x28];
	_ =	sdelay $0x4  }
0x7c: {  	v5 =	vshll.u32 v4, $0x3  }
0x7d: {  	v4 =	vand.u32 $0x7, v4;
	v5 =	vand.u32 $0xFFFFFFC0, v5  }
0x7e: {  	v4 =	vor.u32 v4, v5  }
0x7f: {  	v5 =	vperm.xlane v4, v1;
	_ =	sdelay $0x1  }
0x80: {  	v5 =	vadd.s32 v2, v5;
	_ =	sdelay $0x3  }
0x81: {  	s30 =	simm.s32 $0xA680  }
0x82: {  	[tilespmem:s30], [sflag:$0x2] =	stream.indirect_vreg.gather [hbm4b:s2+s3], $0x80, v5, vm0, $0xb8;
	[tilespmem:$0x1E680] =	vst v63  }
0x83: {  	s1 =	simm.s32 $0xAE80;
	v4 =	vperm.xlane v4, v3  }
0x84: {  	[tilespmem:s1], [sflag:$0x2] =	stream.indirect_vreg.gather [hbm4b:s17+s3], $0x80, v5, vm0, $0xb8;
	[tilespmem:$0x1E680] =	vst v63  }
0x85: {  	s22 =	simm.s32 $0xB680;
	v4 =	vadd.s32 v2, v4  }
0x86: {  	[tilespmem:s22], [sflag:$0x2] =	stream.indirect_vreg.gather [hbm4b:s18+s3], $0x80, v5, vm0, $0xb8;
	[tilespmem:$0x1E680] =	vst v63  }
0x87: {  	s26 =	simm.s32 $0xBE80  }
0x88: {  	[tilespmem:s26], [sflag:$0x2] =	stream.indirect_vreg.gather [hbm4b:s19+s3], $0x80, v5, vm0, $0xb8;
	[tilespmem:$0x1E680] =	vst v63  }
0x89: {  	s30 =	simm.s32 $0xC680  }
0x8a: {  	[tilespmem:s30], [sflag:$0x2] =	stream.indirect_vreg.gather [hbm4b:s2+s3], $0x80, v4, vm0, $0xb8;
	[tilespmem:$0x1E680] =	vst v63  }
0x8b: {  	s26 =	simm.s32 $0xCE80  }
0x8c: {  	[tilespmem:s26], [sflag:$0x2] =	stream.indirect_vreg.gather [hbm4b:s17+s3], $0x80, v4, vm0, $0xb8;
	[tilespmem:$0x1E680] =	vst v63  }
0x8d: {  	s26 =	simm.s32 $0xD680  }
0x8e: {  	[tilespmem:s26], [sflag:$0x2] =	stream.indirect_vreg.gather [hbm4b:s18+s3], $0x80, v4, vm0, $0xb8;
	[tilespmem:$0x1E680] =	vst v63  }
0x8f: {  	s26 =	simm.s32 $0xDE80  }
0x90: {  	[tilespmem:s26], [sflag:$0x2] =	stream.indirect_vreg.gather [hbm4b:s19+s3], $0x80, v4, vm0, $0xb8;
	[tilespmem:$0x1E680] =	vst v63  }
0x91: {  	v4 =	vld [tilespmem:$0x38];
	_ =	sdelay $0x4  }
0x92: {  	v5 =	vshll.u32 v4, $0x3  }
0x93: {  	v4 =	vand.u32 $0x7, v4;
	v5 =	vand.u32 $0xFFFFFFC0, v5  }
0x94: {  	v4 =	vor.u32 v4, v5  }
0x95: {  	v5 =	vperm.xlane v4, v1;
	_ =	sdelay $0x1  }
0x96: {  	v5 =	vadd.s32 v2, v5;
	_ =	sdelay $0x3  }
0x97: {  	s26 =	simm.s32 $0xE680  }
0x98: {  	[tilespmem:s26], [sflag:$0x2] =	stream.indirect_vreg.gather [hbm4b:s2+s3], $0x80, v5, vm0, $0xb8;
	[tilespmem:$0x1E680] =	vst v63  }
0x99: {  	v4 =	vperm.xlane v4, v3;
	s26 =	simm.s32 $0xEE80  }
0x9a: {  	[tilespmem:s26], [sflag:$0x2] =	stream.indirect_vreg.gather [hbm4b:s17+s3], $0x80, v5, vm0, $0xb8;
	[tilespmem:$0x1E680] =	vst v63  }
0x9b: {  	v4 =	vadd.s32 v2, v4;
	s26 =	simm.s32 $0xF680  }
0x9c: {  	[tilespmem:s26], [sflag:$0x2] =	stream.indirect_vreg.gather [hbm4b:s18+s3], $0x80, v5, vm0, $0xb8;
	[tilespmem:$0x1E680] =	vst v63  }
0x9d: {  	s26 =	simm.s32 $0xFE80  }
0x9e: {  	[tilespmem:s26], [sflag:$0x2] =	stream.indirect_vreg.gather [hbm4b:s19+s3], $0x80, v5, vm0, $0xb8;
	[tilespmem:$0x1E680] =	vst v63  }
0x9f: {  	s26 =	simm.s32 $0x10680  }
0xa0: {  	[tilespmem:s26], [sflag:$0x2] =	stream.indirect_vreg.gather [hbm4b:s2+s3], $0x80, v4, vm0, $0xb8;
	[tilespmem:$0x1E680] =	vst v63  }
0xa1: {  	s26 =	simm.s32 $0x10E80  }
0xa2: {  	[tilespmem:s26], [sflag:$0x2] =	stream.indirect_vreg.gather [hbm4b:s17+s3], $0x80, v4, vm0, $0xb8;
	[tilespmem:$0x1E680] =	vst v63  }
0xa3: {  	s26 =	simm.s32 $0x11680  }
0xa4: {  	[tilespmem:s26], [sflag:$0x2] =	stream.indirect_vreg.gather [hbm4b:s18+s3], $0x80, v4, vm0, $0xb8;
	[tilespmem:$0x1E680] =	vst v63  }
0xa5: {  	s26 =	simm.s32 $0x11E80  }
0xa6: {  	[tilespmem:s26], [sflag:$0x2] =	stream.indirect_vreg.gather [hbm4b:s19+s3], $0x80, v4, vm0, $0xb8;
	[tilespmem:$0x1E680] =	vst v63  }
0xa7: {  	v4 =	vld.msk [tilespmem:$0x48], $0xff;
	_ =	sdelay $0x4  }
0xa8: {  	v5 =	vshll.u32 v4, $0x3  }
0xa9: {  	v4 =	vand.u32 $0x7, v4;
	v5 =	vand.u32 $0xFFFFFFC0, v5  }
0xaa: {  	v4 =	vor.u32 v4, v5  }
0xab: {  	v4 =	vperm.xlane v4, v1;
	_ =	sdelay $0x1  }
0xac: {  	v4 =	vadd.s32 v2, v4;
	_ =	sdelay $0x3  }
0xad: {  	s26 =	simm.s32 $0x12680  }
0xae: {  	[tilespmem:s26], [sflag:$0x2] =	stream.indirect_vreg.gather [hbm4b:s2+s3], $0x80, v4, vm0, $0xb8;
	[tilespmem:$0x1E680] =	vst v63  }
0xaf: {  	s26 =	simm.s32 $0x12E80  }
0xb0: {  	[tilespmem:s26], [sflag:$0x2] =	stream.indirect_vreg.gather [hbm4b:s17+s3], $0x80, v4, vm0, $0xb8;
	[tilespmem:$0x1E680] =	vst v63  }
0xb1: {  	s26 =	simm.s32 $0x13680  }
0xb2: {  	[tilespmem:s26], [sflag:$0x2] =	stream.indirect_vreg.gather [hbm4b:s18+s3], $0x80, v4, vm0, $0xb8;
	[tilespmem:$0x1E680] =	vst v63  }
0xb3: {  	s26 =	simm.s32 $0x13E80  }
0xb4: {  	[tilespmem:s26], [sflag:$0x2] =	stream.indirect_vreg.gather [hbm4b:s19+s3], $0x80, v4, vm0, $0xb8;
	[tilespmem:$0x1E680] =	vst v63  }
0xb5: {  	v4 =	vld [tilespmem:$0x50];
	_ =	sdelay $0x4  }
0xb6: {  	v5 =	vshll.u32 v4, $0x3  }
0xb7: {  	v4 =	vand.u32 $0x7, v4;
	v5 =	vand.u32 $0xFFFFFFC0, v5  }
0xb8: {  	v4 =	vor.u32 v4, v5  }
0xb9: {  	v5 =	vperm.xlane v4, v1;
	_ =	sdelay $0x1  }
0xba: {  	v5 =	vadd.s32 v2, v5;
	_ =	sdelay $0x3  }
0xbb: {  	s26 =	simm.s32 $0x14680  }
0xbc: {  	[tilespmem:s26], [sflag:$0x3] =	stream.indirect_vreg.gather [hbm4b:s2+s3], $0x80, v5, vm0, $0xb8;
	[tilespmem:$0x1E680] =	vst v63  }
0xbd: {  	v4 =	vperm.xlane v4, v3;
	s26 =	simm.s32 $0x14E80  }
0xbe: {  	[tilespmem:s26], [sflag:$0x3] =	stream.indirect_vreg.gather [hbm4b:s17+s3], $0x80, v5, vm0, $0xb8;
	[tilespmem:$0x1E680] =	vst v63  }
0xbf: {  	v4 =	vadd.s32 v2, v4;
	s26 =	simm.s32 $0x15680  }
0xc0: {  	[tilespmem:s26], [sflag:$0x3] =	stream.indirect_vreg.gather [hbm4b:s18+s3], $0x80, v5, vm0, $0xb8;
	[tilespmem:$0x1E680] =	vst v63  }
0xc1: {  	s26 =	simm.s32 $0x15E80  }
0xc2: {  	[tilespmem:s26], [sflag:$0x3] =	stream.indirect_vreg.gather [hbm4b:s19+s3], $0x80, v5, vm0, $0xb8;
	[tilespmem:$0x1E680] =	vst v63  }
0xc3: {  	s26 =	simm.s32 $0x16680  }
0xc4: {  	[tilespmem:s26], [sflag:$0x3] =	stream.indirect_vreg.gather [hbm4b:s2+s3], $0x80, v4, vm0, $0xb8;
	[tilespmem:$0x1E680] =	vst v63  }
0xc5: {  	s26 =	simm.s32 $0x16E80  }
0xc6: {  	[tilespmem:s26], [sflag:$0x3] =	stream.indirect_vreg.gather [hbm4b:s17+s3], $0x80, v4, vm0, $0xb8;
	[tilespmem:$0x1E680] =	vst v63  }
0xc7: {  	s26 =	simm.s32 $0x17680  }
0xc8: {  	[tilespmem:s26], [sflag:$0x3] =	stream.indirect_vreg.gather [hbm4b:s18+s3], $0x80, v4, vm0, $0xb8;
	[tilespmem:$0x1E680] =	vst v63  }
0xc9: {  	s26 =	simm.s32 $0x17E80  }
0xca: {  	[tilespmem:s26], [sflag:$0x3] =	stream.indirect_vreg.gather [hbm4b:s19+s3], $0x80, v4, vm0, $0xb8;
	[tilespmem:$0x1E680] =	vst v63  }
0xcb: {  	v4 =	vld [tilespmem:$0x60];
	_ =	sdelay $0x4  }
0xcc: {  	v5 =	vshll.u32 v4, $0x3  }
0xcd: {  	v4 =	vand.u32 $0x7, v4;
	v5 =	vand.u32 $0xFFFFFFC0, v5  }
0xce: {  	v4 =	vor.u32 v4, v5  }
0xcf: {  	v5 =	vperm.xlane v4, v1;
	_ =	sdelay $0x1  }
0xd0: {  	v5 =	vadd.s32 v2, v5;
	_ =	sdelay $0x3  }
0xd1: {  	s26 =	simm.s32 $0x18680  }
0xd2: {  	[tilespmem:s26], [sflag:$0x3] =	stream.indirect_vreg.gather [hbm4b:s2+s3], $0x80, v5, vm0, $0xb8;
	[tilespmem:$0x1E680] =	vst v63  }
0xd3: {  	v4 =	vperm.xlane v4, v3;
	s26 =	simm.s32 $0x18E80  }
0xd4: {  	[tilespmem:s26], [sflag:$0x3] =	stream.indirect_vreg.gather [hbm4b:s17+s3], $0x80, v5, vm0, $0xb8;
	[tilespmem:$0x1E680] =	vst v63  }
0xd5: {  	v4 =	vadd.s32 v2, v4;
	s26 =	simm.s32 $0x19680  }
0xd6: {  	[tilespmem:s26], [sflag:$0x3] =	stream.indirect_vreg.gather [hbm4b:s18+s3], $0x80, v5, vm0, $0xb8;
	[tilespmem:$0x1E680] =	vst v63  }
0xd7: {  	s26 =	simm.s32 $0x19E80  }
0xd8: {  	[tilespmem:s26], [sflag:$0x3] =	stream.indirect_vreg.gather [hbm4b:s19+s3], $0x80, v5, vm0, $0xb8;
	[tilespmem:$0x1E680] =	vst v63  }
0xd9: {  	s26 =	simm.s32 $0x1A680  }
0xda: {  	[tilespmem:s26], [sflag:$0x3] =	stream.indirect_vreg.gather [hbm4b:s2+s3], $0x80, v4, vm0, $0xb8;
	[tilespmem:$0x1E680] =	vst v63  }
0xdb: {  	s26 =	simm.s32 $0x1AE80  }
0xdc: {  	[tilespmem:s26], [sflag:$0x3] =	stream.indirect_vreg.gather [hbm4b:s17+s3], $0x80, v4, vm0, $0xb8;
	[tilespmem:$0x1E680] =	vst v63  }
0xdd: {  	s26 =	simm.s32 $0x1B680  }
0xde: {  	[tilespmem:s26], [sflag:$0x3] =	stream.indirect_vreg.gather [hbm4b:s18+s3], $0x80, v4, vm0, $0xb8;
	[tilespmem:$0x1E680] =	vst v63  }
0xdf: {  	s26 =	simm.s32 $0x1BE80  }
0xe0: {  	[tilespmem:s26], [sflag:$0x3] =	stream.indirect_vreg.gather [hbm4b:s19+s3], $0x80, v4, vm0, $0xb8;
	[tilespmem:$0x1E680] =	vst v63  }
0xe1: {  	v4 =	vld.msk [tilespmem:$0x70], $0xff;
	_ =	sdelay $0x4  }
0xe2: {  	v5 =	vshll.u32 v4, $0x3  }
0xe3: {  	v4 =	vand.u32 $0x7, v4;
	v5 =	vand.u32 $0xFFFFFFC0, v5  }
0xe4: {  	v4 =	vor.u32 v4, v5  }
0xe5: {  	v4 =	vperm.xlane v4, v1;
	_ =	sdelay $0x1  }
0xe6: {  	v4 =	vadd.s32 v2, v4;
	_ =	sdelay $0x3  }
0xe7: {  	s26 =	simm.s32 $0x1C680  }
0xe8: {  	[tilespmem:s26], [sflag:$0x3] =	stream.indirect_vreg.gather [hbm4b:s2+s3], $0x80, v4, vm0, $0xb8;
	[tilespmem:$0x1E680] =	vst v63  }
0xe9: {  	s26 =	simm.s32 $0x1CE80  }
0xea: {  	[tilespmem:s26], [sflag:$0x3] =	stream.indirect_vreg.gather [hbm4b:s17+s3], $0x80, v4, vm0, $0xb8;
	[tilespmem:$0x1E680] =	vst v63  }
0xeb: {  	s26 =	simm.s32 $0x1D680  }
0xec: {  	[tilespmem:s26], [sflag:$0x3] =	stream.indirect_vreg.gather [hbm4b:s18+s3], $0x80, v4, vm0, $0xb8;
	[tilespmem:$0x1E680] =	vst v63  }
0xed: {  	s26 =	simm.s32 $0x1DE80  }
0xee: {  	[tilespmem:s26], [sflag:$0x3] =	stream.indirect_vreg.gather [hbm4b:s19+s3], $0x80, v4, vm0, $0xb8;
	[tilespmem:$0x1E680] =	vst v63  }
0xef: {  	_ =	swait.ge [sflag:s5], $0xA000  }
0xf0: {  	[sflag:s5] =	ssyncset.done $0x0  }
0xf1: {  	s0 =	simm.s32 $0x680;
	s26 =	rddreg [dreg:$0x5];
	[sflag:s5] =	ssyncadd.s32 $0xFFFF6000  }
0xf2: {  	[hbm4b:s26+s3] =	stream.linear.scatter [tilespmem:s0], [sflag:$0x4], $0xA000, $0x38;
	[tilespmem:$0x1E680] =	vst v63  }
0xf3: {  	_ =	swait.ge [sflag:s15], $0xA000  }
0xf4: {  	[sflag:s15] =	ssyncset.done $0x0  }
0xf5: {  	[sflag:s15] =	ssyncadd.s32 $0xFFFF6000  }
0xf6: {  	v4 =	vld [tilespmem:$0x78];
	_ =	sdelay $0x4  }
0xf7: {  	v5 =	vshll.u32 v4, $0x3  }
0xf8: {  	v4 =	vand.u32 $0x7, v4;
	v5 =	vand.u32 $0xFFFFFFC0, v5  }
0xf9: {  	v4 =	vor.u32 v4, v5  }
0xfa: {  	v5 =	vperm.xlane v4, v1;
	_ =	sdelay $0x1  }
0xfb: {  	v5 =	vadd.s32 v2, v5;
	_ =	sdelay $0x4  }
0xfc: {  	[tilespmem:s0], [sflag:$0x1] =	stream.indirect_vreg.gather [hbm4b:s2+s3], $0x80, v5, vm0, $0xb8;
	[tilespmem:$0x1E680] =	vst v63  }
0xfd: {  	s14 =	simm.s32 $0xE80;
	v4 =	vperm.xlane v4, v3  }
0xfe: {  	[tilespmem:s14], [sflag:$0x1] =	stream.indirect_vreg.gather [hbm4b:s17+s3], $0x80, v5, vm0, $0xb8;
	[tilespmem:$0x1E680] =	vst v63  }
0xff: {  	s26 =	simm.s32 $0x1680;
	v4 =	vadd.s32 v2, v4  }
0x100: {  	[tilespmem:s26], [sflag:$0x1] =	stream.indirect_vreg.gather [hbm4b:s18+s3], $0x80, v5, vm0, $0xb8;
	[tilespmem:$0x1E680] =	vst v63  }
0x101: {  	s28 =	simm.s32 $0x1E80  }
0x102: {  	[tilespmem:s28], [sflag:$0x1] =	stream.indirect_vreg.gather [hbm4b:s19+s3], $0x80, v5, vm0, $0xb8;
	[tilespmem:$0x1E680] =	vst v63  }
0x103: {  	s28 =	simm.s32 $0x2680  }
0x104: {  	[tilespmem:s28], [sflag:$0x1] =	stream.indirect_vreg.gather [hbm4b:s2+s3], $0x80, v4, vm0, $0xb8;
	[tilespmem:$0x1E680] =	vst v63  }
0x105: {  	s21 =	simm.s32 $0x2E80  }
0x106: {  	[tilespmem:s21], [sflag:$0x1] =	stream.indirect_vreg.gather [hbm4b:s17+s3], $0x80, v4, vm0, $0xb8;
	[tilespmem:$0x1E680] =	vst v63  }
0x107: {  	s6 =	simm.s32 $0x3680  }
0x108: {  	[tilespmem:s6], [sflag:$0x1] =	stream.indirect_vreg.gather [hbm4b:s18+s3], $0x80, v4, vm0, $0xb8;
	[tilespmem:$0x1E680] =	vst v63  }
0x109: {  	s29 =	simm.s32 $0x3E80  }
0x10a: {  	[tilespmem:s29], [sflag:$0x1] =	stream.indirect_vreg.gather [hbm4b:s19+s3], $0x80, v4, vm0, $0xb8;
	[tilespmem:$0x1E680] =	vst v63  }
0x10b: {  	v4 =	vld [tilespmem:$0x88];
	_ =	sdelay $0x4  }
0x10c: {  	v5 =	vshll.u32 v4, $0x3  }
0x10d: {  	v4 =	vand.u32 $0x7, v4;
	v5 =	vand.u32 $0xFFFFFFC0, v5  }
0x10e: {  	v4 =	vor.u32 v4, v5  }
0x10f: {  	v5 =	vperm.xlane v4, v1;
	_ =	sdelay $0x1  }
0x110: {  	v5 =	vadd.s32 v2, v5;
	_ =	sdelay $0x3  }
0x111: {  	s31 =	simm.s32 $0x4680  }
0x112: {  	[tilespmem:s31], [sflag:$0x1] =	stream.indirect_vreg.gather [hbm4b:s2+s3], $0x80, v5, vm0, $0xb8;
	[tilespmem:$0x1E680] =	vst v63  }
0x113: {  	s28 =	simm.s32 $0x4E80;
	v4 =	vperm.xlane v4, v3  }
0x114: {  	[tilespmem:s28], [sflag:$0x1] =	stream.indirect_vreg.gather [hbm4b:s17+s3], $0x80, v5, vm0, $0xb8;
	[tilespmem:$0x1E680] =	vst v63  }
0x115: {  	s7 =	simm.s32 $0x5680;
	v4 =	vadd.s32 v2, v4  }
0x116: {  	[tilespmem:s7], [sflag:$0x1] =	stream.indirect_vreg.gather [hbm4b:s18+s3], $0x80, v5, vm0, $0xb8;
	[tilespmem:$0x1E680] =	vst v63  }
0x117: {  	s8 =	simm.s32 $0x5E80  }
0x118: {  	[tilespmem:s8], [sflag:$0x1] =	stream.indirect_vreg.gather [hbm4b:s19+s3], $0x80, v5, vm0, $0xb8;
	[tilespmem:$0x1E680] =	vst v63  }
0x119: {  	s9 =	simm.s32 $0x6680  }
0x11a: {  	[tilespmem:s9], [sflag:$0x1] =	stream.indirect_vreg.gather [hbm4b:s2+s3], $0x80, v4, vm0, $0xb8;
	[tilespmem:$0x1E680] =	vst v63  }
0x11b: {  	s10 =	simm.s32 $0x6E80  }
0x11c: {  	[tilespmem:s10], [sflag:$0x1] =	stream.indirect_vreg.gather [hbm4b:s17+s3], $0x80, v4, vm0, $0xb8;
	[tilespmem:$0x1E680] =	vst v63  }
0x11d: {  	s11 =	simm.s32 $0x7680  }
0x11e: {  	[tilespmem:s11], [sflag:$0x1] =	stream.indirect_vreg.gather [hbm4b:s18+s3], $0x80, v4, vm0, $0xb8;
	[tilespmem:$0x1E680] =	vst v63  }
0x11f: {  	s31 =	simm.s32 $0x7E80  }
0x120: {  	[tilespmem:s31], [sflag:$0x1] =	stream.indirect_vreg.gather [hbm4b:s19+s3], $0x80, v4, vm0, $0xb8;
	[tilespmem:$0x1E680] =	vst v63  }
0x121: {  	v4 =	vld.msk [tilespmem:$0x98], $0xff;
	_ =	sdelay $0x4  }
0x122: {  	v5 =	vshll.u32 v4, $0x3  }
0x123: {  	v4 =	vand.u32 $0x7, v4;
	v5 =	vand.u32 $0xFFFFFFC0, v5  }
0x124: {  	v4 =	vor.u32 v4, v5  }
0x125: {  	v4 =	vperm.xlane v4, v1;
	_ =	sdelay $0x1  }
0x126: {  	v4 =	vadd.s32 v2, v4;
	_ =	sdelay $0x3  }
0x127: {  	s12 =	simm.s32 $0x8680  }
0x128: {  	[tilespmem:s12], [sflag:$0x1] =	stream.indirect_vreg.gather [hbm4b:s2+s3], $0x80, v4, vm0, $0xb8;
	[tilespmem:$0x1E680] =	vst v63  }
0x129: {  	s13 =	simm.s32 $0x8E80  }
0x12a: {  	[tilespmem:s13], [sflag:$0x1] =	stream.indirect_vreg.gather [hbm4b:s17+s3], $0x80, v4, vm0, $0xb8;
	[tilespmem:$0x1E680] =	vst v63  }
0x12b: {  	s25 =	simm.s32 $0x9680  }
0x12c: {  	[tilespmem:s25], [sflag:$0x1] =	stream.indirect_vreg.gather [hbm4b:s18+s3], $0x80, v4, vm0, $0xb8;
	[tilespmem:$0x1E680] =	vst v63  }
0x12d: {  	s4 =	simm.s32 $0x9E80  }
0x12e: {  	[tilespmem:s4], [sflag:$0x1] =	stream.indirect_vreg.gather [hbm4b:s19+s3], $0x80, v4, vm0, $0xb8;
	[tilespmem:$0x1E680] =	vst v63  }
0x12f: {  	_ =	swait.ge [sflag:s16], $0xA000  }
0x130: {  	s9 =	sld [smem:$0x7FD]  }
0x131: {  	[sflag:s16] =	ssyncset.done $0x0  }
0x132: {  	s10 =	simm.s32 $0xA680;
	[sflag:s16] =	ssyncadd.s32 $0xFFFF6000  }
0x133: {  	[hbm4b:s9+s3] =	stream.linear.scatter [tilespmem:s10], [sflag:$0x5], $0xA000, $0x38;
	[tilespmem:$0x1E680] =	vst v63  }
0x134: {  	_ =	swait.ge [sflag:s20], $0xA000  }
0x135: {  	[sflag:s20] =	ssyncset.done $0x0  }
0x136: {  	[sflag:s20] =	ssyncadd.s32 $0xFFFF6000  }
0x137: {  	v4 =	vld [tilespmem:$0xA0];
	_ =	sdelay $0x4  }
0x138: {  	v5 =	vshll.u32 v4, $0x3  }
0x139: {  	v4 =	vand.u32 $0x7, v4;
	v5 =	vand.u32 $0xFFFFFFC0, v5  }
0x13a: {  	v4 =	vor.u32 v4, v5  }
0x13b: {  	v5 =	vperm.xlane v4, v1;
	_ =	sdelay $0x1  }
0x13c: {  	v5 =	vadd.s32 v2, v5;
	_ =	sdelay $0x4  }
0x13d: {  	[tilespmem:s10], [sflag:$0x2] =	stream.indirect_vreg.gather [hbm4b:s2+s3], $0x80, v5, vm0, $0xb8;
	[tilespmem:$0x1E680] =	vst v63  }
0x13e: {  	s11 =	simm.s32 $0xAE80;
	v4 =	vperm.xlane v4, v3  }
0x13f: {  	[tilespmem:s11], [sflag:$0x2] =	stream.indirect_vreg.gather [hbm4b:s17+s3], $0x80, v5, vm0, $0xb8;
	[tilespmem:$0x1E680] =	vst v63  }
0x140: {  	s1 =	simm.s32 $0xB680;
	v4 =	vadd.s32 v2, v4  }
0x141: {  	[tilespmem:s1], [sflag:$0x2] =	stream.indirect_vreg.gather [hbm4b:s18+s3], $0x80, v5, vm0, $0xb8;
	[tilespmem:$0x1E680] =	vst v63  }
0x142: {  	s22 =	simm.s32 $0xBE80  }
0x143: {  	[tilespmem:s22], [sflag:$0x2] =	stream.indirect_vreg.gather [hbm4b:s19+s3], $0x80, v5, vm0, $0xb8;
	[tilespmem:$0x1E680] =	vst v63  }
0x144: {  	s30 =	simm.s32 $0xC680  }
0x145: {  	[tilespmem:s30], [sflag:$0x2] =	stream.indirect_vreg.gather [hbm4b:s2+s3], $0x80, v4, vm0, $0xb8;
	[tilespmem:$0x1E680] =	vst v63  }
0x146: {  	s4 =	simm.s32 $0xCE80  }
0x147: {  	[tilespmem:s4], [sflag:$0x2] =	stream.indirect_vreg.gather [hbm4b:s17+s3], $0x80, v4, vm0, $0xb8;
	[tilespmem:$0x1E680] =	vst v63  }
0x148: {  	s12 =	simm.s32 $0xD680  }
0x149: {  	[tilespmem:s12], [sflag:$0x2] =	stream.indirect_vreg.gather [hbm4b:s18+s3], $0x80, v4, vm0, $0xb8;
	[tilespmem:$0x1E680] =	vst v63  }
0x14a: {  	s13 =	simm.s32 $0xDE80  }
0x14b: {  	[tilespmem:s13], [sflag:$0x2] =	stream.indirect_vreg.gather [hbm4b:s19+s3], $0x80, v4, vm0, $0xb8;
	[tilespmem:$0x1E680] =	vst v63  }
0x14c: {  	v4 =	vld [tilespmem:$0xB0];
	_ =	sdelay $0x4  }
0x14d: {  	v5 =	vshll.u32 v4, $0x3  }
0x14e: {  	v4 =	vand.u32 $0x7, v4;
	v5 =	vand.u32 $0xFFFFFFC0, v5  }
0x14f: {  	v4 =	vor.u32 v4, v5  }
0x150: {  	v5 =	vperm.xlane v4, v1;
	_ =	sdelay $0x1  }
0x151: {  	v5 =	vadd.s32 v2, v5;
	_ =	sdelay $0x3  }
0x152: {  	s14 =	simm.s32 $0xE680  }
0x153: {  	[tilespmem:s14], [sflag:$0x2] =	stream.indirect_vreg.gather [hbm4b:s2+s3], $0x80, v5, vm0, $0xb8;
	[tilespmem:$0x1E680] =	vst v63  }
0x154: {  	s21 =	simm.s32 $0xEE80;
	v4 =	vperm.xlane v4, v3  }
0x155: {  	[tilespmem:s21], [sflag:$0x2] =	stream.indirect_vreg.gather [hbm4b:s17+s3], $0x80, v5, vm0, $0xb8;
	[tilespmem:$0x1E680] =	vst v63  }
0x156: {  	s22 =	simm.s32 $0xF680;
	v4 =	vadd.s32 v2, v4  }
0x157: {  	[tilespmem:s22], [sflag:$0x2] =	stream.indirect_vreg.gather [hbm4b:s18+s3], $0x80, v5, vm0, $0xb8;
	[tilespmem:$0x1E680] =	vst v63  }
0x158: {  	s25 =	simm.s32 $0xFE80  }
0x159: {  	[tilespmem:s25], [sflag:$0x2] =	stream.indirect_vreg.gather [hbm4b:s19+s3], $0x80, v5, vm0, $0xb8;
	[tilespmem:$0x1E680] =	vst v63  }
0x15a: {  	s26 =	simm.s32 $0x10680  }
0x15b: {  	[tilespmem:s26], [sflag:$0x2] =	stream.indirect_vreg.gather [hbm4b:s2+s3], $0x80, v4, vm0, $0xb8;
	[tilespmem:$0x1E680] =	vst v63  }
0x15c: {  	s29 =	simm.s32 $0x10E80  }
0x15d: {  	[tilespmem:s29], [sflag:$0x2] =	stream.indirect_vreg.gather [hbm4b:s17+s3], $0x80, v4, vm0, $0xb8;
	[tilespmem:$0x1E680] =	vst v63  }
0x15e: {  	s30 =	simm.s32 $0x11680  }
0x15f: {  	[tilespmem:s30], [sflag:$0x2] =	stream.indirect_vreg.gather [hbm4b:s18+s3], $0x80, v4, vm0, $0xb8;
	[tilespmem:$0x1E680] =	vst v63  }
0x160: {  	s1 =	simm.s32 $0x11E80  }
0x161: {  	[tilespmem:s1], [sflag:$0x2] =	stream.indirect_vreg.gather [hbm4b:s19+s3], $0x80, v4, vm0, $0xb8;
	[tilespmem:$0x1E680] =	vst v63  }
0x162: {  	v4 =	vld.msk [tilespmem:$0xC0], $0xff;
	_ =	sdelay $0x4  }
0x163: {  	v5 =	vshll.u32 v4, $0x3  }
0x164: {  	v4 =	vand.u32 $0x7, v4;
	v5 =	vand.u32 $0xFFFFFFC0, v5  }
0x165: {  	v4 =	vor.u32 v4, v5  }
0x166: {  	v4 =	vperm.xlane v4, v1;
	_ =	sdelay $0x1  }
0x167: {  	v4 =	vadd.s32 v2, v4;
	_ =	sdelay $0x3  }
0x168: {  	s6 =	simm.s32 $0x12680  }
0x169: {  	[tilespmem:s6], [sflag:$0x2] =	stream.indirect_vreg.gather [hbm4b:s2+s3], $0x80, v4, vm0, $0xb8;
	[tilespmem:$0x1E680] =	vst v63  }
0x16a: {  	s7 =	simm.s32 $0x12E80  }
0x16b: {  	[tilespmem:s7], [sflag:$0x2] =	stream.indirect_vreg.gather [hbm4b:s17+s3], $0x80, v4, vm0, $0xb8;
	[tilespmem:$0x1E680] =	vst v63  }
0x16c: {  	s8 =	simm.s32 $0x13680  }
0x16d: {  	[tilespmem:s8], [sflag:$0x2] =	stream.indirect_vreg.gather [hbm4b:s18+s3], $0x80, v4, vm0, $0xb8;
	[tilespmem:$0x1E680] =	vst v63  }
0x16e: {  	s9 =	simm.s32 $0x13E80  }
0x16f: {  	[tilespmem:s9], [sflag:$0x2] =	stream.indirect_vreg.gather [hbm4b:s19+s3], $0x80, v4, vm0, $0xb8;
	[tilespmem:$0x1E680] =	vst v63  }
0x170: {  	_ =	swait.ge [sflag:s23], $0xA000  }
0x171: {  	[sflag:s23] =	ssyncset.done $0x0  }
0x172: {  	s11 =	simm.s32 $0x14680;
	s10 =	rddreg [dreg:$0x6];
	[sflag:s23] =	ssyncadd.s32 $0xFFFF6000  }
0x173: {  	[hbm4b:s10+s3] =	stream.linear.scatter [tilespmem:s11], [sflag:$0x6], $0xA000, $0x38;
	[tilespmem:$0x1E680] =	vst v63  }
0x174: {  	_ =	swait.ge [sflag:s24], $0xA000  }
0x175: {  	[sflag:s24] =	ssyncset.done $0x0  }
0x176: {  	[sflag:s24] =	ssyncadd.s32 $0xFFFF6000  }
0x177: {  	v4 =	vld [tilespmem:$0xC8];
	_ =	sdelay $0x4  }
0x178: {  	v5 =	vshll.u32 v4, $0x3  }
0x179: {  	v4 =	vand.u32 $0x7, v4;
	v5 =	vand.u32 $0xFFFFFFC0, v5  }
0x17a: {  	v4 =	vor.u32 v4, v5  }
0x17b: {  	v5 =	vperm.xlane v4, v1;
	_ =	sdelay $0x1  }
0x17c: {  	v5 =	vadd.s32 v2, v5;
	_ =	sdelay $0x4  }
0x17d: {  	[tilespmem:s11], [sflag:$0x3] =	stream.indirect_vreg.gather [hbm4b:s2+s3], $0x80, v5, vm0, $0xb8;
	[tilespmem:$0x1E680] =	vst v63  }
0x17e: {  	s30 =	simm.s32 $0x14E80;
	v4 =	vperm.xlane v4, v3  }
0x17f: {  	[tilespmem:s30], [sflag:$0x3] =	stream.indirect_vreg.gather [hbm4b:s17+s3], $0x80, v5, vm0, $0xb8;
	[tilespmem:$0x1E680] =	vst v63  }
0x180: {  	s12 =	simm.s32 $0x15680;
	v4 =	vadd.s32 v2, v4  }
0x181: {  	[tilespmem:s12], [sflag:$0x3] =	stream.indirect_vreg.gather [hbm4b:s18+s3], $0x80, v5, vm0, $0xb8;
	[tilespmem:$0x1E680] =	vst v63  }
0x182: {  	s25 =	simm.s32 $0x15E80  }
0x183: {  	[tilespmem:s25], [sflag:$0x3] =	stream.indirect_vreg.gather [hbm4b:s19+s3], $0x80, v5, vm0, $0xb8;
	[tilespmem:$0x1E680] =	vst v63  }
0x184: {  	s21 =	simm.s32 $0x16680  }
0x185: {  	[tilespmem:s21], [sflag:$0x3] =	stream.indirect_vreg.gather [hbm4b:s2+s3], $0x80, v4, vm0, $0xb8;
	[tilespmem:$0x1E680] =	vst v63  }
0x186: {  	s6 =	simm.s32 $0x16E80  }
0x187: {  	[tilespmem:s6], [sflag:$0x3] =	stream.indirect_vreg.gather [hbm4b:s17+s3], $0x80, v4, vm0, $0xb8;
	[tilespmem:$0x1E680] =	vst v63  }
0x188: {  	s7 =	simm.s32 $0x17680  }
0x189: {  	[tilespmem:s7], [sflag:$0x3] =	stream.indirect_vreg.gather [hbm4b:s18+s3], $0x80, v4, vm0, $0xb8;
	[tilespmem:$0x1E680] =	vst v63  }
0x18a: {  	s1 =	simm.s32 $0x17E80  }
0x18b: {  	[tilespmem:s1], [sflag:$0x3] =	stream.indirect_vreg.gather [hbm4b:s19+s3], $0x80, v4, vm0, $0xb8;
	[tilespmem:$0x1E680] =	vst v63  }
0x18c: {  	v4 =	vld [tilespmem:$0xD8];
	_ =	sdelay $0x4  }
0x18d: {  	v5 =	vshll.u32 v4, $0x3  }
0x18e: {  	v4 =	vand.u32 $0x7, v4;
	v5 =	vand.u32 $0xFFFFFFC0, v5  }
0x18f: {  	v4 =	vor.u32 v4, v5  }
0x190: {  	v5 =	vperm.xlane v4, v1;
	_ =	sdelay $0x1  }
0x191: {  	v5 =	vadd.s32 v2, v5;
	_ =	sdelay $0x3  }
0x192: {  	s22 =	simm.s32 $0x18680  }
0x193: {  	[tilespmem:s22], [sflag:$0x3] =	stream.indirect_vreg.gather [hbm4b:s2+s3], $0x80, v5, vm0, $0xb8;
	[tilespmem:$0x1E680] =	vst v63  }
0x194: {  	s13 =	simm.s32 $0x18E80;
	v4 =	vperm.xlane v4, v3  }
0x195: {  	[tilespmem:s13], [sflag:$0x3] =	stream.indirect_vreg.gather [hbm4b:s17+s3], $0x80, v5, vm0, $0xb8;
	[tilespmem:$0x1E680] =	vst v63  }
0x196: {  	s8 =	simm.s32 $0x19680;
	v4 =	vadd.s32 v2, v4  }
0x197: {  	[tilespmem:s8], [sflag:$0x3] =	stream.indirect_vreg.gather [hbm4b:s18+s3], $0x80, v5, vm0, $0xb8;
	[tilespmem:$0x1E680] =	vst v63  }
0x198: {  	s9 =	simm.s32 $0x19E80  }
0x199: {  	[tilespmem:s9], [sflag:$0x3] =	stream.indirect_vreg.gather [hbm4b:s19+s3], $0x80, v5, vm0, $0xb8;
	[tilespmem:$0x1E680] =	vst v63  }
0x19a: {  	s10 =	simm.s32 $0x1A680  }
0x19b: {  	[tilespmem:s10], [sflag:$0x3] =	stream.indirect_vreg.gather [hbm4b:s2+s3], $0x80, v4, vm0, $0xb8;
	[tilespmem:$0x1E680] =	vst v63  }
0x19c: {  	s11 =	simm.s32 $0x1AE80  }
0x19d: {  	[tilespmem:s11], [sflag:$0x3] =	stream.indirect_vreg.gather [hbm4b:s17+s3], $0x80, v4, vm0, $0xb8;
	[tilespmem:$0x1E680] =	vst v63  }
0x19e: {  	s12 =	simm.s32 $0x1B680  }
0x19f: {  	[tilespmem:s12], [sflag:$0x3] =	stream.indirect_vreg.gather [hbm4b:s18+s3], $0x80, v4, vm0, $0xb8;
	[tilespmem:$0x1E680] =	vst v63  }
0x1a0: {  	s14 =	simm.s32 $0x1BE80  }
0x1a1: {  	[tilespmem:s14], [sflag:$0x3] =	stream.indirect_vreg.gather [hbm4b:s19+s3], $0x80, v4, vm0, $0xb8;
	[tilespmem:$0x1E680] =	vst v63  }
0x1a2: {  	v4 =	vld.msk [tilespmem:$0xE8], $0xff;
	_ =	sdelay $0x4  }
0x1a3: {  	v5 =	vshll.u32 v4, $0x3  }
0x1a4: {  	v4 =	vand.u32 $0x7, v4;
	v5 =	vand.u32 $0xFFFFFFC0, v5  }
0x1a5: {  	v4 =	vor.u32 v4, v5  }
0x1a6: {  	v4 =	vperm.xlane v4, v1;
	_ =	sdelay $0x1  }
0x1a7: {  	v4 =	vadd.s32 v2, v4;
	_ =	sdelay $0x3  }
0x1a8: {  	s13 =	simm.s32 $0x1C680  }
0x1a9: {  	[tilespmem:s13], [sflag:$0x3] =	stream.indirect_vreg.gather [hbm4b:s2+s3], $0x80, v4, vm0, $0xb8;
	[tilespmem:$0x1E680] =	vst v63  }
0x1aa: {  	s14 =	simm.s32 $0x1CE80  }
0x1ab: {  	[tilespmem:s14], [sflag:$0x3] =	stream.indirect_vreg.gather [hbm4b:s17+s3], $0x80, v4, vm0, $0xb8;
	[tilespmem:$0x1E680] =	vst v63  }
0x1ac: {  	s29 =	simm.s32 $0x1D680  }
0x1ad: {  	[tilespmem:s29], [sflag:$0x3] =	stream.indirect_vreg.gather [hbm4b:s18+s3], $0x80, v4, vm0, $0xb8;
	[tilespmem:$0x1E680] =	vst v63  }
0x1ae: {  	s26 =	simm.s32 $0x1DE80  }
0x1af: {  	[tilespmem:s26], [sflag:$0x3] =	stream.indirect_vreg.gather [hbm4b:s19+s3], $0x80, v4, vm0, $0xb8;
	[tilespmem:$0x1E680] =	vst v63  }
0x1b0: {  	_ =	swait.ge [sflag:s5], $0xA000  }
0x1b1: {  	[sflag:s5] =	ssyncset.done $0x0  }
0x1b2: {  	s0 =	simm.s32 $0x680;
	s26 =	rddreg [dreg:$0x7];
	[sflag:s5] =	ssyncadd.s32 $0xFFFF6000  }
0x1b3: {  	[hbm4b:s26+s3] =	stream.linear.scatter [tilespmem:s0], [sflag:$0x4], $0xA000, $0x38;
	[tilespmem:$0x1E680] =	vst v63  }
0x1b4: {  	_ =	swait.ge [sflag:s15], $0xA000  }
0x1b5: {  	[sflag:s15] =	ssyncset.done $0x0  }
0x1b6: {  	[sflag:s15] =	ssyncadd.s32 $0xFFFF6000  }
0x1b7: {  	v4 =	vld [tilespmem:$0xF0];
	_ =	sdelay $0x4  }
0x1b8: {  	v5 =	vshll.u32 v4, $0x3  }
0x1b9: {  	v4 =	vand.u32 $0x7, v4;
	v5 =	vand.u32 $0xFFFFFFC0, v5  }
0x1ba: {  	v4 =	vor.u32 v4, v5  }
0x1bb: {  	v5 =	vperm.xlane v4, v1;
	_ =	sdelay $0x1  }
0x1bc: {  	v5 =	vadd.s32 v2, v5;
	_ =	sdelay $0x4  }
0x1bd: {  	[tilespmem:s0], [sflag:$0x1] =	stream.indirect_vreg.gather [hbm4b:s2+s3], $0x80, v5, vm0, $0xb8;
	[tilespmem:$0x1E680] =	vst v63  }
0x1be: {  	s26 =	simm.s32 $0xE80;
	v4 =	vperm.xlane v4, v3  }
0x1bf: {  	[tilespmem:s26], [sflag:$0x1] =	stream.indirect_vreg.gather [hbm4b:s17+s3], $0x80, v5, vm0, $0xb8;
	[tilespmem:$0x1E680] =	vst v63  }
0x1c0: {  	v4 =	vadd.s32 v2, v4;
	s26 =	simm.s32 $0x1680  }
0x1c1: {  	[tilespmem:s26], [sflag:$0x1] =	stream.indirect_vreg.gather [hbm4b:s18+s3], $0x80, v5, vm0, $0xb8;
	[tilespmem:$0x1E680] =	vst v63  }
0x1c2: {  	s26 =	simm.s32 $0x1E80  }
0x1c3: {  	[tilespmem:s26], [sflag:$0x1] =	stream.indirect_vreg.gather [hbm4b:s19+s3], $0x80, v5, vm0, $0xb8;
	[tilespmem:$0x1E680] =	vst v63  }
0x1c4: {  	s26 =	simm.s32 $0x2680  }
0x1c5: {  	[tilespmem:s26], [sflag:$0x1] =	stream.indirect_vreg.gather [hbm4b:s2+s3], $0x80, v4, vm0, $0xb8;
	[tilespmem:$0x1E680] =	vst v63  }
0x1c6: {  	s26 =	simm.s32 $0x2E80  }
0x1c7: {  	[tilespmem:s26], [sflag:$0x1] =	stream.indirect_vreg.gather [hbm4b:s17+s3], $0x80, v4, vm0, $0xb8;
	[tilespmem:$0x1E680] =	vst v63  }
0x1c8: {  	s26 =	simm.s32 $0x3680  }
0x1c9: {  	[tilespmem:s26], [sflag:$0x1] =	stream.indirect_vreg.gather [hbm4b:s18+s3], $0x80, v4, vm0, $0xb8;
	[tilespmem:$0x1E680] =	vst v63  }
0x1ca: {  	s26 =	simm.s32 $0x3E80  }
0x1cb: {  	[tilespmem:s26], [sflag:$0x1] =	stream.indirect_vreg.gather [hbm4b:s19+s3], $0x80, v4, vm0, $0xb8;
	[tilespmem:$0x1E680] =	vst v63  }
0x1cc: {  	v4 =	vld [tilespmem:$0x100];
	_ =	sdelay $0x4  }
0x1cd: {  	v5 =	vshll.u32 v4, $0x3  }
0x1ce: {  	v4 =	vand.u32 $0x7, v4;
	v5 =	vand.u32 $0xFFFFFFC0, v5  }
0x1cf: {  	v4 =	vor.u32 v4, v5  }
0x1d0: {  	v5 =	vperm.xlane v4, v1;
	_ =	sdelay $0x1  }
0x1d1: {  	v5 =	vadd.s32 v2, v5;
	_ =	sdelay $0x3  }
0x1d2: {  	s26 =	simm.s32 $0x4680  }
0x1d3: {  	[tilespmem:s26], [sflag:$0x1] =	stream.indirect_vreg.gather [hbm4b:s2+s3], $0x80, v5, vm0, $0xb8;
	[tilespmem:$0x1E680] =	vst v63  }
0x1d4: {  	v4 =	vperm.xlane v4, v3  }
0x1d5: {  	[tilespmem:s28], [sflag:$0x1] =	stream.indirect_vreg.gather [hbm4b:s17+s3], $0x80, v5, vm0, $0xb8;
	[tilespmem:$0x1E680] =	vst v63  }
0x1d6: {  	v4 =	vadd.s32 v2, v4;
	s28 =	simm.s32 $0x5680  }
0x1d7: {  	[tilespmem:s28], [sflag:$0x1] =	stream.indirect_vreg.gather [hbm4b:s18+s3], $0x80, v5, vm0, $0xb8;
	[tilespmem:$0x1E680] =	vst v63  }
0x1d8: {  	s26 =	simm.s32 $0x5E80  }
0x1d9: {  	[tilespmem:s26], [sflag:$0x1] =	stream.indirect_vreg.gather [hbm4b:s19+s3], $0x80, v5, vm0, $0xb8;
	[tilespmem:$0x1E680] =	vst v63  }
0x1da: {  	s28 =	simm.s32 $0x6680  }
0x1db: {  	[tilespmem:s28], [sflag:$0x1] =	stream.indirect_vreg.gather [hbm4b:s2+s3], $0x80, v4, vm0, $0xb8;
	[tilespmem:$0x1E680] =	vst v63  }
0x1dc: {  	s26 =	simm.s32 $0x6E80  }
0x1dd: {  	[tilespmem:s26], [sflag:$0x1] =	stream.indirect_vreg.gather [hbm4b:s17+s3], $0x80, v4, vm0, $0xb8;
	[tilespmem:$0x1E680] =	vst v63  }
0x1de: {  	s28 =	simm.s32 $0x7680  }
0x1df: {  	[tilespmem:s28], [sflag:$0x1] =	stream.indirect_vreg.gather [hbm4b:s18+s3], $0x80, v4, vm0, $0xb8;
	[tilespmem:$0x1E680] =	vst v63  }
0x1e0: {  	_ = 	snop  }
0x1e1: {  	[tilespmem:s31], [sflag:$0x1] =	stream.indirect_vreg.gather [hbm4b:s19+s3], $0x80, v4, vm0, $0xb8;
	[tilespmem:$0x1E680] =	vst v63  }
0x1e2: {  	v4 =	vld.msk [tilespmem:$0x110], $0xff;
	_ =	sdelay $0x4  }
0x1e3: {  	v5 =	vshll.u32 v4, $0x3  }
0x1e4: {  	v4 =	vand.u32 $0x7, v4;
	v5 =	vand.u32 $0xFFFFFFC0, v5  }
0x1e5: {  	v4 =	vor.u32 v4, v5  }
0x1e6: {  	v4 =	vperm.xlane v4, v1;
	_ =	sdelay $0x1  }
0x1e7: {  	v4 =	vadd.s32 v2, v4;
	_ =	sdelay $0x3  }
0x1e8: {  	s31 =	simm.s32 $0x8680  }
0x1e9: {  	[tilespmem:s31], [sflag:$0x1] =	stream.indirect_vreg.gather [hbm4b:s2+s3], $0x80, v4, vm0, $0xb8;
	[tilespmem:$0x1E680] =	vst v63  }
0x1ea: {  	s26 =	simm.s32 $0x8E80  }
0x1eb: {  	[tilespmem:s26], [sflag:$0x1] =	stream.indirect_vreg.gather [hbm4b:s17+s3], $0x80, v4, vm0, $0xb8;
	[tilespmem:$0x1E680] =	vst v63  }
0x1ec: {  	s28 =	simm.s32 $0x9680  }
0x1ed: {  	[tilespmem:s28], [sflag:$0x1] =	stream.indirect_vreg.gather [hbm4b:s18+s3], $0x80, v4, vm0, $0xb8;
	[tilespmem:$0x1E680] =	vst v63  }
0x1ee: {  	s31 =	simm.s32 $0x9E80  }
0x1ef: {  	[tilespmem:s31], [sflag:$0x1] =	stream.indirect_vreg.gather [hbm4b:s19+s3], $0x80, v4, vm0, $0xb8;
	[tilespmem:$0x1E680] =	vst v63  }
0x1f0: {  	_ =	swait.ge [sflag:s16], $0xA000  }
0x1f1: {  	[sflag:s16] =	ssyncset.done $0x0  }
0x1f2: {  	s28 =	simm.s32 $0xA680;
	s0 =	rddreg [dreg:$0x8];
	[sflag:s16] =	ssyncadd.s32 $0xFFFF6000  }
0x1f3: {  	[hbm4b:s0+s3] =	stream.linear.scatter [tilespmem:s28], [sflag:$0x5], $0xA000, $0x38;
	[tilespmem:$0x1E680] =	vst v63  }
0x1f4: {  	_ =	swait.ge [sflag:s20], $0xA000  }
0x1f5: {  	[sflag:s20] =	ssyncset.done $0x0  }
0x1f6: {  	[sflag:s20] =	ssyncadd.s32 $0xFFFF6000  }
0x1f7: {  	v4 =	vld [tilespmem:$0x118];
	_ =	sdelay $0x4  }
0x1f8: {  	v5 =	vshll.u32 v4, $0x3  }
0x1f9: {  	v4 =	vand.u32 $0x7, v4;
	v5 =	vand.u32 $0xFFFFFFC0, v5  }
0x1fa: {  	v4 =	vor.u32 v4, v5  }
0x1fb: {  	v5 =	vperm.xlane v4, v1;
	_ =	sdelay $0x1  }
0x1fc: {  	v5 =	vadd.s32 v2, v5;
	_ =	sdelay $0x4  }
0x1fd: {  	[tilespmem:s28], [sflag:$0x2] =	stream.indirect_vreg.gather [hbm4b:s2+s3], $0x80, v5, vm0, $0xb8;
	[tilespmem:$0x1E680] =	vst v63  }
0x1fe: {  	s31 =	simm.s32 $0xAE80;
	v4 =	vperm.xlane v4, v3  }
0x1ff: {  	[tilespmem:s31], [sflag:$0x2] =	stream.indirect_vreg.gather [hbm4b:s17+s3], $0x80, v5, vm0, $0xb8;
	[tilespmem:$0x1E680] =	vst v63  }
0x200: {  	s26 =	simm.s32 $0xB680;
	v4 =	vadd.s32 v2, v4  }
0x201: {  	[tilespmem:s26], [sflag:$0x2] =	stream.indirect_vreg.gather [hbm4b:s18+s3], $0x80, v5, vm0, $0xb8;
	[tilespmem:$0x1E680] =	vst v63  }
0x202: {  	s28 =	simm.s32 $0xBE80  }
0x203: {  	[tilespmem:s28], [sflag:$0x2] =	stream.indirect_vreg.gather [hbm4b:s19+s3], $0x80, v5, vm0, $0xb8;
	[tilespmem:$0x1E680] =	vst v63  }
0x204: {  	s31 =	simm.s32 $0xC680  }
0x205: {  	[tilespmem:s31], [sflag:$0x2] =	stream.indirect_vreg.gather [hbm4b:s2+s3], $0x80, v4, vm0, $0xb8;
	[tilespmem:$0x1E680] =	vst v63  }
0x206: {  	_ = 	snop  }
0x207: {  	[tilespmem:s4], [sflag:$0x2] =	stream.indirect_vreg.gather [hbm4b:s17+s3], $0x80, v4, vm0, $0xb8;
	[tilespmem:$0x1E680] =	vst v63  }
0x208: {  	s4 =	simm.s32 $0xD680  }
0x209: {  	[tilespmem:s4], [sflag:$0x2] =	stream.indirect_vreg.gather [hbm4b:s18+s3], $0x80, v4, vm0, $0xb8;
	[tilespmem:$0x1E680] =	vst v63  }
0x20a: {  	s26 =	simm.s32 $0xDE80  }
0x20b: {  	[tilespmem:s26], [sflag:$0x2] =	stream.indirect_vreg.gather [hbm4b:s19+s3], $0x80, v4, vm0, $0xb8;
	[tilespmem:$0x1E680] =	vst v63  }
0x20c: {  	v4 =	vld [tilespmem:$0x128];
	_ =	sdelay $0x4  }
0x20d: {  	v5 =	vshll.u32 v4, $0x3  }
0x20e: {  	v4 =	vand.u32 $0x7, v4;
	v5 =	vand.u32 $0xFFFFFFC0, v5  }
0x20f: {  	v4 =	vor.u32 v4, v5  }
0x210: {  	v5 =	vperm.xlane v4, v1;
	_ =	sdelay $0x1  }
0x211: {  	v5 =	vadd.s32 v2, v5;
	_ =	sdelay $0x3  }
0x212: {  	s28 =	simm.s32 $0xE680  }
0x213: {  	[tilespmem:s28], [sflag:$0x2] =	stream.indirect_vreg.gather [hbm4b:s2+s3], $0x80, v5, vm0, $0xb8;
	[tilespmem:$0x1E680] =	vst v63  }
0x214: {  	s31 =	simm.s32 $0xEE80;
	v4 =	vperm.xlane v4, v3  }
0x215: {  	[tilespmem:s31], [sflag:$0x2] =	stream.indirect_vreg.gather [hbm4b:s17+s3], $0x80, v5, vm0, $0xb8;
	[tilespmem:$0x1E680] =	vst v63  }
0x216: {  	s4 =	simm.s32 $0xF680;
	v4 =	vadd.s32 v2, v4  }
0x217: {  	[tilespmem:s4], [sflag:$0x2] =	stream.indirect_vreg.gather [hbm4b:s18+s3], $0x80, v5, vm0, $0xb8;
	[tilespmem:$0x1E680] =	vst v63  }
0x218: {  	s26 =	simm.s32 $0xFE80  }
0x219: {  	[tilespmem:s26], [sflag:$0x2] =	stream.indirect_vreg.gather [hbm4b:s19+s3], $0x80, v5, vm0, $0xb8;
	[tilespmem:$0x1E680] =	vst v63  }
0x21a: {  	s28 =	simm.s32 $0x10680  }
0x21b: {  	[tilespmem:s28], [sflag:$0x2] =	stream.indirect_vreg.gather [hbm4b:s2+s3], $0x80, v4, vm0, $0xb8;
	[tilespmem:$0x1E680] =	vst v63  }
0x21c: {  	s31 =	simm.s32 $0x10E80  }
0x21d: {  	[tilespmem:s31], [sflag:$0x2] =	stream.indirect_vreg.gather [hbm4b:s17+s3], $0x80, v4, vm0, $0xb8;
	[tilespmem:$0x1E680] =	vst v63  }
0x21e: {  	s4 =	simm.s32 $0x11680  }
0x21f: {  	[tilespmem:s4], [sflag:$0x2] =	stream.indirect_vreg.gather [hbm4b:s18+s3], $0x80, v4, vm0, $0xb8;
	[tilespmem:$0x1E680] =	vst v63  }
0x220: {  	s26 =	simm.s32 $0x11E80  }
0x221: {  	[tilespmem:s26], [sflag:$0x2] =	stream.indirect_vreg.gather [hbm4b:s19+s3], $0x80, v4, vm0, $0xb8;
	[tilespmem:$0x1E680] =	vst v63  }
0x222: {  	v4 =	vld.msk [tilespmem:$0x138], $0xff;
	_ =	sdelay $0x4  }
0x223: {  	v5 =	vshll.u32 v4, $0x3  }
0x224: {  	v4 =	vand.u32 $0x7, v4;
	v5 =	vand.u32 $0xFFFFFFC0, v5  }
0x225: {  	v4 =	vor.u32 v4, v5  }
0x226: {  	v4 =	vperm.xlane v4, v1;
	_ =	sdelay $0x1  }
0x227: {  	v4 =	vadd.s32 v2, v4;
	_ =	sdelay $0x3  }
0x228: {  	s28 =	simm.s32 $0x12680  }
0x229: {  	[tilespmem:s28], [sflag:$0x2] =	stream.indirect_vreg.gather [hbm4b:s2+s3], $0x80, v4, vm0, $0xb8;
	[tilespmem:$0x1E680] =	vst v63  }
0x22a: {  	s31 =	simm.s32 $0x12E80  }
0x22b: {  	[tilespmem:s31], [sflag:$0x2] =	stream.indirect_vreg.gather [hbm4b:s17+s3], $0x80, v4, vm0, $0xb8;
	[tilespmem:$0x1E680] =	vst v63  }
0x22c: {  	s4 =	simm.s32 $0x13680  }
0x22d: {  	[tilespmem:s4], [sflag:$0x2] =	stream.indirect_vreg.gather [hbm4b:s18+s3], $0x80, v4, vm0, $0xb8;
	[tilespmem:$0x1E680] =	vst v63  }
0x22e: {  	s26 =	simm.s32 $0x13E80  }
0x22f: {  	[tilespmem:s26], [sflag:$0x2] =	stream.indirect_vreg.gather [hbm4b:s19+s3], $0x80, v4, vm0, $0xb8;
	[tilespmem:$0x1E680] =	vst v63  }
0x230: {  	_ =	swait.ge [sflag:s23], $0xA000  }
0x231: {  	[sflag:s23] =	ssyncset.done $0x0  }
0x232: {  	s31 =	simm.s32 $0x14680;
	s28 =	rddreg [dreg:$0x9];
	[sflag:s23] =	ssyncadd.s32 $0xFFFF6000  }
0x233: {  	[hbm4b:s28+s3] =	stream.linear.scatter [tilespmem:s31], [sflag:$0x6], $0xA000, $0x38;
	[tilespmem:$0x1E680] =	vst v63  }
0x234: {  	_ =	swait.ge [sflag:s24], $0xA000  }
0x235: {  	[sflag:s24] =	ssyncset.done $0x0  }
0x236: {  	[sflag:s24] =	ssyncadd.s32 $0xFFFF6000  }
0x237: {  	v4 =	vld [tilespmem:$0x140];
	_ =	sdelay $0x4  }
0x238: {  	v5 =	vshll.u32 v4, $0x3  }
0x239: {  	v4 =	vand.u32 $0x7, v4;
	v5 =	vand.u32 $0xFFFFFFC0, v5  }
0x23a: {  	v4 =	vor.u32 v4, v5  }
0x23b: {  	v5 =	vperm.xlane v4, v1;
	_ =	sdelay $0x1  }
0x23c: {  	v5 =	vadd.s32 v2, v5;
	_ =	sdelay $0x4  }
0x23d: {  	[tilespmem:s31], [sflag:$0x3] =	stream.indirect_vreg.gather [hbm4b:s2+s3], $0x80, v5, vm0, $0xb8;
	[tilespmem:$0x1E680] =	vst v63  }
0x23e: {  	v4 =	vperm.xlane v4, v3  }
0x23f: {  	[tilespmem:s30], [sflag:$0x3] =	stream.indirect_vreg.gather [hbm4b:s17+s3], $0x80, v5, vm0, $0xb8;
	[tilespmem:$0x1E680] =	vst v63  }
0x240: {  	s4 =	simm.s32 $0x15680;
	v4 =	vadd.s32 v2, v4  }
0x241: {  	[tilespmem:s4], [sflag:$0x3] =	stream.indirect_vreg.gather [hbm4b:s18+s3], $0x80, v5, vm0, $0xb8;
	[tilespmem:$0x1E680] =	vst v63  }
0x242: {  	_ = 	snop  }
0x243: {  	[tilespmem:s25], [sflag:$0x3] =	stream.indirect_vreg.gather [hbm4b:s19+s3], $0x80, v5, vm0, $0xb8;
	[tilespmem:$0x1E680] =	vst v63  }
0x244: {  	_ = 	snop  }
0x245: {  	[tilespmem:s21], [sflag:$0x3] =	stream.indirect_vreg.gather [hbm4b:s2+s3], $0x80, v4, vm0, $0xb8;
	[tilespmem:$0x1E680] =	vst v63  }
0x246: {  	_ = 	snop  }
0x247: {  	[tilespmem:s6], [sflag:$0x3] =	stream.indirect_vreg.gather [hbm4b:s17+s3], $0x80, v4, vm0, $0xb8;
	[tilespmem:$0x1E680] =	vst v63  }
0x248: {  	_ = 	snop  }
0x249: {  	[tilespmem:s7], [sflag:$0x3] =	stream.indirect_vreg.gather [hbm4b:s18+s3], $0x80, v4, vm0, $0xb8;
	[tilespmem:$0x1E680] =	vst v63  }
0x24a: {  	_ = 	snop  }
0x24b: {  	[tilespmem:s1], [sflag:$0x3] =	stream.indirect_vreg.gather [hbm4b:s19+s3], $0x80, v4, vm0, $0xb8;
	[tilespmem:$0x1E680] =	vst v63  }
0x24c: {  	v4 =	vld [tilespmem:$0x150];
	_ =	sdelay $0x4  }
0x24d: {  	v5 =	vshll.u32 v4, $0x3  }
0x24e: {  	v4 =	vand.u32 $0x7, v4;
	v5 =	vand.u32 $0xFFFFFFC0, v5  }
0x24f: {  	v4 =	vor.u32 v4, v5  }
0x250: {  	v5 =	vperm.xlane v4, v1;
	_ =	sdelay $0x1  }
0x251: {  	v5 =	vadd.s32 v2, v5;
	_ =	sdelay $0x4  }
0x252: {  	[tilespmem:s22], [sflag:$0x3] =	stream.indirect_vreg.gather [hbm4b:s2+s3], $0x80, v5, vm0, $0xb8;
	[tilespmem:$0x1E680] =	vst v63  }
0x253: {  	v4 =	vperm.xlane v4, v3;
	s22 =	simm.s32 $0x18E80  }
0x254: {  	[tilespmem:s22], [sflag:$0x3] =	stream.indirect_vreg.gather [hbm4b:s17+s3], $0x80, v5, vm0, $0xb8;
	[tilespmem:$0x1E680] =	vst v63  }
0x255: {  	v4 =	vadd.s32 v2, v4  }
0x256: {  	[tilespmem:s8], [sflag:$0x3] =	stream.indirect_vreg.gather [hbm4b:s18+s3], $0x80, v5, vm0, $0xb8;
	[tilespmem:$0x1E680] =	vst v63  }
0x257: {  	_ = 	snop  }
0x258: {  	[tilespmem:s9], [sflag:$0x3] =	stream.indirect_vreg.gather [hbm4b:s19+s3], $0x80, v5, vm0, $0xb8;
	[tilespmem:$0x1E680] =	vst v63  }
0x259: {  	_ = 	snop  }
0x25a: {  	[tilespmem:s10], [sflag:$0x3] =	stream.indirect_vreg.gather [hbm4b:s2+s3], $0x80, v4, vm0, $0xb8;
	[tilespmem:$0x1E680] =	vst v63  }
0x25b: {  	_ = 	snop  }
0x25c: {  	[tilespmem:s11], [sflag:$0x3] =	stream.indirect_vreg.gather [hbm4b:s17+s3], $0x80, v4, vm0, $0xb8;
	[tilespmem:$0x1E680] =	vst v63  }
0x25d: {  	_ = 	snop  }
0x25e: {  	[tilespmem:s12], [sflag:$0x3] =	stream.indirect_vreg.gather [hbm4b:s18+s3], $0x80, v4, vm0, $0xb8;
	[tilespmem:$0x1E680] =	vst v63  }
0x25f: {  	s4 =	simm.s32 $0x1BE80  }
0x260: {  	[tilespmem:s4], [sflag:$0x3] =	stream.indirect_vreg.gather [hbm4b:s19+s3], $0x80, v4, vm0, $0xb8;
	[tilespmem:$0x1E680] =	vst v63  }
0x261: {  	v4 =	vld.msk [tilespmem:$0x160], $0xff;
	_ =	sdelay $0x4  }
0x262: {  	v5 =	vshll.u32 v4, $0x3  }
0x263: {  	v4 =	vand.u32 $0x7, v4;
	v5 =	vand.u32 $0xFFFFFFC0, v5  }
0x264: {  	v4 =	vor.u32 v4, v5  }
0x265: {  	v4 =	vperm.xlane v4, v1;
	_ =	sdelay $0x1  }
0x266: {  	v4 =	vadd.s32 v2, v4;
	_ =	sdelay $0x4  }
0x267: {  	[tilespmem:s13], [sflag:$0x3] =	stream.indirect_vreg.gather [hbm4b:s2+s3], $0x80, v4, vm0, $0xb8;
	[tilespmem:$0x1E680] =	vst v63  }
0x268: {  	_ = 	snop  }
0x269: {  	[tilespmem:s14], [sflag:$0x3] =	stream.indirect_vreg.gather [hbm4b:s17+s3], $0x80, v4, vm0, $0xb8;
	[tilespmem:$0x1E680] =	vst v63  }
0x26a: {  	_ = 	snop  }
0x26b: {  	[tilespmem:s29], [sflag:$0x3] =	stream.indirect_vreg.gather [hbm4b:s18+s3], $0x80, v4, vm0, $0xb8;
	[tilespmem:$0x1E680] =	vst v63  }
0x26c: {  	s12 =	simm.s32 $0x1DE80  }
0x26d: {  	[tilespmem:s12], [sflag:$0x3] =	stream.indirect_vreg.gather [hbm4b:s19+s3], $0x80, v4, vm0, $0xb8;
	[tilespmem:$0x1E680] =	vst v63  }
0x26e: {  	_ =	swait.ge [sflag:s5], $0xA000  }
0x26f: {  	[sflag:s5] =	ssyncset.done $0x0  }
0x270: {  	s14 =	simm.s32 $0x680;
	s13 =	rddreg [dreg:$0xa];
	[sflag:s5] =	ssyncadd.s32 $0xFFFF6000  }
0x271: {  	[hbm4b:s13+s3] =	stream.linear.scatter [tilespmem:s14], [sflag:$0x4], $0xA000, $0x38;
	[tilespmem:$0x1E680] =	vst v63  }
0x272: {  	_ =	swait.ge [sflag:s15], $0xA000  }
0x273: {  	[sflag:s15] =	ssyncset.done $0x0  }
0x274: {  	[sflag:s15] =	ssyncadd.s32 $0xFFFF6000  }
0x275: {  	v4 =	vld [tilespmem:$0x168];
	_ =	sdelay $0x4  }
0x276: {  	v5 =	vshll.u32 v4, $0x3  }
0x277: {  	v4 =	vand.u32 $0x7, v4;
	v5 =	vand.u32 $0xFFFFFFC0, v5  }
0x278: {  	v4 =	vor.u32 v4, v5  }
0x279: {  	v5 =	vperm.xlane v4, v1;
	_ =	sdelay $0x1  }
0x27a: {  	v5 =	vadd.s32 v2, v5;
	_ =	sdelay $0x4  }
0x27b: {  	[tilespmem:s14], [sflag:$0x1] =	stream.indirect_vreg.gather [hbm4b:s2+s3], $0x80, v5, vm0, $0xb8;
	[tilespmem:$0x1E680] =	vst v63  }
0x27c: {  	s30 =	simm.s32 $0xE80;
	v4 =	vperm.xlane v4, v3  }
0x27d: {  	[tilespmem:s30], [sflag:$0x1] =	stream.indirect_vreg.gather [hbm4b:s17+s3], $0x80, v5, vm0, $0xb8;
	[tilespmem:$0x1E680] =	vst v63  }
0x27e: {  	s1 =	simm.s32 $0x1680;
	v4 =	vadd.s32 v2, v4  }
0x27f: {  	[tilespmem:s1], [sflag:$0x1] =	stream.indirect_vreg.gather [hbm4b:s18+s3], $0x80, v5, vm0, $0xb8;
	[tilespmem:$0x1E680] =	vst v63  }
0x280: {  	s8 =	simm.s32 $0x1E80  }
0x281: {  	[tilespmem:s8], [sflag:$0x1] =	stream.indirect_vreg.gather [hbm4b:s19+s3], $0x80, v5, vm0, $0xb8;
	[tilespmem:$0x1E680] =	vst v63  }
0x282: {  	s9 =	simm.s32 $0x2680  }
0x283: {  	[tilespmem:s9], [sflag:$0x1] =	stream.indirect_vreg.gather [hbm4b:s2+s3], $0x80, v4, vm0, $0xb8;
	[tilespmem:$0x1E680] =	vst v63  }
0x284: {  	s10 =	simm.s32 $0x2E80  }
0x285: {  	[tilespmem:s10], [sflag:$0x1] =	stream.indirect_vreg.gather [hbm4b:s17+s3], $0x80, v4, vm0, $0xb8;
	[tilespmem:$0x1E680] =	vst v63  }
0x286: {  	s11 =	simm.s32 $0x3680  }
0x287: {  	[tilespmem:s11], [sflag:$0x1] =	stream.indirect_vreg.gather [hbm4b:s18+s3], $0x80, v4, vm0, $0xb8;
	[tilespmem:$0x1E680] =	vst v63  }
0x288: {  	s31 =	simm.s32 $0x3E80  }
0x289: {  	[tilespmem:s31], [sflag:$0x1] =	stream.indirect_vreg.gather [hbm4b:s19+s3], $0x80, v4, vm0, $0xb8;
	[tilespmem:$0x1E680] =	vst v63  }
0x28a: {  	v4 =	vld [tilespmem:$0x178];
	_ =	sdelay $0x4  }
0x28b: {  	v5 =	vshll.u32 v4, $0x3  }
0x28c: {  	v4 =	vand.u32 $0x7, v4;
	v5 =	vand.u32 $0xFFFFFFC0, v5  }
0x28d: {  	v4 =	vor.u32 v4, v5  }
0x28e: {  	v5 =	vperm.xlane v4, v1;
	_ =	sdelay $0x1  }
0x28f: {  	v5 =	vadd.s32 v2, v5;
	_ =	sdelay $0x3  }
0x290: {  	s21 =	simm.s32 $0x4680  }
0x291: {  	[tilespmem:s21], [sflag:$0x1] =	stream.indirect_vreg.gather [hbm4b:s2+s3], $0x80, v5, vm0, $0xb8;
	[tilespmem:$0x1E680] =	vst v63  }
0x292: {  	s25 =	simm.s32 $0x4E80;
	v4 =	vperm.xlane v4, v3  }
0x293: {  	[tilespmem:s25], [sflag:$0x1] =	stream.indirect_vreg.gather [hbm4b:s17+s3], $0x80, v5, vm0, $0xb8;
	[tilespmem:$0x1E680] =	vst v63  }
0x294: {  	s12 =	simm.s32 $0x5680;
	v4 =	vadd.s32 v2, v4  }
0x295: {  	[tilespmem:s12], [sflag:$0x1] =	stream.indirect_vreg.gather [hbm4b:s18+s3], $0x80, v5, vm0, $0xb8;
	[tilespmem:$0x1E680] =	vst v63  }
0x296: {  	s13 =	simm.s32 $0x5E80  }
0x297: {  	[tilespmem:s13], [sflag:$0x1] =	stream.indirect_vreg.gather [hbm4b:s19+s3], $0x80, v5, vm0, $0xb8;
	[tilespmem:$0x1E680] =	vst v63  }
0x298: {  	s14 =	simm.s32 $0x6680  }
0x299: {  	[tilespmem:s14], [sflag:$0x1] =	stream.indirect_vreg.gather [hbm4b:s2+s3], $0x80, v4, vm0, $0xb8;
	[tilespmem:$0x1E680] =	vst v63  }
0x29a: {  	s21 =	simm.s32 $0x6E80  }
0x29b: {  	[tilespmem:s21], [sflag:$0x1] =	stream.indirect_vreg.gather [hbm4b:s17+s3], $0x80, v4, vm0, $0xb8;
	[tilespmem:$0x1E680] =	vst v63  }
0x29c: {  	s25 =	simm.s32 $0x7680  }
0x29d: {  	[tilespmem:s25], [sflag:$0x1] =	stream.indirect_vreg.gather [hbm4b:s18+s3], $0x80, v4, vm0, $0xb8;
	[tilespmem:$0x1E680] =	vst v63  }
0x29e: {  	s6 =	simm.s32 $0x7E80  }
0x29f: {  	[tilespmem:s6], [sflag:$0x1] =	stream.indirect_vreg.gather [hbm4b:s19+s3], $0x80, v4, vm0, $0xb8;
	[tilespmem:$0x1E680] =	vst v63  }
0x2a0: {  	v4 =	vld.msk [tilespmem:$0x188], $0xff;
	_ =	sdelay $0x4  }
0x2a1: {  	v5 =	vshll.u32 v4, $0x3  }
0x2a2: {  	v4 =	vand.u32 $0x7, v4;
	v5 =	vand.u32 $0xFFFFFFC0, v5  }
0x2a3: {  	v4 =	vor.u32 v4, v5  }
0x2a4: {  	v4 =	vperm.xlane v4, v1;
	_ =	sdelay $0x1  }
0x2a5: {  	v4 =	vadd.s32 v2, v4;
	_ =	sdelay $0x3  }
0x2a6: {  	s7 =	simm.s32 $0x8680  }
0x2a7: {  	[tilespmem:s7], [sflag:$0x1] =	stream.indirect_vreg.gather [hbm4b:s2+s3], $0x80, v4, vm0, $0xb8;
	[tilespmem:$0x1E680] =	vst v63  }
0x2a8: {  	s28 =	simm.s32 $0x8E80  }
0x2a9: {  	[tilespmem:s28], [sflag:$0x1] =	stream.indirect_vreg.gather [hbm4b:s17+s3], $0x80, v4, vm0, $0xb8;
	[tilespmem:$0x1E680] =	vst v63  }
0x2aa: {  	s29 =	simm.s32 $0x9680  }
0x2ab: {  	[tilespmem:s29], [sflag:$0x1] =	stream.indirect_vreg.gather [hbm4b:s18+s3], $0x80, v4, vm0, $0xb8;
	[tilespmem:$0x1E680] =	vst v63  }
0x2ac: {  	s26 =	simm.s32 $0x9E80  }
0x2ad: {  	[tilespmem:s26], [sflag:$0x1] =	stream.indirect_vreg.gather [hbm4b:s19+s3], $0x80, v4, vm0, $0xb8;
	[tilespmem:$0x1E680] =	vst v63  }
0x2ae: {  	_ =	swait.ge [sflag:s16], $0xA000  }
0x2af: {  	[sflag:s16] =	ssyncset.done $0x0  }
0x2b0: {  	s0 =	simm.s32 $0xA680;
	s26 =	rddreg [dreg:$0xb];
	[sflag:s16] =	ssyncadd.s32 $0xFFFF6000  }
0x2b1: {  	[hbm4b:s26+s3] =	stream.linear.scatter [tilespmem:s0], [sflag:$0x5], $0xA000, $0x38;
	[tilespmem:$0x1E680] =	vst v63  }
0x2b2: {  	_ =	swait.ge [sflag:s20], $0xA000  }
0x2b3: {  	[sflag:s20] =	ssyncset.done $0x0  }
0x2b4: {  	[sflag:s20] =	ssyncadd.s32 $0xFFFF6000  }
0x2b5: {  	v4 =	vld [tilespmem:$0x190];
	_ =	sdelay $0x4  }
0x2b6: {  	v5 =	vshll.u32 v4, $0x3  }
0x2b7: {  	v4 =	vand.u32 $0x7, v4;
	v5 =	vand.u32 $0xFFFFFFC0, v5  }
0x2b8: {  	v4 =	vor.u32 v4, v5  }
0x2b9: {  	v5 =	vperm.xlane v4, v1;
	_ =	sdelay $0x1  }
0x2ba: {  	v5 =	vadd.s32 v2, v5;
	_ =	sdelay $0x4  }
0x2bb: {  	[tilespmem:s0], [sflag:$0x2] =	stream.indirect_vreg.gather [hbm4b:s2+s3], $0x80, v5, vm0, $0xb8;
	[tilespmem:$0x1E680] =	vst v63  }
0x2bc: {  	s26 =	simm.s32 $0xAE80;
	v4 =	vperm.xlane v4, v3  }
0x2bd: {  	[tilespmem:s26], [sflag:$0x2] =	stream.indirect_vreg.gather [hbm4b:s17+s3], $0x80, v5, vm0, $0xb8;
	[tilespmem:$0x1E680] =	vst v63  }
0x2be: {  	v4 =	vadd.s32 v2, v4;
	s26 =	simm.s32 $0xB680  }
0x2bf: {  	[tilespmem:s26], [sflag:$0x2] =	stream.indirect_vreg.gather [hbm4b:s18+s3], $0x80, v5, vm0, $0xb8;
	[tilespmem:$0x1E680] =	vst v63  }
0x2c0: {  	s26 =	simm.s32 $0xBE80  }
0x2c1: {  	[tilespmem:s26], [sflag:$0x2] =	stream.indirect_vreg.gather [hbm4b:s19+s3], $0x80, v5, vm0, $0xb8;
	[tilespmem:$0x1E680] =	vst v63  }
0x2c2: {  	s26 =	simm.s32 $0xC680  }
0x2c3: {  	[tilespmem:s26], [sflag:$0x2] =	stream.indirect_vreg.gather [hbm4b:s2+s3], $0x80, v4, vm0, $0xb8;
	[tilespmem:$0x1E680] =	vst v63  }
0x2c4: {  	s26 =	simm.s32 $0xCE80  }
0x2c5: {  	[tilespmem:s26], [sflag:$0x2] =	stream.indirect_vreg.gather [hbm4b:s17+s3], $0x80, v4, vm0, $0xb8;
	[tilespmem:$0x1E680] =	vst v63  }
0x2c6: {  	s26 =	simm.s32 $0xD680  }
0x2c7: {  	[tilespmem:s26], [sflag:$0x2] =	stream.indirect_vreg.gather [hbm4b:s18+s3], $0x80, v4, vm0, $0xb8;
	[tilespmem:$0x1E680] =	vst v63  }
0x2c8: {  	s26 =	simm.s32 $0xDE80  }
0x2c9: {  	[tilespmem:s26], [sflag:$0x2] =	stream.indirect_vreg.gather [hbm4b:s19+s3], $0x80, v4, vm0, $0xb8;
	[tilespmem:$0x1E680] =	vst v63  }
0x2ca: {  	v4 =	vld [tilespmem:$0x1A0];
	_ =	sdelay $0x4  }
0x2cb: {  	v5 =	vshll.u32 v4, $0x3  }
0x2cc: {  	v4 =	vand.u32 $0x7, v4;
	v5 =	vand.u32 $0xFFFFFFC0, v5  }
0x2cd: {  	v4 =	vor.u32 v4, v5  }
0x2ce: {  	v5 =	vperm.xlane v4, v1;
	_ =	sdelay $0x1  }
0x2cf: {  	v5 =	vadd.s32 v2, v5;
	_ =	sdelay $0x3  }
0x2d0: {  	s26 =	simm.s32 $0xE680  }
0x2d1: {  	[tilespmem:s26], [sflag:$0x2] =	stream.indirect_vreg.gather [hbm4b:s2+s3], $0x80, v5, vm0, $0xb8;
	[tilespmem:$0x1E680] =	vst v63  }
0x2d2: {  	v4 =	vperm.xlane v4, v3;
	s26 =	simm.s32 $0xEE80  }
0x2d3: {  	[tilespmem:s26], [sflag:$0x2] =	stream.indirect_vreg.gather [hbm4b:s17+s3], $0x80, v5, vm0, $0xb8;
	[tilespmem:$0x1E680] =	vst v63  }
0x2d4: {  	v4 =	vadd.s32 v2, v4;
	s26 =	simm.s32 $0xF680  }
0x2d5: {  	[tilespmem:s26], [sflag:$0x2] =	stream.indirect_vreg.gather [hbm4b:s18+s3], $0x80, v5, vm0, $0xb8;
	[tilespmem:$0x1E680] =	vst v63  }
0x2d6: {  	s26 =	simm.s32 $0xFE80  }
0x2d7: {  	[tilespmem:s26], [sflag:$0x2] =	stream.indirect_vreg.gather [hbm4b:s19+s3], $0x80, v5, vm0, $0xb8;
	[tilespmem:$0x1E680] =	vst v63  }
0x2d8: {  	s26 =	simm.s32 $0x10680  }
0x2d9: {  	[tilespmem:s26], [sflag:$0x2] =	stream.indirect_vreg.gather [hbm4b:s2+s3], $0x80, v4, vm0, $0xb8;
	[tilespmem:$0x1E680] =	vst v63  }
0x2da: {  	s26 =	simm.s32 $0x10E80  }
0x2db: {  	[tilespmem:s26], [sflag:$0x2] =	stream.indirect_vreg.gather [hbm4b:s17+s3], $0x80, v4, vm0, $0xb8;
	[tilespmem:$0x1E680] =	vst v63  }
0x2dc: {  	s26 =	simm.s32 $0x11680  }
0x2dd: {  	[tilespmem:s26], [sflag:$0x2] =	stream.indirect_vreg.gather [hbm4b:s18+s3], $0x80, v4, vm0, $0xb8;
	[tilespmem:$0x1E680] =	vst v63  }
0x2de: {  	s26 =	simm.s32 $0x11E80  }
0x2df: {  	[tilespmem:s26], [sflag:$0x2] =	stream.indirect_vreg.gather [hbm4b:s19+s3], $0x80, v4, vm0, $0xb8;
	[tilespmem:$0x1E680] =	vst v63  }
0x2e0: {  	v4 =	vld.msk [tilespmem:$0x1B0], $0xff;
	_ =	sdelay $0x4  }
0x2e1: {  	v5 =	vshll.u32 v4, $0x3  }
0x2e2: {  	v4 =	vand.u32 $0x7, v4;
	v5 =	vand.u32 $0xFFFFFFC0, v5  }
0x2e3: {  	v4 =	vor.u32 v4, v5  }
0x2e4: {  	v4 =	vperm.xlane v4, v1;
	_ =	sdelay $0x1  }
0x2e5: {  	v4 =	vadd.s32 v2, v4;
	_ =	sdelay $0x3  }
0x2e6: {  	s26 =	simm.s32 $0x12680  }
0x2e7: {  	[tilespmem:s26], [sflag:$0x2] =	stream.indirect_vreg.gather [hbm4b:s2+s3], $0x80, v4, vm0, $0xb8;
	[tilespmem:$0x1E680] =	vst v63  }
0x2e8: {  	s26 =	simm.s32 $0x12E80  }
0x2e9: {  	[tilespmem:s26], [sflag:$0x2] =	stream.indirect_vreg.gather [hbm4b:s17+s3], $0x80, v4, vm0, $0xb8;
	[tilespmem:$0x1E680] =	vst v63  }
0x2ea: {  	s26 =	simm.s32 $0x13680  }
0x2eb: {  	[tilespmem:s26], [sflag:$0x2] =	stream.indirect_vreg.gather [hbm4b:s18+s3], $0x80, v4, vm0, $0xb8;
	[tilespmem:$0x1E680] =	vst v63  }
0x2ec: {  	s26 =	simm.s32 $0x13E80  }
0x2ed: {  	[tilespmem:s26], [sflag:$0x2] =	stream.indirect_vreg.gather [hbm4b:s19+s3], $0x80, v4, vm0, $0xb8;
	[tilespmem:$0x1E680] =	vst v63  }
0x2ee: {  	_ =	swait.ge [sflag:s23], $0xA000  }
0x2ef: {  	[sflag:s23] =	ssyncset.done $0x0  }
0x2f0: {  	s0 =	simm.s32 $0x14680;
	s26 =	rddreg [dreg:$0xc];
	[sflag:s23] =	ssyncadd.s32 $0xFFFF6000  }
0x2f1: {  	[hbm4b:s26+s3] =	stream.linear.scatter [tilespmem:s0], [sflag:$0x6], $0xA000, $0x38;
	[tilespmem:$0x1E680] =	vst v63  }
0x2f2: {  	_ =	swait.ge [sflag:s24], $0xA000  }
0x2f3: {  	[sflag:s24] =	ssyncset.done $0x0  }
0x2f4: {  	[sflag:s24] =	ssyncadd.s32 $0xFFFF6000  }
0x2f5: {  	v4 =	vld [tilespmem:$0x1B8];
	_ =	sdelay $0x4  }
0x2f6: {  	v5 =	vshll.u32 v4, $0x3  }
0x2f7: {  	v4 =	vand.u32 $0x7, v4;
	v5 =	vand.u32 $0xFFFFFFC0, v5  }
0x2f8: {  	v4 =	vor.u32 v4, v5  }
0x2f9: {  	v5 =	vperm.xlane v4, v1;
	_ =	sdelay $0x1  }
0x2fa: {  	v5 =	vadd.s32 v2, v5;
	_ =	sdelay $0x4  }
0x2fb: {  	[tilespmem:s0], [sflag:$0x3] =	stream.indirect_vreg.gather [hbm4b:s2+s3], $0x80, v5, vm0, $0xb8;
	[tilespmem:$0x1E680] =	vst v63  }
0x2fc: {  	s26 =	simm.s32 $0x14E80;
	v4 =	vperm.xlane v4, v3  }
0x2fd: {  	[tilespmem:s26], [sflag:$0x3] =	stream.indirect_vreg.gather [hbm4b:s17+s3], $0x80, v5, vm0, $0xb8;
	[tilespmem:$0x1E680] =	vst v63  }
0x2fe: {  	v4 =	vadd.s32 v2, v4;
	s26 =	simm.s32 $0x15680  }
0x2ff: {  	[tilespmem:s26], [sflag:$0x3] =	stream.indirect_vreg.gather [hbm4b:s18+s3], $0x80, v5, vm0, $0xb8;
	[tilespmem:$0x1E680] =	vst v63  }
0x300: {  	s26 =	simm.s32 $0x15E80  }
0x301: {  	[tilespmem:s26], [sflag:$0x3] =	stream.indirect_vreg.gather [hbm4b:s19+s3], $0x80, v5, vm0, $0xb8;
	[tilespmem:$0x1E680] =	vst v63  }
0x302: {  	s26 =	simm.s32 $0x16680  }
0x303: {  	[tilespmem:s26], [sflag:$0x3] =	stream.indirect_vreg.gather [hbm4b:s2+s3], $0x80, v4, vm0, $0xb8;
	[tilespmem:$0x1E680] =	vst v63  }
0x304: {  	s26 =	simm.s32 $0x16E80  }
0x305: {  	[tilespmem:s26], [sflag:$0x3] =	stream.indirect_vreg.gather [hbm4b:s17+s3], $0x80, v4, vm0, $0xb8;
	[tilespmem:$0x1E680] =	vst v63  }
0x306: {  	s26 =	simm.s32 $0x17680  }
0x307: {  	[tilespmem:s26], [sflag:$0x3] =	stream.indirect_vreg.gather [hbm4b:s18+s3], $0x80, v4, vm0, $0xb8;
	[tilespmem:$0x1E680] =	vst v63  }
0x308: {  	s26 =	simm.s32 $0x17E80  }
0x309: {  	[tilespmem:s26], [sflag:$0x3] =	stream.indirect_vreg.gather [hbm4b:s19+s3], $0x80, v4, vm0, $0xb8;
	[tilespmem:$0x1E680] =	vst v63  }
0x30a: {  	v4 =	vld [tilespmem:$0x1C8];
	_ =	sdelay $0x4  }
0x30b: {  	v5 =	vshll.u32 v4, $0x3  }
0x30c: {  	v4 =	vand.u32 $0x7, v4;
	v5 =	vand.u32 $0xFFFFFFC0, v5  }
0x30d: {  	v4 =	vor.u32 v4, v5  }
0x30e: {  	v5 =	vperm.xlane v4, v1;
	_ =	sdelay $0x1  }
0x30f: {  	v5 =	vadd.s32 v2, v5;
	_ =	sdelay $0x3  }
0x310: {  	s26 =	simm.s32 $0x18680  }
0x311: {  	[tilespmem:s26], [sflag:$0x3] =	stream.indirect_vreg.gather [hbm4b:s2+s3], $0x80, v5, vm0, $0xb8;
	[tilespmem:$0x1E680] =	vst v63  }
0x312: {  	v4 =	vperm.xlane v4, v3  }
0x313: {  	[tilespmem:s22], [sflag:$0x3] =	stream.indirect_vreg.gather [hbm4b:s17+s3], $0x80, v5, vm0, $0xb8;
	[tilespmem:$0x1E680] =	vst v63  }
0x314: {  	v4 =	vadd.s32 v2, v4;
	s26 =	simm.s32 $0x19680  }
0x315: {  	[tilespmem:s26], [sflag:$0x3] =	stream.indirect_vreg.gather [hbm4b:s18+s3], $0x80, v5, vm0, $0xb8;
	[tilespmem:$0x1E680] =	vst v63  }
0x316: {  	s26 =	simm.s32 $0x19E80  }
0x317: {  	[tilespmem:s26], [sflag:$0x3] =	stream.indirect_vreg.gather [hbm4b:s19+s3], $0x80, v5, vm0, $0xb8;
	[tilespmem:$0x1E680] =	vst v63  }
0x318: {  	s26 =	simm.s32 $0x1A680  }
0x319: {  	[tilespmem:s26], [sflag:$0x3] =	stream.indirect_vreg.gather [hbm4b:s2+s3], $0x80, v4, vm0, $0xb8;
	[tilespmem:$0x1E680] =	vst v63  }
0x31a: {  	s26 =	simm.s32 $0x1AE80  }
0x31b: {  	[tilespmem:s26], [sflag:$0x3] =	stream.indirect_vreg.gather [hbm4b:s17+s3], $0x80, v4, vm0, $0xb8;
	[tilespmem:$0x1E680] =	vst v63  }
0x31c: {  	s26 =	simm.s32 $0x1B680  }
0x31d: {  	[tilespmem:s26], [sflag:$0x3] =	stream.indirect_vreg.gather [hbm4b:s18+s3], $0x80, v4, vm0, $0xb8;
	[tilespmem:$0x1E680] =	vst v63  }
0x31e: {  	_ = 	snop  }
0x31f: {  	[tilespmem:s4], [sflag:$0x3] =	stream.indirect_vreg.gather [hbm4b:s19+s3], $0x80, v4, vm0, $0xb8;
	[tilespmem:$0x1E680] =	vst v63  }
0x320: {  	v4 =	vld.msk [tilespmem:$0x1D8], $0xff;
	_ =	sdelay $0x4  }
0x321: {  	v5 =	vshll.u32 v4, $0x3  }
0x322: {  	v4 =	vand.u32 $0x7, v4;
	v5 =	vand.u32 $0xFFFFFFC0, v5  }
0x323: {  	v4 =	vor.u32 v4, v5  }
0x324: {  	v4 =	vperm.xlane v4, v1;
	_ =	sdelay $0x1  }
0x325: {  	v4 =	vadd.s32 v2, v4;
	_ =	sdelay $0x3  }
0x326: {  	s4 =	simm.s32 $0x1C680  }
0x327: {  	[tilespmem:s4], [sflag:$0x3] =	stream.indirect_vreg.gather [hbm4b:s2+s3], $0x80, v4, vm0, $0xb8;
	[tilespmem:$0x1E680] =	vst v63  }
0x328: {  	s26 =	simm.s32 $0x1CE80  }
0x329: {  	[tilespmem:s26], [sflag:$0x3] =	stream.indirect_vreg.gather [hbm4b:s17+s3], $0x80, v4, vm0, $0xb8;
	[tilespmem:$0x1E680] =	vst v63  }
0x32a: {  	s4 =	simm.s32 $0x1D680  }
0x32b: {  	[tilespmem:s4], [sflag:$0x3] =	stream.indirect_vreg.gather [hbm4b:s18+s3], $0x80, v4, vm0, $0xb8;
	[tilespmem:$0x1E680] =	vst v63  }
0x32c: {  	s26 =	simm.s32 $0x1DE80  }
0x32d: {  	[tilespmem:s26], [sflag:$0x3] =	stream.indirect_vreg.gather [hbm4b:s19+s3], $0x80, v4, vm0, $0xb8;
	[tilespmem:$0x1E680] =	vst v63  }
0x32e: {  	_ =	swait.ge [sflag:s5], $0xA000  }
0x32f: {  	[sflag:s5] =	ssyncset.done $0x0  }
0x330: {  	s4 =	simm.s32 $0x680;
	s0 =	rddreg [dreg:$0xd];
	[sflag:s5] =	ssyncadd.s32 $0xFFFF6000  }
0x331: {  	[hbm4b:s0+s3] =	stream.linear.scatter [tilespmem:s4], [sflag:$0x4], $0xA000, $0x38;
	[tilespmem:$0x1E680] =	vst v63  }
0x332: {  	_ =	swait.ge [sflag:s15], $0xA000  }
0x333: {  	[sflag:s15] =	ssyncset.done $0x0  }
0x334: {  	[sflag:s15] =	ssyncadd.s32 $0xFFFF6000  }
0x335: {  	v4 =	vld [tilespmem:$0x1E0];
	_ =	sdelay $0x4  }
0x336: {  	v5 =	vshll.u32 v4, $0x3  }
0x337: {  	v4 =	vand.u32 $0x7, v4;
	v5 =	vand.u32 $0xFFFFFFC0, v5  }
0x338: {  	v4 =	vor.u32 v4, v5  }
0x339: {  	v5 =	vperm.xlane v4, v1;
	_ =	sdelay $0x1  }
0x33a: {  	v5 =	vadd.s32 v2, v5;
	_ =	sdelay $0x4  }
0x33b: {  	[tilespmem:s4], [sflag:$0x1] =	stream.indirect_vreg.gather [hbm4b:s2+s3], $0x80, v5, vm0, $0xb8;
	[tilespmem:$0x1E680] =	vst v63  }
0x33c: {  	v4 =	vperm.xlane v4, v3  }
0x33d: {  	[tilespmem:s30], [sflag:$0x1] =	stream.indirect_vreg.gather [hbm4b:s17+s3], $0x80, v5, vm0, $0xb8;
	[tilespmem:$0x1E680] =	vst v63  }
0x33e: {  	v4 =	vadd.s32 v2, v4  }
0x33f: {  	[tilespmem:s1], [sflag:$0x1] =	stream.indirect_vreg.gather [hbm4b:s18+s3], $0x80, v5, vm0, $0xb8;
	[tilespmem:$0x1E680] =	vst v63  }
0x340: {  	_ = 	snop  }
0x341: {  	[tilespmem:s8], [sflag:$0x1] =	stream.indirect_vreg.gather [hbm4b:s19+s3], $0x80, v5, vm0, $0xb8;
	[tilespmem:$0x1E680] =	vst v63  }
0x342: {  	_ = 	snop  }
0x343: {  	[tilespmem:s9], [sflag:$0x1] =	stream.indirect_vreg.gather [hbm4b:s2+s3], $0x80, v4, vm0, $0xb8;
	[tilespmem:$0x1E680] =	vst v63  }
0x344: {  	_ = 	snop  }
0x345: {  	[tilespmem:s10], [sflag:$0x1] =	stream.indirect_vreg.gather [hbm4b:s17+s3], $0x80, v4, vm0, $0xb8;
	[tilespmem:$0x1E680] =	vst v63  }
0x346: {  	_ = 	snop  }
0x347: {  	[tilespmem:s11], [sflag:$0x1] =	stream.indirect_vreg.gather [hbm4b:s18+s3], $0x80, v4, vm0, $0xb8;
	[tilespmem:$0x1E680] =	vst v63  }
0x348: {  	_ = 	snop  }
0x349: {  	[tilespmem:s31], [sflag:$0x1] =	stream.indirect_vreg.gather [hbm4b:s19+s3], $0x80, v4, vm0, $0xb8;
	[tilespmem:$0x1E680] =	vst v63  }
0x34a: {  	v4 =	vld [tilespmem:$0x1F0];
	_ =	sdelay $0x4  }
0x34b: {  	v5 =	vshll.u32 v4, $0x3  }
0x34c: {  	v4 =	vand.u32 $0x7, v4;
	v5 =	vand.u32 $0xFFFFFFC0, v5  }
0x34d: {  	v4 =	vor.u32 v4, v5  }
0x34e: {  	v5 =	vperm.xlane v4, v1;
	_ =	sdelay $0x1  }
0x34f: {  	v5 =	vadd.s32 v2, v5;
	_ =	sdelay $0x3  }
0x350: {  	s8 =	simm.s32 $0x4680  }
0x351: {  	[tilespmem:s8], [sflag:$0x1] =	stream.indirect_vreg.gather [hbm4b:s2+s3], $0x80, v5, vm0, $0xb8;
	[tilespmem:$0x1E680] =	vst v63  }
0x352: {  	s9 =	simm.s32 $0x4E80;
	v4 =	vperm.xlane v4, v3  }
0x353: {  	[tilespmem:s9], [sflag:$0x1] =	stream.indirect_vreg.gather [hbm4b:s17+s3], $0x80, v5, vm0, $0xb8;
	[tilespmem:$0x1E680] =	vst v63  }
0x354: {  	v4 =	vadd.s32 v2, v4  }
0x355: {  	[tilespmem:s12], [sflag:$0x1] =	stream.indirect_vreg.gather [hbm4b:s18+s3], $0x80, v5, vm0, $0xb8;
	[tilespmem:$0x1E680] =	vst v63  }
0x356: {  	_ = 	snop  }
0x357: {  	[tilespmem:s13], [sflag:$0x1] =	stream.indirect_vreg.gather [hbm4b:s19+s3], $0x80, v5, vm0, $0xb8;
	[tilespmem:$0x1E680] =	vst v63  }
0x358: {  	_ = 	snop  }
0x359: {  	[tilespmem:s14], [sflag:$0x1] =	stream.indirect_vreg.gather [hbm4b:s2+s3], $0x80, v4, vm0, $0xb8;
	[tilespmem:$0x1E680] =	vst v63  }
0x35a: {  	_ = 	snop  }
0x35b: {  	[tilespmem:s21], [sflag:$0x1] =	stream.indirect_vreg.gather [hbm4b:s17+s3], $0x80, v4, vm0, $0xb8;
	[tilespmem:$0x1E680] =	vst v63  }
0x35c: {  	_ = 	snop  }
0x35d: {  	[tilespmem:s25], [sflag:$0x1] =	stream.indirect_vreg.gather [hbm4b:s18+s3], $0x80, v4, vm0, $0xb8;
	[tilespmem:$0x1E680] =	vst v63  }
0x35e: {  	_ = 	snop  }
0x35f: {  	[tilespmem:s6], [sflag:$0x1] =	stream.indirect_vreg.gather [hbm4b:s19+s3], $0x80, v4, vm0, $0xb8;
	[tilespmem:$0x1E680] =	vst v63  }
0x360: {  	v4 =	vld.msk [tilespmem:$0x200], $0xff;
	_ =	sdelay $0x4  }
0x361: {  	v5 =	vshll.u32 v4, $0x3  }
0x362: {  	v4 =	vand.u32 $0x7, v4;
	v5 =	vand.u32 $0xFFFFFFC0, v5  }
0x363: {  	v4 =	vor.u32 v4, v5  }
0x364: {  	v4 =	vperm.xlane v4, v1;
	_ =	sdelay $0x1  }
0x365: {  	v4 =	vadd.s32 v2, v4;
	_ =	sdelay $0x4  }
0x366: {  	[tilespmem:s7], [sflag:$0x1] =	stream.indirect_vreg.gather [hbm4b:s2+s3], $0x80, v4, vm0, $0xb8;
	[tilespmem:$0x1E680] =	vst v63  }
0x367: {  	_ = 	snop  }
0x368: {  	[tilespmem:s28], [sflag:$0x1] =	stream.indirect_vreg.gather [hbm4b:s17+s3], $0x80, v4, vm0, $0xb8;
	[tilespmem:$0x1E680] =	vst v63  }
0x369: {  	_ = 	snop  }
0x36a: {  	[tilespmem:s29], [sflag:$0x1] =	stream.indirect_vreg.gather [hbm4b:s18+s3], $0x80, v4, vm0, $0xb8;
	[tilespmem:$0x1E680] =	vst v63  }
0x36b: {  	s10 =	simm.s32 $0x9E80  }
0x36c: {  	[tilespmem:s10], [sflag:$0x1] =	stream.indirect_vreg.gather [hbm4b:s19+s3], $0x80, v4, vm0, $0xb8;
	[tilespmem:$0x1E680] =	vst v63  }
0x36d: {  	_ =	swait.ge [sflag:s16], $0xA000  }
0x36e: {  	[sflag:s16] =	ssyncset.done $0x0  }
0x36f: {  	s12 =	simm.s32 $0xA680;
	s11 =	rddreg [dreg:$0xe];
	[sflag:s16] =	ssyncadd.s32 $0xFFFF6000  }
0x370: {  	[hbm4b:s11+s3] =	stream.linear.scatter [tilespmem:s12], [sflag:$0x5], $0xA000, $0x38;
	[tilespmem:$0x1E680] =	vst v63  }
0x371: {  	_ =	swait.ge [sflag:s20], $0xA000  }
0x372: {  	[sflag:s20] =	ssyncset.done $0x0  }
0x373: {  	[sflag:s20] =	ssyncadd.s32 $0xFFFF6000  }
0x374: {  	v4 =	vld [tilespmem:$0x208];
	_ =	sdelay $0x4  }
0x375: {  	v5 =	vshll.u32 v4, $0x3  }
0x376: {  	v4 =	vand.u32 $0x7, v4;
	v5 =	vand.u32 $0xFFFFFFC0, v5  }
0x377: {  	v4 =	vor.u32 v4, v5  }
0x378: {  	v5 =	vperm.xlane v4, v1;
	_ =	sdelay $0x1  }
0x379: {  	v5 =	vadd.s32 v2, v5;
	_ =	sdelay $0x4  }
0x37a: {  	[tilespmem:s12], [sflag:$0x2] =	stream.indirect_vreg.gather [hbm4b:s2+s3], $0x80, v5, vm0, $0xb8;
	[tilespmem:$0x1E680] =	vst v63  }
0x37b: {  	s13 =	simm.s32 $0xAE80;
	v4 =	vperm.xlane v4, v3  }
0x37c: {  	[tilespmem:s13], [sflag:$0x2] =	stream.indirect_vreg.gather [hbm4b:s17+s3], $0x80, v5, vm0, $0xb8;
	[tilespmem:$0x1E680] =	vst v63  }
0x37d: {  	s14 =	simm.s32 $0xB680;
	v4 =	vadd.s32 v2, v4  }
0x37e: {  	[tilespmem:s14], [sflag:$0x2] =	stream.indirect_vreg.gather [hbm4b:s18+s3], $0x80, v5, vm0, $0xb8;
	[tilespmem:$0x1E680] =	vst v63  }
0x37f: {  	s21 =	simm.s32 $0xBE80  }
0x380: {  	[tilespmem:s21], [sflag:$0x2] =	stream.indirect_vreg.gather [hbm4b:s19+s3], $0x80, v5, vm0, $0xb8;
	[tilespmem:$0x1E680] =	vst v63  }
0x381: {  	s25 =	simm.s32 $0xC680  }
0x382: {  	[tilespmem:s25], [sflag:$0x2] =	stream.indirect_vreg.gather [hbm4b:s2+s3], $0x80, v4, vm0, $0xb8;
	[tilespmem:$0x1E680] =	vst v63  }
0x383: {  	s31 =	simm.s32 $0xCE80  }
0x384: {  	[tilespmem:s31], [sflag:$0x2] =	stream.indirect_vreg.gather [hbm4b:s17+s3], $0x80, v4, vm0, $0xb8;
	[tilespmem:$0x1E680] =	vst v63  }
0x385: {  	s26 =	simm.s32 $0xD680  }
0x386: {  	[tilespmem:s26], [sflag:$0x2] =	stream.indirect_vreg.gather [hbm4b:s18+s3], $0x80, v4, vm0, $0xb8;
	[tilespmem:$0x1E680] =	vst v63  }
0x387: {  	s28 =	simm.s32 $0xDE80  }
0x388: {  	[tilespmem:s28], [sflag:$0x2] =	stream.indirect_vreg.gather [hbm4b:s19+s3], $0x80, v4, vm0, $0xb8;
	[tilespmem:$0x1E680] =	vst v63  }
0x389: {  	v4 =	vld [tilespmem:$0x218];
	_ =	sdelay $0x4  }
0x38a: {  	v5 =	vshll.u32 v4, $0x3  }
0x38b: {  	v4 =	vand.u32 $0x7, v4;
	v5 =	vand.u32 $0xFFFFFFC0, v5  }
0x38c: {  	v4 =	vor.u32 v4, v5  }
0x38d: {  	v5 =	vperm.xlane v4, v1;
	_ =	sdelay $0x1  }
0x38e: {  	v5 =	vadd.s32 v2, v5;
	_ =	sdelay $0x3  }
0x38f: {  	s29 =	simm.s32 $0xE680  }
0x390: {  	[tilespmem:s29], [sflag:$0x2] =	stream.indirect_vreg.gather [hbm4b:s2+s3], $0x80, v5, vm0, $0xb8;
	[tilespmem:$0x1E680] =	vst v63  }
0x391: {  	s30 =	simm.s32 $0xEE80;
	v4 =	vperm.xlane v4, v3  }
0x392: {  	[tilespmem:s30], [sflag:$0x2] =	stream.indirect_vreg.gather [hbm4b:s17+s3], $0x80, v5, vm0, $0xb8;
	[tilespmem:$0x1E680] =	vst v63  }
0x393: {  	s1 =	simm.s32 $0xF680;
	v4 =	vadd.s32 v2, v4  }
0x394: {  	[tilespmem:s1], [sflag:$0x2] =	stream.indirect_vreg.gather [hbm4b:s18+s3], $0x80, v5, vm0, $0xb8;
	[tilespmem:$0x1E680] =	vst v63  }
0x395: {  	s4 =	simm.s32 $0xFE80  }
0x396: {  	[tilespmem:s4], [sflag:$0x2] =	stream.indirect_vreg.gather [hbm4b:s19+s3], $0x80, v5, vm0, $0xb8;
	[tilespmem:$0x1E680] =	vst v63  }
0x397: {  	s6 =	simm.s32 $0x10680  }
0x398: {  	[tilespmem:s6], [sflag:$0x2] =	stream.indirect_vreg.gather [hbm4b:s2+s3], $0x80, v4, vm0, $0xb8;
	[tilespmem:$0x1E680] =	vst v63  }
0x399: {  	s7 =	simm.s32 $0x10E80  }
0x39a: {  	[tilespmem:s7], [sflag:$0x2] =	stream.indirect_vreg.gather [hbm4b:s17+s3], $0x80, v4, vm0, $0xb8;
	[tilespmem:$0x1E680] =	vst v63  }
0x39b: {  	s8 =	simm.s32 $0x11680  }
0x39c: {  	[tilespmem:s8], [sflag:$0x2] =	stream.indirect_vreg.gather [hbm4b:s18+s3], $0x80, v4, vm0, $0xb8;
	[tilespmem:$0x1E680] =	vst v63  }
0x39d: {  	s9 =	simm.s32 $0x11E80  }
0x39e: {  	[tilespmem:s9], [sflag:$0x2] =	stream.indirect_vreg.gather [hbm4b:s19+s3], $0x80, v4, vm0, $0xb8;
	[tilespmem:$0x1E680] =	vst v63  }
0x39f: {  	v4 =	vld.msk [tilespmem:$0x228], $0xff;
	_ =	sdelay $0x4  }
0x3a0: {  	v5 =	vshll.u32 v4, $0x3  }
0x3a1: {  	v4 =	vand.u32 $0x7, v4;
	v5 =	vand.u32 $0xFFFFFFC0, v5  }
0x3a2: {  	v4 =	vor.u32 v4, v5  }
0x3a3: {  	v4 =	vperm.xlane v4, v1;
	_ =	sdelay $0x1  }
0x3a4: {  	v4 =	vadd.s32 v2, v4;
	_ =	sdelay $0x3  }
0x3a5: {  	s10 =	simm.s32 $0x12680  }
0x3a6: {  	[tilespmem:s10], [sflag:$0x2] =	stream.indirect_vreg.gather [hbm4b:s2+s3], $0x80, v4, vm0, $0xb8;
	[tilespmem:$0x1E680] =	vst v63  }
0x3a7: {  	s11 =	simm.s32 $0x12E80  }
0x3a8: {  	[tilespmem:s11], [sflag:$0x2] =	stream.indirect_vreg.gather [hbm4b:s17+s3], $0x80, v4, vm0, $0xb8;
	[tilespmem:$0x1E680] =	vst v63  }
0x3a9: {  	s12 =	simm.s32 $0x13680  }
0x3aa: {  	[tilespmem:s12], [sflag:$0x2] =	stream.indirect_vreg.gather [hbm4b:s18+s3], $0x80, v4, vm0, $0xb8;
	[tilespmem:$0x1E680] =	vst v63  }
0x3ab: {  	s13 =	simm.s32 $0x13E80  }
0x3ac: {  	[tilespmem:s13], [sflag:$0x2] =	stream.indirect_vreg.gather [hbm4b:s19+s3], $0x80, v4, vm0, $0xb8;
	[tilespmem:$0x1E680] =	vst v63  }
0x3ad: {  	_ =	swait.ge [sflag:s23], $0xA000  }
0x3ae: {  	[sflag:s23] =	ssyncset.done $0x0  }
0x3af: {  	s21 =	simm.s32 $0x14680;
	s14 =	rddreg [dreg:$0xf];
	[sflag:s23] =	ssyncadd.s32 $0xFFFF6000  }
0x3b0: {  	[hbm4b:s14+s3] =	stream.linear.scatter [tilespmem:s21], [sflag:$0x6], $0xA000, $0x38;
	[tilespmem:$0x1E680] =	vst v63  }
0x3b1: {  	_ =	swait.ge [sflag:s24], $0xA000  }
0x3b2: {  	[sflag:s24] =	ssyncset.done $0x0  }
0x3b3: {  	[sflag:s24] =	ssyncadd.s32 $0xFFFF6000  }
0x3b4: {  	v4 =	vld [tilespmem:$0x230];
	_ =	sdelay $0x4  }
0x3b5: {  	v5 =	vshll.u32 v4, $0x3  }
0x3b6: {  	v4 =	vand.u32 $0x7, v4;
	v5 =	vand.u32 $0xFFFFFFC0, v5  }
0x3b7: {  	v4 =	vor.u32 v4, v5  }
0x3b8: {  	v5 =	vperm.xlane v4, v1;
	_ =	sdelay $0x1  }
0x3b9: {  	v5 =	vadd.s32 v2, v5;
	_ =	sdelay $0x4  }
0x3ba: {  	[tilespmem:s21], [sflag:$0x3] =	stream.indirect_vreg.gather [hbm4b:s2+s3], $0x80, v5, vm0, $0xb8;
	[tilespmem:$0x1E680] =	vst v63  }
0x3bb: {  	s25 =	simm.s32 $0x14E80;
	v4 =	vperm.xlane v4, v3  }
0x3bc: {  	[tilespmem:s25], [sflag:$0x3] =	stream.indirect_vreg.gather [hbm4b:s17+s3], $0x80, v5, vm0, $0xb8;
	[tilespmem:$0x1E680] =	vst v63  }
0x3bd: {  	s1 =	simm.s32 $0x15680;
	v4 =	vadd.s32 v2, v4  }
0x3be: {  	[tilespmem:s1], [sflag:$0x3] =	stream.indirect_vreg.gather [hbm4b:s18+s3], $0x80, v5, vm0, $0xb8;
	[tilespmem:$0x1E680] =	vst v63  }
0x3bf: {  	s4 =	simm.s32 $0x15E80  }
0x3c0: {  	[tilespmem:s4], [sflag:$0x3] =	stream.indirect_vreg.gather [hbm4b:s19+s3], $0x80, v5, vm0, $0xb8;
	[tilespmem:$0x1E680] =	vst v63  }
0x3c1: {  	s6 =	simm.s32 $0x16680  }
0x3c2: {  	[tilespmem:s6], [sflag:$0x3] =	stream.indirect_vreg.gather [hbm4b:s2+s3], $0x80, v4, vm0, $0xb8;
	[tilespmem:$0x1E680] =	vst v63  }
0x3c3: {  	s7 =	simm.s32 $0x16E80  }
0x3c4: {  	[tilespmem:s7], [sflag:$0x3] =	stream.indirect_vreg.gather [hbm4b:s17+s3], $0x80, v4, vm0, $0xb8;
	[tilespmem:$0x1E680] =	vst v63  }
0x3c5: {  	s8 =	simm.s32 $0x17680  }
0x3c6: {  	[tilespmem:s8], [sflag:$0x3] =	stream.indirect_vreg.gather [hbm4b:s18+s3], $0x80, v4, vm0, $0xb8;
	[tilespmem:$0x1E680] =	vst v63  }
0x3c7: {  	s28 =	simm.s32 $0x17E80  }
0x3c8: {  	[tilespmem:s28], [sflag:$0x3] =	stream.indirect_vreg.gather [hbm4b:s19+s3], $0x80, v4, vm0, $0xb8;
	[tilespmem:$0x1E680] =	vst v63  }
0x3c9: {  	v4 =	vld [tilespmem:$0x240];
	_ =	sdelay $0x4  }
0x3ca: {  	v5 =	vshll.u32 v4, $0x3  }
0x3cb: {  	v4 =	vand.u32 $0x7, v4;
	v5 =	vand.u32 $0xFFFFFFC0, v5  }
0x3cc: {  	v4 =	vor.u32 v4, v5  }
0x3cd: {  	v5 =	vperm.xlane v4, v1;
	_ =	sdelay $0x1  }
0x3ce: {  	v5 =	vadd.s32 v2, v5;
	_ =	sdelay $0x3  }
0x3cf: {  	s29 =	simm.s32 $0x18680  }
0x3d0: {  	[tilespmem:s29], [sflag:$0x3] =	stream.indirect_vreg.gather [hbm4b:s2+s3], $0x80, v5, vm0, $0xb8;
	[tilespmem:$0x1E680] =	vst v63  }
0x3d1: {  	s22 =	simm.s32 $0x18E80;
	v4 =	vperm.xlane v4, v3  }
0x3d2: {  	[tilespmem:s22], [sflag:$0x3] =	stream.indirect_vreg.gather [hbm4b:s17+s3], $0x80, v5, vm0, $0xb8;
	[tilespmem:$0x1E680] =	vst v63  }
0x3d3: {  	s9 =	simm.s32 $0x19680;
	v4 =	vadd.s32 v2, v4  }
0x3d4: {  	[tilespmem:s9], [sflag:$0x3] =	stream.indirect_vreg.gather [hbm4b:s18+s3], $0x80, v5, vm0, $0xb8;
	[tilespmem:$0x1E680] =	vst v63  }
0x3d5: {  	s10 =	simm.s32 $0x19E80  }
0x3d6: {  	[tilespmem:s10], [sflag:$0x3] =	stream.indirect_vreg.gather [hbm4b:s19+s3], $0x80, v5, vm0, $0xb8;
	[tilespmem:$0x1E680] =	vst v63  }
0x3d7: {  	s11 =	simm.s32 $0x1A680  }
0x3d8: {  	[tilespmem:s11], [sflag:$0x3] =	stream.indirect_vreg.gather [hbm4b:s2+s3], $0x80, v4, vm0, $0xb8;
	[tilespmem:$0x1E680] =	vst v63  }
0x3d9: {  	s12 =	simm.s32 $0x1AE80  }
0x3da: {  	[tilespmem:s12], [sflag:$0x3] =	stream.indirect_vreg.gather [hbm4b:s17+s3], $0x80, v4, vm0, $0xb8;
	[tilespmem:$0x1E680] =	vst v63  }
0x3db: {  	s13 =	simm.s32 $0x1B680  }
0x3dc: {  	[tilespmem:s13], [sflag:$0x3] =	stream.indirect_vreg.gather [hbm4b:s18+s3], $0x80, v4, vm0, $0xb8;
	[tilespmem:$0x1E680] =	vst v63  }
0x3dd: {  	s22 =	simm.s32 $0x1BE80  }
0x3de: {  	[tilespmem:s22], [sflag:$0x3] =	stream.indirect_vreg.gather [hbm4b:s19+s3], $0x80, v4, vm0, $0xb8;
	[tilespmem:$0x1E680] =	vst v63  }
0x3df: {  	v4 =	vld.msk [tilespmem:$0x250], $0xff;
	_ =	sdelay $0x4  }
0x3e0: {  	v5 =	vshll.u32 v4, $0x3  }
0x3e1: {  	v4 =	vand.u32 $0x7, v4;
	v5 =	vand.u32 $0xFFFFFFC0, v5  }
0x3e2: {  	v4 =	vor.u32 v4, v5  }
0x3e3: {  	v4 =	vperm.xlane v4, v1;
	_ =	sdelay $0x1  }
0x3e4: {  	v4 =	vadd.s32 v2, v4;
	_ =	sdelay $0x3  }
0x3e5: {  	s14 =	simm.s32 $0x1C680  }
0x3e6: {  	[tilespmem:s14], [sflag:$0x3] =	stream.indirect_vreg.gather [hbm4b:s2+s3], $0x80, v4, vm0, $0xb8;
	[tilespmem:$0x1E680] =	vst v63  }
0x3e7: {  	s21 =	simm.s32 $0x1CE80  }
0x3e8: {  	[tilespmem:s21], [sflag:$0x3] =	stream.indirect_vreg.gather [hbm4b:s17+s3], $0x80, v4, vm0, $0xb8;
	[tilespmem:$0x1E680] =	vst v63  }
0x3e9: {  	s22 =	simm.s32 $0x1D680  }
0x3ea: {  	[tilespmem:s22], [sflag:$0x3] =	stream.indirect_vreg.gather [hbm4b:s18+s3], $0x80, v4, vm0, $0xb8;
	[tilespmem:$0x1E680] =	vst v63  }
0x3eb: {  	s30 =	simm.s32 $0x1DE80  }
0x3ec: {  	[tilespmem:s30], [sflag:$0x3] =	stream.indirect_vreg.gather [hbm4b:s19+s3], $0x80, v4, vm0, $0xb8;
	[tilespmem:$0x1E680] =	vst v63  }
0x3ed: {  	_ =	swait.ge [sflag:s5], $0xA000  }
0x3ee: {  	[sflag:s5] =	ssyncset.done $0x0  }
0x3ef: {  	s0 =	simm.s32 $0x680;
	s26 =	rddreg [dreg:$0x10];
	[sflag:s5] =	ssyncadd.s32 $0xFFFF6000  }
0x3f0: {  	[hbm4b:s26+s3] =	stream.linear.scatter [tilespmem:s0], [sflag:$0x4], $0xA000, $0x38;
	[tilespmem:$0x1E680] =	vst v63  }
0x3f1: {  	_ =	swait.ge [sflag:s15], $0xA000  }
0x3f2: {  	[sflag:s15] =	ssyncset.done $0x0  }
0x3f3: {  	[sflag:s15] =	ssyncadd.s32 $0xFFFF6000  }
0x3f4: {  	v4 =	vld [tilespmem:$0x258];
	_ =	sdelay $0x4  }
0x3f5: {  	v5 =	vshll.u32 v4, $0x3  }
0x3f6: {  	v4 =	vand.u32 $0x7, v4;
	v5 =	vand.u32 $0xFFFFFFC0, v5  }
0x3f7: {  	v4 =	vor.u32 v4, v5  }
0x3f8: {  	v5 =	vperm.xlane v4, v1;
	_ =	sdelay $0x1  }
0x3f9: {  	v5 =	vadd.s32 v2, v5;
	_ =	sdelay $0x4  }
0x3fa: {  	[tilespmem:s0], [sflag:$0x1] =	stream.indirect_vreg.gather [hbm4b:s2+s3], $0x80, v5, vm0, $0xb8;
	[tilespmem:$0x1E680] =	vst v63  }
0x3fb: {  	s26 =	simm.s32 $0xE80;
	v4 =	vperm.xlane v4, v3  }
0x3fc: {  	[tilespmem:s26], [sflag:$0x1] =	stream.indirect_vreg.gather [hbm4b:s17+s3], $0x80, v5, vm0, $0xb8;
	[tilespmem:$0x1E680] =	vst v63  }
0x3fd: {  	v4 =	vadd.s32 v2, v4;
	s26 =	simm.s32 $0x1680  }
0x3fe: {  	[tilespmem:s26], [sflag:$0x1] =	stream.indirect_vreg.gather [hbm4b:s18+s3], $0x80, v5, vm0, $0xb8;
	[tilespmem:$0x1E680] =	vst v63  }
0x3ff: {  	s26 =	simm.s32 $0x1E80  }
0x400: {  	[tilespmem:s26], [sflag:$0x1] =	stream.indirect_vreg.gather [hbm4b:s19+s3], $0x80, v5, vm0, $0xb8;
	[tilespmem:$0x1E680] =	vst v63  }
0x401: {  	s26 =	simm.s32 $0x2680  }
0x402: {  	[tilespmem:s26], [sflag:$0x1] =	stream.indirect_vreg.gather [hbm4b:s2+s3], $0x80, v4, vm0, $0xb8;
	[tilespmem:$0x1E680] =	vst v63  }
0x403: {  	s26 =	simm.s32 $0x2E80  }
0x404: {  	[tilespmem:s26], [sflag:$0x1] =	stream.indirect_vreg.gather [hbm4b:s17+s3], $0x80, v4, vm0, $0xb8;
	[tilespmem:$0x1E680] =	vst v63  }
0x405: {  	s26 =	simm.s32 $0x3680  }
0x406: {  	[tilespmem:s26], [sflag:$0x1] =	stream.indirect_vreg.gather [hbm4b:s18+s3], $0x80, v4, vm0, $0xb8;
	[tilespmem:$0x1E680] =	vst v63  }
0x407: {  	s26 =	simm.s32 $0x3E80  }
0x408: {  	[tilespmem:s26], [sflag:$0x1] =	stream.indirect_vreg.gather [hbm4b:s19+s3], $0x80, v4, vm0, $0xb8;
	[tilespmem:$0x1E680] =	vst v63  }
0x409: {  	v4 =	vld [tilespmem:$0x268];
	_ =	sdelay $0x4  }
0x40a: {  	v5 =	vshll.u32 v4, $0x3  }
0x40b: {  	v4 =	vand.u32 $0x7, v4;
	v5 =	vand.u32 $0xFFFFFFC0, v5  }
0x40c: {  	v4 =	vor.u32 v4, v5  }
0x40d: {  	v5 =	vperm.xlane v4, v1;
	_ =	sdelay $0x1  }
0x40e: {  	v5 =	vadd.s32 v2, v5;
	_ =	sdelay $0x3  }
0x40f: {  	s26 =	simm.s32 $0x4680  }
0x410: {  	[tilespmem:s26], [sflag:$0x1] =	stream.indirect_vreg.gather [hbm4b:s2+s3], $0x80, v5, vm0, $0xb8;
	[tilespmem:$0x1E680] =	vst v63  }
0x411: {  	v4 =	vperm.xlane v4, v3;
	s26 =	simm.s32 $0x4E80  }
0x412: {  	[tilespmem:s26], [sflag:$0x1] =	stream.indirect_vreg.gather [hbm4b:s17+s3], $0x80, v5, vm0, $0xb8;
	[tilespmem:$0x1E680] =	vst v63  }
0x413: {  	v4 =	vadd.s32 v2, v4;
	s26 =	simm.s32 $0x5680  }
0x414: {  	[tilespmem:s26], [sflag:$0x1] =	stream.indirect_vreg.gather [hbm4b:s18+s3], $0x80, v5, vm0, $0xb8;
	[tilespmem:$0x1E680] =	vst v63  }
0x415: {  	s26 =	simm.s32 $0x5E80  }
0x416: {  	[tilespmem:s26], [sflag:$0x1] =	stream.indirect_vreg.gather [hbm4b:s19+s3], $0x80, v5, vm0, $0xb8;
	[tilespmem:$0x1E680] =	vst v63  }
0x417: {  	s26 =	simm.s32 $0x6680  }
0x418: {  	[tilespmem:s26], [sflag:$0x1] =	stream.indirect_vreg.gather [hbm4b:s2+s3], $0x80, v4, vm0, $0xb8;
	[tilespmem:$0x1E680] =	vst v63  }
0x419: {  	s26 =	simm.s32 $0x6E80  }
0x41a: {  	[tilespmem:s26], [sflag:$0x1] =	stream.indirect_vreg.gather [hbm4b:s17+s3], $0x80, v4, vm0, $0xb8;
	[tilespmem:$0x1E680] =	vst v63  }
0x41b: {  	s26 =	simm.s32 $0x7680  }
0x41c: {  	[tilespmem:s26], [sflag:$0x1] =	stream.indirect_vreg.gather [hbm4b:s18+s3], $0x80, v4, vm0, $0xb8;
	[tilespmem:$0x1E680] =	vst v63  }
0x41d: {  	s26 =	simm.s32 $0x7E80  }
0x41e: {  	[tilespmem:s26], [sflag:$0x1] =	stream.indirect_vreg.gather [hbm4b:s19+s3], $0x80, v4, vm0, $0xb8;
	[tilespmem:$0x1E680] =	vst v63  }
0x41f: {  	v4 =	vld.msk [tilespmem:$0x278], $0xff;
	_ =	sdelay $0x4  }
0x420: {  	v5 =	vshll.u32 v4, $0x3  }
0x421: {  	v4 =	vand.u32 $0x7, v4;
	v5 =	vand.u32 $0xFFFFFFC0, v5  }
0x422: {  	v4 =	vor.u32 v4, v5  }
0x423: {  	v4 =	vperm.xlane v4, v1;
	_ =	sdelay $0x1  }
0x424: {  	v4 =	vadd.s32 v2, v4;
	_ =	sdelay $0x3  }
0x425: {  	s26 =	simm.s32 $0x8680  }
0x426: {  	[tilespmem:s26], [sflag:$0x1] =	stream.indirect_vreg.gather [hbm4b:s2+s3], $0x80, v4, vm0, $0xb8;
	[tilespmem:$0x1E680] =	vst v63  }
0x427: {  	s26 =	simm.s32 $0x8E80  }
0x428: {  	[tilespmem:s26], [sflag:$0x1] =	stream.indirect_vreg.gather [hbm4b:s17+s3], $0x80, v4, vm0, $0xb8;
	[tilespmem:$0x1E680] =	vst v63  }
0x429: {  	s26 =	simm.s32 $0x9680  }
0x42a: {  	[tilespmem:s26], [sflag:$0x1] =	stream.indirect_vreg.gather [hbm4b:s18+s3], $0x80, v4, vm0, $0xb8;
	[tilespmem:$0x1E680] =	vst v63  }
0x42b: {  	s26 =	simm.s32 $0x9E80  }
0x42c: {  	[tilespmem:s26], [sflag:$0x1] =	stream.indirect_vreg.gather [hbm4b:s19+s3], $0x80, v4, vm0, $0xb8;
	[tilespmem:$0x1E680] =	vst v63  }
0x42d: {  	_ =	swait.ge [sflag:s16], $0xA000  }
0x42e: {  	[sflag:s16] =	ssyncset.done $0x0  }
0x42f: {  	s0 =	simm.s32 $0xA680;
	s26 =	rddreg [dreg:$0x11];
	[sflag:s16] =	ssyncadd.s32 $0xFFFF6000  }
0x430: {  	[hbm4b:s26+s3] =	stream.linear.scatter [tilespmem:s0], [sflag:$0x5], $0xA000, $0x38;
	[tilespmem:$0x1E680] =	vst v63  }
0x431: {  	_ =	swait.ge [sflag:s20], $0xA000  }
0x432: {  	[sflag:s20] =	ssyncset.done $0x0  }
0x433: {  	[sflag:s20] =	ssyncadd.s32 $0xFFFF6000  }
0x434: {  	v4 =	vld [tilespmem:$0x280];
	_ =	sdelay $0x4  }
0x435: {  	v5 =	vshll.u32 v4, $0x3  }
0x436: {  	v4 =	vand.u32 $0x7, v4;
	v5 =	vand.u32 $0xFFFFFFC0, v5  }
0x437: {  	v4 =	vor.u32 v4, v5  }
0x438: {  	v5 =	vperm.xlane v4, v1;
	_ =	sdelay $0x1  }
0x439: {  	v5 =	vadd.s32 v2, v5;
	_ =	sdelay $0x4  }
0x43a: {  	[tilespmem:s0], [sflag:$0x2] =	stream.indirect_vreg.gather [hbm4b:s2+s3], $0x80, v5, vm0, $0xb8;
	[tilespmem:$0x1E680] =	vst v63  }
0x43b: {  	s26 =	simm.s32 $0xAE80;
	v4 =	vperm.xlane v4, v3  }
0x43c: {  	[tilespmem:s26], [sflag:$0x2] =	stream.indirect_vreg.gather [hbm4b:s17+s3], $0x80, v5, vm0, $0xb8;
	[tilespmem:$0x1E680] =	vst v63  }
0x43d: {  	v4 =	vadd.s32 v2, v4;
	s26 =	simm.s32 $0xB680  }
0x43e: {  	[tilespmem:s26], [sflag:$0x2] =	stream.indirect_vreg.gather [hbm4b:s18+s3], $0x80, v5, vm0, $0xb8;
	[tilespmem:$0x1E680] =	vst v63  }
0x43f: {  	s26 =	simm.s32 $0xBE80  }
0x440: {  	[tilespmem:s26], [sflag:$0x2] =	stream.indirect_vreg.gather [hbm4b:s19+s3], $0x80, v5, vm0, $0xb8;
	[tilespmem:$0x1E680] =	vst v63  }
0x441: {  	s26 =	simm.s32 $0xC680  }
0x442: {  	[tilespmem:s26], [sflag:$0x2] =	stream.indirect_vreg.gather [hbm4b:s2+s3], $0x80, v4, vm0, $0xb8;
	[tilespmem:$0x1E680] =	vst v63  }
0x443: {  	_ = 	snop  }
0x444: {  	[tilespmem:s31], [sflag:$0x2] =	stream.indirect_vreg.gather [hbm4b:s17+s3], $0x80, v4, vm0, $0xb8;
	[tilespmem:$0x1E680] =	vst v63  }
0x445: {  	s26 =	simm.s32 $0xD680  }
0x446: {  	[tilespmem:s26], [sflag:$0x2] =	stream.indirect_vreg.gather [hbm4b:s18+s3], $0x80, v4, vm0, $0xb8;
	[tilespmem:$0x1E680] =	vst v63  }
0x447: {  	s31 =	simm.s32 $0xDE80  }
0x448: {  	[tilespmem:s31], [sflag:$0x2] =	stream.indirect_vreg.gather [hbm4b:s19+s3], $0x80, v4, vm0, $0xb8;
	[tilespmem:$0x1E680] =	vst v63  }
0x449: {  	v4 =	vld [tilespmem:$0x290];
	_ =	sdelay $0x4  }
0x44a: {  	v5 =	vshll.u32 v4, $0x3  }
0x44b: {  	v4 =	vand.u32 $0x7, v4;
	v5 =	vand.u32 $0xFFFFFFC0, v5  }
0x44c: {  	v4 =	vor.u32 v4, v5  }
0x44d: {  	v5 =	vperm.xlane v4, v1;
	_ =	sdelay $0x1  }
0x44e: {  	v5 =	vadd.s32 v2, v5;
	_ =	sdelay $0x3  }
0x44f: {  	s26 =	simm.s32 $0xE680  }
0x450: {  	[tilespmem:s26], [sflag:$0x2] =	stream.indirect_vreg.gather [hbm4b:s2+s3], $0x80, v5, vm0, $0xb8;
	[tilespmem:$0x1E680] =	vst v63  }
0x451: {  	s31 =	simm.s32 $0xEE80;
	v4 =	vperm.xlane v4, v3  }
0x452: {  	[tilespmem:s31], [sflag:$0x2] =	stream.indirect_vreg.gather [hbm4b:s17+s3], $0x80, v5, vm0, $0xb8;
	[tilespmem:$0x1E680] =	vst v63  }
0x453: {  	v4 =	vadd.s32 v2, v4;
	s26 =	simm.s32 $0xF680  }
0x454: {  	[tilespmem:s26], [sflag:$0x2] =	stream.indirect_vreg.gather [hbm4b:s18+s3], $0x80, v5, vm0, $0xb8;
	[tilespmem:$0x1E680] =	vst v63  }
0x455: {  	s31 =	simm.s32 $0xFE80  }
0x456: {  	[tilespmem:s31], [sflag:$0x2] =	stream.indirect_vreg.gather [hbm4b:s19+s3], $0x80, v5, vm0, $0xb8;
	[tilespmem:$0x1E680] =	vst v63  }
0x457: {  	s26 =	simm.s32 $0x10680  }
0x458: {  	[tilespmem:s26], [sflag:$0x2] =	stream.indirect_vreg.gather [hbm4b:s2+s3], $0x80, v4, vm0, $0xb8;
	[tilespmem:$0x1E680] =	vst v63  }
0x459: {  	s31 =	simm.s32 $0x10E80  }
0x45a: {  	[tilespmem:s31], [sflag:$0x2] =	stream.indirect_vreg.gather [hbm4b:s17+s3], $0x80, v4, vm0, $0xb8;
	[tilespmem:$0x1E680] =	vst v63  }
0x45b: {  	s26 =	simm.s32 $0x11680  }
0x45c: {  	[tilespmem:s26], [sflag:$0x2] =	stream.indirect_vreg.gather [hbm4b:s18+s3], $0x80, v4, vm0, $0xb8;
	[tilespmem:$0x1E680] =	vst v63  }
0x45d: {  	s31 =	simm.s32 $0x11E80  }
0x45e: {  	[tilespmem:s31], [sflag:$0x2] =	stream.indirect_vreg.gather [hbm4b:s19+s3], $0x80, v4, vm0, $0xb8;
	[tilespmem:$0x1E680] =	vst v63  }
0x45f: {  	v4 =	vld.msk [tilespmem:$0x2A0], $0xff;
	_ =	sdelay $0x4  }
0x460: {  	v5 =	vshll.u32 v4, $0x3  }
0x461: {  	v4 =	vand.u32 $0x7, v4;
	v5 =	vand.u32 $0xFFFFFFC0, v5  }
0x462: {  	v4 =	vor.u32 v4, v5  }
0x463: {  	v4 =	vperm.xlane v4, v1;
	_ =	sdelay $0x1  }
0x464: {  	v4 =	vadd.s32 v2, v4;
	_ =	sdelay $0x3  }
0x465: {  	s26 =	simm.s32 $0x12680  }
0x466: {  	[tilespmem:s26], [sflag:$0x2] =	stream.indirect_vreg.gather [hbm4b:s2+s3], $0x80, v4, vm0, $0xb8;
	[tilespmem:$0x1E680] =	vst v63  }
0x467: {  	s31 =	simm.s32 $0x12E80  }
0x468: {  	[tilespmem:s31], [sflag:$0x2] =	stream.indirect_vreg.gather [hbm4b:s17+s3], $0x80, v4, vm0, $0xb8;
	[tilespmem:$0x1E680] =	vst v63  }
0x469: {  	s26 =	simm.s32 $0x13680  }
0x46a: {  	[tilespmem:s26], [sflag:$0x2] =	stream.indirect_vreg.gather [hbm4b:s18+s3], $0x80, v4, vm0, $0xb8;
	[tilespmem:$0x1E680] =	vst v63  }
0x46b: {  	s31 =	simm.s32 $0x13E80  }
0x46c: {  	[tilespmem:s31], [sflag:$0x2] =	stream.indirect_vreg.gather [hbm4b:s19+s3], $0x80, v4, vm0, $0xb8;
	[tilespmem:$0x1E680] =	vst v63  }
0x46d: {  	_ =	swait.ge [sflag:s23], $0xA000  }
0x46e: {  	[sflag:s23] =	ssyncset.done $0x0  }
0x46f: {  	s31 =	simm.s32 $0x14680;
	s0 =	rddreg [dreg:$0x12];
	[sflag:s23] =	ssyncadd.s32 $0xFFFF6000  }
0x470: {  	[hbm4b:s0+s3] =	stream.linear.scatter [tilespmem:s31], [sflag:$0x6], $0xA000, $0x38;
	[tilespmem:$0x1E680] =	vst v63  }
0x471: {  	_ =	swait.ge [sflag:s24], $0xA000  }
0x472: {  	[sflag:s24] =	ssyncset.done $0x0  }
0x473: {  	[sflag:s24] =	ssyncadd.s32 $0xFFFF6000  }
0x474: {  	v4 =	vld [tilespmem:$0x2A8];
	_ =	sdelay $0x4  }
0x475: {  	v5 =	vshll.u32 v4, $0x3  }
0x476: {  	v4 =	vand.u32 $0x7, v4;
	v5 =	vand.u32 $0xFFFFFFC0, v5  }
0x477: {  	v4 =	vor.u32 v4, v5  }
0x478: {  	v5 =	vperm.xlane v4, v1;
	_ =	sdelay $0x1  }
0x479: {  	v5 =	vadd.s32 v2, v5;
	_ =	sdelay $0x4  }
0x47a: {  	[tilespmem:s31], [sflag:$0x3] =	stream.indirect_vreg.gather [hbm4b:s2+s3], $0x80, v5, vm0, $0xb8;
	[tilespmem:$0x1E680] =	vst v63  }
0x47b: {  	v4 =	vperm.xlane v4, v3  }
0x47c: {  	[tilespmem:s25], [sflag:$0x3] =	stream.indirect_vreg.gather [hbm4b:s17+s3], $0x80, v5, vm0, $0xb8;
	[tilespmem:$0x1E680] =	vst v63  }
0x47d: {  	v4 =	vadd.s32 v2, v4  }
0x47e: {  	[tilespmem:s1], [sflag:$0x3] =	stream.indirect_vreg.gather [hbm4b:s18+s3], $0x80, v5, vm0, $0xb8;
	[tilespmem:$0x1E680] =	vst v63  }
0x47f: {  	_ = 	snop  }
0x480: {  	[tilespmem:s4], [sflag:$0x3] =	stream.indirect_vreg.gather [hbm4b:s19+s3], $0x80, v5, vm0, $0xb8;
	[tilespmem:$0x1E680] =	vst v63  }
0x481: {  	_ = 	snop  }
0x482: {  	[tilespmem:s6], [sflag:$0x3] =	stream.indirect_vreg.gather [hbm4b:s2+s3], $0x80, v4, vm0, $0xb8;
	[tilespmem:$0x1E680] =	vst v63  }
0x483: {  	_ = 	snop  }
0x484: {  	[tilespmem:s7], [sflag:$0x3] =	stream.indirect_vreg.gather [hbm4b:s17+s3], $0x80, v4, vm0, $0xb8;
	[tilespmem:$0x1E680] =	vst v63  }
0x485: {  	_ = 	snop  }
0x486: {  	[tilespmem:s8], [sflag:$0x3] =	stream.indirect_vreg.gather [hbm4b:s18+s3], $0x80, v4, vm0, $0xb8;
	[tilespmem:$0x1E680] =	vst v63  }
0x487: {  	_ = 	snop  }
0x488: {  	[tilespmem:s28], [sflag:$0x3] =	stream.indirect_vreg.gather [hbm4b:s19+s3], $0x80, v4, vm0, $0xb8;
	[tilespmem:$0x1E680] =	vst v63  }
0x489: {  	v4 =	vld [tilespmem:$0x2B8];
	_ =	sdelay $0x4  }
0x48a: {  	v5 =	vshll.u32 v4, $0x3  }
0x48b: {  	v4 =	vand.u32 $0x7, v4;
	v5 =	vand.u32 $0xFFFFFFC0, v5  }
0x48c: {  	v4 =	vor.u32 v4, v5  }
0x48d: {  	v5 =	vperm.xlane v4, v1;
	_ =	sdelay $0x1  }
0x48e: {  	v5 =	vadd.s32 v2, v5;
	_ =	sdelay $0x4  }
0x48f: {  	[tilespmem:s29], [sflag:$0x3] =	stream.indirect_vreg.gather [hbm4b:s2+s3], $0x80, v5, vm0, $0xb8;
	[tilespmem:$0x1E680] =	vst v63  }
0x490: {  	s31 =	simm.s32 $0x18E80;
	v4 =	vperm.xlane v4, v3  }
0x491: {  	[tilespmem:s31], [sflag:$0x3] =	stream.indirect_vreg.gather [hbm4b:s17+s3], $0x80, v5, vm0, $0xb8;
	[tilespmem:$0x1E680] =	vst v63  }
0x492: {  	v4 =	vadd.s32 v2, v4  }
0x493: {  	[tilespmem:s9], [sflag:$0x3] =	stream.indirect_vreg.gather [hbm4b:s18+s3], $0x80, v5, vm0, $0xb8;
	[tilespmem:$0x1E680] =	vst v63  }
0x494: {  	_ = 	snop  }
0x495: {  	[tilespmem:s10], [sflag:$0x3] =	stream.indirect_vreg.gather [hbm4b:s19+s3], $0x80, v5, vm0, $0xb8;
	[tilespmem:$0x1E680] =	vst v63  }
0x496: {  	_ = 	snop  }
0x497: {  	[tilespmem:s11], [sflag:$0x3] =	stream.indirect_vreg.gather [hbm4b:s2+s3], $0x80, v4, vm0, $0xb8;
	[tilespmem:$0x1E680] =	vst v63  }
0x498: {  	_ = 	snop  }
0x499: {  	[tilespmem:s12], [sflag:$0x3] =	stream.indirect_vreg.gather [hbm4b:s17+s3], $0x80, v4, vm0, $0xb8;
	[tilespmem:$0x1E680] =	vst v63  }
0x49a: {  	_ = 	snop  }
0x49b: {  	[tilespmem:s13], [sflag:$0x3] =	stream.indirect_vreg.gather [hbm4b:s18+s3], $0x80, v4, vm0, $0xb8;
	[tilespmem:$0x1E680] =	vst v63  }
0x49c: {  	s9 =	simm.s32 $0x1BE80  }
0x49d: {  	[tilespmem:s9], [sflag:$0x3] =	stream.indirect_vreg.gather [hbm4b:s19+s3], $0x80, v4, vm0, $0xb8;
	[tilespmem:$0x1E680] =	vst v63  }
0x49e: {  	v4 =	vld.msk [tilespmem:$0x2C8], $0xff;
	_ =	sdelay $0x4  }
0x49f: {  	v5 =	vshll.u32 v4, $0x3  }
0x4a0: {  	v4 =	vand.u32 $0x7, v4;
	v5 =	vand.u32 $0xFFFFFFC0, v5  }
0x4a1: {  	v4 =	vor.u32 v4, v5  }
0x4a2: {  	v4 =	vperm.xlane v4, v1;
	_ =	sdelay $0x1  }
0x4a3: {  	v4 =	vadd.s32 v2, v4;
	_ =	sdelay $0x4  }
0x4a4: {  	[tilespmem:s14], [sflag:$0x3] =	stream.indirect_vreg.gather [hbm4b:s2+s3], $0x80, v4, vm0, $0xb8;
	[tilespmem:$0x1E680] =	vst v63  }
0x4a5: {  	_ = 	snop  }
0x4a6: {  	[tilespmem:s21], [sflag:$0x3] =	stream.indirect_vreg.gather [hbm4b:s17+s3], $0x80, v4, vm0, $0xb8;
	[tilespmem:$0x1E680] =	vst v63  }
0x4a7: {  	_ = 	snop  }
0x4a8: {  	[tilespmem:s22], [sflag:$0x3] =	stream.indirect_vreg.gather [hbm4b:s18+s3], $0x80, v4, vm0, $0xb8;
	[tilespmem:$0x1E680] =	vst v63  }
0x4a9: {  	_ = 	snop  }
0x4aa: {  	[tilespmem:s30], [sflag:$0x3] =	stream.indirect_vreg.gather [hbm4b:s19+s3], $0x80, v4, vm0, $0xb8;
	[tilespmem:$0x1E680] =	vst v63  }
0x4ab: {  	_ =	swait.ge [sflag:s5], $0xA000  }
0x4ac: {  	[sflag:s5] =	ssyncset.done $0x0  }
0x4ad: {  	s11 =	simm.s32 $0x680;
	s10 =	rddreg [dreg:$0x13];
	[sflag:s5] =	ssyncadd.s32 $0xFFFF6000  }
0x4ae: {  	[hbm4b:s10+s3] =	stream.linear.scatter [tilespmem:s11], [sflag:$0x4], $0xA000, $0x38;
	[tilespmem:$0x1E680] =	vst v63  }
0x4af: {  	_ =	swait.ge [sflag:s15], $0xA000  }
0x4b0: {  	[sflag:s15] =	ssyncset.done $0x0  }
0x4b1: {  	[sflag:s15] =	ssyncadd.s32 $0xFFFF6000  }
0x4b2: {  	v4 =	vld [tilespmem:$0x2D0];
	_ =	sdelay $0x4  }
0x4b3: {  	v5 =	vshll.u32 v4, $0x3  }
0x4b4: {  	v4 =	vand.u32 $0x7, v4;
	v5 =	vand.u32 $0xFFFFFFC0, v5  }
0x4b5: {  	v4 =	vor.u32 v4, v5  }
0x4b6: {  	v5 =	vperm.xlane v4, v1;
	_ =	sdelay $0x1  }
0x4b7: {  	v5 =	vadd.s32 v2, v5;
	_ =	sdelay $0x4  }
0x4b8: {  	[tilespmem:s11], [sflag:$0x1] =	stream.indirect_vreg.gather [hbm4b:s2+s3], $0x80, v5, vm0, $0xb8;
	[tilespmem:$0x1E680] =	vst v63  }
0x4b9: {  	s12 =	simm.s32 $0xE80;
	v4 =	vperm.xlane v4, v3  }
0x4ba: {  	[tilespmem:s12], [sflag:$0x1] =	stream.indirect_vreg.gather [hbm4b:s17+s3], $0x80, v5, vm0, $0xb8;
	[tilespmem:$0x1E680] =	vst v63  }
0x4bb: {  	s13 =	simm.s32 $0x1680;
	v4 =	vadd.s32 v2, v4  }
0x4bc: {  	[tilespmem:s13], [sflag:$0x1] =	stream.indirect_vreg.gather [hbm4b:s18+s3], $0x80, v5, vm0, $0xb8;
	[tilespmem:$0x1E680] =	vst v63  }
0x4bd: {  	s14 =	simm.s32 $0x1E80  }
0x4be: {  	[tilespmem:s14], [sflag:$0x1] =	stream.indirect_vreg.gather [hbm4b:s19+s3], $0x80, v5, vm0, $0xb8;
	[tilespmem:$0x1E680] =	vst v63  }
0x4bf: {  	s21 =	simm.s32 $0x2680  }
0x4c0: {  	[tilespmem:s21], [sflag:$0x1] =	stream.indirect_vreg.gather [hbm4b:s2+s3], $0x80, v4, vm0, $0xb8;
	[tilespmem:$0x1E680] =	vst v63  }
0x4c1: {  	s22 =	simm.s32 $0x2E80  }
0x4c2: {  	[tilespmem:s22], [sflag:$0x1] =	stream.indirect_vreg.gather [hbm4b:s17+s3], $0x80, v4, vm0, $0xb8;
	[tilespmem:$0x1E680] =	vst v63  }
0x4c3: {  	s25 =	simm.s32 $0x3680  }
0x4c4: {  	[tilespmem:s25], [sflag:$0x1] =	stream.indirect_vreg.gather [hbm4b:s18+s3], $0x80, v4, vm0, $0xb8;
	[tilespmem:$0x1E680] =	vst v63  }
0x4c5: {  	s26 =	simm.s32 $0x3E80  }
0x4c6: {  	[tilespmem:s26], [sflag:$0x1] =	stream.indirect_vreg.gather [hbm4b:s19+s3], $0x80, v4, vm0, $0xb8;
	[tilespmem:$0x1E680] =	vst v63  }
0x4c7: {  	v4 =	vld [tilespmem:$0x2E0];
	_ =	sdelay $0x4  }
0x4c8: {  	v5 =	vshll.u32 v4, $0x3  }
0x4c9: {  	v4 =	vand.u32 $0x7, v4;
	v5 =	vand.u32 $0xFFFFFFC0, v5  }
0x4ca: {  	v4 =	vor.u32 v4, v5  }
0x4cb: {  	v5 =	vperm.xlane v4, v1;
	_ =	sdelay $0x1  }
0x4cc: {  	v5 =	vadd.s32 v2, v5;
	_ =	sdelay $0x3  }
0x4cd: {  	s28 =	simm.s32 $0x4680  }
0x4ce: {  	[tilespmem:s28], [sflag:$0x1] =	stream.indirect_vreg.gather [hbm4b:s2+s3], $0x80, v5, vm0, $0xb8;
	[tilespmem:$0x1E680] =	vst v63  }
0x4cf: {  	s29 =	simm.s32 $0x4E80;
	v4 =	vperm.xlane v4, v3  }
0x4d0: {  	[tilespmem:s29], [sflag:$0x1] =	stream.indirect_vreg.gather [hbm4b:s17+s3], $0x80, v5, vm0, $0xb8;
	[tilespmem:$0x1E680] =	vst v63  }
0x4d1: {  	s30 =	simm.s32 $0x5680;
	v4 =	vadd.s32 v2, v4  }
0x4d2: {  	[tilespmem:s30], [sflag:$0x1] =	stream.indirect_vreg.gather [hbm4b:s18+s3], $0x80, v5, vm0, $0xb8;
	[tilespmem:$0x1E680] =	vst v63  }
0x4d3: {  	s1 =	simm.s32 $0x5E80  }
0x4d4: {  	[tilespmem:s1], [sflag:$0x1] =	stream.indirect_vreg.gather [hbm4b:s19+s3], $0x80, v5, vm0, $0xb8;
	[tilespmem:$0x1E680] =	vst v63  }
0x4d5: {  	s4 =	simm.s32 $0x6680  }
0x4d6: {  	[tilespmem:s4], [sflag:$0x1] =	stream.indirect_vreg.gather [hbm4b:s2+s3], $0x80, v4, vm0, $0xb8;
	[tilespmem:$0x1E680] =	vst v63  }
0x4d7: {  	s6 =	simm.s32 $0x6E80  }
0x4d8: {  	[tilespmem:s6], [sflag:$0x1] =	stream.indirect_vreg.gather [hbm4b:s17+s3], $0x80, v4, vm0, $0xb8;
	[tilespmem:$0x1E680] =	vst v63  }
0x4d9: {  	s7 =	simm.s32 $0x7680  }
0x4da: {  	[tilespmem:s7], [sflag:$0x1] =	stream.indirect_vreg.gather [hbm4b:s18+s3], $0x80, v4, vm0, $0xb8;
	[tilespmem:$0x1E680] =	vst v63  }
0x4db: {  	s8 =	simm.s32 $0x7E80  }
0x4dc: {  	[tilespmem:s8], [sflag:$0x1] =	stream.indirect_vreg.gather [hbm4b:s19+s3], $0x80, v4, vm0, $0xb8;
	[tilespmem:$0x1E680] =	vst v63  }
0x4dd: {  	v4 =	vld.msk [tilespmem:$0x2F0], $0xff;
	_ =	sdelay $0x4  }
0x4de: {  	v5 =	vshll.u32 v4, $0x3  }
0x4df: {  	v4 =	vand.u32 $0x7, v4;
	v5 =	vand.u32 $0xFFFFFFC0, v5  }
0x4e0: {  	v4 =	vor.u32 v4, v5  }
0x4e1: {  	v4 =	vperm.xlane v4, v1;
	_ =	sdelay $0x1  }
0x4e2: {  	v4 =	vadd.s32 v2, v4;
	_ =	sdelay $0x3  }
0x4e3: {  	s9 =	simm.s32 $0x8680  }
0x4e4: {  	[tilespmem:s9], [sflag:$0x1] =	stream.indirect_vreg.gather [hbm4b:s2+s3], $0x80, v4, vm0, $0xb8;
	[tilespmem:$0x1E680] =	vst v63  }
0x4e5: {  	s10 =	simm.s32 $0x8E80  }
0x4e6: {  	[tilespmem:s10], [sflag:$0x1] =	stream.indirect_vreg.gather [hbm4b:s17+s3], $0x80, v4, vm0, $0xb8;
	[tilespmem:$0x1E680] =	vst v63  }
0x4e7: {  	s11 =	simm.s32 $0x9680  }
0x4e8: {  	[tilespmem:s11], [sflag:$0x1] =	stream.indirect_vreg.gather [hbm4b:s18+s3], $0x80, v4, vm0, $0xb8;
	[tilespmem:$0x1E680] =	vst v63  }
0x4e9: {  	s12 =	simm.s32 $0x9E80  }
0x4ea: {  	[tilespmem:s12], [sflag:$0x1] =	stream.indirect_vreg.gather [hbm4b:s19+s3], $0x80, v4, vm0, $0xb8;
	[tilespmem:$0x1E680] =	vst v63  }
0x4eb: {  	_ =	swait.ge [sflag:s16], $0xA000  }
0x4ec: {  	[sflag:s16] =	ssyncset.done $0x0  }
0x4ed: {  	s14 =	simm.s32 $0xA680;
	s13 =	rddreg [dreg:$0x14];
	[sflag:s16] =	ssyncadd.s32 $0xFFFF6000  }
0x4ee: {  	[hbm4b:s13+s3] =	stream.linear.scatter [tilespmem:s14], [sflag:$0x5], $0xA000, $0x38;
	[tilespmem:$0x1E680] =	vst v63  }
0x4ef: {  	_ =	swait.ge [sflag:s20], $0xA000  }
0x4f0: {  	[sflag:s20] =	ssyncset.done $0x0  }
0x4f1: {  	[sflag:s20] =	ssyncadd.s32 $0xFFFF6000  }
0x4f2: {  	v4 =	vld [tilespmem:$0x2F8];
	_ =	sdelay $0x4  }
0x4f3: {  	v5 =	vshll.u32 v4, $0x3  }
0x4f4: {  	v4 =	vand.u32 $0x7, v4;
	v5 =	vand.u32 $0xFFFFFFC0, v5  }
0x4f5: {  	v4 =	vor.u32 v4, v5  }
0x4f6: {  	v5 =	vperm.xlane v4, v1;
	_ =	sdelay $0x1  }
0x4f7: {  	v5 =	vadd.s32 v2, v5;
	_ =	sdelay $0x4  }
0x4f8: {  	[tilespmem:s14], [sflag:$0x2] =	stream.indirect_vreg.gather [hbm4b:s2+s3], $0x80, v5, vm0, $0xb8;
	[tilespmem:$0x1E680] =	vst v63  }
0x4f9: {  	s22 =	simm.s32 $0xAE80;
	v4 =	vperm.xlane v4, v3  }
0x4fa: {  	[tilespmem:s22], [sflag:$0x2] =	stream.indirect_vreg.gather [hbm4b:s17+s3], $0x80, v5, vm0, $0xb8;
	[tilespmem:$0x1E680] =	vst v63  }
0x4fb: {  	s1 =	simm.s32 $0xB680;
	v4 =	vadd.s32 v2, v4  }
0x4fc: {  	[tilespmem:s1], [sflag:$0x2] =	stream.indirect_vreg.gather [hbm4b:s18+s3], $0x80, v5, vm0, $0xb8;
	[tilespmem:$0x1E680] =	vst v63  }
0x4fd: {  	s4 =	simm.s32 $0xBE80  }
0x4fe: {  	[tilespmem:s4], [sflag:$0x2] =	stream.indirect_vreg.gather [hbm4b:s19+s3], $0x80, v5, vm0, $0xb8;
	[tilespmem:$0x1E680] =	vst v63  }
0x4ff: {  	s6 =	simm.s32 $0xC680  }
0x500: {  	[tilespmem:s6], [sflag:$0x2] =	stream.indirect_vreg.gather [hbm4b:s2+s3], $0x80, v4, vm0, $0xb8;
	[tilespmem:$0x1E680] =	vst v63  }
0x501: {  	s21 =	simm.s32 $0xCE80  }
0x502: {  	[tilespmem:s21], [sflag:$0x2] =	stream.indirect_vreg.gather [hbm4b:s17+s3], $0x80, v4, vm0, $0xb8;
	[tilespmem:$0x1E680] =	vst v63  }
0x503: {  	s25 =	simm.s32 $0xD680  }
0x504: {  	[tilespmem:s25], [sflag:$0x2] =	stream.indirect_vreg.gather [hbm4b:s18+s3], $0x80, v4, vm0, $0xb8;
	[tilespmem:$0x1E680] =	vst v63  }
0x505: {  	s25 =	simm.s32 $0xDE80  }
0x506: {  	[tilespmem:s25], [sflag:$0x2] =	stream.indirect_vreg.gather [hbm4b:s19+s3], $0x80, v4, vm0, $0xb8;
	[tilespmem:$0x1E680] =	vst v63  }
0x507: {  	v4 =	vld [tilespmem:$0x308];
	_ =	sdelay $0x4  }
0x508: {  	v5 =	vshll.u32 v4, $0x3  }
0x509: {  	v4 =	vand.u32 $0x7, v4;
	v5 =	vand.u32 $0xFFFFFFC0, v5  }
0x50a: {  	v4 =	vor.u32 v4, v5  }
0x50b: {  	v5 =	vperm.xlane v4, v1;
	_ =	sdelay $0x1  }
0x50c: {  	v5 =	vadd.s32 v2, v5;
	_ =	sdelay $0x3  }
0x50d: {  	s28 =	simm.s32 $0xE680  }
0x50e: {  	[tilespmem:s28], [sflag:$0x2] =	stream.indirect_vreg.gather [hbm4b:s2+s3], $0x80, v5, vm0, $0xb8;
	[tilespmem:$0x1E680] =	vst v63  }
0x50f: {  	s29 =	simm.s32 $0xEE80;
	v4 =	vperm.xlane v4, v3  }
0x510: {  	[tilespmem:s29], [sflag:$0x2] =	stream.indirect_vreg.gather [hbm4b:s17+s3], $0x80, v5, vm0, $0xb8;
	[tilespmem:$0x1E680] =	vst v63  }
0x511: {  	s7 =	simm.s32 $0xF680;
	v4 =	vadd.s32 v2, v4  }
0x512: {  	[tilespmem:s7], [sflag:$0x2] =	stream.indirect_vreg.gather [hbm4b:s18+s3], $0x80, v5, vm0, $0xb8;
	[tilespmem:$0x1E680] =	vst v63  }
0x513: {  	s8 =	simm.s32 $0xFE80  }
0x514: {  	[tilespmem:s8], [sflag:$0x2] =	stream.indirect_vreg.gather [hbm4b:s19+s3], $0x80, v5, vm0, $0xb8;
	[tilespmem:$0x1E680] =	vst v63  }
0x515: {  	s9 =	simm.s32 $0x10680  }
0x516: {  	[tilespmem:s9], [sflag:$0x2] =	stream.indirect_vreg.gather [hbm4b:s2+s3], $0x80, v4, vm0, $0xb8;
	[tilespmem:$0x1E680] =	vst v63  }
0x517: {  	s10 =	simm.s32 $0x10E80  }
0x518: {  	[tilespmem:s10], [sflag:$0x2] =	stream.indirect_vreg.gather [hbm4b:s17+s3], $0x80, v4, vm0, $0xb8;
	[tilespmem:$0x1E680] =	vst v63  }
0x519: {  	s11 =	simm.s32 $0x11680  }
0x51a: {  	[tilespmem:s11], [sflag:$0x2] =	stream.indirect_vreg.gather [hbm4b:s18+s3], $0x80, v4, vm0, $0xb8;
	[tilespmem:$0x1E680] =	vst v63  }
0x51b: {  	s30 =	simm.s32 $0x11E80  }
0x51c: {  	[tilespmem:s30], [sflag:$0x2] =	stream.indirect_vreg.gather [hbm4b:s19+s3], $0x80, v4, vm0, $0xb8;
	[tilespmem:$0x1E680] =	vst v63  }
0x51d: {  	v4 =	vld.msk [tilespmem:$0x318], $0xff;
	_ =	sdelay $0x4  }
0x51e: {  	v5 =	vshll.u32 v4, $0x3  }
0x51f: {  	v4 =	vand.u32 $0x7, v4;
	v5 =	vand.u32 $0xFFFFFFC0, v5  }
0x520: {  	v4 =	vor.u32 v4, v5  }
0x521: {  	v4 =	vperm.xlane v4, v1;
	_ =	sdelay $0x1  }
0x522: {  	v4 =	vadd.s32 v2, v4;
	_ =	sdelay $0x3  }
0x523: {  	s12 =	simm.s32 $0x12680  }
0x524: {  	[tilespmem:s12], [sflag:$0x2] =	stream.indirect_vreg.gather [hbm4b:s2+s3], $0x80, v4, vm0, $0xb8;
	[tilespmem:$0x1E680] =	vst v63  }
0x525: {  	s13 =	simm.s32 $0x12E80  }
0x526: {  	[tilespmem:s13], [sflag:$0x2] =	stream.indirect_vreg.gather [hbm4b:s17+s3], $0x80, v4, vm0, $0xb8;
	[tilespmem:$0x1E680] =	vst v63  }
0x527: {  	s14 =	simm.s32 $0x13680  }
0x528: {  	[tilespmem:s14], [sflag:$0x2] =	stream.indirect_vreg.gather [hbm4b:s18+s3], $0x80, v4, vm0, $0xb8;
	[tilespmem:$0x1E680] =	vst v63  }
0x529: {  	s21 =	simm.s32 $0x13E80  }
0x52a: {  	[tilespmem:s21], [sflag:$0x2] =	stream.indirect_vreg.gather [hbm4b:s19+s3], $0x80, v4, vm0, $0xb8;
	[tilespmem:$0x1E680] =	vst v63  }
0x52b: {  	_ =	swait.ge [sflag:s23], $0xA000  }
0x52c: {  	[sflag:s23] =	ssyncset.done $0x0  }
0x52d: {  	s0 =	simm.s32 $0x14680;
	s26 =	rddreg [dreg:$0x15];
	[sflag:s23] =	ssyncadd.s32 $0xFFFF6000  }
0x52e: {  	[hbm4b:s26+s3] =	stream.linear.scatter [tilespmem:s0], [sflag:$0x6], $0xA000, $0x38;
	[tilespmem:$0x1E680] =	vst v63  }
0x52f: {  	_ =	swait.ge [sflag:s24], $0xA000  }
0x530: {  	[sflag:s24] =	ssyncset.done $0x0  }
0x531: {  	[sflag:s24] =	ssyncadd.s32 $0xFFFF6000  }
0x532: {  	v4 =	vld [tilespmem:$0x320];
	_ =	sdelay $0x4  }
0x533: {  	v5 =	vshll.u32 v4, $0x3  }
0x534: {  	v4 =	vand.u32 $0x7, v4;
	v5 =	vand.u32 $0xFFFFFFC0, v5  }
0x535: {  	v4 =	vor.u32 v4, v5  }
0x536: {  	v5 =	vperm.xlane v4, v1;
	_ =	sdelay $0x1  }
0x537: {  	v5 =	vadd.s32 v2, v5;
	_ =	sdelay $0x4  }
0x538: {  	[tilespmem:s0], [sflag:$0x3] =	stream.indirect_vreg.gather [hbm4b:s2+s3], $0x80, v5, vm0, $0xb8;
	[tilespmem:$0x1E680] =	vst v63  }
0x539: {  	s26 =	simm.s32 $0x14E80;
	v4 =	vperm.xlane v4, v3  }
0x53a: {  	[tilespmem:s26], [sflag:$0x3] =	stream.indirect_vreg.gather [hbm4b:s17+s3], $0x80, v5, vm0, $0xb8;
	[tilespmem:$0x1E680] =	vst v63  }
0x53b: {  	v4 =	vadd.s32 v2, v4;
	s26 =	simm.s32 $0x15680  }
0x53c: {  	[tilespmem:s26], [sflag:$0x3] =	stream.indirect_vreg.gather [hbm4b:s18+s3], $0x80, v5, vm0, $0xb8;
	[tilespmem:$0x1E680] =	vst v63  }
0x53d: {  	s26 =	simm.s32 $0x15E80  }
0x53e: {  	[tilespmem:s26], [sflag:$0x3] =	stream.indirect_vreg.gather [hbm4b:s19+s3], $0x80, v5, vm0, $0xb8;
	[tilespmem:$0x1E680] =	vst v63  }
0x53f: {  	s26 =	simm.s32 $0x16680  }
0x540: {  	[tilespmem:s26], [sflag:$0x3] =	stream.indirect_vreg.gather [hbm4b:s2+s3], $0x80, v4, vm0, $0xb8;
	[tilespmem:$0x1E680] =	vst v63  }
0x541: {  	s26 =	simm.s32 $0x16E80  }
0x542: {  	[tilespmem:s26], [sflag:$0x3] =	stream.indirect_vreg.gather [hbm4b:s17+s3], $0x80, v4, vm0, $0xb8;
	[tilespmem:$0x1E680] =	vst v63  }
0x543: {  	s26 =	simm.s32 $0x17680  }
0x544: {  	[tilespmem:s26], [sflag:$0x3] =	stream.indirect_vreg.gather [hbm4b:s18+s3], $0x80, v4, vm0, $0xb8;
	[tilespmem:$0x1E680] =	vst v63  }
0x545: {  	s26 =	simm.s32 $0x17E80  }
0x546: {  	[tilespmem:s26], [sflag:$0x3] =	stream.indirect_vreg.gather [hbm4b:s19+s3], $0x80, v4, vm0, $0xb8;
	[tilespmem:$0x1E680] =	vst v63  }
0x547: {  	v4 =	vld [tilespmem:$0x330];
	_ =	sdelay $0x4  }
0x548: {  	v5 =	vshll.u32 v4, $0x3  }
0x549: {  	v4 =	vand.u32 $0x7, v4;
	v5 =	vand.u32 $0xFFFFFFC0, v5  }
0x54a: {  	v4 =	vor.u32 v4, v5  }
0x54b: {  	v5 =	vperm.xlane v4, v1;
	_ =	sdelay $0x1  }
0x54c: {  	v5 =	vadd.s32 v2, v5;
	_ =	sdelay $0x3  }
0x54d: {  	s26 =	simm.s32 $0x18680  }
0x54e: {  	[tilespmem:s26], [sflag:$0x3] =	stream.indirect_vreg.gather [hbm4b:s2+s3], $0x80, v5, vm0, $0xb8;
	[tilespmem:$0x1E680] =	vst v63  }
0x54f: {  	v4 =	vperm.xlane v4, v3  }
0x550: {  	[tilespmem:s31], [sflag:$0x3] =	stream.indirect_vreg.gather [hbm4b:s17+s3], $0x80, v5, vm0, $0xb8;
	[tilespmem:$0x1E680] =	vst v63  }
0x551: {  	v4 =	vadd.s32 v2, v4;
	s31 =	simm.s32 $0x19680  }
0x552: {  	[tilespmem:s31], [sflag:$0x3] =	stream.indirect_vreg.gather [hbm4b:s18+s3], $0x80, v5, vm0, $0xb8;
	[tilespmem:$0x1E680] =	vst v63  }
0x553: {  	s26 =	simm.s32 $0x19E80  }
0x554: {  	[tilespmem:s26], [sflag:$0x3] =	stream.indirect_vreg.gather [hbm4b:s19+s3], $0x80, v5, vm0, $0xb8;
	[tilespmem:$0x1E680] =	vst v63  }
0x555: {  	s26 =	simm.s32 $0x1A680  }
0x556: {  	[tilespmem:s26], [sflag:$0x3] =	stream.indirect_vreg.gather [hbm4b:s2+s3], $0x80, v4, vm0, $0xb8;
	[tilespmem:$0x1E680] =	vst v63  }
0x557: {  	s26 =	simm.s32 $0x1AE80  }
0x558: {  	[tilespmem:s26], [sflag:$0x3] =	stream.indirect_vreg.gather [hbm4b:s17+s3], $0x80, v4, vm0, $0xb8;
	[tilespmem:$0x1E680] =	vst v63  }
0x559: {  	s26 =	simm.s32 $0x1B680  }
0x55a: {  	[tilespmem:s26], [sflag:$0x3] =	stream.indirect_vreg.gather [hbm4b:s18+s3], $0x80, v4, vm0, $0xb8;
	[tilespmem:$0x1E680] =	vst v63  }
0x55b: {  	s26 =	simm.s32 $0x1BE80  }
0x55c: {  	[tilespmem:s26], [sflag:$0x3] =	stream.indirect_vreg.gather [hbm4b:s19+s3], $0x80, v4, vm0, $0xb8;
	[tilespmem:$0x1E680] =	vst v63  }
0x55d: {  	v4 =	vld.msk [tilespmem:$0x340], $0xff;
	_ =	sdelay $0x4  }
0x55e: {  	v5 =	vshll.u32 v4, $0x3  }
0x55f: {  	v4 =	vand.u32 $0x7, v4;
	v5 =	vand.u32 $0xFFFFFFC0, v5  }
0x560: {  	v4 =	vor.u32 v4, v5  }
0x561: {  	v4 =	vperm.xlane v4, v1;
	_ =	sdelay $0x1  }
0x562: {  	v4 =	vadd.s32 v2, v4;
	_ =	sdelay $0x3  }
0x563: {  	s26 =	simm.s32 $0x1C680  }
0x564: {  	[tilespmem:s26], [sflag:$0x3] =	stream.indirect_vreg.gather [hbm4b:s2+s3], $0x80, v4, vm0, $0xb8;
	[tilespmem:$0x1E680] =	vst v63  }
0x565: {  	s26 =	simm.s32 $0x1CE80  }
0x566: {  	[tilespmem:s26], [sflag:$0x3] =	stream.indirect_vreg.gather [hbm4b:s17+s3], $0x80, v4, vm0, $0xb8;
	[tilespmem:$0x1E680] =	vst v63  }
0x567: {  	s26 =	simm.s32 $0x1D680  }
0x568: {  	[tilespmem:s26], [sflag:$0x3] =	stream.indirect_vreg.gather [hbm4b:s18+s3], $0x80, v4, vm0, $0xb8;
	[tilespmem:$0x1E680] =	vst v63  }
0x569: {  	s26 =	simm.s32 $0x1DE80  }
0x56a: {  	[tilespmem:s26], [sflag:$0x3] =	stream.indirect_vreg.gather [hbm4b:s19+s3], $0x80, v4, vm0, $0xb8;
	[tilespmem:$0x1E680] =	vst v63  }
0x56b: {  	_ =	swait.ge [sflag:s5], $0xA000  }
0x56c: {  	[sflag:s5] =	ssyncset.done $0x0  }
0x56d: {  	s0 =	simm.s32 $0x680;
	s26 =	rddreg [dreg:$0x16];
	[sflag:s5] =	ssyncadd.s32 $0xFFFF6000  }
0x56e: {  	[hbm4b:s26+s3] =	stream.linear.scatter [tilespmem:s0], [sflag:$0x4], $0xA000, $0x38;
	[tilespmem:$0x1E680] =	vst v63  }
0x56f: {  	_ =	swait.ge [sflag:s15], $0xA000  }
0x570: {  	[sflag:s15] =	ssyncset.done $0x0  }
0x571: {  	[sflag:s15] =	ssyncadd.s32 $0xFFFF6000  }
0x572: {  	v4 =	vld [tilespmem:$0x348];
	_ =	sdelay $0x4  }
0x573: {  	v5 =	vshll.u32 v4, $0x3  }
0x574: {  	v4 =	vand.u32 $0x7, v4;
	v5 =	vand.u32 $0xFFFFFFC0, v5  }
0x575: {  	v4 =	vor.u32 v4, v5  }
0x576: {  	v5 =	vperm.xlane v4, v1;
	_ =	sdelay $0x1  }
0x577: {  	v5 =	vadd.s32 v2, v5;
	_ =	sdelay $0x4  }
0x578: {  	[tilespmem:s0], [sflag:$0x1] =	stream.indirect_vreg.gather [hbm4b:s2+s3], $0x80, v5, vm0, $0xb8;
	[tilespmem:$0x1E680] =	vst v63  }
0x579: {  	s26 =	simm.s32 $0xE80;
	v4 =	vperm.xlane v4, v3  }
0x57a: {  	[tilespmem:s26], [sflag:$0x1] =	stream.indirect_vreg.gather [hbm4b:s17+s3], $0x80, v5, vm0, $0xb8;
	[tilespmem:$0x1E680] =	vst v63  }
0x57b: {  	v4 =	vadd.s32 v2, v4;
	s26 =	simm.s32 $0x1680  }
0x57c: {  	[tilespmem:s26], [sflag:$0x1] =	stream.indirect_vreg.gather [hbm4b:s18+s3], $0x80, v5, vm0, $0xb8;
	[tilespmem:$0x1E680] =	vst v63  }
0x57d: {  	s26 =	simm.s32 $0x1E80  }
0x57e: {  	[tilespmem:s26], [sflag:$0x1] =	stream.indirect_vreg.gather [hbm4b:s19+s3], $0x80, v5, vm0, $0xb8;
	[tilespmem:$0x1E680] =	vst v63  }
0x57f: {  	s26 =	simm.s32 $0x2680  }
0x580: {  	[tilespmem:s26], [sflag:$0x1] =	stream.indirect_vreg.gather [hbm4b:s2+s3], $0x80, v4, vm0, $0xb8;
	[tilespmem:$0x1E680] =	vst v63  }
0x581: {  	s26 =	simm.s32 $0x2E80  }
0x582: {  	[tilespmem:s26], [sflag:$0x1] =	stream.indirect_vreg.gather [hbm4b:s17+s3], $0x80, v4, vm0, $0xb8;
	[tilespmem:$0x1E680] =	vst v63  }
0x583: {  	s26 =	simm.s32 $0x3680  }
0x584: {  	[tilespmem:s26], [sflag:$0x1] =	stream.indirect_vreg.gather [hbm4b:s18+s3], $0x80, v4, vm0, $0xb8;
	[tilespmem:$0x1E680] =	vst v63  }
0x585: {  	s26 =	simm.s32 $0x3E80  }
0x586: {  	[tilespmem:s26], [sflag:$0x1] =	stream.indirect_vreg.gather [hbm4b:s19+s3], $0x80, v4, vm0, $0xb8;
	[tilespmem:$0x1E680] =	vst v63  }
0x587: {  	v4 =	vld [tilespmem:$0x358];
	_ =	sdelay $0x4  }
0x588: {  	v5 =	vshll.u32 v4, $0x3  }
0x589: {  	v4 =	vand.u32 $0x7, v4;
	v5 =	vand.u32 $0xFFFFFFC0, v5  }
0x58a: {  	v4 =	vor.u32 v4, v5  }
0x58b: {  	v5 =	vperm.xlane v4, v1;
	_ =	sdelay $0x1  }
0x58c: {  	v5 =	vadd.s32 v2, v5;
	_ =	sdelay $0x3  }
0x58d: {  	s26 =	simm.s32 $0x4680  }
0x58e: {  	[tilespmem:s26], [sflag:$0x1] =	stream.indirect_vreg.gather [hbm4b:s2+s3], $0x80, v5, vm0, $0xb8;
	[tilespmem:$0x1E680] =	vst v63  }
0x58f: {  	v4 =	vperm.xlane v4, v3;
	s26 =	simm.s32 $0x4E80  }
0x590: {  	[tilespmem:s26], [sflag:$0x1] =	stream.indirect_vreg.gather [hbm4b:s17+s3], $0x80, v5, vm0, $0xb8;
	[tilespmem:$0x1E680] =	vst v63  }
0x591: {  	v4 =	vadd.s32 v2, v4;
	s26 =	simm.s32 $0x5680  }
0x592: {  	[tilespmem:s26], [sflag:$0x1] =	stream.indirect_vreg.gather [hbm4b:s18+s3], $0x80, v5, vm0, $0xb8;
	[tilespmem:$0x1E680] =	vst v63  }
0x593: {  	s26 =	simm.s32 $0x5E80  }
0x594: {  	[tilespmem:s26], [sflag:$0x1] =	stream.indirect_vreg.gather [hbm4b:s19+s3], $0x80, v5, vm0, $0xb8;
	[tilespmem:$0x1E680] =	vst v63  }
0x595: {  	s26 =	simm.s32 $0x6680  }
0x596: {  	[tilespmem:s26], [sflag:$0x1] =	stream.indirect_vreg.gather [hbm4b:s2+s3], $0x80, v4, vm0, $0xb8;
	[tilespmem:$0x1E680] =	vst v63  }
0x597: {  	s26 =	simm.s32 $0x6E80  }
0x598: {  	[tilespmem:s26], [sflag:$0x1] =	stream.indirect_vreg.gather [hbm4b:s17+s3], $0x80, v4, vm0, $0xb8;
	[tilespmem:$0x1E680] =	vst v63  }
0x599: {  	s26 =	simm.s32 $0x7680  }
0x59a: {  	[tilespmem:s26], [sflag:$0x1] =	stream.indirect_vreg.gather [hbm4b:s18+s3], $0x80, v4, vm0, $0xb8;
	[tilespmem:$0x1E680] =	vst v63  }
0x59b: {  	s26 =	simm.s32 $0x7E80  }
0x59c: {  	[tilespmem:s26], [sflag:$0x1] =	stream.indirect_vreg.gather [hbm4b:s19+s3], $0x80, v4, vm0, $0xb8;
	[tilespmem:$0x1E680] =	vst v63  }
0x59d: {  	v4 =	vld.msk [tilespmem:$0x368], $0xff;
	_ =	sdelay $0x4  }
0x59e: {  	v5 =	vshll.u32 v4, $0x3  }
0x59f: {  	v4 =	vand.u32 $0x7, v4;
	v5 =	vand.u32 $0xFFFFFFC0, v5  }
0x5a0: {  	v4 =	vor.u32 v4, v5  }
0x5a1: {  	v4 =	vperm.xlane v4, v1;
	_ =	sdelay $0x1  }
0x5a2: {  	v4 =	vadd.s32 v2, v4;
	_ =	sdelay $0x3  }
0x5a3: {  	s26 =	simm.s32 $0x8680  }
0x5a4: {  	[tilespmem:s26], [sflag:$0x1] =	stream.indirect_vreg.gather [hbm4b:s2+s3], $0x80, v4, vm0, $0xb8;
	[tilespmem:$0x1E680] =	vst v63  }
0x5a5: {  	s26 =	simm.s32 $0x8E80  }
0x5a6: {  	[tilespmem:s26], [sflag:$0x1] =	stream.indirect_vreg.gather [hbm4b:s17+s3], $0x80, v4, vm0, $0xb8;
	[tilespmem:$0x1E680] =	vst v63  }
0x5a7: {  	s26 =	simm.s32 $0x9680  }
0x5a8: {  	[tilespmem:s26], [sflag:$0x1] =	stream.indirect_vreg.gather [hbm4b:s18+s3], $0x80, v4, vm0, $0xb8;
	[tilespmem:$0x1E680] =	vst v63  }
0x5a9: {  	s26 =	simm.s32 $0x9E80  }
0x5aa: {  	[tilespmem:s26], [sflag:$0x1] =	stream.indirect_vreg.gather [hbm4b:s19+s3], $0x80, v4, vm0, $0xb8;
	[tilespmem:$0x1E680] =	vst v63  }
0x5ab: {  	_ =	swait.ge [sflag:s16], $0xA000  }
0x5ac: {  	[sflag:s16] =	ssyncset.done $0x0  }
0x5ad: {  	s0 =	simm.s32 $0xA680;
	s26 =	rddreg [dreg:$0x17];
	[sflag:s16] =	ssyncadd.s32 $0xFFFF6000  }
0x5ae: {  	[hbm4b:s26+s3] =	stream.linear.scatter [tilespmem:s0], [sflag:$0x5], $0xA000, $0x38;
	[tilespmem:$0x1E680] =	vst v63  }
0x5af: {  	_ =	swait.ge [sflag:s20], $0xA000  }
0x5b0: {  	[sflag:s20] =	ssyncset.done $0x0  }
0x5b1: {  	[sflag:s20] =	ssyncadd.s32 $0xFFFF6000  }
0x5b2: {  	v4 =	vld [tilespmem:$0x370];
	_ =	sdelay $0x4  }
0x5b3: {  	v5 =	vshll.u32 v4, $0x3  }
0x5b4: {  	v4 =	vand.u32 $0x7, v4;
	v5 =	vand.u32 $0xFFFFFFC0, v5  }
0x5b5: {  	v4 =	vor.u32 v4, v5  }
0x5b6: {  	v5 =	vperm.xlane v4, v1;
	_ =	sdelay $0x1  }
0x5b7: {  	v5 =	vadd.s32 v2, v5;
	_ =	sdelay $0x4  }
0x5b8: {  	[tilespmem:s0], [sflag:$0x2] =	stream.indirect_vreg.gather [hbm4b:s2+s3], $0x80, v5, vm0, $0xb8;
	[tilespmem:$0x1E680] =	vst v63  }
0x5b9: {  	v4 =	vperm.xlane v4, v3  }
0x5ba: {  	[tilespmem:s22], [sflag:$0x2] =	stream.indirect_vreg.gather [hbm4b:s17+s3], $0x80, v5, vm0, $0xb8;
	[tilespmem:$0x1E680] =	vst v63  }
0x5bb: {  	v4 =	vadd.s32 v2, v4  }
0x5bc: {  	[tilespmem:s1], [sflag:$0x2] =	stream.indirect_vreg.gather [hbm4b:s18+s3], $0x80, v5, vm0, $0xb8;
	[tilespmem:$0x1E680] =	vst v63  }
0x5bd: {  	_ = 	snop  }
0x5be: {  	[tilespmem:s4], [sflag:$0x2] =	stream.indirect_vreg.gather [hbm4b:s19+s3], $0x80, v5, vm0, $0xb8;
	[tilespmem:$0x1E680] =	vst v63  }
0x5bf: {  	_ = 	snop  }
0x5c0: {  	[tilespmem:s6], [sflag:$0x2] =	stream.indirect_vreg.gather [hbm4b:s2+s3], $0x80, v4, vm0, $0xb8;
	[tilespmem:$0x1E680] =	vst v63  }
0x5c1: {  	s22 =	simm.s32 $0xCE80  }
0x5c2: {  	[tilespmem:s22], [sflag:$0x2] =	stream.indirect_vreg.gather [hbm4b:s17+s3], $0x80, v4, vm0, $0xb8;
	[tilespmem:$0x1E680] =	vst v63  }
0x5c3: {  	s26 =	simm.s32 $0xD680  }
0x5c4: {  	[tilespmem:s26], [sflag:$0x2] =	stream.indirect_vreg.gather [hbm4b:s18+s3], $0x80, v4, vm0, $0xb8;
	[tilespmem:$0x1E680] =	vst v63  }
0x5c5: {  	_ = 	snop  }
0x5c6: {  	[tilespmem:s25], [sflag:$0x2] =	stream.indirect_vreg.gather [hbm4b:s19+s3], $0x80, v4, vm0, $0xb8;
	[tilespmem:$0x1E680] =	vst v63  }
0x5c7: {  	v4 =	vld [tilespmem:$0x380];
	_ =	sdelay $0x4  }
0x5c8: {  	v5 =	vshll.u32 v4, $0x3  }
0x5c9: {  	v4 =	vand.u32 $0x7, v4;
	v5 =	vand.u32 $0xFFFFFFC0, v5  }
0x5ca: {  	v4 =	vor.u32 v4, v5  }
0x5cb: {  	v5 =	vperm.xlane v4, v1;
	_ =	sdelay $0x1  }
0x5cc: {  	v5 =	vadd.s32 v2, v5;
	_ =	sdelay $0x4  }
0x5cd: {  	[tilespmem:s28], [sflag:$0x2] =	stream.indirect_vreg.gather [hbm4b:s2+s3], $0x80, v5, vm0, $0xb8;
	[tilespmem:$0x1E680] =	vst v63  }
0x5ce: {  	v4 =	vperm.xlane v4, v3  }
0x5cf: {  	[tilespmem:s29], [sflag:$0x2] =	stream.indirect_vreg.gather [hbm4b:s17+s3], $0x80, v5, vm0, $0xb8;
	[tilespmem:$0x1E680] =	vst v63  }
0x5d0: {  	v4 =	vadd.s32 v2, v4  }
0x5d1: {  	[tilespmem:s7], [sflag:$0x2] =	stream.indirect_vreg.gather [hbm4b:s18+s3], $0x80, v5, vm0, $0xb8;
	[tilespmem:$0x1E680] =	vst v63  }
0x5d2: {  	_ = 	snop  }
0x5d3: {  	[tilespmem:s8], [sflag:$0x2] =	stream.indirect_vreg.gather [hbm4b:s19+s3], $0x80, v5, vm0, $0xb8;
	[tilespmem:$0x1E680] =	vst v63  }
0x5d4: {  	_ = 	snop  }
0x5d5: {  	[tilespmem:s9], [sflag:$0x2] =	stream.indirect_vreg.gather [hbm4b:s2+s3], $0x80, v4, vm0, $0xb8;
	[tilespmem:$0x1E680] =	vst v63  }
0x5d6: {  	_ = 	snop  }
0x5d7: {  	[tilespmem:s10], [sflag:$0x2] =	stream.indirect_vreg.gather [hbm4b:s17+s3], $0x80, v4, vm0, $0xb8;
	[tilespmem:$0x1E680] =	vst v63  }
0x5d8: {  	_ = 	snop  }
0x5d9: {  	[tilespmem:s11], [sflag:$0x2] =	stream.indirect_vreg.gather [hbm4b:s18+s3], $0x80, v4, vm0, $0xb8;
	[tilespmem:$0x1E680] =	vst v63  }
0x5da: {  	_ = 	snop  }
0x5db: {  	[tilespmem:s30], [sflag:$0x2] =	stream.indirect_vreg.gather [hbm4b:s19+s3], $0x80, v4, vm0, $0xb8;
	[tilespmem:$0x1E680] =	vst v63  }
0x5dc: {  	v4 =	vld.msk [tilespmem:$0x390], $0xff;
	_ =	sdelay $0x4  }
0x5dd: {  	v5 =	vshll.u32 v4, $0x3  }
0x5de: {  	v4 =	vand.u32 $0x7, v4;
	v5 =	vand.u32 $0xFFFFFFC0, v5  }
0x5df: {  	v4 =	vor.u32 v4, v5  }
0x5e0: {  	v4 =	vperm.xlane v4, v1;
	_ =	sdelay $0x1  }
0x5e1: {  	v4 =	vadd.s32 v2, v4;
	_ =	sdelay $0x4  }
0x5e2: {  	[tilespmem:s12], [sflag:$0x2] =	stream.indirect_vreg.gather [hbm4b:s2+s3], $0x80, v4, vm0, $0xb8;
	[tilespmem:$0x1E680] =	vst v63  }
0x5e3: {  	_ = 	snop  }
0x5e4: {  	[tilespmem:s13], [sflag:$0x2] =	stream.indirect_vreg.gather [hbm4b:s17+s3], $0x80, v4, vm0, $0xb8;
	[tilespmem:$0x1E680] =	vst v63  }
0x5e5: {  	_ = 	snop  }
0x5e6: {  	[tilespmem:s14], [sflag:$0x2] =	stream.indirect_vreg.gather [hbm4b:s18+s3], $0x80, v4, vm0, $0xb8;
	[tilespmem:$0x1E680] =	vst v63  }
0x5e7: {  	_ = 	snop  }
0x5e8: {  	[tilespmem:s21], [sflag:$0x2] =	stream.indirect_vreg.gather [hbm4b:s19+s3], $0x80, v4, vm0, $0xb8;
	[tilespmem:$0x1E680] =	vst v63  }
0x5e9: {  	_ =	swait.ge [sflag:s23], $0xA000  }
0x5ea: {  	[sflag:s23] =	ssyncset.done $0x0  }
0x5eb: {  	s6 =	simm.s32 $0x14680;
	s1 =	rddreg [dreg:$0x18];
	[sflag:s23] =	ssyncadd.s32 $0xFFFF6000  }
0x5ec: {  	[hbm4b:s1+s3] =	stream.linear.scatter [tilespmem:s6], [sflag:$0x6], $0xA000, $0x38;
	[tilespmem:$0x1E680] =	vst v63  }
0x5ed: {  	_ =	swait.ge [sflag:s24], $0xA000  }
0x5ee: {  	[sflag:s24] =	ssyncset.done $0x0  }
0x5ef: {  	[sflag:s24] =	ssyncadd.s32 $0xFFFF6000  }
0x5f0: {  	v4 =	vld [tilespmem:$0x398];
	_ =	sdelay $0x4  }
0x5f1: {  	v5 =	vshll.u32 v4, $0x3  }
0x5f2: {  	v4 =	vand.u32 $0x7, v4;
	v5 =	vand.u32 $0xFFFFFFC0, v5  }
0x5f3: {  	v4 =	vor.u32 v4, v5  }
0x5f4: {  	v5 =	vperm.xlane v4, v1;
	_ =	sdelay $0x1  }
0x5f5: {  	v5 =	vadd.s32 v2, v5;
	_ =	sdelay $0x4  }
0x5f6: {  	[tilespmem:s6], [sflag:$0x3] =	stream.indirect_vreg.gather [hbm4b:s2+s3], $0x80, v5, vm0, $0xb8;
	[tilespmem:$0x1E680] =	vst v63  }
0x5f7: {  	s7 =	simm.s32 $0x14E80;
	v4 =	vperm.xlane v4, v3  }
0x5f8: {  	[tilespmem:s7], [sflag:$0x3] =	stream.indirect_vreg.gather [hbm4b:s17+s3], $0x80, v5, vm0, $0xb8;
	[tilespmem:$0x1E680] =	vst v63  }
0x5f9: {  	s21 =	simm.s32 $0x15680;
	v4 =	vadd.s32 v2, v4  }
0x5fa: {  	[tilespmem:s21], [sflag:$0x3] =	stream.indirect_vreg.gather [hbm4b:s18+s3], $0x80, v5, vm0, $0xb8;
	[tilespmem:$0x1E680] =	vst v63  }
0x5fb: {  	s22 =	simm.s32 $0x15E80  }
0x5fc: {  	[tilespmem:s22], [sflag:$0x3] =	stream.indirect_vreg.gather [hbm4b:s19+s3], $0x80, v5, vm0, $0xb8;
	[tilespmem:$0x1E680] =	vst v63  }
0x5fd: {  	s8 =	simm.s32 $0x16680  }
0x5fe: {  	[tilespmem:s8], [sflag:$0x3] =	stream.indirect_vreg.gather [hbm4b:s2+s3], $0x80, v4, vm0, $0xb8;
	[tilespmem:$0x1E680] =	vst v63  }
0x5ff: {  	s9 =	simm.s32 $0x16E80  }
0x600: {  	[tilespmem:s9], [sflag:$0x3] =	stream.indirect_vreg.gather [hbm4b:s17+s3], $0x80, v4, vm0, $0xb8;
	[tilespmem:$0x1E680] =	vst v63  }
0x601: {  	s10 =	simm.s32 $0x17680  }
0x602: {  	[tilespmem:s10], [sflag:$0x3] =	stream.indirect_vreg.gather [hbm4b:s18+s3], $0x80, v4, vm0, $0xb8;
	[tilespmem:$0x1E680] =	vst v63  }
0x603: {  	s11 =	simm.s32 $0x17E80  }
0x604: {  	[tilespmem:s11], [sflag:$0x3] =	stream.indirect_vreg.gather [hbm4b:s19+s3], $0x80, v4, vm0, $0xb8;
	[tilespmem:$0x1E680] =	vst v63  }
0x605: {  	v4 =	vld [tilespmem:$0x3A8];
	_ =	sdelay $0x4  }
0x606: {  	v5 =	vshll.u32 v4, $0x3  }
0x607: {  	v4 =	vand.u32 $0x7, v4;
	v5 =	vand.u32 $0xFFFFFFC0, v5  }
0x608: {  	v4 =	vor.u32 v4, v5  }
0x609: {  	v5 =	vperm.xlane v4, v1;
	_ =	sdelay $0x1  }
0x60a: {  	v5 =	vadd.s32 v2, v5;
	_ =	sdelay $0x3  }
0x60b: {  	s12 =	simm.s32 $0x18680  }
0x60c: {  	[tilespmem:s12], [sflag:$0x3] =	stream.indirect_vreg.gather [hbm4b:s2+s3], $0x80, v5, vm0, $0xb8;
	[tilespmem:$0x1E680] =	vst v63  }
0x60d: {  	s13 =	simm.s32 $0x18E80;
	v4 =	vperm.xlane v4, v3  }
0x60e: {  	[tilespmem:s13], [sflag:$0x3] =	stream.indirect_vreg.gather [hbm4b:s17+s3], $0x80, v5, vm0, $0xb8;
	[tilespmem:$0x1E680] =	vst v63  }
0x60f: {  	v4 =	vadd.s32 v2, v4  }
0x610: {  	[tilespmem:s31], [sflag:$0x3] =	stream.indirect_vreg.gather [hbm4b:s18+s3], $0x80, v5, vm0, $0xb8;
	[tilespmem:$0x1E680] =	vst v63  }
0x611: {  	s14 =	simm.s32 $0x19E80  }
0x612: {  	[tilespmem:s14], [sflag:$0x3] =	stream.indirect_vreg.gather [hbm4b:s19+s3], $0x80, v5, vm0, $0xb8;
	[tilespmem:$0x1E680] =	vst v63  }
0x613: {  	s25 =	simm.s32 $0x1A680  }
0x614: {  	[tilespmem:s25], [sflag:$0x3] =	stream.indirect_vreg.gather [hbm4b:s2+s3], $0x80, v4, vm0, $0xb8;
	[tilespmem:$0x1E680] =	vst v63  }
0x615: {  	s26 =	simm.s32 $0x1AE80  }
0x616: {  	[tilespmem:s26], [sflag:$0x3] =	stream.indirect_vreg.gather [hbm4b:s17+s3], $0x80, v4, vm0, $0xb8;
	[tilespmem:$0x1E680] =	vst v63  }
0x617: {  	s28 =	simm.s32 $0x1B680  }
0x618: {  	[tilespmem:s28], [sflag:$0x3] =	stream.indirect_vreg.gather [hbm4b:s18+s3], $0x80, v4, vm0, $0xb8;
	[tilespmem:$0x1E680] =	vst v63  }
0x619: {  	s29 =	simm.s32 $0x1BE80  }
0x61a: {  	[tilespmem:s29], [sflag:$0x3] =	stream.indirect_vreg.gather [hbm4b:s19+s3], $0x80, v4, vm0, $0xb8;
	[tilespmem:$0x1E680] =	vst v63  }
0x61b: {  	v4 =	vld.msk [tilespmem:$0x3B8], $0xff;
	_ =	sdelay $0x4  }
0x61c: {  	v5 =	vshll.u32 v4, $0x3  }
0x61d: {  	v4 =	vand.u32 $0x7, v4;
	v5 =	vand.u32 $0xFFFFFFC0, v5  }
0x61e: {  	v4 =	vor.u32 v4, v5  }
0x61f: {  	v4 =	vperm.xlane v4, v1;
	_ =	sdelay $0x1  }
0x620: {  	v4 =	vadd.s32 v2, v4;
	_ =	sdelay $0x3  }
0x621: {  	s30 =	simm.s32 $0x1C680  }
0x622: {  	[tilespmem:s30], [sflag:$0x3] =	stream.indirect_vreg.gather [hbm4b:s2+s3], $0x80, v4, vm0, $0xb8;
	[tilespmem:$0x1E680] =	vst v63  }
0x623: {  	s31 =	simm.s32 $0x1CE80  }
0x624: {  	[tilespmem:s31], [sflag:$0x3] =	stream.indirect_vreg.gather [hbm4b:s17+s3], $0x80, v4, vm0, $0xb8;
	[tilespmem:$0x1E680] =	vst v63  }
0x625: {  	s1 =	simm.s32 $0x1D680  }
0x626: {  	[tilespmem:s1], [sflag:$0x3] =	stream.indirect_vreg.gather [hbm4b:s18+s3], $0x80, v4, vm0, $0xb8;
	[tilespmem:$0x1E680] =	vst v63  }
0x627: {  	s6 =	simm.s32 $0x1DE80  }
0x628: {  	[tilespmem:s6], [sflag:$0x3] =	stream.indirect_vreg.gather [hbm4b:s19+s3], $0x80, v4, vm0, $0xb8;
	[tilespmem:$0x1E680] =	vst v63  }
0x629: {  	_ =	swait.ge [sflag:s5], $0xA000  }
0x62a: {  	[sflag:s5] =	ssyncset.done $0x0  }
0x62b: {  	s8 =	simm.s32 $0x680;
	s7 =	rddreg [dreg:$0x19];
	[sflag:s5] =	ssyncadd.s32 $0xFFFF6000  }
0x62c: {  	[hbm4b:s7+s3] =	stream.linear.scatter [tilespmem:s8], [sflag:$0x4], $0xA000, $0x38;
	[tilespmem:$0x1E680] =	vst v63  }
0x62d: {  	_ =	swait.ge [sflag:s15], $0xA000  }
0x62e: {  	[sflag:s15] =	ssyncset.done $0x0  }
0x62f: {  	[sflag:s15] =	ssyncadd.s32 $0xFFFF6000  }
0x630: {  	v4 =	vld [tilespmem:$0x3C0];
	_ =	sdelay $0x4  }
0x631: {  	v5 =	vshll.u32 v4, $0x3  }
0x632: {  	v4 =	vand.u32 $0x7, v4;
	v5 =	vand.u32 $0xFFFFFFC0, v5  }
0x633: {  	v4 =	vor.u32 v4, v5  }
0x634: {  	v5 =	vperm.xlane v4, v1;
	_ =	sdelay $0x1  }
0x635: {  	v5 =	vadd.s32 v2, v5;
	_ =	sdelay $0x4  }
0x636: {  	[tilespmem:s8], [sflag:$0x1] =	stream.indirect_vreg.gather [hbm4b:s2+s3], $0x80, v5, vm0, $0xb8;
	[tilespmem:$0x1E680] =	vst v63  }
0x637: {  	s9 =	simm.s32 $0xE80;
	v4 =	vperm.xlane v4, v3  }
0x638: {  	[tilespmem:s9], [sflag:$0x1] =	stream.indirect_vreg.gather [hbm4b:s17+s3], $0x80, v5, vm0, $0xb8;
	[tilespmem:$0x1E680] =	vst v63  }
0x639: {  	s10 =	simm.s32 $0x1680;
	v4 =	vadd.s32 v2, v4  }
0x63a: {  	[tilespmem:s10], [sflag:$0x1] =	stream.indirect_vreg.gather [hbm4b:s18+s3], $0x80, v5, vm0, $0xb8;
	[tilespmem:$0x1E680] =	vst v63  }
0x63b: {  	s11 =	simm.s32 $0x1E80  }
0x63c: {  	[tilespmem:s11], [sflag:$0x1] =	stream.indirect_vreg.gather [hbm4b:s19+s3], $0x80, v5, vm0, $0xb8;
	[tilespmem:$0x1E680] =	vst v63  }
0x63d: {  	s12 =	simm.s32 $0x2680  }
0x63e: {  	[tilespmem:s12], [sflag:$0x1] =	stream.indirect_vreg.gather [hbm4b:s2+s3], $0x80, v4, vm0, $0xb8;
	[tilespmem:$0x1E680] =	vst v63  }
0x63f: {  	s13 =	simm.s32 $0x2E80  }
0x640: {  	[tilespmem:s13], [sflag:$0x1] =	stream.indirect_vreg.gather [hbm4b:s17+s3], $0x80, v4, vm0, $0xb8;
	[tilespmem:$0x1E680] =	vst v63  }
0x641: {  	s14 =	simm.s32 $0x3680  }
0x642: {  	[tilespmem:s14], [sflag:$0x1] =	stream.indirect_vreg.gather [hbm4b:s18+s3], $0x80, v4, vm0, $0xb8;
	[tilespmem:$0x1E680] =	vst v63  }
0x643: {  	s25 =	simm.s32 $0x3E80  }
0x644: {  	[tilespmem:s25], [sflag:$0x1] =	stream.indirect_vreg.gather [hbm4b:s19+s3], $0x80, v4, vm0, $0xb8;
	[tilespmem:$0x1E680] =	vst v63  }
0x645: {  	v4 =	vld [tilespmem:$0x3D0];
	_ =	sdelay $0x4  }
0x646: {  	v5 =	vshll.u32 v4, $0x3  }
0x647: {  	v4 =	vand.u32 $0x7, v4;
	v5 =	vand.u32 $0xFFFFFFC0, v5  }
0x648: {  	v4 =	vor.u32 v4, v5  }
0x649: {  	v5 =	vperm.xlane v4, v1;
	_ =	sdelay $0x1  }
0x64a: {  	v5 =	vadd.s32 v2, v5;
	_ =	sdelay $0x3  }
0x64b: {  	s26 =	simm.s32 $0x4680  }
0x64c: {  	[tilespmem:s26], [sflag:$0x1] =	stream.indirect_vreg.gather [hbm4b:s2+s3], $0x80, v5, vm0, $0xb8;
	[tilespmem:$0x1E680] =	vst v63  }
0x64d: {  	s28 =	simm.s32 $0x4E80;
	v4 =	vperm.xlane v4, v3  }
0x64e: {  	[tilespmem:s28], [sflag:$0x1] =	stream.indirect_vreg.gather [hbm4b:s17+s3], $0x80, v5, vm0, $0xb8;
	[tilespmem:$0x1E680] =	vst v63  }
0x64f: {  	s29 =	simm.s32 $0x5680;
	v4 =	vadd.s32 v2, v4  }
0x650: {  	[tilespmem:s29], [sflag:$0x1] =	stream.indirect_vreg.gather [hbm4b:s18+s3], $0x80, v5, vm0, $0xb8;
	[tilespmem:$0x1E680] =	vst v63  }
0x651: {  	s30 =	simm.s32 $0x5E80  }
0x652: {  	[tilespmem:s30], [sflag:$0x1] =	stream.indirect_vreg.gather [hbm4b:s19+s3], $0x80, v5, vm0, $0xb8;
	[tilespmem:$0x1E680] =	vst v63  }
0x653: {  	s31 =	simm.s32 $0x6680  }
0x654: {  	[tilespmem:s31], [sflag:$0x1] =	stream.indirect_vreg.gather [hbm4b:s2+s3], $0x80, v4, vm0, $0xb8;
	[tilespmem:$0x1E680] =	vst v63  }
0x655: {  	s1 =	simm.s32 $0x6E80  }
0x656: {  	[tilespmem:s1], [sflag:$0x1] =	stream.indirect_vreg.gather [hbm4b:s17+s3], $0x80, v4, vm0, $0xb8;
	[tilespmem:$0x1E680] =	vst v63  }
0x657: {  	s6 =	simm.s32 $0x7680  }
0x658: {  	[tilespmem:s6], [sflag:$0x1] =	stream.indirect_vreg.gather [hbm4b:s18+s3], $0x80, v4, vm0, $0xb8;
	[tilespmem:$0x1E680] =	vst v63  }
0x659: {  	s7 =	simm.s32 $0x7E80  }
0x65a: {  	[tilespmem:s7], [sflag:$0x1] =	stream.indirect_vreg.gather [hbm4b:s19+s3], $0x80, v4, vm0, $0xb8;
	[tilespmem:$0x1E680] =	vst v63  }
0x65b: {  	v4 =	vld.msk [tilespmem:$0x3E0], $0xff;
	_ =	sdelay $0x4  }
0x65c: {  	v5 =	vshll.u32 v4, $0x3  }
0x65d: {  	v4 =	vand.u32 $0x7, v4;
	v5 =	vand.u32 $0xFFFFFFC0, v5  }
0x65e: {  	v4 =	vor.u32 v4, v5  }
0x65f: {  	v4 =	vperm.xlane v4, v1;
	_ =	sdelay $0x1  }
0x660: {  	v4 =	vadd.s32 v2, v4;
	_ =	sdelay $0x3  }
0x661: {  	s8 =	simm.s32 $0x8680  }
0x662: {  	[tilespmem:s8], [sflag:$0x1] =	stream.indirect_vreg.gather [hbm4b:s2+s3], $0x80, v4, vm0, $0xb8;
	[tilespmem:$0x1E680] =	vst v63  }
0x663: {  	s9 =	simm.s32 $0x8E80  }
0x664: {  	[tilespmem:s9], [sflag:$0x1] =	stream.indirect_vreg.gather [hbm4b:s17+s3], $0x80, v4, vm0, $0xb8;
	[tilespmem:$0x1E680] =	vst v63  }
0x665: {  	s10 =	simm.s32 $0x9680  }
0x666: {  	[tilespmem:s10], [sflag:$0x1] =	stream.indirect_vreg.gather [hbm4b:s18+s3], $0x80, v4, vm0, $0xb8;
	[tilespmem:$0x1E680] =	vst v63  }
0x667: {  	s11 =	simm.s32 $0x9E80  }
0x668: {  	[tilespmem:s11], [sflag:$0x1] =	stream.indirect_vreg.gather [hbm4b:s19+s3], $0x80, v4, vm0, $0xb8;
	[tilespmem:$0x1E680] =	vst v63  }
0x669: {  	_ =	swait.ge [sflag:s16], $0xA000  }
0x66a: {  	[sflag:s16] =	ssyncset.done $0x0  }
0x66b: {  	s13 =	simm.s32 $0xA680;
	s12 =	rddreg [dreg:$0x1a];
	[sflag:s16] =	ssyncadd.s32 $0xFFFF6000  }
0x66c: {  	[hbm4b:s12+s3] =	stream.linear.scatter [tilespmem:s13], [sflag:$0x5], $0xA000, $0x38;
	[tilespmem:$0x1E680] =	vst v63  }
0x66d: {  	_ =	swait.ge [sflag:s20], $0xA000  }
0x66e: {  	[sflag:s20] =	ssyncset.done $0x0  }
0x66f: {  	[sflag:s20] =	ssyncadd.s32 $0xFFFF6000  }
0x670: {  	v4 =	vld [tilespmem:$0x3E8];
	_ =	sdelay $0x4  }
0x671: {  	v5 =	vshll.u32 v4, $0x3  }
0x672: {  	v4 =	vand.u32 $0x7, v4;
	v5 =	vand.u32 $0xFFFFFFC0, v5  }
0x673: {  	v4 =	vor.u32 v4, v5  }
0x674: {  	v5 =	vperm.xlane v4, v1;
	_ =	sdelay $0x1  }
0x675: {  	v5 =	vadd.s32 v2, v5;
	_ =	sdelay $0x4  }
0x676: {  	[tilespmem:s13], [sflag:$0x2] =	stream.indirect_vreg.gather [hbm4b:s2+s3], $0x80, v5, vm0, $0xb8;
	[tilespmem:$0x1E680] =	vst v63  }
0x677: {  	s29 =	simm.s32 $0xAE80;
	v4 =	vperm.xlane v4, v3  }
0x678: {  	[tilespmem:s29], [sflag:$0x2] =	stream.indirect_vreg.gather [hbm4b:s17+s3], $0x80, v5, vm0, $0xb8;
	[tilespmem:$0x1E680] =	vst v63  }
0x679: {  	s7 =	simm.s32 $0xB680;
	v4 =	vadd.s32 v2, v4  }
0x67a: {  	[tilespmem:s7], [sflag:$0x2] =	stream.indirect_vreg.gather [hbm4b:s18+s3], $0x80, v5, vm0, $0xb8;
	[tilespmem:$0x1E680] =	vst v63  }
0x67b: {  	s8 =	simm.s32 $0xBE80  }
0x67c: {  	[tilespmem:s8], [sflag:$0x2] =	stream.indirect_vreg.gather [hbm4b:s19+s3], $0x80, v5, vm0, $0xb8;
	[tilespmem:$0x1E680] =	vst v63  }
0x67d: {  	s9 =	simm.s32 $0xC680  }
0x67e: {  	[tilespmem:s9], [sflag:$0x2] =	stream.indirect_vreg.gather [hbm4b:s2+s3], $0x80, v4, vm0, $0xb8;
	[tilespmem:$0x1E680] =	vst v63  }
0x67f: {  	s14 =	simm.s32 $0xCE80  }
0x680: {  	[tilespmem:s14], [sflag:$0x2] =	stream.indirect_vreg.gather [hbm4b:s17+s3], $0x80, v4, vm0, $0xb8;
	[tilespmem:$0x1E680] =	vst v63  }
0x681: {  	s25 =	simm.s32 $0xD680  }
0x682: {  	[tilespmem:s25], [sflag:$0x2] =	stream.indirect_vreg.gather [hbm4b:s18+s3], $0x80, v4, vm0, $0xb8;
	[tilespmem:$0x1E680] =	vst v63  }
0x683: {  	s30 =	simm.s32 $0xDE80  }
0x684: {  	[tilespmem:s30], [sflag:$0x2] =	stream.indirect_vreg.gather [hbm4b:s19+s3], $0x80, v4, vm0, $0xb8;
	[tilespmem:$0x1E680] =	vst v63  }
0x685: {  	v4 =	vld [tilespmem:$0x3F8];
	_ =	sdelay $0x4  }
0x686: {  	v5 =	vshll.u32 v4, $0x3  }
0x687: {  	v4 =	vand.u32 $0x7, v4;
	v5 =	vand.u32 $0xFFFFFFC0, v5  }
0x688: {  	v4 =	vor.u32 v4, v5  }
0x689: {  	v5 =	vperm.xlane v4, v1;
	_ =	sdelay $0x1  }
0x68a: {  	v5 =	vadd.s32 v2, v5;
	_ =	sdelay $0x3  }
0x68b: {  	s31 =	simm.s32 $0xE680  }
0x68c: {  	[tilespmem:s31], [sflag:$0x2] =	stream.indirect_vreg.gather [hbm4b:s2+s3], $0x80, v5, vm0, $0xb8;
	[tilespmem:$0x1E680] =	vst v63  }
0x68d: {  	s6 =	simm.s32 $0xEE80;
	v4 =	vperm.xlane v4, v3  }
0x68e: {  	[tilespmem:s6], [sflag:$0x2] =	stream.indirect_vreg.gather [hbm4b:s17+s3], $0x80, v5, vm0, $0xb8;
	[tilespmem:$0x1E680] =	vst v63  }
0x68f: {  	s10 =	simm.s32 $0xF680;
	v4 =	vadd.s32 v2, v4  }
0x690: {  	[tilespmem:s10], [sflag:$0x2] =	stream.indirect_vreg.gather [hbm4b:s18+s3], $0x80, v5, vm0, $0xb8;
	[tilespmem:$0x1E680] =	vst v63  }
0x691: {  	s11 =	simm.s32 $0xFE80  }
0x692: {  	[tilespmem:s11], [sflag:$0x2] =	stream.indirect_vreg.gather [hbm4b:s19+s3], $0x80, v5, vm0, $0xb8;
	[tilespmem:$0x1E680] =	vst v63  }
0x693: {  	s12 =	simm.s32 $0x10680  }
0x694: {  	[tilespmem:s12], [sflag:$0x2] =	stream.indirect_vreg.gather [hbm4b:s2+s3], $0x80, v4, vm0, $0xb8;
	[tilespmem:$0x1E680] =	vst v63  }
0x695: {  	s13 =	simm.s32 $0x10E80  }
0x696: {  	[tilespmem:s13], [sflag:$0x2] =	stream.indirect_vreg.gather [hbm4b:s17+s3], $0x80, v4, vm0, $0xb8;
	[tilespmem:$0x1E680] =	vst v63  }
0x697: {  	s14 =	simm.s32 $0x11680  }
0x698: {  	[tilespmem:s14], [sflag:$0x2] =	stream.indirect_vreg.gather [hbm4b:s18+s3], $0x80, v4, vm0, $0xb8;
	[tilespmem:$0x1E680] =	vst v63  }
0x699: {  	s25 =	simm.s32 $0x11E80  }
0x69a: {  	[tilespmem:s25], [sflag:$0x2] =	stream.indirect_vreg.gather [hbm4b:s19+s3], $0x80, v4, vm0, $0xb8;
	[tilespmem:$0x1E680] =	vst v63  }
0x69b: {  	v4 =	vld.msk [tilespmem:$0x408], $0xff;
	_ =	sdelay $0x4  }
0x69c: {  	v5 =	vshll.u32 v4, $0x3  }
0x69d: {  	v4 =	vand.u32 $0x7, v4;
	v5 =	vand.u32 $0xFFFFFFC0, v5  }
0x69e: {  	v4 =	vor.u32 v4, v5  }
0x69f: {  	v4 =	vperm.xlane v4, v1;
	_ =	sdelay $0x1  }
0x6a0: {  	v4 =	vadd.s32 v2, v4;
	_ =	sdelay $0x3  }
0x6a1: {  	s4 =	simm.s32 $0x12680  }
0x6a2: {  	[tilespmem:s4], [sflag:$0x2] =	stream.indirect_vreg.gather [hbm4b:s2+s3], $0x80, v4, vm0, $0xb8;
	[tilespmem:$0x1E680] =	vst v63  }
0x6a3: {  	s0 =	simm.s32 $0x12E80  }
0x6a4: {  	[tilespmem:s0], [sflag:$0x2] =	stream.indirect_vreg.gather [hbm4b:s17+s3], $0x80, v4, vm0, $0xb8;
	[tilespmem:$0x1E680] =	vst v63  }
0x6a5: {  	s4 =	simm.s32 $0x13680  }
0x6a6: {  	[tilespmem:s4], [sflag:$0x2] =	stream.indirect_vreg.gather [hbm4b:s18+s3], $0x80, v4, vm0, $0xb8;
	[tilespmem:$0x1E680] =	vst v63  }
0x6a7: {  	s28 =	simm.s32 $0x13E80  }
0x6a8: {  	[tilespmem:s28], [sflag:$0x2] =	stream.indirect_vreg.gather [hbm4b:s19+s3], $0x80, v4, vm0, $0xb8;
	[tilespmem:$0x1E680] =	vst v63  }
0x6a9: {  	_ =	swait.ge [sflag:s23], $0xA000  }
0x6aa: {  	[sflag:s23] =	ssyncset.done $0x0  }
0x6ab: {  	s1 =	simm.s32 $0x14680;
	s26 =	rddreg [dreg:$0x1b];
	[sflag:s23] =	ssyncadd.s32 $0xFFFF6000  }
0x6ac: {  	[hbm4b:s26+s3] =	stream.linear.scatter [tilespmem:s1], [sflag:$0x6], $0xA000, $0x38;
	[tilespmem:$0x1E680] =	vst v63  }
0x6ad: {  	_ =	swait.ge [sflag:s24], $0xA000  }
0x6ae: {  	[sflag:s24] =	ssyncset.done $0x0  }
0x6af: {  	[sflag:s24] =	ssyncadd.s32 $0xFFFF6000  }
0x6b0: {  	v4 =	vld [tilespmem:$0x410];
	_ =	sdelay $0x4  }
0x6b1: {  	v5 =	vshll.u32 v4, $0x3  }
0x6b2: {  	v4 =	vand.u32 $0x7, v4;
	v5 =	vand.u32 $0xFFFFFFC0, v5  }
0x6b3: {  	v4 =	vor.u32 v4, v5  }
0x6b4: {  	v5 =	vperm.xlane v4, v1;
	_ =	sdelay $0x1  }
0x6b5: {  	v5 =	vadd.s32 v2, v5;
	_ =	sdelay $0x4  }
0x6b6: {  	[tilespmem:s1], [sflag:$0x3] =	stream.indirect_vreg.gather [hbm4b:s2+s3], $0x80, v5, vm0, $0xb8;
	[tilespmem:$0x1E680] =	vst v63  }
0x6b7: {  	s26 =	simm.s32 $0x14E80;
	v4 =	vperm.xlane v4, v3  }
0x6b8: {  	[tilespmem:s26], [sflag:$0x3] =	stream.indirect_vreg.gather [hbm4b:s17+s3], $0x80, v5, vm0, $0xb8;
	[tilespmem:$0x1E680] =	vst v63  }
0x6b9: {  	v4 =	vadd.s32 v2, v4  }
0x6ba: {  	[tilespmem:s21], [sflag:$0x3] =	stream.indirect_vreg.gather [hbm4b:s18+s3], $0x80, v5, vm0, $0xb8;
	[tilespmem:$0x1E680] =	vst v63  }
0x6bb: {  	_ = 	snop  }
0x6bc: {  	[tilespmem:s22], [sflag:$0x3] =	stream.indirect_vreg.gather [hbm4b:s19+s3], $0x80, v5, vm0, $0xb8;
	[tilespmem:$0x1E680] =	vst v63  }
0x6bd: {  	s21 =	simm.s32 $0x16680  }
0x6be: {  	[tilespmem:s21], [sflag:$0x3] =	stream.indirect_vreg.gather [hbm4b:s2+s3], $0x80, v4, vm0, $0xb8;
	[tilespmem:$0x1E680] =	vst v63  }
0x6bf: {  	s26 =	simm.s32 $0x16E80  }
0x6c0: {  	[tilespmem:s26], [sflag:$0x3] =	stream.indirect_vreg.gather [hbm4b:s17+s3], $0x80, v4, vm0, $0xb8;
	[tilespmem:$0x1E680] =	vst v63  }
0x6c1: {  	s21 =	simm.s32 $0x17680  }
0x6c2: {  	[tilespmem:s21], [sflag:$0x3] =	stream.indirect_vreg.gather [hbm4b:s18+s3], $0x80, v4, vm0, $0xb8;
	[tilespmem:$0x1E680] =	vst v63  }
0x6c3: {  	s26 =	simm.s32 $0x17E80  }
0x6c4: {  	[tilespmem:s26], [sflag:$0x3] =	stream.indirect_vreg.gather [hbm4b:s19+s3], $0x80, v4, vm0, $0xb8;
	[tilespmem:$0x1E680] =	vst v63  }
0x6c5: {  	v4 =	vld [tilespmem:$0x420];
	_ =	sdelay $0x4  }
0x6c6: {  	v5 =	vshll.u32 v4, $0x3  }
0x6c7: {  	v4 =	vand.u32 $0x7, v4;
	v5 =	vand.u32 $0xFFFFFFC0, v5  }
0x6c8: {  	v4 =	vor.u32 v4, v5  }
0x6c9: {  	v5 =	vperm.xlane v4, v1;
	_ =	sdelay $0x1  }
0x6ca: {  	v5 =	vadd.s32 v2, v5;
	_ =	sdelay $0x3  }
0x6cb: {  	s21 =	simm.s32 $0x18680  }
0x6cc: {  	[tilespmem:s21], [sflag:$0x3] =	stream.indirect_vreg.gather [hbm4b:s2+s3], $0x80, v5, vm0, $0xb8;
	[tilespmem:$0x1E680] =	vst v63  }
0x6cd: {  	s1 =	simm.s32 $0x18E80;
	v4 =	vperm.xlane v4, v3  }
0x6ce: {  	[tilespmem:s1], [sflag:$0x3] =	stream.indirect_vreg.gather [hbm4b:s17+s3], $0x80, v5, vm0, $0xb8;
	[tilespmem:$0x1E680] =	vst v63  }
0x6cf: {  	s26 =	simm.s32 $0x19680;
	v4 =	vadd.s32 v2, v4  }
0x6d0: {  	[tilespmem:s26], [sflag:$0x3] =	stream.indirect_vreg.gather [hbm4b:s18+s3], $0x80, v5, vm0, $0xb8;
	[tilespmem:$0x1E680] =	vst v63  }
0x6d1: {  	s26 =	simm.s32 $0x19E80  }
0x6d2: {  	[tilespmem:s26], [sflag:$0x3] =	stream.indirect_vreg.gather [hbm4b:s19+s3], $0x80, v5, vm0, $0xb8;
	[tilespmem:$0x1E680] =	vst v63  }
0x6d3: {  	s26 =	simm.s32 $0x1A680  }
0x6d4: {  	[tilespmem:s26], [sflag:$0x3] =	stream.indirect_vreg.gather [hbm4b:s2+s3], $0x80, v4, vm0, $0xb8;
	[tilespmem:$0x1E680] =	vst v63  }
0x6d5: {  	s26 =	simm.s32 $0x1AE80  }
0x6d6: {  	[tilespmem:s26], [sflag:$0x3] =	stream.indirect_vreg.gather [hbm4b:s17+s3], $0x80, v4, vm0, $0xb8;
	[tilespmem:$0x1E680] =	vst v63  }
0x6d7: {  	s26 =	simm.s32 $0x1B680  }
0x6d8: {  	[tilespmem:s26], [sflag:$0x3] =	stream.indirect_vreg.gather [hbm4b:s18+s3], $0x80, v4, vm0, $0xb8;
	[tilespmem:$0x1E680] =	vst v63  }
0x6d9: {  	s26 =	simm.s32 $0x1BE80  }
0x6da: {  	[tilespmem:s26], [sflag:$0x3] =	stream.indirect_vreg.gather [hbm4b:s19+s3], $0x80, v4, vm0, $0xb8;
	[tilespmem:$0x1E680] =	vst v63  }
0x6db: {  	v4 =	vld.msk [tilespmem:$0x430], $0xff;
	_ =	sdelay $0x4  }
0x6dc: {  	v5 =	vshll.u32 v4, $0x3  }
0x6dd: {  	v4 =	vand.u32 $0x7, v4;
	v5 =	vand.u32 $0xFFFFFFC0, v5  }
0x6de: {  	v4 =	vor.u32 v4, v5  }
0x6df: {  	v4 =	vperm.xlane v4, v1;
	_ =	sdelay $0x1  }
0x6e0: {  	v4 =	vadd.s32 v2, v4;
	_ =	sdelay $0x3  }
0x6e1: {  	s26 =	simm.s32 $0x1C680  }
0x6e2: {  	[tilespmem:s26], [sflag:$0x3] =	stream.indirect_vreg.gather [hbm4b:s2+s3], $0x80, v4, vm0, $0xb8;
	[tilespmem:$0x1E680] =	vst v63  }
0x6e3: {  	s26 =	simm.s32 $0x1CE80  }
0x6e4: {  	[tilespmem:s26], [sflag:$0x3] =	stream.indirect_vreg.gather [hbm4b:s17+s3], $0x80, v4, vm0, $0xb8;
	[tilespmem:$0x1E680] =	vst v63  }
0x6e5: {  	s26 =	simm.s32 $0x1D680  }
0x6e6: {  	[tilespmem:s26], [sflag:$0x3] =	stream.indirect_vreg.gather [hbm4b:s18+s3], $0x80, v4, vm0, $0xb8;
	[tilespmem:$0x1E680] =	vst v63  }
0x6e7: {  	s26 =	simm.s32 $0x1DE80  }
0x6e8: {  	[tilespmem:s26], [sflag:$0x3] =	stream.indirect_vreg.gather [hbm4b:s19+s3], $0x80, v4, vm0, $0xb8;
	[tilespmem:$0x1E680] =	vst v63  }
0x6e9: {  	_ =	swait.ge [sflag:s5], $0xA000  }
0x6ea: {  	[sflag:s5] =	ssyncset.done $0x0  }
0x6eb: {  	s21 =	simm.s32 $0x680;
	s26 =	rddreg [dreg:$0x1c];
	[sflag:s5] =	ssyncadd.s32 $0xFFFF6000  }
0x6ec: {  	[hbm4b:s26+s3] =	stream.linear.scatter [tilespmem:s21], [sflag:$0x4], $0xA000, $0x38;
	[tilespmem:$0x1E680] =	vst v63  }
0x6ed: {  	_ =	swait.ge [sflag:s15], $0xA000  }
0x6ee: {  	[sflag:s15] =	ssyncset.done $0x0  }
0x6ef: {  	[sflag:s15] =	ssyncadd.s32 $0xFFFF6000  }
0x6f0: {  	v4 =	vld [tilespmem:$0x438];
	_ =	sdelay $0x4  }
0x6f1: {  	v5 =	vshll.u32 v4, $0x3  }
0x6f2: {  	v4 =	vand.u32 $0x7, v4;
	v5 =	vand.u32 $0xFFFFFFC0, v5  }
0x6f3: {  	v4 =	vor.u32 v4, v5  }
0x6f4: {  	v5 =	vperm.xlane v4, v1;
	_ =	sdelay $0x1  }
0x6f5: {  	v5 =	vadd.s32 v2, v5;
	_ =	sdelay $0x4  }
0x6f6: {  	[tilespmem:s21], [sflag:$0x1] =	stream.indirect_vreg.gather [hbm4b:s2+s3], $0x80, v5, vm0, $0xb8;
	[tilespmem:$0x1E680] =	vst v63  }
0x6f7: {  	s26 =	simm.s32 $0xE80;
	v4 =	vperm.xlane v4, v3  }
0x6f8: {  	[tilespmem:s26], [sflag:$0x1] =	stream.indirect_vreg.gather [hbm4b:s17+s3], $0x80, v5, vm0, $0xb8;
	[tilespmem:$0x1E680] =	vst v63  }
0x6f9: {  	v4 =	vadd.s32 v2, v4;
	s26 =	simm.s32 $0x1680  }
0x6fa: {  	[tilespmem:s26], [sflag:$0x1] =	stream.indirect_vreg.gather [hbm4b:s18+s3], $0x80, v5, vm0, $0xb8;
	[tilespmem:$0x1E680] =	vst v63  }
0x6fb: {  	s26 =	simm.s32 $0x1E80  }
0x6fc: {  	[tilespmem:s26], [sflag:$0x1] =	stream.indirect_vreg.gather [hbm4b:s19+s3], $0x80, v5, vm0, $0xb8;
	[tilespmem:$0x1E680] =	vst v63  }
0x6fd: {  	s26 =	simm.s32 $0x2680  }
0x6fe: {  	[tilespmem:s26], [sflag:$0x1] =	stream.indirect_vreg.gather [hbm4b:s2+s3], $0x80, v4, vm0, $0xb8;
	[tilespmem:$0x1E680] =	vst v63  }
0x6ff: {  	s26 =	simm.s32 $0x2E80  }
0x700: {  	[tilespmem:s26], [sflag:$0x1] =	stream.indirect_vreg.gather [hbm4b:s17+s3], $0x80, v4, vm0, $0xb8;
	[tilespmem:$0x1E680] =	vst v63  }
0x701: {  	s26 =	simm.s32 $0x3680  }
0x702: {  	[tilespmem:s26], [sflag:$0x1] =	stream.indirect_vreg.gather [hbm4b:s18+s3], $0x80, v4, vm0, $0xb8;
	[tilespmem:$0x1E680] =	vst v63  }
0x703: {  	s26 =	simm.s32 $0x3E80  }
0x704: {  	[tilespmem:s26], [sflag:$0x1] =	stream.indirect_vreg.gather [hbm4b:s19+s3], $0x80, v4, vm0, $0xb8;
	[tilespmem:$0x1E680] =	vst v63  }
0x705: {  	v4 =	vld [tilespmem:$0x448];
	_ =	sdelay $0x4  }
0x706: {  	v5 =	vshll.u32 v4, $0x3  }
0x707: {  	v4 =	vand.u32 $0x7, v4;
	v5 =	vand.u32 $0xFFFFFFC0, v5  }
0x708: {  	v4 =	vor.u32 v4, v5  }
0x709: {  	v5 =	vperm.xlane v4, v1;
	_ =	sdelay $0x1  }
0x70a: {  	v5 =	vadd.s32 v2, v5;
	_ =	sdelay $0x3  }
0x70b: {  	s26 =	simm.s32 $0x4680  }
0x70c: {  	[tilespmem:s26], [sflag:$0x1] =	stream.indirect_vreg.gather [hbm4b:s2+s3], $0x80, v5, vm0, $0xb8;
	[tilespmem:$0x1E680] =	vst v63  }
0x70d: {  	v4 =	vperm.xlane v4, v3;
	s26 =	simm.s32 $0x4E80  }
0x70e: {  	[tilespmem:s26], [sflag:$0x1] =	stream.indirect_vreg.gather [hbm4b:s17+s3], $0x80, v5, vm0, $0xb8;
	[tilespmem:$0x1E680] =	vst v63  }
0x70f: {  	v4 =	vadd.s32 v2, v4;
	s26 =	simm.s32 $0x5680  }
0x710: {  	[tilespmem:s26], [sflag:$0x1] =	stream.indirect_vreg.gather [hbm4b:s18+s3], $0x80, v5, vm0, $0xb8;
	[tilespmem:$0x1E680] =	vst v63  }
0x711: {  	s26 =	simm.s32 $0x5E80  }
0x712: {  	[tilespmem:s26], [sflag:$0x1] =	stream.indirect_vreg.gather [hbm4b:s19+s3], $0x80, v5, vm0, $0xb8;
	[tilespmem:$0x1E680] =	vst v63  }
0x713: {  	s26 =	simm.s32 $0x6680  }
0x714: {  	[tilespmem:s26], [sflag:$0x1] =	stream.indirect_vreg.gather [hbm4b:s2+s3], $0x80, v4, vm0, $0xb8;
	[tilespmem:$0x1E680] =	vst v63  }
0x715: {  	s26 =	simm.s32 $0x6E80  }
0x716: {  	[tilespmem:s26], [sflag:$0x1] =	stream.indirect_vreg.gather [hbm4b:s17+s3], $0x80, v4, vm0, $0xb8;
	[tilespmem:$0x1E680] =	vst v63  }
0x717: {  	s26 =	simm.s32 $0x7680  }
0x718: {  	[tilespmem:s26], [sflag:$0x1] =	stream.indirect_vreg.gather [hbm4b:s18+s3], $0x80, v4, vm0, $0xb8;
	[tilespmem:$0x1E680] =	vst v63  }
0x719: {  	s26 =	simm.s32 $0x7E80  }
0x71a: {  	[tilespmem:s26], [sflag:$0x1] =	stream.indirect_vreg.gather [hbm4b:s19+s3], $0x80, v4, vm0, $0xb8;
	[tilespmem:$0x1E680] =	vst v63  }
0x71b: {  	v4 =	vld.msk [tilespmem:$0x458], $0xff;
	_ =	sdelay $0x4  }
0x71c: {  	v5 =	vshll.u32 v4, $0x3  }
0x71d: {  	v4 =	vand.u32 $0x7, v4;
	v5 =	vand.u32 $0xFFFFFFC0, v5  }
0x71e: {  	v4 =	vor.u32 v4, v5  }
0x71f: {  	v4 =	vperm.xlane v4, v1;
	_ =	sdelay $0x1  }
0x720: {  	v4 =	vadd.s32 v2, v4;
	_ =	sdelay $0x3  }
0x721: {  	s26 =	simm.s32 $0x8680  }
0x722: {  	[tilespmem:s26], [sflag:$0x1] =	stream.indirect_vreg.gather [hbm4b:s2+s3], $0x80, v4, vm0, $0xb8;
	[tilespmem:$0x1E680] =	vst v63  }
0x723: {  	s26 =	simm.s32 $0x8E80  }
0x724: {  	[tilespmem:s26], [sflag:$0x1] =	stream.indirect_vreg.gather [hbm4b:s17+s3], $0x80, v4, vm0, $0xb8;
	[tilespmem:$0x1E680] =	vst v63  }
0x725: {  	s26 =	simm.s32 $0x9680  }
0x726: {  	[tilespmem:s26], [sflag:$0x1] =	stream.indirect_vreg.gather [hbm4b:s18+s3], $0x80, v4, vm0, $0xb8;
	[tilespmem:$0x1E680] =	vst v63  }
0x727: {  	s26 =	simm.s32 $0x9E80  }
0x728: {  	[tilespmem:s26], [sflag:$0x1] =	stream.indirect_vreg.gather [hbm4b:s19+s3], $0x80, v4, vm0, $0xb8;
	[tilespmem:$0x1E680] =	vst v63  }
0x729: {  	_ =	swait.ge [sflag:s16], $0xA000  }
0x72a: {  	[sflag:s16] =	ssyncset.done $0x0  }
0x72b: {  	s21 =	simm.s32 $0xA680;
	s26 =	rddreg [dreg:$0x1d];
	[sflag:s16] =	ssyncadd.s32 $0xFFFF6000  }
0x72c: {  	[hbm4b:s26+s3] =	stream.linear.scatter [tilespmem:s21], [sflag:$0x5], $0xA000, $0x38;
	[tilespmem:$0x1E680] =	vst v63  }
0x72d: {  	_ =	swait.ge [sflag:s20], $0xA000  }
0x72e: {  	[sflag:s20] =	ssyncset.done $0x0  }
0x72f: {  	[sflag:s20] =	ssyncadd.s32 $0xFFFF6000  }
0x730: {  	v4 =	vld [tilespmem:$0x460];
	_ =	sdelay $0x4  }
0x731: {  	v5 =	vshll.u32 v4, $0x3  }
0x732: {  	v4 =	vand.u32 $0x7, v4;
	v5 =	vand.u32 $0xFFFFFFC0, v5  }
0x733: {  	v4 =	vor.u32 v4, v5  }
0x734: {  	v5 =	vperm.xlane v4, v1;
	_ =	sdelay $0x1  }
0x735: {  	v5 =	vadd.s32 v2, v5;
	_ =	sdelay $0x4  }
0x736: {  	[tilespmem:s21], [sflag:$0x2] =	stream.indirect_vreg.gather [hbm4b:s2+s3], $0x80, v5, vm0, $0xb8;
	[tilespmem:$0x1E680] =	vst v63  }
0x737: {  	v4 =	vperm.xlane v4, v3  }
0x738: {  	[tilespmem:s29], [sflag:$0x2] =	stream.indirect_vreg.gather [hbm4b:s17+s3], $0x80, v5, vm0, $0xb8;
	[tilespmem:$0x1E680] =	vst v63  }
0x739: {  	v4 =	vadd.s32 v2, v4  }
0x73a: {  	[tilespmem:s7], [sflag:$0x2] =	stream.indirect_vreg.gather [hbm4b:s18+s3], $0x80, v5, vm0, $0xb8;
	[tilespmem:$0x1E680] =	vst v63  }
0x73b: {  	_ = 	snop  }
0x73c: {  	[tilespmem:s8], [sflag:$0x2] =	stream.indirect_vreg.gather [hbm4b:s19+s3], $0x80, v5, vm0, $0xb8;
	[tilespmem:$0x1E680] =	vst v63  }
0x73d: {  	_ = 	snop  }
0x73e: {  	[tilespmem:s9], [sflag:$0x2] =	stream.indirect_vreg.gather [hbm4b:s2+s3], $0x80, v4, vm0, $0xb8;
	[tilespmem:$0x1E680] =	vst v63  }
0x73f: {  	s29 =	simm.s32 $0xCE80  }
0x740: {  	[tilespmem:s29], [sflag:$0x2] =	stream.indirect_vreg.gather [hbm4b:s17+s3], $0x80, v4, vm0, $0xb8;
	[tilespmem:$0x1E680] =	vst v63  }
0x741: {  	s21 =	simm.s32 $0xD680  }
0x742: {  	[tilespmem:s21], [sflag:$0x2] =	stream.indirect_vreg.gather [hbm4b:s18+s3], $0x80, v4, vm0, $0xb8;
	[tilespmem:$0x1E680] =	vst v63  }
0x743: {  	_ = 	snop  }
0x744: {  	[tilespmem:s30], [sflag:$0x2] =	stream.indirect_vreg.gather [hbm4b:s19+s3], $0x80, v4, vm0, $0xb8;
	[tilespmem:$0x1E680] =	vst v63  }
0x745: {  	v4 =	vld [tilespmem:$0x470];
	_ =	sdelay $0x4  }
0x746: {  	v5 =	vshll.u32 v4, $0x3  }
0x747: {  	v4 =	vand.u32 $0x7, v4;
	v5 =	vand.u32 $0xFFFFFFC0, v5  }
0x748: {  	v4 =	vor.u32 v4, v5  }
0x749: {  	v5 =	vperm.xlane v4, v1;
	_ =	sdelay $0x1  }
0x74a: {  	v5 =	vadd.s32 v2, v5;
	_ =	sdelay $0x4  }
0x74b: {  	[tilespmem:s31], [sflag:$0x2] =	stream.indirect_vreg.gather [hbm4b:s2+s3], $0x80, v5, vm0, $0xb8;
	[tilespmem:$0x1E680] =	vst v63  }
0x74c: {  	v4 =	vperm.xlane v4, v3  }
0x74d: {  	[tilespmem:s6], [sflag:$0x2] =	stream.indirect_vreg.gather [hbm4b:s17+s3], $0x80, v5, vm0, $0xb8;
	[tilespmem:$0x1E680] =	vst v63  }
0x74e: {  	v4 =	vadd.s32 v2, v4  }
0x74f: {  	[tilespmem:s10], [sflag:$0x2] =	stream.indirect_vreg.gather [hbm4b:s18+s3], $0x80, v5, vm0, $0xb8;
	[tilespmem:$0x1E680] =	vst v63  }
0x750: {  	_ = 	snop  }
0x751: {  	[tilespmem:s11], [sflag:$0x2] =	stream.indirect_vreg.gather [hbm4b:s19+s3], $0x80, v5, vm0, $0xb8;
	[tilespmem:$0x1E680] =	vst v63  }
0x752: {  	_ = 	snop  }
0x753: {  	[tilespmem:s12], [sflag:$0x2] =	stream.indirect_vreg.gather [hbm4b:s2+s3], $0x80, v4, vm0, $0xb8;
	[tilespmem:$0x1E680] =	vst v63  }
0x754: {  	_ = 	snop  }
0x755: {  	[tilespmem:s13], [sflag:$0x2] =	stream.indirect_vreg.gather [hbm4b:s17+s3], $0x80, v4, vm0, $0xb8;
	[tilespmem:$0x1E680] =	vst v63  }
0x756: {  	_ = 	snop  }
0x757: {  	[tilespmem:s14], [sflag:$0x2] =	stream.indirect_vreg.gather [hbm4b:s18+s3], $0x80, v4, vm0, $0xb8;
	[tilespmem:$0x1E680] =	vst v63  }
0x758: {  	_ = 	snop  }
0x759: {  	[tilespmem:s25], [sflag:$0x2] =	stream.indirect_vreg.gather [hbm4b:s19+s3], $0x80, v4, vm0, $0xb8;
	[tilespmem:$0x1E680] =	vst v63  }
0x75a: {  	v4 =	vld.msk [tilespmem:$0x480], $0xff;
	_ =	sdelay $0x4  }
0x75b: {  	v5 =	vshll.u32 v4, $0x3  }
0x75c: {  	v4 =	vand.u32 $0x7, v4;
	v5 =	vand.u32 $0xFFFFFFC0, v5  }
0x75d: {  	v4 =	vor.u32 v4, v5  }
0x75e: {  	v4 =	vperm.xlane v4, v1;
	_ =	sdelay $0x1  }
0x75f: {  	v4 =	vadd.s32 v2, v4;
	_ =	sdelay $0x3  }
0x760: {  	s13 =	simm.s32 $0x12680  }
0x761: {  	[tilespmem:s13], [sflag:$0x2] =	stream.indirect_vreg.gather [hbm4b:s2+s3], $0x80, v4, vm0, $0xb8;
	[tilespmem:$0x1E680] =	vst v63  }
0x762: {  	_ = 	snop  }
0x763: {  	[tilespmem:s0], [sflag:$0x2] =	stream.indirect_vreg.gather [hbm4b:s17+s3], $0x80, v4, vm0, $0xb8;
	[tilespmem:$0x1E680] =	vst v63  }
0x764: {  	_ = 	snop  }
0x765: {  	[tilespmem:s4], [sflag:$0x2] =	stream.indirect_vreg.gather [hbm4b:s18+s3], $0x80, v4, vm0, $0xb8;
	[tilespmem:$0x1E680] =	vst v63  }
0x766: {  	_ = 	snop  }
0x767: {  	[tilespmem:s28], [sflag:$0x2] =	stream.indirect_vreg.gather [hbm4b:s19+s3], $0x80, v4, vm0, $0xb8;
	[tilespmem:$0x1E680] =	vst v63  }
0x768: {  	_ =	swait.ge [sflag:s23], $0xA000  }
0x769: {  	[sflag:s23] =	ssyncset.done $0x0  }
0x76a: {  	s25 =	simm.s32 $0x14680;
	s14 =	rddreg [dreg:$0x1e];
	[sflag:s23] =	ssyncadd.s32 $0xFFFF6000  }
0x76b: {  	[hbm4b:s14+s3] =	stream.linear.scatter [tilespmem:s25], [sflag:$0x6], $0xA000, $0x38;
	[tilespmem:$0x1E680] =	vst v63  }
0x76c: {  	_ =	swait.ge [sflag:s24], $0xA000  }
0x76d: {  	[sflag:s24] =	ssyncset.done $0x0  }
0x76e: {  	[sflag:s24] =	ssyncadd.s32 $0xFFFF6000  }
0x76f: {  	v4 =	vld [tilespmem:$0x488];
	_ =	sdelay $0x4  }
0x770: {  	v5 =	vshll.u32 v4, $0x3  }
0x771: {  	v4 =	vand.u32 $0x7, v4;
	v5 =	vand.u32 $0xFFFFFFC0, v5  }
0x772: {  	v4 =	vor.u32 v4, v5  }
0x773: {  	v5 =	vperm.xlane v4, v1;
	_ =	sdelay $0x1  }
0x774: {  	v5 =	vadd.s32 v2, v5;
	_ =	sdelay $0x4  }
0x775: {  	[tilespmem:s25], [sflag:$0x3] =	stream.indirect_vreg.gather [hbm4b:s2+s3], $0x80, v5, vm0, $0xb8;
	[tilespmem:$0x1E680] =	vst v63  }
0x776: {  	s13 =	simm.s32 $0x14E80;
	v4 =	vperm.xlane v4, v3  }
0x777: {  	[tilespmem:s13], [sflag:$0x3] =	stream.indirect_vreg.gather [hbm4b:s17+s3], $0x80, v5, vm0, $0xb8;
	[tilespmem:$0x1E680] =	vst v63  }
0x778: {  	s28 =	simm.s32 $0x15680;
	v4 =	vadd.s32 v2, v4  }
0x779: {  	[tilespmem:s28], [sflag:$0x3] =	stream.indirect_vreg.gather [hbm4b:s18+s3], $0x80, v5, vm0, $0xb8;
	[tilespmem:$0x1E680] =	vst v63  }
0x77a: {  	s22 =	simm.s32 $0x15E80  }
0x77b: {  	[tilespmem:s22], [sflag:$0x3] =	stream.indirect_vreg.gather [hbm4b:s19+s3], $0x80, v5, vm0, $0xb8;
	[tilespmem:$0x1E680] =	vst v63  }
0x77c: {  	s28 =	simm.s32 $0x16680  }
0x77d: {  	[tilespmem:s28], [sflag:$0x3] =	stream.indirect_vreg.gather [hbm4b:s2+s3], $0x80, v4, vm0, $0xb8;
	[tilespmem:$0x1E680] =	vst v63  }
0x77e: {  	s30 =	simm.s32 $0x16E80  }
0x77f: {  	[tilespmem:s30], [sflag:$0x3] =	stream.indirect_vreg.gather [hbm4b:s17+s3], $0x80, v4, vm0, $0xb8;
	[tilespmem:$0x1E680] =	vst v63  }
0x780: {  	s31 =	simm.s32 $0x17680  }
0x781: {  	[tilespmem:s31], [sflag:$0x3] =	stream.indirect_vreg.gather [hbm4b:s18+s3], $0x80, v4, vm0, $0xb8;
	[tilespmem:$0x1E680] =	vst v63  }
0x782: {  	s22 =	simm.s32 $0x17E80  }
0x783: {  	[tilespmem:s22], [sflag:$0x3] =	stream.indirect_vreg.gather [hbm4b:s19+s3], $0x80, v4, vm0, $0xb8;
	[tilespmem:$0x1E680] =	vst v63  }
0x784: {  	v4 =	vld [tilespmem:$0x498];
	_ =	sdelay $0x4  }
0x785: {  	v5 =	vshll.u32 v4, $0x3  }
0x786: {  	v4 =	vand.u32 $0x7, v4;
	v5 =	vand.u32 $0xFFFFFFC0, v5  }
0x787: {  	v4 =	vor.u32 v4, v5  }
0x788: {  	v5 =	vperm.xlane v4, v1;
	_ =	sdelay $0x1  }
0x789: {  	v5 =	vadd.s32 v2, v5;
	_ =	sdelay $0x3  }
0x78a: {  	s25 =	simm.s32 $0x18680  }
0x78b: {  	[tilespmem:s25], [sflag:$0x3] =	stream.indirect_vreg.gather [hbm4b:s2+s3], $0x80, v5, vm0, $0xb8;
	[tilespmem:$0x1E680] =	vst v63  }
0x78c: {  	v4 =	vperm.xlane v4, v3  }
0x78d: {  	[tilespmem:s1], [sflag:$0x3] =	stream.indirect_vreg.gather [hbm4b:s17+s3], $0x80, v5, vm0, $0xb8;
	[tilespmem:$0x1E680] =	vst v63  }
0x78e: {  	v4 =	vadd.s32 v2, v4;
	s1 =	simm.s32 $0x19680  }
0x78f: {  	[tilespmem:s1], [sflag:$0x3] =	stream.indirect_vreg.gather [hbm4b:s18+s3], $0x80, v5, vm0, $0xb8;
	[tilespmem:$0x1E680] =	vst v63  }
0x790: {  	s6 =	simm.s32 $0x19E80  }
0x791: {  	[tilespmem:s6], [sflag:$0x3] =	stream.indirect_vreg.gather [hbm4b:s19+s3], $0x80, v5, vm0, $0xb8;
	[tilespmem:$0x1E680] =	vst v63  }
0x792: {  	s7 =	simm.s32 $0x1A680  }
0x793: {  	[tilespmem:s7], [sflag:$0x3] =	stream.indirect_vreg.gather [hbm4b:s2+s3], $0x80, v4, vm0, $0xb8;
	[tilespmem:$0x1E680] =	vst v63  }
0x794: {  	s8 =	simm.s32 $0x1AE80  }
0x795: {  	[tilespmem:s8], [sflag:$0x3] =	stream.indirect_vreg.gather [hbm4b:s17+s3], $0x80, v4, vm0, $0xb8;
	[tilespmem:$0x1E680] =	vst v63  }
0x796: {  	s9 =	simm.s32 $0x1B680  }
0x797: {  	[tilespmem:s9], [sflag:$0x3] =	stream.indirect_vreg.gather [hbm4b:s18+s3], $0x80, v4, vm0, $0xb8;
	[tilespmem:$0x1E680] =	vst v63  }
0x798: {  	s30 =	simm.s32 $0x1BE80  }
0x799: {  	[tilespmem:s30], [sflag:$0x3] =	stream.indirect_vreg.gather [hbm4b:s19+s3], $0x80, v4, vm0, $0xb8;
	[tilespmem:$0x1E680] =	vst v63  }
0x79a: {  	v4 =	vld.msk [tilespmem:$0x4A8], $0xff;
	_ =	sdelay $0x4  }
0x79b: {  	v5 =	vshll.u32 v4, $0x3  }
0x79c: {  	v4 =	vand.u32 $0x7, v4;
	v5 =	vand.u32 $0xFFFFFFC0, v5  }
0x79d: {  	v4 =	vor.u32 v4, v5  }
0x79e: {  	v4 =	vperm.xlane v4, v1;
	_ =	sdelay $0x1  }
0x79f: {  	v4 =	vadd.s32 v2, v4;
	_ =	sdelay $0x3  }
0x7a0: {  	s10 =	simm.s32 $0x1C680  }
0x7a1: {  	[tilespmem:s10], [sflag:$0x3] =	stream.indirect_vreg.gather [hbm4b:s2+s3], $0x80, v4, vm0, $0xb8;
	[tilespmem:$0x1E680] =	vst v63  }
0x7a2: {  	s11 =	simm.s32 $0x1CE80  }
0x7a3: {  	[tilespmem:s11], [sflag:$0x3] =	stream.indirect_vreg.gather [hbm4b:s17+s3], $0x80, v4, vm0, $0xb8;
	[tilespmem:$0x1E680] =	vst v63  }
0x7a4: {  	s12 =	simm.s32 $0x1D680  }
0x7a5: {  	[tilespmem:s12], [sflag:$0x3] =	stream.indirect_vreg.gather [hbm4b:s18+s3], $0x80, v4, vm0, $0xb8;
	[tilespmem:$0x1E680] =	vst v63  }
0x7a6: {  	s14 =	simm.s32 $0x1DE80  }
0x7a7: {  	[tilespmem:s14], [sflag:$0x3] =	stream.indirect_vreg.gather [hbm4b:s19+s3], $0x80, v4, vm0, $0xb8;
	[tilespmem:$0x1E680] =	vst v63  }
0x7a8: {  	_ =	swait.ge [sflag:s5], $0xA000  }
0x7a9: {  	[sflag:s5] =	ssyncset.done $0x0  }
0x7aa: {  	s4 =	simm.s32 $0x680;
	s0 =	rddreg [dreg:$0x1f];
	[sflag:s5] =	ssyncadd.s32 $0xFFFF6000  }
0x7ab: {  	[hbm4b:s0+s3] =	stream.linear.scatter [tilespmem:s4], [sflag:$0x4], $0xA000, $0x38;
	[tilespmem:$0x1E680] =	vst v63  }
0x7ac: {  	_ =	swait.ge [sflag:s15], $0xA000  }
0x7ad: {  	[sflag:s15] =	ssyncset.done $0x0  }
0x7ae: {  	[sflag:s15] =	ssyncadd.s32 $0xFFFF6000  }
0x7af: {  	v4 =	vld [tilespmem:$0x4B0];
	_ =	sdelay $0x4  }
0x7b0: {  	v5 =	vshll.u32 v4, $0x3  }
0x7b1: {  	v4 =	vand.u32 $0x7, v4;
	v5 =	vand.u32 $0xFFFFFFC0, v5  }
0x7b2: {  	v4 =	vor.u32 v4, v5  }
0x7b3: {  	v5 =	vperm.xlane v4, v1;
	_ =	sdelay $0x1  }
0x7b4: {  	v5 =	vadd.s32 v2, v5;
	_ =	sdelay $0x4  }
0x7b5: {  	[tilespmem:s4], [sflag:$0x1] =	stream.indirect_vreg.gather [hbm4b:s2+s3], $0x80, v5, vm0, $0xb8;
	[tilespmem:$0x1E680] =	vst v63  }
0x7b6: {  	s31 =	simm.s32 $0xE80;
	v4 =	vperm.xlane v4, v3  }
0x7b7: {  	[tilespmem:s31], [sflag:$0x1] =	stream.indirect_vreg.gather [hbm4b:s17+s3], $0x80, v5, vm0, $0xb8;
	[tilespmem:$0x1E680] =	vst v63  }
0x7b8: {  	v4 =	vadd.s32 v2, v4;
	s4 =	simm.s32 $0x1680  }
0x7b9: {  	[tilespmem:s4], [sflag:$0x1] =	stream.indirect_vreg.gather [hbm4b:s18+s3], $0x80, v5, vm0, $0xb8;
	[tilespmem:$0x1E680] =	vst v63  }
0x7ba: {  	s26 =	simm.s32 $0x1E80  }
0x7bb: {  	[tilespmem:s26], [sflag:$0x1] =	stream.indirect_vreg.gather [hbm4b:s19+s3], $0x80, v5, vm0, $0xb8;
	[tilespmem:$0x1E680] =	vst v63  }
0x7bc: {  	s31 =	simm.s32 $0x2680  }
0x7bd: {  	[tilespmem:s31], [sflag:$0x1] =	stream.indirect_vreg.gather [hbm4b:s2+s3], $0x80, v4, vm0, $0xb8;
	[tilespmem:$0x1E680] =	vst v63  }
0x7be: {  	s4 =	simm.s32 $0x2E80  }
0x7bf: {  	[tilespmem:s4], [sflag:$0x1] =	stream.indirect_vreg.gather [hbm4b:s17+s3], $0x80, v4, vm0, $0xb8;
	[tilespmem:$0x1E680] =	vst v63  }
0x7c0: {  	s26 =	simm.s32 $0x3680  }
0x7c1: {  	[tilespmem:s26], [sflag:$0x1] =	stream.indirect_vreg.gather [hbm4b:s18+s3], $0x80, v4, vm0, $0xb8;
	[tilespmem:$0x1E680] =	vst v63  }
0x7c2: {  	s31 =	simm.s32 $0x3E80  }
0x7c3: {  	[tilespmem:s31], [sflag:$0x1] =	stream.indirect_vreg.gather [hbm4b:s19+s3], $0x80, v4, vm0, $0xb8;
	[tilespmem:$0x1E680] =	vst v63  }
0x7c4: {  	v4 =	vld [tilespmem:$0x4C0];
	_ =	sdelay $0x4  }
0x7c5: {  	v5 =	vshll.u32 v4, $0x3  }
0x7c6: {  	v4 =	vand.u32 $0x7, v4;
	v5 =	vand.u32 $0xFFFFFFC0, v5  }
0x7c7: {  	v4 =	vor.u32 v4, v5  }
0x7c8: {  	v5 =	vperm.xlane v4, v1;
	_ =	sdelay $0x1  }
0x7c9: {  	v5 =	vadd.s32 v2, v5;
	_ =	sdelay $0x3  }
0x7ca: {  	s4 =	simm.s32 $0x4680  }
0x7cb: {  	[tilespmem:s4], [sflag:$0x1] =	stream.indirect_vreg.gather [hbm4b:s2+s3], $0x80, v5, vm0, $0xb8;
	[tilespmem:$0x1E680] =	vst v63  }
0x7cc: {  	s26 =	simm.s32 $0x4E80;
	v4 =	vperm.xlane v4, v3  }
0x7cd: {  	[tilespmem:s26], [sflag:$0x1] =	stream.indirect_vreg.gather [hbm4b:s17+s3], $0x80, v5, vm0, $0xb8;
	[tilespmem:$0x1E680] =	vst v63  }
0x7ce: {  	s31 =	simm.s32 $0x5680;
	v4 =	vadd.s32 v2, v4  }
0x7cf: {  	[tilespmem:s31], [sflag:$0x1] =	stream.indirect_vreg.gather [hbm4b:s18+s3], $0x80, v5, vm0, $0xb8;
	[tilespmem:$0x1E680] =	vst v63  }
0x7d0: {  	s4 =	simm.s32 $0x5E80  }
0x7d1: {  	[tilespmem:s4], [sflag:$0x1] =	stream.indirect_vreg.gather [hbm4b:s19+s3], $0x80, v5, vm0, $0xb8;
	[tilespmem:$0x1E680] =	vst v63  }
0x7d2: {  	s26 =	simm.s32 $0x6680  }
0x7d3: {  	[tilespmem:s26], [sflag:$0x1] =	stream.indirect_vreg.gather [hbm4b:s2+s3], $0x80, v4, vm0, $0xb8;
	[tilespmem:$0x1E680] =	vst v63  }
0x7d4: {  	s31 =	simm.s32 $0x6E80  }
0x7d5: {  	[tilespmem:s31], [sflag:$0x1] =	stream.indirect_vreg.gather [hbm4b:s17+s3], $0x80, v4, vm0, $0xb8;
	[tilespmem:$0x1E680] =	vst v63  }
0x7d6: {  	s4 =	simm.s32 $0x7680  }
0x7d7: {  	[tilespmem:s4], [sflag:$0x1] =	stream.indirect_vreg.gather [hbm4b:s18+s3], $0x80, v4, vm0, $0xb8;
	[tilespmem:$0x1E680] =	vst v63  }
0x7d8: {  	s26 =	simm.s32 $0x7E80  }
0x7d9: {  	[tilespmem:s26], [sflag:$0x1] =	stream.indirect_vreg.gather [hbm4b:s19+s3], $0x80, v4, vm0, $0xb8;
	[tilespmem:$0x1E680] =	vst v63  }
0x7da: {  	v4 =	vld.msk [tilespmem:$0x4D0], $0xff;
	_ =	sdelay $0x4  }
0x7db: {  	v5 =	vshll.u32 v4, $0x3  }
0x7dc: {  	v4 =	vand.u32 $0x7, v4;
	v5 =	vand.u32 $0xFFFFFFC0, v5  }
0x7dd: {  	v4 =	vor.u32 v4, v5  }
0x7de: {  	v4 =	vperm.xlane v4, v1;
	_ =	sdelay $0x1  }
0x7df: {  	v4 =	vadd.s32 v2, v4;
	_ =	sdelay $0x3  }
0x7e0: {  	s31 =	simm.s32 $0x8680  }
0x7e1: {  	[tilespmem:s31], [sflag:$0x1] =	stream.indirect_vreg.gather [hbm4b:s2+s3], $0x80, v4, vm0, $0xb8;
	[tilespmem:$0x1E680] =	vst v63  }
0x7e2: {  	s4 =	simm.s32 $0x8E80  }
0x7e3: {  	[tilespmem:s4], [sflag:$0x1] =	stream.indirect_vreg.gather [hbm4b:s17+s3], $0x80, v4, vm0, $0xb8;
	[tilespmem:$0x1E680] =	vst v63  }
0x7e4: {  	s26 =	simm.s32 $0x9680  }
0x7e5: {  	[tilespmem:s26], [sflag:$0x1] =	stream.indirect_vreg.gather [hbm4b:s18+s3], $0x80, v4, vm0, $0xb8;
	[tilespmem:$0x1E680] =	vst v63  }
0x7e6: {  	s31 =	simm.s32 $0x9E80  }
0x7e7: {  	[tilespmem:s31], [sflag:$0x1] =	stream.indirect_vreg.gather [hbm4b:s19+s3], $0x80, v4, vm0, $0xb8;
	[tilespmem:$0x1E680] =	vst v63  }
0x7e8: {  	_ =	swait.ge [sflag:s16], $0xA000  }
0x7e9: {  	s4 =	sld [smem:$0x7F0]  }
0x7ea: {  	[sflag:s16] =	ssyncset.done $0x0  }
0x7eb: {  	s31 =	simm.s32 $0xA680;
	[sflag:s16] =	ssyncadd.s32 $0xFFFF6000  }
0x7ec: {  	[hbm4b:s4+s3] =	stream.linear.scatter [tilespmem:s31], [sflag:$0x5], $0xA000, $0x38;
	[tilespmem:$0x1E680] =	vst v63  }
0x7ed: {  	_ =	swait.ge [sflag:s20], $0xA000  }
0x7ee: {  	[sflag:s20] =	ssyncset.done $0x0  }
0x7ef: {  	[sflag:s20] =	ssyncadd.s32 $0xFFFF6000  }
0x7f0: {  	v4 =	vld [tilespmem:$0x4D8];
	_ =	sdelay $0x4  }
0x7f1: {  	v5 =	vshll.u32 v4, $0x3  }
0x7f2: {  	v4 =	vand.u32 $0x7, v4;
	v5 =	vand.u32 $0xFFFFFFC0, v5  }
0x7f3: {  	v4 =	vor.u32 v4, v5  }
0x7f4: {  	v5 =	vperm.xlane v4, v1;
	_ =	sdelay $0x1  }
0x7f5: {  	v5 =	vadd.s32 v2, v5;
	_ =	sdelay $0x4  }
0x7f6: {  	[tilespmem:s31], [sflag:$0x2] =	stream.indirect_vreg.gather [hbm4b:s2+s3], $0x80, v5, vm0, $0xb8;
	[tilespmem:$0x1E680] =	vst v63  }
0x7f7: {  	s4 =	simm.s32 $0xAE80;
	v4 =	vperm.xlane v4, v3  }
0x7f8: {  	[tilespmem:s4], [sflag:$0x2] =	stream.indirect_vreg.gather [hbm4b:s17+s3], $0x80, v5, vm0, $0xb8;
	[tilespmem:$0x1E680] =	vst v63  }
0x7f9: {  	v4 =	vadd.s32 v2, v4;
	s31 =	simm.s32 $0xB680  }
0x7fa: {  	[tilespmem:s31], [sflag:$0x2] =	stream.indirect_vreg.gather [hbm4b:s18+s3], $0x80, v5, vm0, $0xb8;
	[tilespmem:$0x1E680] =	vst v63  }
0x7fb: {  	s26 =	simm.s32 $0xBE80  }
0x7fc: {  	[tilespmem:s26], [sflag:$0x2] =	stream.indirect_vreg.gather [hbm4b:s19+s3], $0x80, v5, vm0, $0xb8;
	[tilespmem:$0x1E680] =	vst v63  }
0x7fd: {  	s4 =	simm.s32 $0xC680  }
0x7fe: {  	[tilespmem:s4], [sflag:$0x2] =	stream.indirect_vreg.gather [hbm4b:s2+s3], $0x80, v4, vm0, $0xb8;
	[tilespmem:$0x1E680] =	vst v63  }
0x7ff: {  	_ = 	snop  }
0x800: {  	[tilespmem:s29], [sflag:$0x2] =	stream.indirect_vreg.gather [hbm4b:s17+s3], $0x80, v4, vm0, $0xb8;
	[tilespmem:$0x1E680] =	vst v63  }
0x801: {  	_ = 	snop  }
0x802: {  	[tilespmem:s21], [sflag:$0x2] =	stream.indirect_vreg.gather [hbm4b:s18+s3], $0x80, v4, vm0, $0xb8;
	[tilespmem:$0x1E680] =	vst v63  }
0x803: {  	s4 =	simm.s32 $0xDE80  }
0x804: {  	[tilespmem:s4], [sflag:$0x2] =	stream.indirect_vreg.gather [hbm4b:s19+s3], $0x80, v4, vm0, $0xb8;
	[tilespmem:$0x1E680] =	vst v63  }
0x805: {  	v4 =	vld [tilespmem:$0x4E8];
	_ =	sdelay $0x4  }
0x806: {  	v5 =	vshll.u32 v4, $0x3  }
0x807: {  	v4 =	vand.u32 $0x7, v4;
	v5 =	vand.u32 $0xFFFFFFC0, v5  }
0x808: {  	v4 =	vor.u32 v4, v5  }
0x809: {  	v5 =	vperm.xlane v4, v1;
	_ =	sdelay $0x1  }
0x80a: {  	v5 =	vadd.s32 v2, v5;
	_ =	sdelay $0x3  }
0x80b: {  	s26 =	simm.s32 $0xE680  }
0x80c: {  	[tilespmem:s26], [sflag:$0x2] =	stream.indirect_vreg.gather [hbm4b:s2+s3], $0x80, v5, vm0, $0xb8;
	[tilespmem:$0x1E680] =	vst v63  }
0x80d: {  	s29 =	simm.s32 $0xEE80;
	v4 =	vperm.xlane v4, v3  }
0x80e: {  	[tilespmem:s29], [sflag:$0x2] =	stream.indirect_vreg.gather [hbm4b:s17+s3], $0x80, v5, vm0, $0xb8;
	[tilespmem:$0x1E680] =	vst v63  }
0x80f: {  	v4 =	vadd.s32 v2, v4;
	s29 =	simm.s32 $0xF680  }
0x810: {  	[tilespmem:s29], [sflag:$0x2] =	stream.indirect_vreg.gather [hbm4b:s18+s3], $0x80, v5, vm0, $0xb8;
	[tilespmem:$0x1E680] =	vst v63  }
0x811: {  	s21 =	simm.s32 $0xFE80  }
0x812: {  	[tilespmem:s21], [sflag:$0x2] =	stream.indirect_vreg.gather [hbm4b:s19+s3], $0x80, v5, vm0, $0xb8;
	[tilespmem:$0x1E680] =	vst v63  }
0x813: {  	s26 =	simm.s32 $0x10680  }
0x814: {  	[tilespmem:s26], [sflag:$0x2] =	stream.indirect_vreg.gather [hbm4b:s2+s3], $0x80, v4, vm0, $0xb8;
	[tilespmem:$0x1E680] =	vst v63  }
0x815: {  	s21 =	simm.s32 $0x10E80  }
0x816: {  	[tilespmem:s21], [sflag:$0x2] =	stream.indirect_vreg.gather [hbm4b:s17+s3], $0x80, v4, vm0, $0xb8;
	[tilespmem:$0x1E680] =	vst v63  }
0x817: {  	s26 =	simm.s32 $0x11680  }
0x818: {  	[tilespmem:s26], [sflag:$0x2] =	stream.indirect_vreg.gather [hbm4b:s18+s3], $0x80, v4, vm0, $0xb8;
	[tilespmem:$0x1E680] =	vst v63  }
0x819: {  	s21 =	simm.s32 $0x11E80  }
0x81a: {  	[tilespmem:s21], [sflag:$0x2] =	stream.indirect_vreg.gather [hbm4b:s19+s3], $0x80, v4, vm0, $0xb8;
	[tilespmem:$0x1E680] =	vst v63  }
0x81b: {  	v4 =	vld.msk [tilespmem:$0x4F8], $0xff;
	_ =	sdelay $0x4  }
0x81c: {  	v5 =	vshll.u32 v4, $0x3  }
0x81d: {  	v4 =	vand.u32 $0x7, v4;
	v5 =	vand.u32 $0xFFFFFFC0, v5  }
0x81e: {  	v4 =	vor.u32 v4, v5  }
0x81f: {  	v4 =	vperm.xlane v4, v1;
	_ =	sdelay $0x1  }
0x820: {  	v4 =	vadd.s32 v2, v4;
	_ =	sdelay $0x3  }
0x821: {  	s21 =	simm.s32 $0x12680  }
0x822: {  	[tilespmem:s21], [sflag:$0x2] =	stream.indirect_vreg.gather [hbm4b:s2+s3], $0x80, v4, vm0, $0xb8;
	[tilespmem:$0x1E680] =	vst v63  }
0x823: {  	s26 =	simm.s32 $0x12E80  }
0x824: {  	[tilespmem:s26], [sflag:$0x2] =	stream.indirect_vreg.gather [hbm4b:s17+s3], $0x80, v4, vm0, $0xb8;
	[tilespmem:$0x1E680] =	vst v63  }
0x825: {  	s26 =	simm.s32 $0x13680  }
0x826: {  	[tilespmem:s26], [sflag:$0x2] =	stream.indirect_vreg.gather [hbm4b:s18+s3], $0x80, v4, vm0, $0xb8;
	[tilespmem:$0x1E680] =	vst v63  }
0x827: {  	s26 =	simm.s32 $0x13E80  }
0x828: {  	[tilespmem:s26], [sflag:$0x2] =	stream.indirect_vreg.gather [hbm4b:s19+s3], $0x80, v4, vm0, $0xb8;
	[tilespmem:$0x1E680] =	vst v63  }
0x829: {  	_ =	swait.ge [sflag:s23], $0xA000  }
0x82a: {  	s26 =	sld [smem:$0x7F1]  }
0x82b: {  	[sflag:s23] =	ssyncset.done $0x0  }
0x82c: {  	s0 =	simm.s32 $0x14680;
	[sflag:s23] =	ssyncadd.s32 $0xFFFF6000  }
0x82d: {  	[hbm4b:s26+s3] =	stream.linear.scatter [tilespmem:s0], [sflag:$0x6], $0xA000, $0x38;
	[tilespmem:$0x1E680] =	vst v63  }
0x82e: {  	_ =	swait.ge [sflag:s24], $0xA000  }
0x82f: {  	[sflag:s24] =	ssyncset.done $0x0  }
0x830: {  	[sflag:s24] =	ssyncadd.s32 $0xFFFF6000  }
0x831: {  	v4 =	vld [tilespmem:$0x500];
	_ =	sdelay $0x4  }
0x832: {  	v5 =	vshll.u32 v4, $0x3  }
0x833: {  	v4 =	vand.u32 $0x7, v4;
	v5 =	vand.u32 $0xFFFFFFC0, v5  }
0x834: {  	v4 =	vor.u32 v4, v5  }
0x835: {  	v5 =	vperm.xlane v4, v1;
	_ =	sdelay $0x1  }
0x836: {  	v5 =	vadd.s32 v2, v5;
	_ =	sdelay $0x4  }
0x837: {  	[tilespmem:s0], [sflag:$0x3] =	stream.indirect_vreg.gather [hbm4b:s2+s3], $0x80, v5, vm0, $0xb8;
	[tilespmem:$0x1E680] =	vst v63  }
0x838: {  	v4 =	vperm.xlane v4, v3  }
0x839: {  	[tilespmem:s13], [sflag:$0x3] =	stream.indirect_vreg.gather [hbm4b:s17+s3], $0x80, v5, vm0, $0xb8;
	[tilespmem:$0x1E680] =	vst v63  }
0x83a: {  	v4 =	vadd.s32 v2, v4;
	s13 =	simm.s32 $0x15680  }
0x83b: {  	[tilespmem:s13], [sflag:$0x3] =	stream.indirect_vreg.gather [hbm4b:s18+s3], $0x80, v5, vm0, $0xb8;
	[tilespmem:$0x1E680] =	vst v63  }
0x83c: {  	s26 =	simm.s32 $0x15E80  }
0x83d: {  	[tilespmem:s26], [sflag:$0x3] =	stream.indirect_vreg.gather [hbm4b:s19+s3], $0x80, v5, vm0, $0xb8;
	[tilespmem:$0x1E680] =	vst v63  }
0x83e: {  	_ = 	snop  }
0x83f: {  	[tilespmem:s28], [sflag:$0x3] =	stream.indirect_vreg.gather [hbm4b:s2+s3], $0x80, v4, vm0, $0xb8;
	[tilespmem:$0x1E680] =	vst v63  }
0x840: {  	s26 =	simm.s32 $0x16E80  }
0x841: {  	[tilespmem:s26], [sflag:$0x3] =	stream.indirect_vreg.gather [hbm4b:s17+s3], $0x80, v4, vm0, $0xb8;
	[tilespmem:$0x1E680] =	vst v63  }
0x842: {  	s28 =	simm.s32 $0x17680  }
0x843: {  	[tilespmem:s28], [sflag:$0x3] =	stream.indirect_vreg.gather [hbm4b:s18+s3], $0x80, v4, vm0, $0xb8;
	[tilespmem:$0x1E680] =	vst v63  }
0x844: {  	_ = 	snop  }
0x845: {  	[tilespmem:s22], [sflag:$0x3] =	stream.indirect_vreg.gather [hbm4b:s19+s3], $0x80, v4, vm0, $0xb8;
	[tilespmem:$0x1E680] =	vst v63  }
0x846: {  	v4 =	vld [tilespmem:$0x510];
	_ =	sdelay $0x4  }
0x847: {  	v5 =	vshll.u32 v4, $0x3  }
0x848: {  	v4 =	vand.u32 $0x7, v4;
	v5 =	vand.u32 $0xFFFFFFC0, v5  }
0x849: {  	v4 =	vor.u32 v4, v5  }
0x84a: {  	v5 =	vperm.xlane v4, v1;
	_ =	sdelay $0x1  }
0x84b: {  	v5 =	vadd.s32 v2, v5;
	_ =	sdelay $0x4  }
0x84c: {  	[tilespmem:s25], [sflag:$0x3] =	stream.indirect_vreg.gather [hbm4b:s2+s3], $0x80, v5, vm0, $0xb8;
	[tilespmem:$0x1E680] =	vst v63  }
0x84d: {  	s22 =	simm.s32 $0x18E80;
	v4 =	vperm.xlane v4, v3  }
0x84e: {  	[tilespmem:s22], [sflag:$0x3] =	stream.indirect_vreg.gather [hbm4b:s17+s3], $0x80, v5, vm0, $0xb8;
	[tilespmem:$0x1E680] =	vst v63  }
0x84f: {  	v4 =	vadd.s32 v2, v4  }
0x850: {  	[tilespmem:s1], [sflag:$0x3] =	stream.indirect_vreg.gather [hbm4b:s18+s3], $0x80, v5, vm0, $0xb8;
	[tilespmem:$0x1E680] =	vst v63  }
0x851: {  	_ = 	snop  }
0x852: {  	[tilespmem:s6], [sflag:$0x3] =	stream.indirect_vreg.gather [hbm4b:s19+s3], $0x80, v5, vm0, $0xb8;
	[tilespmem:$0x1E680] =	vst v63  }
0x853: {  	_ = 	snop  }
0x854: {  	[tilespmem:s7], [sflag:$0x3] =	stream.indirect_vreg.gather [hbm4b:s2+s3], $0x80, v4, vm0, $0xb8;
	[tilespmem:$0x1E680] =	vst v63  }
0x855: {  	_ = 	snop  }
0x856: {  	[tilespmem:s8], [sflag:$0x3] =	stream.indirect_vreg.gather [hbm4b:s17+s3], $0x80, v4, vm0, $0xb8;
	[tilespmem:$0x1E680] =	vst v63  }
0x857: {  	_ = 	snop  }
0x858: {  	[tilespmem:s9], [sflag:$0x3] =	stream.indirect_vreg.gather [hbm4b:s18+s3], $0x80, v4, vm0, $0xb8;
	[tilespmem:$0x1E680] =	vst v63  }
0x859: {  	_ = 	snop  }
0x85a: {  	[tilespmem:s30], [sflag:$0x3] =	stream.indirect_vreg.gather [hbm4b:s19+s3], $0x80, v4, vm0, $0xb8;
	[tilespmem:$0x1E680] =	vst v63  }
0x85b: {  	v4 =	vld.msk [tilespmem:$0x520], $0xff;
	_ =	sdelay $0x4  }
0x85c: {  	v5 =	vshll.u32 v4, $0x3  }
0x85d: {  	v4 =	vand.u32 $0x7, v4;
	v5 =	vand.u32 $0xFFFFFFC0, v5  }
0x85e: {  	v4 =	vor.u32 v4, v5  }
0x85f: {  	v4 =	vperm.xlane v4, v1;
	_ =	sdelay $0x1  }
0x860: {  	v4 =	vadd.s32 v2, v4;
	_ =	sdelay $0x4  }
0x861: {  	[tilespmem:s10], [sflag:$0x3] =	stream.indirect_vreg.gather [hbm4b:s2+s3], $0x80, v4, vm0, $0xb8;
	[tilespmem:$0x1E680] =	vst v63  }
0x862: {  	_ = 	snop  }
0x863: {  	[tilespmem:s11], [sflag:$0x3] =	stream.indirect_vreg.gather [hbm4b:s17+s3], $0x80, v4, vm0, $0xb8;
	[tilespmem:$0x1E680] =	vst v63  }
0x864: {  	_ = 	snop  }
0x865: {  	[tilespmem:s12], [sflag:$0x3] =	stream.indirect_vreg.gather [hbm4b:s18+s3], $0x80, v4, vm0, $0xb8;
	[tilespmem:$0x1E680] =	vst v63  }
0x866: {  	_ = 	snop  }
0x867: {  	[tilespmem:s14], [sflag:$0x3] =	stream.indirect_vreg.gather [hbm4b:s19+s3], $0x80, v4, vm0, $0xb8;
	[tilespmem:$0x1E680] =	vst v63  }
0x868: {  	_ =	swait.ge [sflag:s5], $0xA000  }
0x869: {  	s25 =	sld [smem:$0x7F2]  }
0x86a: {  	[sflag:s5] =	ssyncset.done $0x0  }
0x86b: {  	s28 =	simm.s32 $0x680;
	[sflag:s5] =	ssyncadd.s32 $0xFFFF6000  }
0x86c: {  	[hbm4b:s25+s3] =	stream.linear.scatter [tilespmem:s28], [sflag:$0x4], $0xA000, $0x38;
	[tilespmem:$0x1E680] =	vst v63  }
0x86d: {  	_ =	swait.ge [sflag:s15], $0xA000  }
0x86e: {  	[sflag:s15] =	ssyncset.done $0x0  }
0x86f: {  	[sflag:s15] =	ssyncadd.s32 $0xFFFF6000  }
0x870: {  	v4 =	vld [tilespmem:$0x528];
	_ =	sdelay $0x4  }
0x871: {  	v5 =	vshll.u32 v4, $0x3  }
0x872: {  	v4 =	vand.u32 $0x7, v4;
	v5 =	vand.u32 $0xFFFFFFC0, v5  }
0x873: {  	v4 =	vor.u32 v4, v5  }
0x874: {  	v5 =	vperm.xlane v4, v1;
	_ =	sdelay $0x1  }
0x875: {  	v5 =	vadd.s32 v2, v5;
	_ =	sdelay $0x4  }
0x876: {  	[tilespmem:s28], [sflag:$0x1] =	stream.indirect_vreg.gather [hbm4b:s2+s3], $0x80, v5, vm0, $0xb8;
	[tilespmem:$0x1E680] =	vst v63  }
0x877: {  	s30 =	simm.s32 $0xE80;
	v4 =	vperm.xlane v4, v3  }
0x878: {  	[tilespmem:s30], [sflag:$0x1] =	stream.indirect_vreg.gather [hbm4b:s17+s3], $0x80, v5, vm0, $0xb8;
	[tilespmem:$0x1E680] =	vst v63  }
0x879: {  	s6 =	simm.s32 $0x1680;
	v4 =	vadd.s32 v2, v4  }
0x87a: {  	[tilespmem:s6], [sflag:$0x1] =	stream.indirect_vreg.gather [hbm4b:s18+s3], $0x80, v5, vm0, $0xb8;
	[tilespmem:$0x1E680] =	vst v63  }
0x87b: {  	s28 =	simm.s32 $0x1E80  }
0x87c: {  	[tilespmem:s28], [sflag:$0x1] =	stream.indirect_vreg.gather [hbm4b:s19+s3], $0x80, v5, vm0, $0xb8;
	[tilespmem:$0x1E680] =	vst v63  }
0x87d: {  	s30 =	simm.s32 $0x2680  }
0x87e: {  	[tilespmem:s30], [sflag:$0x1] =	stream.indirect_vreg.gather [hbm4b:s2+s3], $0x80, v4, vm0, $0xb8;
	[tilespmem:$0x1E680] =	vst v63  }
0x87f: {  	s7 =	simm.s32 $0x2E80  }
0x880: {  	[tilespmem:s7], [sflag:$0x1] =	stream.indirect_vreg.gather [hbm4b:s17+s3], $0x80, v4, vm0, $0xb8;
	[tilespmem:$0x1E680] =	vst v63  }
0x881: {  	s8 =	simm.s32 $0x3680  }
0x882: {  	[tilespmem:s8], [sflag:$0x1] =	stream.indirect_vreg.gather [hbm4b:s18+s3], $0x80, v4, vm0, $0xb8;
	[tilespmem:$0x1E680] =	vst v63  }
0x883: {  	s9 =	simm.s32 $0x3E80  }
0x884: {  	[tilespmem:s9], [sflag:$0x1] =	stream.indirect_vreg.gather [hbm4b:s19+s3], $0x80, v4, vm0, $0xb8;
	[tilespmem:$0x1E680] =	vst v63  }
0x885: {  	v4 =	vld [tilespmem:$0x538];
	_ =	sdelay $0x4  }
0x886: {  	v5 =	vshll.u32 v4, $0x3  }
0x887: {  	v4 =	vand.u32 $0x7, v4;
	v5 =	vand.u32 $0xFFFFFFC0, v5  }
0x888: {  	v4 =	vor.u32 v4, v5  }
0x889: {  	v5 =	vperm.xlane v4, v1;
	_ =	sdelay $0x1  }
0x88a: {  	v5 =	vadd.s32 v2, v5;
	_ =	sdelay $0x3  }
0x88b: {  	s10 =	simm.s32 $0x4680  }
0x88c: {  	[tilespmem:s10], [sflag:$0x1] =	stream.indirect_vreg.gather [hbm4b:s2+s3], $0x80, v5, vm0, $0xb8;
	[tilespmem:$0x1E680] =	vst v63  }
0x88d: {  	s14 =	simm.s32 $0x4E80;
	v4 =	vperm.xlane v4, v3  }
0x88e: {  	[tilespmem:s14], [sflag:$0x1] =	stream.indirect_vreg.gather [hbm4b:s17+s3], $0x80, v5, vm0, $0xb8;
	[tilespmem:$0x1E680] =	vst v63  }
0x88f: {  	s11 =	simm.s32 $0x5680;
	v4 =	vadd.s32 v2, v4  }
0x890: {  	[tilespmem:s11], [sflag:$0x1] =	stream.indirect_vreg.gather [hbm4b:s18+s3], $0x80, v5, vm0, $0xb8;
	[tilespmem:$0x1E680] =	vst v63  }
0x891: {  	s12 =	simm.s32 $0x5E80  }
0x892: {  	[tilespmem:s12], [sflag:$0x1] =	stream.indirect_vreg.gather [hbm4b:s19+s3], $0x80, v5, vm0, $0xb8;
	[tilespmem:$0x1E680] =	vst v63  }
0x893: {  	s25 =	simm.s32 $0x6680  }
0x894: {  	[tilespmem:s25], [sflag:$0x1] =	stream.indirect_vreg.gather [hbm4b:s2+s3], $0x80, v4, vm0, $0xb8;
	[tilespmem:$0x1E680] =	vst v63  }
0x895: {  	s26 =	simm.s32 $0x6E80  }
0x896: {  	[tilespmem:s26], [sflag:$0x1] =	stream.indirect_vreg.gather [hbm4b:s17+s3], $0x80, v4, vm0, $0xb8;
	[tilespmem:$0x1E680] =	vst v63  }
0x897: {  	s1 =	simm.s32 $0x7680  }
0x898: {  	[tilespmem:s1], [sflag:$0x1] =	stream.indirect_vreg.gather [hbm4b:s18+s3], $0x80, v4, vm0, $0xb8;
	[tilespmem:$0x1E680] =	vst v63  }
0x899: {  	s25 =	simm.s32 $0x7E80  }
0x89a: {  	[tilespmem:s25], [sflag:$0x1] =	stream.indirect_vreg.gather [hbm4b:s19+s3], $0x80, v4, vm0, $0xb8;
	[tilespmem:$0x1E680] =	vst v63  }
0x89b: {  	v4 =	vld.msk [tilespmem:$0x548], $0xff;
	_ =	sdelay $0x4  }
0x89c: {  	v5 =	vshll.u32 v4, $0x3  }
0x89d: {  	v4 =	vand.u32 $0x7, v4;
	v5 =	vand.u32 $0xFFFFFFC0, v5  }
0x89e: {  	v4 =	vor.u32 v4, v5  }
0x89f: {  	v4 =	vperm.xlane v4, v1;
	_ =	sdelay $0x1  }
0x8a0: {  	v4 =	vadd.s32 v2, v4;
	_ =	sdelay $0x3  }
0x8a1: {  	s7 =	simm.s32 $0x8680  }
0x8a2: {  	[tilespmem:s7], [sflag:$0x1] =	stream.indirect_vreg.gather [hbm4b:s2+s3], $0x80, v4, vm0, $0xb8;
	[tilespmem:$0x1E680] =	vst v63  }
0x8a3: {  	s8 =	simm.s32 $0x8E80  }
0x8a4: {  	[tilespmem:s8], [sflag:$0x1] =	stream.indirect_vreg.gather [hbm4b:s17+s3], $0x80, v4, vm0, $0xb8;
	[tilespmem:$0x1E680] =	vst v63  }
0x8a5: {  	s9 =	simm.s32 $0x9680  }
0x8a6: {  	[tilespmem:s9], [sflag:$0x1] =	stream.indirect_vreg.gather [hbm4b:s18+s3], $0x80, v4, vm0, $0xb8;
	[tilespmem:$0x1E680] =	vst v63  }
0x8a7: {  	s10 =	simm.s32 $0x9E80  }
0x8a8: {  	[tilespmem:s10], [sflag:$0x1] =	stream.indirect_vreg.gather [hbm4b:s19+s3], $0x80, v4, vm0, $0xb8;
	[tilespmem:$0x1E680] =	vst v63  }
0x8a9: {  	_ =	swait.ge [sflag:s16], $0xA000  }
0x8aa: {  	s11 =	sld [smem:$0x7F3]  }
0x8ab: {  	[sflag:s16] =	ssyncset.done $0x0  }
0x8ac: {  	s12 =	simm.s32 $0xA680;
	[sflag:s16] =	ssyncadd.s32 $0xFFFF6000  }
0x8ad: {  	[hbm4b:s11+s3] =	stream.linear.scatter [tilespmem:s12], [sflag:$0x5], $0xA000, $0x38;
	[tilespmem:$0x1E680] =	vst v63  }
0x8ae: {  	_ =	swait.ge [sflag:s20], $0xA000  }
0x8af: {  	[sflag:s20] =	ssyncset.done $0x0  }
0x8b0: {  	[sflag:s20] =	ssyncadd.s32 $0xFFFF6000  }
0x8b1: {  	v4 =	vld [tilespmem:$0x550];
	_ =	sdelay $0x4  }
0x8b2: {  	v5 =	vshll.u32 v4, $0x3  }
0x8b3: {  	v4 =	vand.u32 $0x7, v4;
	v5 =	vand.u32 $0xFFFFFFC0, v5  }
0x8b4: {  	v4 =	vor.u32 v4, v5  }
0x8b5: {  	v5 =	vperm.xlane v4, v1;
	_ =	sdelay $0x1  }
0x8b6: {  	v5 =	vadd.s32 v2, v5;
	_ =	sdelay $0x4  }
0x8b7: {  	[tilespmem:s12], [sflag:$0x2] =	stream.indirect_vreg.gather [hbm4b:s2+s3], $0x80, v5, vm0, $0xb8;
	[tilespmem:$0x1E680] =	vst v63  }
0x8b8: {  	s26 =	simm.s32 $0xAE80;
	v4 =	vperm.xlane v4, v3  }
0x8b9: {  	[tilespmem:s26], [sflag:$0x2] =	stream.indirect_vreg.gather [hbm4b:s17+s3], $0x80, v5, vm0, $0xb8;
	[tilespmem:$0x1E680] =	vst v63  }
0x8ba: {  	v4 =	vadd.s32 v2, v4  }
0x8bb: {  	[tilespmem:s31], [sflag:$0x2] =	stream.indirect_vreg.gather [hbm4b:s18+s3], $0x80, v5, vm0, $0xb8;
	[tilespmem:$0x1E680] =	vst v63  }
0x8bc: {  	s1 =	simm.s32 $0xBE80  }
0x8bd: {  	[tilespmem:s1], [sflag:$0x2] =	stream.indirect_vreg.gather [hbm4b:s19+s3], $0x80, v5, vm0, $0xb8;
	[tilespmem:$0x1E680] =	vst v63  }
0x8be: {  	s6 =	simm.s32 $0xC680  }
0x8bf: {  	[tilespmem:s6], [sflag:$0x2] =	stream.indirect_vreg.gather [hbm4b:s2+s3], $0x80, v4, vm0, $0xb8;
	[tilespmem:$0x1E680] =	vst v63  }
0x8c0: {  	s7 =	simm.s32 $0xCE80  }
0x8c1: {  	[tilespmem:s7], [sflag:$0x2] =	stream.indirect_vreg.gather [hbm4b:s17+s3], $0x80, v4, vm0, $0xb8;
	[tilespmem:$0x1E680] =	vst v63  }
0x8c2: {  	s8 =	simm.s32 $0xD680  }
0x8c3: {  	[tilespmem:s8], [sflag:$0x2] =	stream.indirect_vreg.gather [hbm4b:s18+s3], $0x80, v4, vm0, $0xb8;
	[tilespmem:$0x1E680] =	vst v63  }
0x8c4: {  	_ = 	snop  }
0x8c5: {  	[tilespmem:s4], [sflag:$0x2] =	stream.indirect_vreg.gather [hbm4b:s19+s3], $0x80, v4, vm0, $0xb8;
	[tilespmem:$0x1E680] =	vst v63  }
0x8c6: {  	v4 =	vld [tilespmem:$0x560];
	_ =	sdelay $0x4  }
0x8c7: {  	v5 =	vshll.u32 v4, $0x3  }
0x8c8: {  	v4 =	vand.u32 $0x7, v4;
	v5 =	vand.u32 $0xFFFFFFC0, v5  }
0x8c9: {  	v4 =	vor.u32 v4, v5  }
0x8ca: {  	v5 =	vperm.xlane v4, v1;
	_ =	sdelay $0x1  }
0x8cb: {  	v5 =	vadd.s32 v2, v5;
	_ =	sdelay $0x3  }
0x8cc: {  	s9 =	simm.s32 $0xE680  }
0x8cd: {  	[tilespmem:s9], [sflag:$0x2] =	stream.indirect_vreg.gather [hbm4b:s2+s3], $0x80, v5, vm0, $0xb8;
	[tilespmem:$0x1E680] =	vst v63  }
0x8ce: {  	s10 =	simm.s32 $0xEE80;
	v4 =	vperm.xlane v4, v3  }
0x8cf: {  	[tilespmem:s10], [sflag:$0x2] =	stream.indirect_vreg.gather [hbm4b:s17+s3], $0x80, v5, vm0, $0xb8;
	[tilespmem:$0x1E680] =	vst v63  }
0x8d0: {  	v4 =	vadd.s32 v2, v4  }
0x8d1: {  	[tilespmem:s29], [sflag:$0x2] =	stream.indirect_vreg.gather [hbm4b:s18+s3], $0x80, v5, vm0, $0xb8;
	[tilespmem:$0x1E680] =	vst v63  }
0x8d2: {  	s11 =	simm.s32 $0xFE80  }
0x8d3: {  	[tilespmem:s11], [sflag:$0x2] =	stream.indirect_vreg.gather [hbm4b:s19+s3], $0x80, v5, vm0, $0xb8;
	[tilespmem:$0x1E680] =	vst v63  }
0x8d4: {  	s12 =	simm.s32 $0x10680  }
0x8d5: {  	[tilespmem:s12], [sflag:$0x2] =	stream.indirect_vreg.gather [hbm4b:s2+s3], $0x80, v4, vm0, $0xb8;
	[tilespmem:$0x1E680] =	vst v63  }
0x8d6: {  	s26 =	simm.s32 $0x10E80  }
0x8d7: {  	[tilespmem:s26], [sflag:$0x2] =	stream.indirect_vreg.gather [hbm4b:s17+s3], $0x80, v4, vm0, $0xb8;
	[tilespmem:$0x1E680] =	vst v63  }
0x8d8: {  	s29 =	simm.s32 $0x11680  }
0x8d9: {  	[tilespmem:s29], [sflag:$0x2] =	stream.indirect_vreg.gather [hbm4b:s18+s3], $0x80, v4, vm0, $0xb8;
	[tilespmem:$0x1E680] =	vst v63  }
0x8da: {  	s1 =	simm.s32 $0x11E80  }
0x8db: {  	[tilespmem:s1], [sflag:$0x2] =	stream.indirect_vreg.gather [hbm4b:s19+s3], $0x80, v4, vm0, $0xb8;
	[tilespmem:$0x1E680] =	vst v63  }
0x8dc: {  	v4 =	vld.msk [tilespmem:$0x570], $0xff;
	_ =	sdelay $0x4  }
0x8dd: {  	v5 =	vshll.u32 v4, $0x3  }
0x8de: {  	v4 =	vand.u32 $0x7, v4;
	v5 =	vand.u32 $0xFFFFFFC0, v5  }
0x8df: {  	v4 =	vor.u32 v4, v5  }
0x8e0: {  	v4 =	vperm.xlane v4, v1;
	_ =	sdelay $0x1  }
0x8e1: {  	v4 =	vadd.s32 v2, v4;
	_ =	sdelay $0x4  }
0x8e2: {  	[tilespmem:s21], [sflag:$0x2] =	stream.indirect_vreg.gather [hbm4b:s2+s3], $0x80, v4, vm0, $0xb8;
	[tilespmem:$0x1E680] =	vst v63  }
0x8e3: {  	s6 =	simm.s32 $0x12E80  }
0x8e4: {  	[tilespmem:s6], [sflag:$0x2] =	stream.indirect_vreg.gather [hbm4b:s17+s3], $0x80, v4, vm0, $0xb8;
	[tilespmem:$0x1E680] =	vst v63  }
0x8e5: {  	s7 =	simm.s32 $0x13680  }
0x8e6: {  	[tilespmem:s7], [sflag:$0x2] =	stream.indirect_vreg.gather [hbm4b:s18+s3], $0x80, v4, vm0, $0xb8;
	[tilespmem:$0x1E680] =	vst v63  }
0x8e7: {  	s8 =	simm.s32 $0x13E80  }
0x8e8: {  	[tilespmem:s8], [sflag:$0x2] =	stream.indirect_vreg.gather [hbm4b:s19+s3], $0x80, v4, vm0, $0xb8;
	[tilespmem:$0x1E680] =	vst v63  }
0x8e9: {  	_ =	swait.ge [sflag:s23], $0xA000  }
0x8ea: {  	s9 =	sld [smem:$0x7F4]  }
0x8eb: {  	[sflag:s23] =	ssyncset.done $0x0  }
0x8ec: {  	s10 =	simm.s32 $0x14680;
	[sflag:s23] =	ssyncadd.s32 $0xFFFF6000  }
0x8ed: {  	[hbm4b:s9+s3] =	stream.linear.scatter [tilespmem:s10], [sflag:$0x6], $0xA000, $0x38;
	[tilespmem:$0x1E680] =	vst v63  }
0x8ee: {  	_ =	swait.ge [sflag:s24], $0xA000  }
0x8ef: {  	[sflag:s24] =	ssyncset.done $0x0  }
0x8f0: {  	[sflag:s24] =	ssyncadd.s32 $0xFFFF6000  }
0x8f1: {  	v4 =	vld [tilespmem:$0x578];
	_ =	sdelay $0x4  }
0x8f2: {  	v5 =	vshll.u32 v4, $0x3  }
0x8f3: {  	v4 =	vand.u32 $0x7, v4;
	v5 =	vand.u32 $0xFFFFFFC0, v5  }
0x8f4: {  	v4 =	vor.u32 v4, v5  }
0x8f5: {  	v5 =	vperm.xlane v4, v1;
	_ =	sdelay $0x1  }
0x8f6: {  	v5 =	vadd.s32 v2, v5;
	_ =	sdelay $0x4  }
0x8f7: {  	[tilespmem:s10], [sflag:$0x3] =	stream.indirect_vreg.gather [hbm4b:s2+s3], $0x80, v5, vm0, $0xb8;
	[tilespmem:$0x1E680] =	vst v63  }
0x8f8: {  	s11 =	simm.s32 $0x14E80;
	v4 =	vperm.xlane v4, v3  }
0x8f9: {  	[tilespmem:s11], [sflag:$0x3] =	stream.indirect_vreg.gather [hbm4b:s17+s3], $0x80, v5, vm0, $0xb8;
	[tilespmem:$0x1E680] =	vst v63  }
0x8fa: {  	v4 =	vadd.s32 v2, v4  }
0x8fb: {  	[tilespmem:s13], [sflag:$0x3] =	stream.indirect_vreg.gather [hbm4b:s18+s3], $0x80, v5, vm0, $0xb8;
	[tilespmem:$0x1E680] =	vst v63  }
0x8fc: {  	s12 =	simm.s32 $0x15E80  }
0x8fd: {  	[tilespmem:s12], [sflag:$0x3] =	stream.indirect_vreg.gather [hbm4b:s19+s3], $0x80, v5, vm0, $0xb8;
	[tilespmem:$0x1E680] =	vst v63  }
0x8fe: {  	s1 =	simm.s32 $0x16680  }
0x8ff: {  	[tilespmem:s1], [sflag:$0x3] =	stream.indirect_vreg.gather [hbm4b:s2+s3], $0x80, v4, vm0, $0xb8;
	[tilespmem:$0x1E680] =	vst v63  }
0x900: {  	s4 =	simm.s32 $0x16E80  }
0x901: {  	[tilespmem:s4], [sflag:$0x3] =	stream.indirect_vreg.gather [hbm4b:s17+s3], $0x80, v4, vm0, $0xb8;
	[tilespmem:$0x1E680] =	vst v63  }
0x902: {  	s6 =	simm.s32 $0x17680  }
0x903: {  	[tilespmem:s6], [sflag:$0x3] =	stream.indirect_vreg.gather [hbm4b:s18+s3], $0x80, v4, vm0, $0xb8;
	[tilespmem:$0x1E680] =	vst v63  }
0x904: {  	s13 =	simm.s32 $0x17E80  }
0x905: {  	[tilespmem:s13], [sflag:$0x3] =	stream.indirect_vreg.gather [hbm4b:s19+s3], $0x80, v4, vm0, $0xb8;
	[tilespmem:$0x1E680] =	vst v63  }
0x906: {  	v4 =	vld [tilespmem:$0x588];
	_ =	sdelay $0x4  }
0x907: {  	v5 =	vshll.u32 v4, $0x3  }
0x908: {  	v4 =	vand.u32 $0x7, v4;
	v5 =	vand.u32 $0xFFFFFFC0, v5  }
0x909: {  	v4 =	vor.u32 v4, v5  }
0x90a: {  	v5 =	vperm.xlane v4, v1;
	_ =	sdelay $0x1  }
0x90b: {  	v5 =	vadd.s32 v2, v5;
	_ =	sdelay $0x3  }
0x90c: {  	s21 =	simm.s32 $0x18680  }
0x90d: {  	[tilespmem:s21], [sflag:$0x3] =	stream.indirect_vreg.gather [hbm4b:s2+s3], $0x80, v5, vm0, $0xb8;
	[tilespmem:$0x1E680] =	vst v63  }
0x90e: {  	v4 =	vperm.xlane v4, v3  }
0x90f: {  	[tilespmem:s22], [sflag:$0x3] =	stream.indirect_vreg.gather [hbm4b:s17+s3], $0x80, v5, vm0, $0xb8;
	[tilespmem:$0x1E680] =	vst v63  }
0x910: {  	s7 =	simm.s32 $0x19680;
	v4 =	vadd.s32 v2, v4  }
0x911: {  	[tilespmem:s7], [sflag:$0x3] =	stream.indirect_vreg.gather [hbm4b:s18+s3], $0x80, v5, vm0, $0xb8;
	[tilespmem:$0x1E680] =	vst v63  }
0x912: {  	s8 =	simm.s32 $0x19E80  }
0x913: {  	[tilespmem:s8], [sflag:$0x3] =	stream.indirect_vreg.gather [hbm4b:s19+s3], $0x80, v5, vm0, $0xb8;
	[tilespmem:$0x1E680] =	vst v63  }
0x914: {  	s9 =	simm.s32 $0x1A680  }
0x915: {  	[tilespmem:s9], [sflag:$0x3] =	stream.indirect_vreg.gather [hbm4b:s2+s3], $0x80, v4, vm0, $0xb8;
	[tilespmem:$0x1E680] =	vst v63  }
0x916: {  	s10 =	simm.s32 $0x1AE80  }
0x917: {  	[tilespmem:s10], [sflag:$0x3] =	stream.indirect_vreg.gather [hbm4b:s17+s3], $0x80, v4, vm0, $0xb8;
	[tilespmem:$0x1E680] =	vst v63  }
0x918: {  	s11 =	simm.s32 $0x1B680  }
0x919: {  	[tilespmem:s11], [sflag:$0x3] =	stream.indirect_vreg.gather [hbm4b:s18+s3], $0x80, v4, vm0, $0xb8;
	[tilespmem:$0x1E680] =	vst v63  }
0x91a: {  	s22 =	simm.s32 $0x1BE80  }
0x91b: {  	[tilespmem:s22], [sflag:$0x3] =	stream.indirect_vreg.gather [hbm4b:s19+s3], $0x80, v4, vm0, $0xb8;
	[tilespmem:$0x1E680] =	vst v63  }
0x91c: {  	v4 =	vld.msk [tilespmem:$0x598], $0xff;
	_ =	sdelay $0x4  }
0x91d: {  	v5 =	vshll.u32 v4, $0x3  }
0x91e: {  	v4 =	vand.u32 $0x7, v4;
	v5 =	vand.u32 $0xFFFFFFC0, v5  }
0x91f: {  	v4 =	vor.u32 v4, v5  }
0x920: {  	v4 =	vperm.xlane v4, v1;
	_ =	sdelay $0x1  }
0x921: {  	v4 =	vadd.s32 v2, v4;
	_ =	sdelay $0x3  }
0x922: {  	s12 =	simm.s32 $0x1C680  }
0x923: {  	[tilespmem:s12], [sflag:$0x3] =	stream.indirect_vreg.gather [hbm4b:s2+s3], $0x80, v4, vm0, $0xb8;
	[tilespmem:$0x1E680] =	vst v63  }
0x924: {  	s13 =	simm.s32 $0x1CE80  }
0x925: {  	[tilespmem:s13], [sflag:$0x3] =	stream.indirect_vreg.gather [hbm4b:s17+s3], $0x80, v4, vm0, $0xb8;
	[tilespmem:$0x1E680] =	vst v63  }
0x926: {  	s21 =	simm.s32 $0x1D680  }
0x927: {  	[tilespmem:s21], [sflag:$0x3] =	stream.indirect_vreg.gather [hbm4b:s18+s3], $0x80, v4, vm0, $0xb8;
	[tilespmem:$0x1E680] =	vst v63  }
0x928: {  	s26 =	simm.s32 $0x1DE80  }
0x929: {  	[tilespmem:s26], [sflag:$0x3] =	stream.indirect_vreg.gather [hbm4b:s19+s3], $0x80, v4, vm0, $0xb8;
	[tilespmem:$0x1E680] =	vst v63  }
0x92a: {  	_ =	swait.ge [sflag:s5], $0xA000  }
0x92b: {  	s22 =	sld [smem:$0x7F5]  }
0x92c: {  	[sflag:s5] =	ssyncset.done $0x0  }
0x92d: {  	s0 =	simm.s32 $0x680;
	[sflag:s5] =	ssyncadd.s32 $0xFFFF6000  }
0x92e: {  	[hbm4b:s22+s3] =	stream.linear.scatter [tilespmem:s0], [sflag:$0x4], $0xA000, $0x38;
	[tilespmem:$0x1E680] =	vst v63  }
0x92f: {  	_ =	swait.ge [sflag:s15], $0xA000  }
0x930: {  	[sflag:s15] =	ssyncset.done $0x0  }
0x931: {  	[sflag:s15] =	ssyncadd.s32 $0xFFFF6000  }
0x932: {  	v4 =	vld [tilespmem:$0x5A0];
	_ =	sdelay $0x4  }
0x933: {  	v5 =	vshll.u32 v4, $0x3  }
0x934: {  	v4 =	vand.u32 $0x7, v4;
	v5 =	vand.u32 $0xFFFFFFC0, v5  }
0x935: {  	v4 =	vor.u32 v4, v5  }
0x936: {  	v5 =	vperm.xlane v4, v1;
	_ =	sdelay $0x1  }
0x937: {  	v5 =	vadd.s32 v2, v5;
	_ =	sdelay $0x4  }
0x938: {  	[tilespmem:s0], [sflag:$0x1] =	stream.indirect_vreg.gather [hbm4b:s2+s3], $0x80, v5, vm0, $0xb8;
	[tilespmem:$0x1E680] =	vst v63  }
0x939: {  	v4 =	vperm.xlane v4, v3;
	s0 =	simm.s32 $0xE80  }
0x93a: {  	[tilespmem:s0], [sflag:$0x1] =	stream.indirect_vreg.gather [hbm4b:s17+s3], $0x80, v5, vm0, $0xb8;
	[tilespmem:$0x1E680] =	vst v63  }
0x93b: {  	s22 =	simm.s32 $0x1680;
	v4 =	vadd.s32 v2, v4  }
0x93c: {  	[tilespmem:s22], [sflag:$0x1] =	stream.indirect_vreg.gather [hbm4b:s18+s3], $0x80, v5, vm0, $0xb8;
	[tilespmem:$0x1E680] =	vst v63  }
0x93d: {  	_ = 	snop  }
0x93e: {  	[tilespmem:s28], [sflag:$0x1] =	stream.indirect_vreg.gather [hbm4b:s19+s3], $0x80, v5, vm0, $0xb8;
	[tilespmem:$0x1E680] =	vst v63  }
0x93f: {  	_ = 	snop  }
0x940: {  	[tilespmem:s30], [sflag:$0x1] =	stream.indirect_vreg.gather [hbm4b:s2+s3], $0x80, v4, vm0, $0xb8;
	[tilespmem:$0x1E680] =	vst v63  }
0x941: {  	s26 =	simm.s32 $0x2E80  }
0x942: {  	[tilespmem:s26], [sflag:$0x1] =	stream.indirect_vreg.gather [hbm4b:s17+s3], $0x80, v4, vm0, $0xb8;
	[tilespmem:$0x1E680] =	vst v63  }
0x943: {  	s0 =	simm.s32 $0x3680  }
0x944: {  	[tilespmem:s0], [sflag:$0x1] =	stream.indirect_vreg.gather [hbm4b:s18+s3], $0x80, v4, vm0, $0xb8;
	[tilespmem:$0x1E680] =	vst v63  }
0x945: {  	s26 =	simm.s32 $0x3E80  }
0x946: {  	[tilespmem:s26], [sflag:$0x1] =	stream.indirect_vreg.gather [hbm4b:s19+s3], $0x80, v4, vm0, $0xb8;
	[tilespmem:$0x1E680] =	vst v63  }
0x947: {  	v4 =	vld [tilespmem:$0x5B0];
	_ =	sdelay $0x4  }
0x948: {  	v5 =	vshll.u32 v4, $0x3  }
0x949: {  	v4 =	vand.u32 $0x7, v4;
	v5 =	vand.u32 $0xFFFFFFC0, v5  }
0x94a: {  	v4 =	vor.u32 v4, v5  }
0x94b: {  	v5 =	vperm.xlane v4, v1;
	_ =	sdelay $0x1  }
0x94c: {  	v5 =	vadd.s32 v2, v5;
	_ =	sdelay $0x3  }
0x94d: {  	s0 =	simm.s32 $0x4680  }
0x94e: {  	[tilespmem:s0], [sflag:$0x1] =	stream.indirect_vreg.gather [hbm4b:s2+s3], $0x80, v5, vm0, $0xb8;
	[tilespmem:$0x1E680] =	vst v63  }
0x94f: {  	v4 =	vperm.xlane v4, v3  }
0x950: {  	[tilespmem:s14], [sflag:$0x1] =	stream.indirect_vreg.gather [hbm4b:s17+s3], $0x80, v5, vm0, $0xb8;
	[tilespmem:$0x1E680] =	vst v63  }
0x951: {  	v4 =	vadd.s32 v2, v4;
	s14 =	simm.s32 $0x5680  }
0x952: {  	[tilespmem:s14], [sflag:$0x1] =	stream.indirect_vreg.gather [hbm4b:s18+s3], $0x80, v5, vm0, $0xb8;
	[tilespmem:$0x1E680] =	vst v63  }
0x953: {  	s26 =	simm.s32 $0x5E80  }
0x954: {  	[tilespmem:s26], [sflag:$0x1] =	stream.indirect_vreg.gather [hbm4b:s19+s3], $0x80, v5, vm0, $0xb8;
	[tilespmem:$0x1E680] =	vst v63  }
0x955: {  	s0 =	simm.s32 $0x6680  }
0x956: {  	[tilespmem:s0], [sflag:$0x1] =	stream.indirect_vreg.gather [hbm4b:s2+s3], $0x80, v4, vm0, $0xb8;
	[tilespmem:$0x1E680] =	vst v63  }
0x957: {  	s14 =	simm.s32 $0x6E80  }
0x958: {  	[tilespmem:s14], [sflag:$0x1] =	stream.indirect_vreg.gather [hbm4b:s17+s3], $0x80, v4, vm0, $0xb8;
	[tilespmem:$0x1E680] =	vst v63  }
0x959: {  	s26 =	simm.s32 $0x7680  }
0x95a: {  	[tilespmem:s26], [sflag:$0x1] =	stream.indirect_vreg.gather [hbm4b:s18+s3], $0x80, v4, vm0, $0xb8;
	[tilespmem:$0x1E680] =	vst v63  }
0x95b: {  	_ = 	snop  }
0x95c: {  	[tilespmem:s25], [sflag:$0x1] =	stream.indirect_vreg.gather [hbm4b:s19+s3], $0x80, v4, vm0, $0xb8;
	[tilespmem:$0x1E680] =	vst v63  }
0x95d: {  	v4 =	vld.msk [tilespmem:$0x5C0], $0xff;
	_ =	sdelay $0x4  }
0x95e: {  	v5 =	vshll.u32 v4, $0x3  }
0x95f: {  	v4 =	vand.u32 $0x7, v4;
	v5 =	vand.u32 $0xFFFFFFC0, v5  }
0x960: {  	v4 =	vor.u32 v4, v5  }
0x961: {  	v4 =	vperm.xlane v4, v1;
	_ =	sdelay $0x1  }
0x962: {  	v4 =	vadd.s32 v2, v4;
	_ =	sdelay $0x3  }
0x963: {  	s0 =	simm.s32 $0x8680  }
0x964: {  	[tilespmem:s0], [sflag:$0x1] =	stream.indirect_vreg.gather [hbm4b:s2+s3], $0x80, v4, vm0, $0xb8;
	[tilespmem:$0x1E680] =	vst v63  }
0x965: {  	s14 =	simm.s32 $0x8E80  }
0x966: {  	[tilespmem:s14], [sflag:$0x1] =	stream.indirect_vreg.gather [hbm4b:s17+s3], $0x80, v4, vm0, $0xb8;
	[tilespmem:$0x1E680] =	vst v63  }
0x967: {  	s0 =	simm.s32 $0x9680  }
0x968: {  	[tilespmem:s0], [sflag:$0x1] =	stream.indirect_vreg.gather [hbm4b:s18+s3], $0x80, v4, vm0, $0xb8;
	[tilespmem:$0x1E680] =	vst v63  }
0x969: {  	s14 =	simm.s32 $0x9E80  }
0x96a: {  	[tilespmem:s14], [sflag:$0x1] =	stream.indirect_vreg.gather [hbm4b:s19+s3], $0x80, v4, vm0, $0xb8;
	[tilespmem:$0x1E680] =	vst v63  }
0x96b: {  	_ =	swait.ge [sflag:s16], $0xA000  }
0x96c: {  	s0 =	sld [smem:$0x7F6]  }
0x96d: {  	[sflag:s16] =	ssyncset.done $0x0  }
0x96e: {  	s14 =	simm.s32 $0xA680;
	[sflag:s16] =	ssyncadd.s32 $0xFFFF6000  }
0x96f: {  	[hbm4b:s0+s3] =	stream.linear.scatter [tilespmem:s14], [sflag:$0x5], $0xA000, $0x38;
	[tilespmem:$0x1E680] =	vst v63  }
0x970: {  	_ =	swait.ge [sflag:s20], $0xA000  }
0x971: {  	[sflag:s20] =	ssyncset.done $0x0  }
0x972: {  	[sflag:s20] =	ssyncadd.s32 $0xFFFF6000  }
0x973: {  	v4 =	vld [tilespmem:$0x5C8];
	_ =	sdelay $0x4  }
0x974: {  	v5 =	vshll.u32 v4, $0x3  }
0x975: {  	v4 =	vand.u32 $0x7, v4;
	v5 =	vand.u32 $0xFFFFFFC0, v5  }
0x976: {  	v4 =	vor.u32 v4, v5  }
0x977: {  	v5 =	vperm.xlane v4, v1;
	_ =	sdelay $0x1  }
0x978: {  	v5 =	vadd.s32 v2, v5;
	_ =	sdelay $0x4  }
0x979: {  	[tilespmem:s14], [sflag:$0x2] =	stream.indirect_vreg.gather [hbm4b:s2+s3], $0x80, v5, vm0, $0xb8;
	[tilespmem:$0x1E680] =	vst v63  }
0x97a: {  	s26 =	simm.s32 $0xAE80;
	v4 =	vperm.xlane v4, v3  }
0x97b: {  	[tilespmem:s26], [sflag:$0x2] =	stream.indirect_vreg.gather [hbm4b:s17+s3], $0x80, v5, vm0, $0xb8;
	[tilespmem:$0x1E680] =	vst v63  }
0x97c: {  	s31 =	simm.s32 $0xB680;
	v4 =	vadd.s32 v2, v4  }
0x97d: {  	[tilespmem:s31], [sflag:$0x2] =	stream.indirect_vreg.gather [hbm4b:s18+s3], $0x80, v5, vm0, $0xb8;
	[tilespmem:$0x1E680] =	vst v63  }
0x97e: {  	s31 =	simm.s32 $0xBE80  }
0x97f: {  	[tilespmem:s31], [sflag:$0x2] =	stream.indirect_vreg.gather [hbm4b:s19+s3], $0x80, v5, vm0, $0xb8;
	[tilespmem:$0x1E680] =	vst v63  }
0x980: {  	s26 =	simm.s32 $0xC680  }
0x981: {  	[tilespmem:s26], [sflag:$0x2] =	stream.indirect_vreg.gather [hbm4b:s2+s3], $0x80, v4, vm0, $0xb8;
	[tilespmem:$0x1E680] =	vst v63  }
0x982: {  	s31 =	simm.s32 $0xCE80  }
0x983: {  	[tilespmem:s31], [sflag:$0x2] =	stream.indirect_vreg.gather [hbm4b:s17+s3], $0x80, v4, vm0, $0xb8;
	[tilespmem:$0x1E680] =	vst v63  }
0x984: {  	s26 =	simm.s32 $0xD680  }
0x985: {  	[tilespmem:s26], [sflag:$0x2] =	stream.indirect_vreg.gather [hbm4b:s18+s3], $0x80, v4, vm0, $0xb8;
	[tilespmem:$0x1E680] =	vst v63  }
0x986: {  	s31 =	simm.s32 $0xDE80  }
0x987: {  	[tilespmem:s31], [sflag:$0x2] =	stream.indirect_vreg.gather [hbm4b:s19+s3], $0x80, v4, vm0, $0xb8;
	[tilespmem:$0x1E680] =	vst v63  }
0x988: {  	v4 =	vld [tilespmem:$0x5D8];
	_ =	sdelay $0x4  }
0x989: {  	v5 =	vshll.u32 v4, $0x3  }
0x98a: {  	v4 =	vand.u32 $0x7, v4;
	v5 =	vand.u32 $0xFFFFFFC0, v5  }
0x98b: {  	v4 =	vor.u32 v4, v5  }
0x98c: {  	v5 =	vperm.xlane v4, v1;
	_ =	sdelay $0x1  }
0x98d: {  	v5 =	vadd.s32 v2, v5;
	_ =	sdelay $0x3  }
0x98e: {  	s26 =	simm.s32 $0xE680  }
0x98f: {  	[tilespmem:s26], [sflag:$0x2] =	stream.indirect_vreg.gather [hbm4b:s2+s3], $0x80, v5, vm0, $0xb8;
	[tilespmem:$0x1E680] =	vst v63  }
0x990: {  	s31 =	simm.s32 $0xEE80;
	v4 =	vperm.xlane v4, v3  }
0x991: {  	[tilespmem:s31], [sflag:$0x2] =	stream.indirect_vreg.gather [hbm4b:s17+s3], $0x80, v5, vm0, $0xb8;
	[tilespmem:$0x1E680] =	vst v63  }
0x992: {  	v4 =	vadd.s32 v2, v4;
	s26 =	simm.s32 $0xF680  }
0x993: {  	[tilespmem:s26], [sflag:$0x2] =	stream.indirect_vreg.gather [hbm4b:s18+s3], $0x80, v5, vm0, $0xb8;
	[tilespmem:$0x1E680] =	vst v63  }
0x994: {  	s31 =	simm.s32 $0xFE80  }
0x995: {  	[tilespmem:s31], [sflag:$0x2] =	stream.indirect_vreg.gather [hbm4b:s19+s3], $0x80, v5, vm0, $0xb8;
	[tilespmem:$0x1E680] =	vst v63  }
0x996: {  	s26 =	simm.s32 $0x10680  }
0x997: {  	[tilespmem:s26], [sflag:$0x2] =	stream.indirect_vreg.gather [hbm4b:s2+s3], $0x80, v4, vm0, $0xb8;
	[tilespmem:$0x1E680] =	vst v63  }
0x998: {  	s31 =	simm.s32 $0x10E80  }
0x999: {  	[tilespmem:s31], [sflag:$0x2] =	stream.indirect_vreg.gather [hbm4b:s17+s3], $0x80, v4, vm0, $0xb8;
	[tilespmem:$0x1E680] =	vst v63  }
0x99a: {  	s26 =	simm.s32 $0x11680  }
0x99b: {  	[tilespmem:s26], [sflag:$0x2] =	stream.indirect_vreg.gather [hbm4b:s18+s3], $0x80, v4, vm0, $0xb8;
	[tilespmem:$0x1E680] =	vst v63  }
0x99c: {  	s31 =	simm.s32 $0x11E80  }
0x99d: {  	[tilespmem:s31], [sflag:$0x2] =	stream.indirect_vreg.gather [hbm4b:s19+s3], $0x80, v4, vm0, $0xb8;
	[tilespmem:$0x1E680] =	vst v63  }
0x99e: {  	v4 =	vld.msk [tilespmem:$0x5E8], $0xff;
	_ =	sdelay $0x4  }
0x99f: {  	v5 =	vshll.u32 v4, $0x3  }
0x9a0: {  	v4 =	vand.u32 $0x7, v4;
	v5 =	vand.u32 $0xFFFFFFC0, v5  }
0x9a1: {  	v4 =	vor.u32 v4, v5  }
0x9a2: {  	v4 =	vperm.xlane v4, v1;
	_ =	sdelay $0x1  }
0x9a3: {  	v4 =	vadd.s32 v2, v4;
	_ =	sdelay $0x3  }
0x9a4: {  	s26 =	simm.s32 $0x12680  }
0x9a5: {  	[tilespmem:s26], [sflag:$0x2] =	stream.indirect_vreg.gather [hbm4b:s2+s3], $0x80, v4, vm0, $0xb8;
	[tilespmem:$0x1E680] =	vst v63  }
0x9a6: {  	s31 =	simm.s32 $0x12E80  }
0x9a7: {  	[tilespmem:s31], [sflag:$0x2] =	stream.indirect_vreg.gather [hbm4b:s17+s3], $0x80, v4, vm0, $0xb8;
	[tilespmem:$0x1E680] =	vst v63  }
0x9a8: {  	s26 =	simm.s32 $0x13680  }
0x9a9: {  	[tilespmem:s26], [sflag:$0x2] =	stream.indirect_vreg.gather [hbm4b:s18+s3], $0x80, v4, vm0, $0xb8;
	[tilespmem:$0x1E680] =	vst v63  }
0x9aa: {  	s31 =	simm.s32 $0x13E80  }
0x9ab: {  	[tilespmem:s31], [sflag:$0x2] =	stream.indirect_vreg.gather [hbm4b:s19+s3], $0x80, v4, vm0, $0xb8;
	[tilespmem:$0x1E680] =	vst v63  }
0x9ac: {  	_ =	swait.ge [sflag:s23], $0xA000  }
0x9ad: {  	s0 =	sld [smem:$0x7F7]  }
0x9ae: {  	[sflag:s23] =	ssyncset.done $0x0  }
0x9af: {  	s29 =	simm.s32 $0x14680;
	[sflag:s23] =	ssyncadd.s32 $0xFFFF6000  }
0x9b0: {  	[hbm4b:s0+s3] =	stream.linear.scatter [tilespmem:s29], [sflag:$0x6], $0xA000, $0x38;
	[tilespmem:$0x1E680] =	vst v63  }
0x9b1: {  	_ =	swait.ge [sflag:s24], $0xA000  }
0x9b2: {  	[sflag:s24] =	ssyncset.done $0x0  }
0x9b3: {  	[sflag:s24] =	ssyncadd.s32 $0xFFFF6000  }
0x9b4: {  	v4 =	vld [tilespmem:$0x5F0];
	_ =	sdelay $0x4  }
0x9b5: {  	v5 =	vshll.u32 v4, $0x3  }
0x9b6: {  	v4 =	vand.u32 $0x7, v4;
	v5 =	vand.u32 $0xFFFFFFC0, v5  }
0x9b7: {  	v4 =	vor.u32 v4, v5  }
0x9b8: {  	v5 =	vperm.xlane v4, v1;
	_ =	sdelay $0x1  }
0x9b9: {  	v5 =	vadd.s32 v2, v5;
	_ =	sdelay $0x4  }
0x9ba: {  	[tilespmem:s29], [sflag:$0x3] =	stream.indirect_vreg.gather [hbm4b:s2+s3], $0x80, v5, vm0, $0xb8;
	[tilespmem:$0x1E680] =	vst v63  }
0x9bb: {  	s31 =	simm.s32 $0x14E80;
	v4 =	vperm.xlane v4, v3  }
0x9bc: {  	[tilespmem:s31], [sflag:$0x3] =	stream.indirect_vreg.gather [hbm4b:s17+s3], $0x80, v5, vm0, $0xb8;
	[tilespmem:$0x1E680] =	vst v63  }
0x9bd: {  	s26 =	simm.s32 $0x15680;
	v4 =	vadd.s32 v2, v4  }
0x9be: {  	[tilespmem:s26], [sflag:$0x3] =	stream.indirect_vreg.gather [hbm4b:s18+s3], $0x80, v5, vm0, $0xb8;
	[tilespmem:$0x1E680] =	vst v63  }
0x9bf: {  	s31 =	simm.s32 $0x15E80  }
0x9c0: {  	[tilespmem:s31], [sflag:$0x3] =	stream.indirect_vreg.gather [hbm4b:s19+s3], $0x80, v5, vm0, $0xb8;
	[tilespmem:$0x1E680] =	vst v63  }
0x9c1: {  	_ = 	snop  }
0x9c2: {  	[tilespmem:s1], [sflag:$0x3] =	stream.indirect_vreg.gather [hbm4b:s2+s3], $0x80, v4, vm0, $0xb8;
	[tilespmem:$0x1E680] =	vst v63  }
0x9c3: {  	_ = 	snop  }
0x9c4: {  	[tilespmem:s4], [sflag:$0x3] =	stream.indirect_vreg.gather [hbm4b:s17+s3], $0x80, v4, vm0, $0xb8;
	[tilespmem:$0x1E680] =	vst v63  }
0x9c5: {  	_ = 	snop  }
0x9c6: {  	[tilespmem:s6], [sflag:$0x3] =	stream.indirect_vreg.gather [hbm4b:s18+s3], $0x80, v4, vm0, $0xb8;
	[tilespmem:$0x1E680] =	vst v63  }
0x9c7: {  	s1 =	simm.s32 $0x17E80  }
0x9c8: {  	[tilespmem:s1], [sflag:$0x3] =	stream.indirect_vreg.gather [hbm4b:s19+s3], $0x80, v4, vm0, $0xb8;
	[tilespmem:$0x1E680] =	vst v63  }
0x9c9: {  	v4 =	vld [tilespmem:$0x600];
	_ =	sdelay $0x4  }
0x9ca: {  	v5 =	vshll.u32 v4, $0x3  }
0x9cb: {  	v4 =	vand.u32 $0x7, v4;
	v5 =	vand.u32 $0xFFFFFFC0, v5  }
0x9cc: {  	v4 =	vor.u32 v4, v5  }
0x9cd: {  	v5 =	vperm.xlane v4, v1;
	_ =	sdelay $0x1  }
0x9ce: {  	v5 =	vadd.s32 v2, v5;
	_ =	sdelay $0x3  }
0x9cf: {  	s4 =	simm.s32 $0x18680  }
0x9d0: {  	[tilespmem:s4], [sflag:$0x3] =	stream.indirect_vreg.gather [hbm4b:s2+s3], $0x80, v5, vm0, $0xb8;
	[tilespmem:$0x1E680] =	vst v63  }
0x9d1: {  	s6 =	simm.s32 $0x18E80;
	v4 =	vperm.xlane v4, v3  }
0x9d2: {  	[tilespmem:s6], [sflag:$0x3] =	stream.indirect_vreg.gather [hbm4b:s17+s3], $0x80, v5, vm0, $0xb8;
	[tilespmem:$0x1E680] =	vst v63  }
0x9d3: {  	v4 =	vadd.s32 v2, v4  }
0x9d4: {  	[tilespmem:s7], [sflag:$0x3] =	stream.indirect_vreg.gather [hbm4b:s18+s3], $0x80, v5, vm0, $0xb8;
	[tilespmem:$0x1E680] =	vst v63  }
0x9d5: {  	_ = 	snop  }
0x9d6: {  	[tilespmem:s8], [sflag:$0x3] =	stream.indirect_vreg.gather [hbm4b:s19+s3], $0x80, v5, vm0, $0xb8;
	[tilespmem:$0x1E680] =	vst v63  }
0x9d7: {  	_ = 	snop  }
0x9d8: {  	[tilespmem:s9], [sflag:$0x3] =	stream.indirect_vreg.gather [hbm4b:s2+s3], $0x80, v4, vm0, $0xb8;
	[tilespmem:$0x1E680] =	vst v63  }
0x9d9: {  	_ = 	snop  }
0x9da: {  	[tilespmem:s10], [sflag:$0x3] =	stream.indirect_vreg.gather [hbm4b:s17+s3], $0x80, v4, vm0, $0xb8;
	[tilespmem:$0x1E680] =	vst v63  }
0x9db: {  	_ = 	snop  }
0x9dc: {  	[tilespmem:s11], [sflag:$0x3] =	stream.indirect_vreg.gather [hbm4b:s18+s3], $0x80, v4, vm0, $0xb8;
	[tilespmem:$0x1E680] =	vst v63  }
0x9dd: {  	s10 =	simm.s32 $0x1BE80  }
0x9de: {  	[tilespmem:s10], [sflag:$0x3] =	stream.indirect_vreg.gather [hbm4b:s19+s3], $0x80, v4, vm0, $0xb8;
	[tilespmem:$0x1E680] =	vst v63  }
0x9df: {  	v4 =	vld.msk [tilespmem:$0x610], $0xff;
	_ =	sdelay $0x4  }
0x9e0: {  	v5 =	vshll.u32 v4, $0x3  }
0x9e1: {  	v4 =	vand.u32 $0x7, v4;
	v5 =	vand.u32 $0xFFFFFFC0, v5  }
0x9e2: {  	v4 =	vor.u32 v4, v5  }
0x9e3: {  	v4 =	vperm.xlane v4, v1;
	_ =	sdelay $0x1  }
0x9e4: {  	v4 =	vadd.s32 v2, v4;
	_ =	sdelay $0x4  }
0x9e5: {  	[tilespmem:s12], [sflag:$0x3] =	stream.indirect_vreg.gather [hbm4b:s2+s3], $0x80, v4, vm0, $0xb8;
	[tilespmem:$0x1E680] =	vst v63  }
0x9e6: {  	_ = 	snop  }
0x9e7: {  	[tilespmem:s13], [sflag:$0x3] =	stream.indirect_vreg.gather [hbm4b:s17+s3], $0x80, v4, vm0, $0xb8;
	[tilespmem:$0x1E680] =	vst v63  }
0x9e8: {  	_ = 	snop  }
0x9e9: {  	[tilespmem:s21], [sflag:$0x3] =	stream.indirect_vreg.gather [hbm4b:s18+s3], $0x80, v4, vm0, $0xb8;
	[tilespmem:$0x1E680] =	vst v63  }
0x9ea: {  	s11 =	simm.s32 $0x1DE80  }
0x9eb: {  	[tilespmem:s11], [sflag:$0x3] =	stream.indirect_vreg.gather [hbm4b:s19+s3], $0x80, v4, vm0, $0xb8;
	[tilespmem:$0x1E680] =	vst v63  }
0x9ec: {  	_ =	swait.ge [sflag:s5], $0xA000  }
0x9ed: {  	s12 =	sld [smem:$0x7F8]  }
0x9ee: {  	[sflag:s5] =	ssyncset.done $0x0  }
0x9ef: {  	s13 =	simm.s32 $0x680;
	[sflag:s5] =	ssyncadd.s32 $0xFFFF6000  }
0x9f0: {  	[hbm4b:s12+s3] =	stream.linear.scatter [tilespmem:s13], [sflag:$0x4], $0xA000, $0x38;
	[tilespmem:$0x1E680] =	vst v63  }
0x9f1: {  	_ =	swait.ge [sflag:s15], $0xA000  }
0x9f2: {  	[sflag:s15] =	ssyncset.done $0x0  }
0x9f3: {  	[sflag:s15] =	ssyncadd.s32 $0xFFFF6000  }
0x9f4: {  	v4 =	vld [tilespmem:$0x618];
	_ =	sdelay $0x4  }
0x9f5: {  	v5 =	vshll.u32 v4, $0x3  }
0x9f6: {  	v4 =	vand.u32 $0x7, v4;
	v5 =	vand.u32 $0xFFFFFFC0, v5  }
0x9f7: {  	v4 =	vor.u32 v4, v5  }
0x9f8: {  	v5 =	vperm.xlane v4, v1;
	_ =	sdelay $0x1  }
0x9f9: {  	v5 =	vadd.s32 v2, v5;
	_ =	sdelay $0x4  }
0x9fa: {  	[tilespmem:s13], [sflag:$0x1] =	stream.indirect_vreg.gather [hbm4b:s2+s3], $0x80, v5, vm0, $0xb8;
	[tilespmem:$0x1E680] =	vst v63  }
0x9fb: {  	s21 =	simm.s32 $0xE80;
	v4 =	vperm.xlane v4, v3  }
0x9fc: {  	[tilespmem:s21], [sflag:$0x1] =	stream.indirect_vreg.gather [hbm4b:s17+s3], $0x80, v5, vm0, $0xb8;
	[tilespmem:$0x1E680] =	vst v63  }
0x9fd: {  	s26 =	simm.s32 $0x1680;
	v4 =	vadd.s32 v2, v4  }
0x9fe: {  	[tilespmem:s26], [sflag:$0x1] =	stream.indirect_vreg.gather [hbm4b:s18+s3], $0x80, v5, vm0, $0xb8;
	[tilespmem:$0x1E680] =	vst v63  }
0x9ff: {  	s28 =	simm.s32 $0x1E80  }
0xa00: {  	[tilespmem:s28], [sflag:$0x1] =	stream.indirect_vreg.gather [hbm4b:s19+s3], $0x80, v5, vm0, $0xb8;
	[tilespmem:$0x1E680] =	vst v63  }
0xa01: {  	s30 =	simm.s32 $0x2680  }
0xa02: {  	[tilespmem:s30], [sflag:$0x1] =	stream.indirect_vreg.gather [hbm4b:s2+s3], $0x80, v4, vm0, $0xb8;
	[tilespmem:$0x1E680] =	vst v63  }
0xa03: {  	s30 =	simm.s32 $0x2E80  }
0xa04: {  	[tilespmem:s30], [sflag:$0x1] =	stream.indirect_vreg.gather [hbm4b:s17+s3], $0x80, v4, vm0, $0xb8;
	[tilespmem:$0x1E680] =	vst v63  }
0xa05: {  	s31 =	simm.s32 $0x3680  }
0xa06: {  	[tilespmem:s31], [sflag:$0x1] =	stream.indirect_vreg.gather [hbm4b:s18+s3], $0x80, v4, vm0, $0xb8;
	[tilespmem:$0x1E680] =	vst v63  }
0xa07: {  	s4 =	simm.s32 $0x3E80  }
0xa08: {  	[tilespmem:s4], [sflag:$0x1] =	stream.indirect_vreg.gather [hbm4b:s19+s3], $0x80, v4, vm0, $0xb8;
	[tilespmem:$0x1E680] =	vst v63  }
0xa09: {  	v4 =	vld [tilespmem:$0x628];
	_ =	sdelay $0x4  }
0xa0a: {  	v5 =	vshll.u32 v4, $0x3  }
0xa0b: {  	v4 =	vand.u32 $0x7, v4;
	v5 =	vand.u32 $0xFFFFFFC0, v5  }
0xa0c: {  	v4 =	vor.u32 v4, v5  }
0xa0d: {  	v5 =	vperm.xlane v4, v1;
	_ =	sdelay $0x1  }
0xa0e: {  	v5 =	vadd.s32 v2, v5;
	_ =	sdelay $0x3  }
0xa0f: {  	s6 =	simm.s32 $0x4680  }
0xa10: {  	[tilespmem:s6], [sflag:$0x1] =	stream.indirect_vreg.gather [hbm4b:s2+s3], $0x80, v5, vm0, $0xb8;
	[tilespmem:$0x1E680] =	vst v63  }
0xa11: {  	s7 =	simm.s32 $0x4E80;
	v4 =	vperm.xlane v4, v3  }
0xa12: {  	[tilespmem:s7], [sflag:$0x1] =	stream.indirect_vreg.gather [hbm4b:s17+s3], $0x80, v5, vm0, $0xb8;
	[tilespmem:$0x1E680] =	vst v63  }
0xa13: {  	s8 =	simm.s32 $0x5680;
	v4 =	vadd.s32 v2, v4  }
0xa14: {  	[tilespmem:s8], [sflag:$0x1] =	stream.indirect_vreg.gather [hbm4b:s18+s3], $0x80, v5, vm0, $0xb8;
	[tilespmem:$0x1E680] =	vst v63  }
0xa15: {  	s9 =	simm.s32 $0x5E80  }
0xa16: {  	[tilespmem:s9], [sflag:$0x1] =	stream.indirect_vreg.gather [hbm4b:s19+s3], $0x80, v5, vm0, $0xb8;
	[tilespmem:$0x1E680] =	vst v63  }
0xa17: {  	s10 =	simm.s32 $0x6680  }
0xa18: {  	[tilespmem:s10], [sflag:$0x1] =	stream.indirect_vreg.gather [hbm4b:s2+s3], $0x80, v4, vm0, $0xb8;
	[tilespmem:$0x1E680] =	vst v63  }
0xa19: {  	s11 =	simm.s32 $0x6E80  }
0xa1a: {  	[tilespmem:s11], [sflag:$0x1] =	stream.indirect_vreg.gather [hbm4b:s17+s3], $0x80, v4, vm0, $0xb8;
	[tilespmem:$0x1E680] =	vst v63  }
0xa1b: {  	s12 =	simm.s32 $0x7680  }
0xa1c: {  	[tilespmem:s12], [sflag:$0x1] =	stream.indirect_vreg.gather [hbm4b:s18+s3], $0x80, v4, vm0, $0xb8;
	[tilespmem:$0x1E680] =	vst v63  }
0xa1d: {  	s22 =	simm.s32 $0x7E80  }
0xa1e: {  	[tilespmem:s22], [sflag:$0x1] =	stream.indirect_vreg.gather [hbm4b:s19+s3], $0x80, v4, vm0, $0xb8;
	[tilespmem:$0x1E680] =	vst v63  }
0xa1f: {  	v4 =	vld.msk [tilespmem:$0x638], $0xff;
	_ =	sdelay $0x4  }
0xa20: {  	v5 =	vshll.u32 v4, $0x3  }
0xa21: {  	v4 =	vand.u32 $0x7, v4;
	v5 =	vand.u32 $0xFFFFFFC0, v5  }
0xa22: {  	v4 =	vor.u32 v4, v5  }
0xa23: {  	v4 =	vperm.xlane v4, v1;
	_ =	sdelay $0x1  }
0xa24: {  	v4 =	vadd.s32 v2, v4;
	_ =	sdelay $0x3  }
0xa25: {  	s25 =	simm.s32 $0x8680  }
0xa26: {  	[tilespmem:s25], [sflag:$0x1] =	stream.indirect_vreg.gather [hbm4b:s2+s3], $0x80, v4, vm0, $0xb8;
	[tilespmem:$0x1E680] =	vst v63  }
0xa27: {  	s13 =	simm.s32 $0x8E80  }
0xa28: {  	[tilespmem:s13], [sflag:$0x1] =	stream.indirect_vreg.gather [hbm4b:s17+s3], $0x80, v4, vm0, $0xb8;
	[tilespmem:$0x1E680] =	vst v63  }
0xa29: {  	s21 =	simm.s32 $0x9680  }
0xa2a: {  	[tilespmem:s21], [sflag:$0x1] =	stream.indirect_vreg.gather [hbm4b:s18+s3], $0x80, v4, vm0, $0xb8;
	[tilespmem:$0x1E680] =	vst v63  }
0xa2b: {  	s22 =	simm.s32 $0x9E80  }
0xa2c: {  	[tilespmem:s22], [sflag:$0x1] =	stream.indirect_vreg.gather [hbm4b:s19+s3], $0x80, v4, vm0, $0xb8;
	[tilespmem:$0x1E680] =	vst v63  }
0xa2d: {  	_ =	swait.ge [sflag:s16], $0xA000  }
0xa2e: {  	s25 =	sld [smem:$0x7F9]  }
0xa2f: {  	[sflag:s16] =	ssyncset.done $0x0  }
0xa30: {  	s14 =	simm.s32 $0xA680;
	[sflag:s16] =	ssyncadd.s32 $0xFFFF6000  }
0xa31: {  	[hbm4b:s25+s3] =	stream.linear.scatter [tilespmem:s14], [sflag:$0x5], $0xA000, $0x38;
	[tilespmem:$0x1E680] =	vst v63  }
0xa32: {  	_ =	swait.ge [sflag:s23], $0xA000  }
0xa33: {  	s28 =	sld [smem:$0x7FA]  }
0xa34: {  	[sflag:s23] =	ssyncset.done $0x0  }
0xa35: {  	[sflag:s23] =	ssyncadd.s32 $0xFFFF6000  }
0xa36: {  	[hbm4b:s28+s3] =	stream.linear.scatter [tilespmem:s29], [sflag:$0x6], $0xA000, $0x38;
	[tilespmem:$0x1E680] =	vst v63  }
0xa37: {  	_ =	swait.ge [sflag:s5], $0xA000  }
0xa38: {  	s29 =	sld [smem:$0x7FB]  }
0xa39: {  	[sflag:s5] =	ssyncset.done $0x0  }
0xa3a: {  	s0 =	simm.s32 $0x680;
	[sflag:s5] =	ssyncadd.s32 $0xFFFF6000  }
0xa3b: {  	[hbm4b:s29+s3] =	stream.linear.scatter [tilespmem:s0], [sflag:$0x4], $0xA000, $0x38;
	[tilespmem:$0x1E680] =	vst v63  }
0xa3c: {  	_ =	swait.ge [sflag:s24], $0xA000  }
0xa3d: {  	[sflag:s24] =	ssyncset.done $0x0  }
0xa3e: {  	[sflag:s24] =	ssyncadd.s32 $0xFFFF6000  }
0xa3f: {  	_ =	swait.ge [sflag:s15], $0xA000  }
0xa40: {  	s30 =	sld [smem:$0x7EF]  }
0xa41: {  	s31 =	sld [smem:$0x7FC];
	_ =	sdelay $0x1  }
0xa42: {  	s0 =	sadd.s32 $0x1, s30  }
0xa43: {  	p0 =	sne.s32 s0, s31  }
.Ltmp1:
0xa44: {  	_ = 	snop;
	(pc) =	sbr.rel @p0 .LBB2_1-.Ltmp1, $3  }
0xa45: {  	_ =	sdelay $0x1  }
0xa46: {  	[sflag:s15] =	ssyncset.done $0x0  }
0xa47: {  	[sflag:s15] =	ssyncadd.s32 $0xFFFF6000  }
0xa48: {  	_ =	sfence.sel $0x180000  }
0xa49: {  	[bflag:$0x0] =	sbarrier.arrive $0xFFFF  }
0xa4a: {  	_ =	strace $0x90000047  }
0xa4b: {  	s0 =	stileid.u32;
	[bflag:$0x2] =	sbarrier.arrive $0xFFFF  }
0xa4c: {  	p0 =	sne.s32 s0, $0x0;
	s0 =	rddreg [dreg:$0x3]  }
0xa4d: {  	s0 =	sadd.s32 @!p0 $0x100000, s0  }
0xa4e: {  	[sflag:s0] =	ssyncadd.tile.s32 @!p0 $0x1;
	_ =	shalt  }
.Lfunc_end2:
_tile_overlayer_lowered:
.L_overlay_start_2:
0xa4f: {  	(tag) =	ssettag $0x2  }
0xa50: {  	s0 =	rddreg [dreg:$0x0];
	s2 =	stileid.u32  }
0xa51: {  	s1 =	rddreg [dreg:$0x1];
	p0 =	sne.s32 s2, $0x0  }
0xa52: {  	s3 =	rddreg [dreg:$0x2];
	[bflag:$0x3] =	sbarrier.arrive $0xFFFF;
	s2 =	simm.s32 @!p0 $0x1C07  }
0xa53: {  	[timem:s3], [sflag:s2] =	dma.local @!p0 [hbm:s0], s1  }
0xa54: {  	s0 =	simm.s32 @!p0 $0x7  }
0xa55: {  	_ =	swait.ge @!p0 [sflag:s0], s1  }
0xa56: {  	s1 =	ssub.s32 @!p0 $0x0, s1;
	[sflag:s0] =	ssyncset.done @!p0 $0x0  }
0xa57: {  	[sflag:s0] =	ssyncadd.s32 @!p0 s1  }
0xa58: {  	[bflag:$0x3] =	sbarrier.arrive $0xFFFF  }
0xa59: {  	_ =	shalt  }

</sc_bundles>
